<compile_context>
chip_gen: v7x
topology: tpu7x:2x2x1
jax: 0.10.2.dev20260603
libtpu: 0.0.44.dev20260713+nightly
codegen_flags: <defaults>
</compile_context>

<pallas_src>
import functools

import jax
import jax.numpy as jnp
from jax import lax
from jax.experimental import pallas as pl
from jax.experimental.pallas import tpu as pltpu
from jax.experimental.pallas import tpu_sc as plsc

N = 100000
K = 27
M = 50000
CIN = 16
COUT = 16

NC = 2
NS = 16
NW = NC * NS

CHUNK = 128
G = 24
NGROUPS = 14
N_CHUNKS = G * NGROUPS
PER_W = N_CHUNKS * CHUNK
TOTAL = K * M
TOTAL_PAD = PER_W * NW
NBUF = 6

N_PAD = 100096
ROWS_PT = N_PAD // NS

NP8 = 100032
R8 = NP8 // 8

_CB_BLK = 3128


def _tf_body(f_ref, w_ref, o_ref):
    o_ref[...] = jnp.dot(f_ref[...], w_ref[0], preferred_element_type=jnp.float32)


def _transform(features8, wbd):
    return pl.pallas_call(
        _tf_body,
        grid=(K,),
        in_specs=[
            pl.BlockSpec((R8, 8 * CIN), lambda k: (0, 0)),
            pl.BlockSpec((1, 8 * CIN, 8 * COUT), lambda k: (k, 0, 0)),
        ],
        out_specs=pl.BlockSpec((R8, 8 * COUT), lambda k: (k, 0)),
        out_shape=jax.ShapeDtypeStruct((K * R8, 8 * COUT), jnp.float32),
    )(features8, wbd)


def _sc_body(tf_hbm, inidx_hbm, outidx_hbm, out_hbm,
             ibuf, obuf, rows_v, acc_sh, *sems):
    semg = sems[0:NBUF]
    sems_sc = sems[NBUF]
    semii, semio = sems[NBUF + 1], sems[NBUF + 2]
    c = lax.axis_index("c")
    s = lax.axis_index("s")
    wid = c * NS + s
    base = s * ROWS_PT

    pltpu.async_copy(inidx_hbm.at[wid].at[0], ibuf.at[pl.ds(0, G)], semii)
    pltpu.async_copy(outidx_hbm.at[wid].at[0], obuf.at[pl.ds(0, G)], semio)

    zv = jnp.zeros((COUT,), jnp.float32)

    def zstore(i, carry):
        rows_v[0, i, :] = zv
        return carry

    lax.fori_loop(0, CHUNK, zstore, 0)
    for z in range(48):
        pltpu.sync_copy(rows_v.at[0],
                        acc_sh.at[pl.ds(base + z * CHUNK, CHUNK)])
    pltpu.sync_copy(rows_v.at[0].at[pl.ds(0, 112)],
                    acc_sh.at[pl.ds(base + 48 * CHUNK, 112)])
    plsc.subcore_barrier()

    pltpu.make_async_copy(inidx_hbm.at[wid].at[0], ibuf.at[pl.ds(0, G)],
                          semii).wait()
    pltpu.make_async_copy(outidx_hbm.at[wid].at[0], obuf.at[pl.ds(0, G)],
                          semio).wait()

    for p in range(NBUF - 1):
        pltpu.async_copy(tf_hbm.at[ibuf.at[p]], rows_v.at[p], semg[p])

    def step(t, carry):
        for b in range(NBUF):
            j = NBUF * t + b
            g = j // G
            bg = g % 2
            l = j % G
            l2 = j % (2 * G)
            b1 = (b + NBUF - 1) % NBUF

            @pl.when((l == 8) & (g < NGROUPS - 1))
            def _():
                pltpu.async_copy(inidx_hbm.at[wid].at[g + 1],
                                 ibuf.at[pl.ds((1 - bg) * G, G)], semii)
                pltpu.async_copy(outidx_hbm.at[wid].at[g + 1],
                                 obuf.at[pl.ds((1 - bg) * G, G)], semio)

            @pl.when((l == 19) & (g < NGROUPS - 1))
            def _():
                pltpu.make_async_copy(inidx_hbm.at[wid].at[g + 1],
                                      ibuf.at[pl.ds((1 - bg) * G, G)],
                                      semii).wait()
                pltpu.make_async_copy(outidx_hbm.at[wid].at[g + 1],
                                      obuf.at[pl.ds((1 - bg) * G, G)],
                                      semio).wait()

            pltpu.make_async_copy(tf_hbm.at[ibuf.at[l2]], rows_v.at[b],
                                  semg[b]).wait()

            @pl.when(j >= 1)
            def _():
                pltpu.make_async_copy(rows_v.at[b1],
                                      acc_sh.at[obuf.at[l2]], sems_sc).wait()

            pltpu.async_copy(rows_v.at[b], acc_sh.at[obuf.at[l2]], sems_sc,
                             add=True)

            @pl.when(j + NBUF - 1 < N_CHUNKS)
            def _():
                l2n = (j + NBUF - 1) % (2 * G)
                pltpu.async_copy(tf_hbm.at[ibuf.at[l2n]], rows_v.at[b1],
                                 semg[b1])
        return carry

    lax.fori_loop(0, N_CHUNKS // NBUF, step, 0)

    pltpu.make_async_copy(rows_v.at[(N_CHUNKS - 1) % NBUF],
                          acc_sh.at[obuf.at[(N_CHUNKS - 1) % (2 * G)]],
                          sems_sc).wait()

    plsc.subcore_barrier()
    pltpu.sync_copy(acc_sh.at[pl.ds(base, ROWS_PT)],
                    out_hbm.at[c].at[pl.ds(base, ROWS_PT)])


_sc_gather_scatter = functools.partial(
    pl.kernel,
    out_type=jax.ShapeDtypeStruct((NC, N_PAD, COUT), jnp.float32),
    mesh=plsc.VectorSubcoreMesh(core_axis_name="c", subcore_axis_name="s",
                                num_cores=NC, num_subcores=NS),
    scratch_types=[
        pltpu.VMEM((2 * G, CHUNK), jnp.int32),
        pltpu.VMEM((2 * G, CHUNK), jnp.int32),
        pltpu.VMEM((NBUF, CHUNK, COUT), jnp.float32),
        pltpu.VMEM_SHARED((N_PAD, COUT), jnp.float32),
    ] + [pltpu.SemaphoreType.DMA] * (NBUF + 3),
    compiler_params=pltpu.CompilerParams(use_tc_tiling_on_sc=False),
)(_sc_body)


def _comb_body(a_ref, o_ref):
    o_ref[...] = a_ref[0] + a_ref[1]


def _combine(acc128):
    nblk = (N_PAD // 8) // _CB_BLK
    return pl.pallas_call(
        _comb_body,
        grid=(nblk,),
        in_specs=[pl.BlockSpec((NC, _CB_BLK, 8 * COUT), lambda r: (0, r, 0))],
        out_specs=pl.BlockSpec((_CB_BLK, 8 * COUT), lambda r: (r, 0)),
        out_shape=jax.ShapeDtypeStruct((N_PAD // 8, 8 * COUT), jnp.float32),
    )(acc128)


def kernel(features, kernel, in_idx, out_idx):
    offs = (jnp.arange(K, dtype=jnp.int32) * NP8)[:, None]
    in_flat = (in_idx + offs).reshape(-1)
    out_flat = out_idx.reshape(-1)
    pad = TOTAL_PAD - TOTAL
    in_flat = jnp.concatenate([in_flat, jnp.zeros((pad,), jnp.int32)])
    out_flat = jnp.concatenate([out_flat, jnp.full((pad,), N, jnp.int32)])
    in_resh = in_flat.reshape(NW, NGROUPS, G, CHUNK)
    out_resh = out_flat.reshape(NW, NGROUPS, G, CHUNK)

    features8 = jnp.pad(features, ((0, NP8 - N), (0, 0))).reshape(R8, 8 * CIN)
    wbd = jnp.einsum('qr,kcd->kqcrd', jnp.eye(8, dtype=jnp.float32),
                     kernel).reshape(K, 8 * CIN, 8 * COUT)

    tf = _transform(features8, wbd).reshape(K * NP8, COUT)
    acc = _sc_gather_scatter(tf, in_resh, out_resh)
    out128 = _combine(acc.reshape(NC, N_PAD // 8, 8 * COUT))
    return out128.reshape(N_PAD, COUT)[:N]

# --- scband reference (transcript-rebuilt; emitter-appended) ---
"""Pipeline reference for scband-conv3d-8529805050235 (READ-ONLY COPY).

The authoritative reference and input builder live on the scoring server;
editing this copy changes nothing except your own understanding.
"""

import jax, jax.numpy as jnp
import numpy as np
import math

N = 100000   # active voxels
K = 27       # kernel volume (3x3x3)
M = 50000    # matched in/out pairs per kernel offset
CIN = 16
COUT = 16


def setup_inputs(seed: int = 0) -> dict:
    key = jax.random.key(seed)
    k1, k2, k3, k4 = jax.random.split(key, 4)
    features = jax.random.normal(k1, (N, CIN), dtype=jnp.float32)
    in_idx = jax.random.randint(k2, (K, M), 0, N, dtype=jnp.int32)
    out_idx = jax.random.randint(k3, (K, M), 0, N, dtype=jnp.int32)
    std = 1.0 / math.sqrt(CIN * K)
    kernel = jax.random.uniform(k4, (K, CIN, COUT), dtype=jnp.float32, minval=-std, maxval=std)
    return {"features": features, "kernel": kernel, "in_idx": in_idx, "out_idx": out_idx}


def reference(features, kernel, in_idx, out_idx):
    # Sparse 3D convolution as gather -> per-offset matmul -> scatter-add.
    # For each kernel offset k, the kernel map pairs input voxel in_idx[k, m]
    # with output voxel out_idx[k, m]; out[dst] += features[src] @ kernel[k].
    gathered = jnp.take(features, in_idx, axis=0)          # [K, M, CIN]
    transformed = jnp.einsum('kmc,kcd->kmd', gathered, kernel)  # [K, M, COUT]
    out = jnp.zeros((N, COUT), dtype=features.dtype)
    out = out.at[out_idx.reshape(-1)].add(transformed.reshape(-1, COUT))
    return out

if __name__ == "__main__":
    import jax
    _d = setup_inputs()
    print(jax.jit(kernel)(*tuple(_d.values())))

</pallas_src>

<mosaic_0001>
#map = affine_map<(d0, d1) -> (0, 0)>
#map1 = affine_map<(d0, d1) -> (0, 0, 0, 0)>
#map2 = affine_map<(d0, d1) -> (0, 0, 0)>
module attributes {stable_mosaic.version = 14 : i64} {
  func.func @_sc_body(%arg0: i32, %arg1: i32, %arg2: memref<2700864x16xf32, #tpu.memory_space<hbm>>, %arg3: memref<32x14x24x128xi32, #tpu.memory_space<hbm>>, %arg4: memref<32x14x24x128xi32, #tpu.memory_space<hbm>>, %arg5: memref<2x100096x16xf32, #tpu.memory_space<hbm>>, %arg6: memref<48x128xi32, #tpu.memory_space<vmem>>, %arg7: memref<48x128xi32, #tpu.memory_space<vmem>>, %arg8: memref<6x128x16xf32, #tpu.memory_space<vmem>>, %arg9: memref<100096x16xf32, #tpu.memory_space<vmem_shared>>, %arg10: memref<!tpu.dma_semaphore, #tpu.memory_space<semaphore_mem>>, %arg11: memref<!tpu.dma_semaphore, #tpu.memory_space<semaphore_mem>>, %arg12: memref<!tpu.dma_semaphore, #tpu.memory_space<semaphore_mem>>, %arg13: memref<!tpu.dma_semaphore, #tpu.memory_space<semaphore_mem>>, %arg14: memref<!tpu.dma_semaphore, #tpu.memory_space<semaphore_mem>>, %arg15: memref<!tpu.dma_semaphore, #tpu.memory_space<semaphore_mem>>, %arg16: memref<!tpu.dma_semaphore, #tpu.memory_space<semaphore_mem>>, %arg17: memref<!tpu.dma_semaphore, #tpu.memory_space<semaphore_mem>>, %arg18: memref<!tpu.dma_semaphore, #tpu.memory_space<semaphore_mem>>) attributes {dimension_semantics = [#tpu.dimension_semantics<core_parallel>, #tpu.dimension_semantics<subcore_parallel>], iteration_bounds = array<i64: 2, 16>, scalar_prefetch = 0 : i64, scratch_operands = 13 : i64, tpu.core_type = #tpu.core_type<sc_vector_subcore>, window_params = [{transform_indices = #map}, {transform_indices = #map1}, {transform_indices = #map1}, {transform_indices = #map2}]} {
    %mul3A = arith.constant 16 : i32
    %mul3A_0 = arith.muli %arg0, %mul3A : i32
    %add3A = arith.addi %mul3A_0, %arg1 : i32
    %mul3A_1 = arith.constant 6256 : i32
    %mul3A_2 = arith.muli %arg1, %mul3A_1 : i32
    %dma_start3A = arith.constant 0 : i32
    %dma_start3A_3 = arith.constant 0 : i32
    %dma_start3A_4 = arith.constant 0 : i32
    %dma_start3A_5 = tpu.memref_slice %arg6[%dma_start3A_3, %dma_start3A_4] : memref<48x128xi32, #tpu.memory_space<vmem>> -> memref<24x128xi32, #tpu.memory_space<vmem>>
    %dma_start3A_6 = arith.constant 0 : i32
    %dma_start3A_7 = arith.constant 0 : i32
    %dma_start3A_8 = arith.constant 0 : i32
    %dma_start3A_9 = tpu.memref_slice %arg3[%add3A, %dma_start3A_6, %dma_start3A_7, %dma_start3A_8] : memref<32x14x24x128xi32, #tpu.memory_space<hbm>> -> memref<1x14x24x128xi32, #tpu.memory_space<hbm>>
    %dma_start3A_10 = tpu.memref_squeeze %dma_start3A_9 : memref<1x14x24x128xi32, #tpu.memory_space<hbm>> -> memref<14x24x128xi32, #tpu.memory_space<hbm>>
    %dma_start3A_11 = arith.constant 0 : i32
    %dma_start3A_12 = arith.constant 0 : i32
    %dma_start3A_13 = tpu.memref_slice %dma_start3A_10[%dma_start3A, %dma_start3A_11, %dma_start3A_12] : memref<14x24x128xi32, #tpu.memory_space<hbm>> -> memref<1x24x128xi32, #tpu.memory_space<hbm>>
    %dma_start3A_14 = tpu.memref_squeeze %dma_start3A_13 : memref<1x24x128xi32, #tpu.memory_space<hbm>> -> memref<24x128xi32, #tpu.memory_space<hbm>>
    %dma_start3A_15 = arith.constant 0 : i32
    %dma_start3A_16 = arith.constant 0 : i32
    %dma_start3A_17 = tpu.memref_slice %arg6[%dma_start3A_15, %dma_start3A_16] : memref<48x128xi32, #tpu.memory_space<vmem>> -> memref<24x128xi32, #tpu.memory_space<vmem>>
    %dma_start3A_18 = arith.constant 0 : i32
    %dma_start3A_19 = arith.constant 0 : i32
    %dma_start3A_20 = arith.constant 0 : i32
    %dma_start3A_21 = tpu.memref_slice %arg3[%add3A, %dma_start3A_18, %dma_start3A_19, %dma_start3A_20] : memref<32x14x24x128xi32, #tpu.memory_space<hbm>> -> memref<1x14x24x128xi32, #tpu.memory_space<hbm>>
    %dma_start3A_22 = tpu.memref_squeeze %dma_start3A_21 : memref<1x14x24x128xi32, #tpu.memory_space<hbm>> -> memref<14x24x128xi32, #tpu.memory_space<hbm>>
    %dma_start3A_23 = arith.constant 0 : i32
    %dma_start3A_24 = arith.constant 0 : i32
    %dma_start3A_25 = tpu.memref_slice %dma_start3A_22[%dma_start3A, %dma_start3A_23, %dma_start3A_24] : memref<14x24x128xi32, #tpu.memory_space<hbm>> -> memref<1x24x128xi32, #tpu.memory_space<hbm>>
    %dma_start3A_26 = tpu.memref_squeeze %dma_start3A_25 : memref<1x24x128xi32, #tpu.memory_space<hbm>> -> memref<24x128xi32, #tpu.memory_space<hbm>>
    tpu.enqueue_dma source(%dma_start3A_26 : memref<24x128xi32, #tpu.memory_space<hbm>>) target(%dma_start3A_17 : memref<24x128xi32, #tpu.memory_space<vmem>>) target_semaphore(%arg17 : memref<!tpu.dma_semaphore, #tpu.memory_space<semaphore_mem>>)
    %dma_start3A_27 = arith.constant 0 : i32
    %dma_start3A_28 = arith.constant 0 : i32
    %dma_start3A_29 = arith.constant 0 : i32
    %dma_start3A_30 = tpu.memref_slice %arg7[%dma_start3A_28, %dma_start3A_29] : memref<48x128xi32, #tpu.memory_space<vmem>> -> memref<24x128xi32, #tpu.memory_space<vmem>>
    %dma_start3A_31 = arith.constant 0 : i32
    %dma_start3A_32 = arith.constant 0 : i32
    %dma_start3A_33 = arith.constant 0 : i32
    %dma_start3A_34 = tpu.memref_slice %arg4[%add3A, %dma_start3A_31, %dma_start3A_32, %dma_start3A_33] : memref<32x14x24x128xi32, #tpu.memory_space<hbm>> -> memref<1x14x24x128xi32, #tpu.memory_space<hbm>>
    %dma_start3A_35 = tpu.memref_squeeze %dma_start3A_34 : memref<1x14x24x128xi32, #tpu.memory_space<hbm>> -> memref<14x24x128xi32, #tpu.memory_space<hbm>>
    %dma_start3A_36 = arith.constant 0 : i32
    %dma_start3A_37 = arith.constant 0 : i32
    %dma_start3A_38 = tpu.memref_slice %dma_start3A_35[%dma_start3A_27, %dma_start3A_36, %dma_start3A_37] : memref<14x24x128xi32, #tpu.memory_space<hbm>> -> memref<1x24x128xi32, #tpu.memory_space<hbm>>
    %dma_start3A_39 = tpu.memref_squeeze %dma_start3A_38 : memref<1x24x128xi32, #tpu.memory_space<hbm>> -> memref<24x128xi32, #tpu.memory_space<hbm>>
    %dma_start3A_40 = arith.constant 0 : i32
    %dma_start3A_41 = arith.constant 0 : i32
    %dma_start3A_42 = tpu.memref_slice %arg7[%dma_start3A_40, %dma_start3A_41] : memref<48x128xi32, #tpu.memory_space<vmem>> -> memref<24x128xi32, #tpu.memory_space<vmem>>
    %dma_start3A_43 = arith.constant 0 : i32
    %dma_start3A_44 = arith.constant 0 : i32
    %dma_start3A_45 = arith.constant 0 : i32
    %dma_start3A_46 = tpu.memref_slice %arg4[%add3A, %dma_start3A_43, %dma_start3A_44, %dma_start3A_45] : memref<32x14x24x128xi32, #tpu.memory_space<hbm>> -> memref<1x14x24x128xi32, #tpu.memory_space<hbm>>
    %dma_start3A_47 = tpu.memref_squeeze %dma_start3A_46 : memref<1x14x24x128xi32, #tpu.memory_space<hbm>> -> memref<14x24x128xi32, #tpu.memory_space<hbm>>
    %dma_start3A_48 = arith.constant 0 : i32
    %dma_start3A_49 = arith.constant 0 : i32
    %dma_start3A_50 = tpu.memref_slice %dma_start3A_47[%dma_start3A_27, %dma_start3A_48, %dma_start3A_49] : memref<14x24x128xi32, #tpu.memory_space<hbm>> -> memref<1x24x128xi32, #tpu.memory_space<hbm>>
    %dma_start3A_51 = tpu.memref_squeeze %dma_start3A_50 : memref<1x24x128xi32, #tpu.memory_space<hbm>> -> memref<24x128xi32, #tpu.memory_space<hbm>>
    tpu.enqueue_dma source(%dma_start3A_51 : memref<24x128xi32, #tpu.memory_space<hbm>>) target(%dma_start3A_42 : memref<24x128xi32, #tpu.memory_space<vmem>>) target_semaphore(%arg18 : memref<!tpu.dma_semaphore, #tpu.memory_space<semaphore_mem>>)
    %broadcast_in_dim3A = arith.constant 0.000000e+00 : f32
    %broadcast_in_dim3A_52 = vector.broadcast %broadcast_in_dim3A : f32 to vector<16xf32>
    %scan3A = arith.constant 0 : i32
    %scan3A_53 = arith.constant 0 : i32
    %scan3A_54 = arith.constant 128 : i32
    %scan3A_55 = arith.addi %scan3A_53, %scan3A_54 : i32
    %scan3A_56 = arith.constant 1 : i32
    scf.for %scan3A_332 = %scan3A_53 to %scan3A_55 step %scan3A_56  : i32 {
      %swap3A = arith.constant 0 : i32
      %swap3A_333 = arith.index_cast %swap3A : i32 to index
      %swap3A_334 = arith.index_cast %scan3A_332 : i32 to index
      %swap3A_335 = arith.constant 0 : index
      %swap3A_336 = tpu.vector_load %arg8[%swap3A_333, %swap3A_334, %swap3A_335] {strides = array<i32>} : memref<6x128x16xf32, #tpu.memory_space<vmem>>, vector<1x1x16xf32>,
      %swap3A_337 = vector.shape_cast %swap3A_336 : vector<1x1x16xf32> to vector<16xf32>
      %swap3A_338 = vector.shape_cast %broadcast_in_dim3A_52 : vector<16xf32> to vector<1x1x16xf32>
      tpu.vector_store %arg8[%swap3A_333, %swap3A_334, %swap3A_335], %swap3A_338 {strides = array<i32>} : memref<6x128x16xf32, #tpu.memory_space<vmem>>, vector<1x1x16xf32>,
    }
    %scan3A_57 = arith.constant 128 : i32
    %add3A_58 = arith.constant 0 : i32
    %add3A_59 = arith.addi %mul3A_2, %add3A_58 : i32
    %run_scoped3A = arith.constant 0 : i32
    "tpu.region"() ({
      %run_scoped3A_332 = tpu.sem_alloc : memref<!tpu.dma_semaphore, #tpu.memory_space<semaphore_mem>>
      %dma_start3A_333 = arith.constant 0 : i32
      %dma_start3A_334 = arith.constant 0 : i32
      %dma_start3A_335 = tpu.memref_slice %arg8[%run_scoped3A, %dma_start3A_333, %dma_start3A_334] : memref<6x128x16xf32, #tpu.memory_space<vmem>> -> memref<1x128x16xf32, #tpu.memory_space<vmem>>
      %dma_start3A_336 = tpu.memref_squeeze %dma_start3A_335 : memref<1x128x16xf32, #tpu.memory_space<vmem>> -> memref<128x16xf32, #tpu.memory_space<vmem>>
      %dma_start3A_337 = arith.constant 0 : i32
      %dma_start3A_338 = tpu.memref_slice %arg9[%add3A_59, %dma_start3A_337] : memref<100096x16xf32, #tpu.memory_space<vmem_shared>> -> memref<128x16xf32, #tpu.memory_space<vmem_shared>>
      %dma_start3A_339 = arith.constant 0 : i32
      %dma_start3A_340 = tpu.memref_slice %arg9[%add3A_59, %dma_start3A_339] : memref<100096x16xf32, #tpu.memory_space<vmem_shared>> -> memref<128x16xf32, #tpu.memory_space<vmem_shared>>
      %dma_start3A_341 = arith.constant 0 : i32
      %dma_start3A_342 = arith.constant 0 : i32
      %dma_start3A_343 = tpu.memref_slice %arg8[%run_scoped3A, %dma_start3A_341, %dma_start3A_342] : memref<6x128x16xf32, #tpu.memory_space<vmem>> -> memref<1x128x16xf32, #tpu.memory_space<vmem>>
      %dma_start3A_344 = tpu.memref_squeeze %dma_start3A_343 : memref<1x128x16xf32, #tpu.memory_space<vmem>> -> memref<128x16xf32, #tpu.memory_space<vmem>>
      tpu.enqueue_dma source(%dma_start3A_344 : memref<128x16xf32, #tpu.memory_space<vmem>>) target(%dma_start3A_340 : memref<128x16xf32, #tpu.memory_space<vmem_shared>>) target_semaphore(%run_scoped3A_332 : memref<!tpu.dma_semaphore, #tpu.memory_space<semaphore_mem>>)
      %dma_wait3A_345 = arith.constant 0 : i32
      %dma_wait3A_346 = arith.constant 0 : i32
      %dma_wait3A_347 = tpu.memref_slice %arg8[%run_scoped3A, %dma_wait3A_345, %dma_wait3A_346] : memref<6x128x16xf32, #tpu.memory_space<vmem>> -> memref<1x128x16xf32, #tpu.memory_space<vmem>>
      %dma_wait3A_348 = tpu.memref_squeeze %dma_wait3A_347 : memref<1x128x16xf32, #tpu.memory_space<vmem>> -> memref<128x16xf32, #tpu.memory_space<vmem>>
      %dma_wait3A_349 = arith.constant 0 : i32
      %dma_wait3A_350 = tpu.memref_slice %arg9[%add3A_59, %dma_wait3A_349] : memref<100096x16xf32, #tpu.memory_space<vmem_shared>> -> memref<128x16xf32, #tpu.memory_space<vmem_shared>>
      %dma_wait3A_351 = arith.constant 0 : i32
      %dma_wait3A_352 = tpu.memref_slice %arg9[%add3A_59, %dma_wait3A_351] : memref<100096x16xf32, #tpu.memory_space<vmem_shared>> -> memref<128x16xf32, #tpu.memory_space<vmem_shared>>
      %dma_wait3A_353 = arith.constant 0 : i32
      %dma_wait3A_354 = arith.constant 0 : i32
      %dma_wait3A_355 = tpu.memref_slice %arg8[%run_scoped3A, %dma_wait3A_353, %dma_wait3A_354] : memref<6x128x16xf32, #tpu.memory_space<vmem>> -> memref<1x128x16xf32, #tpu.memory_space<vmem>>
      %dma_wait3A_356 = tpu.memref_squeeze %dma_wait3A_355 : memref<1x128x16xf32, #tpu.memory_space<vmem>> -> memref<128x16xf32, #tpu.memory_space<vmem>>
      tpu.wait_dma2 semaphore(%run_scoped3A_332 : memref<!tpu.dma_semaphore, #tpu.memory_space<semaphore_mem>>) src(%dma_wait3A_356 : memref<128x16xf32, #tpu.memory_space<vmem>>) dst(%dma_wait3A_352 : memref<128x16xf32, #tpu.memory_space<vmem_shared>>)
      tpu.yield
    }) : () -> ()
    %add3A_60 = arith.constant 128 : i32
    %add3A_61 = arith.addi %mul3A_2, %add3A_60 : i32
    %run_scoped3A_62 = arith.constant 0 : i32
    "tpu.region"() ({
      %run_scoped3A_332 = tpu.sem_alloc : memref<!tpu.dma_semaphore, #tpu.memory_space<semaphore_mem>>
      %dma_start3A_333 = arith.constant 0 : i32
      %dma_start3A_334 = arith.constant 0 : i32
      %dma_start3A_335 = tpu.memref_slice %arg8[%run_scoped3A_62, %dma_start3A_333, %dma_start3A_334] : memref<6x128x16xf32, #tpu.memory_space<vmem>> -> memref<1x128x16xf32, #tpu.memory_space<vmem>>
      %dma_start3A_336 = tpu.memref_squeeze %dma_start3A_335 : memref<1x128x16xf32, #tpu.memory_space<vmem>> -> memref<128x16xf32, #tpu.memory_space<vmem>>
      %dma_start3A_337 = arith.constant 0 : i32
      %dma_start3A_338 = tpu.memref_slice %arg9[%add3A_61, %dma_start3A_337] : memref<100096x16xf32, #tpu.memory_space<vmem_shared>> -> memref<128x16xf32, #tpu.memory_space<vmem_shared>>
      %dma_start3A_339 = arith.constant 0 : i32
      %dma_start3A_340 = tpu.memref_slice %arg9[%add3A_61, %dma_start3A_339] : memref<100096x16xf32, #tpu.memory_space<vmem_shared>> -> memref<128x16xf32, #tpu.memory_space<vmem_shared>>
      %dma_start3A_341 = arith.constant 0 : i32
      %dma_start3A_342 = arith.constant 0 : i32
      %dma_start3A_343 = tpu.memref_slice %arg8[%run_scoped3A_62, %dma_start3A_341, %dma_start3A_342] : memref<6x128x16xf32, #tpu.memory_space<vmem>> -> memref<1x128x16xf32, #tpu.memory_space<vmem>>
      %dma_start3A_344 = tpu.memref_squeeze %dma_start3A_343 : memref<1x128x16xf32, #tpu.memory_space<vmem>> -> memref<128x16xf32, #tpu.memory_space<vmem>>
      tpu.enqueue_dma source(%dma_start3A_344 : memref<128x16xf32, #tpu.memory_space<vmem>>) target(%dma_start3A_340 : memref<128x16xf32, #tpu.memory_space<vmem_shared>>) target_semaphore(%run_scoped3A_332 : memref<!tpu.dma_semaphore, #tpu.memory_space<semaphore_mem>>)
      %dma_wait3A_345 = arith.constant 0 : i32
      %dma_wait3A_346 = arith.constant 0 : i32
      %dma_wait3A_347 = tpu.memref_slice %arg8[%run_scoped3A_62, %dma_wait3A_345, %dma_wait3A_346] : memref<6x128x16xf32, #tpu.memory_space<vmem>> -> memref<1x128x16xf32, #tpu.memory_space<vmem>>
      %dma_wait3A_348 = tpu.memref_squeeze %dma_wait3A_347 : memref<1x128x16xf32, #tpu.memory_space<vmem>> -> memref<128x16xf32, #tpu.memory_space<vmem>>
      %dma_wait3A_349 = arith.constant 0 : i32
      %dma_wait3A_350 = tpu.memref_slice %arg9[%add3A_61, %dma_wait3A_349] : memref<100096x16xf32, #tpu.memory_space<vmem_shared>> -> memref<128x16xf32, #tpu.memory_space<vmem_shared>>
      %dma_wait3A_351 = arith.constant 0 : i32
      %dma_wait3A_352 = tpu.memref_slice %arg9[%add3A_61, %dma_wait3A_351] : memref<100096x16xf32, #tpu.memory_space<vmem_shared>> -> memref<128x16xf32, #tpu.memory_space<vmem_shared>>
      %dma_wait3A_353 = arith.constant 0 : i32
      %dma_wait3A_354 = arith.constant 0 : i32
      %dma_wait3A_355 = tpu.memref_slice %arg8[%run_scoped3A_62, %dma_wait3A_353, %dma_wait3A_354] : memref<6x128x16xf32, #tpu.memory_space<vmem>> -> memref<1x128x16xf32, #tpu.memory_space<vmem>>
      %dma_wait3A_356 = tpu.memref_squeeze %dma_wait3A_355 : memref<1x128x16xf32, #tpu.memory_space<vmem>> -> memref<128x16xf32, #tpu.memory_space<vmem>>
      tpu.wait_dma2 semaphore(%run_scoped3A_332 : memref<!tpu.dma_semaphore, #tpu.memory_space<semaphore_mem>>) src(%dma_wait3A_356 : memref<128x16xf32, #tpu.memory_space<vmem>>) dst(%dma_wait3A_352 : memref<128x16xf32, #tpu.memory_space<vmem_shared>>)
      tpu.yield
    }) : () -> ()
    %add3A_63 = arith.constant 256 : i32
    %add3A_64 = arith.addi %mul3A_2, %add3A_63 : i32
    %run_scoped3A_65 = arith.constant 0 : i32
    "tpu.region"() ({
      %run_scoped3A_332 = tpu.sem_alloc : memref<!tpu.dma_semaphore, #tpu.memory_space<semaphore_mem>>
      %dma_start3A_333 = arith.constant 0 : i32
      %dma_start3A_334 = arith.constant 0 : i32
      %dma_start3A_335 = tpu.memref_slice %arg8[%run_scoped3A_65, %dma_start3A_333, %dma_start3A_334] : memref<6x128x16xf32, #tpu.memory_space<vmem>> -> memref<1x128x16xf32, #tpu.memory_space<vmem>>
      %dma_start3A_336 = tpu.memref_squeeze %dma_start3A_335 : memref<1x128x16xf32, #tpu.memory_space<vmem>> -> memref<128x16xf32, #tpu.memory_space<vmem>>
      %dma_start3A_337 = arith.constant 0 : i32
      %dma_start3A_338 = tpu.memref_slice %arg9[%add3A_64, %dma_start3A_337] : memref<100096x16xf32, #tpu.memory_space<vmem_shared>> -> memref<128x16xf32, #tpu.memory_space<vmem_shared>>
      %dma_start3A_339 = arith.constant 0 : i32
      %dma_start3A_340 = tpu.memref_slice %arg9[%add3A_64, %dma_start3A_339] : memref<100096x16xf32, #tpu.memory_space<vmem_shared>> -> memref<128x16xf32, #tpu.memory_space<vmem_shared>>
      %dma_start3A_341 = arith.constant 0 : i32
      %dma_start3A_342 = arith.constant 0 : i32
      %dma_start3A_343 = tpu.memref_slice %arg8[%run_scoped3A_65, %dma_start3A_341, %dma_start3A_342] : memref<6x128x16xf32, #tpu.memory_space<vmem>> -> memref<1x128x16xf32, #tpu.memory_space<vmem>>
      %dma_start3A_344 = tpu.memref_squeeze %dma_start3A_343 : memref<1x128x16xf32, #tpu.memory_space<vmem>> -> memref<128x16xf32, #tpu.memory_space<vmem>>
      tpu.enqueue_dma source(%dma_start3A_344 : memref<128x16xf32, #tpu.memory_space<vmem>>) target(%dma_start3A_340 : memref<128x16xf32, #tpu.memory_space<vmem_shared>>) target_semaphore(%run_scoped3A_332 : memref<!tpu.dma_semaphore, #tpu.memory_space<semaphore_mem>>)
      %dma_wait3A_345 = arith.constant 0 : i32
      %dma_wait3A_346 = arith.constant 0 : i32
      %dma_wait3A_347 = tpu.memref_slice %arg8[%run_scoped3A_65, %dma_wait3A_345, %dma_wait3A_346] : memref<6x128x16xf32, #tpu.memory_space<vmem>> -> memref<1x128x16xf32, #tpu.memory_space<vmem>>
      %dma_wait3A_348 = tpu.memref_squeeze %dma_wait3A_347 : memref<1x128x16xf32, #tpu.memory_space<vmem>> -> memref<128x16xf32, #tpu.memory_space<vmem>>
      %dma_wait3A_349 = arith.constant 0 : i32
      %dma_wait3A_350 = tpu.memref_slice %arg9[%add3A_64, %dma_wait3A_349] : memref<100096x16xf32, #tpu.memory_space<vmem_shared>> -> memref<128x16xf32, #tpu.memory_space<vmem_shared>>
      %dma_wait3A_351 = arith.constant 0 : i32
      %dma_wait3A_352 = tpu.memref_slice %arg9[%add3A_64, %dma_wait3A_351] : memref<100096x16xf32, #tpu.memory_space<vmem_shared>> -> memref<128x16xf32, #tpu.memory_space<vmem_shared>>
      %dma_wait3A_353 = arith.constant 0 : i32
      %dma_wait3A_354 = arith.constant 0 : i32
      %dma_wait3A_355 = tpu.memref_slice %arg8[%run_scoped3A_65, %dma_wait3A_353, %dma_wait3A_354] : memref<6x128x16xf32, #tpu.memory_space<vmem>> -> memref<1x128x16xf32, #tpu.memory_space<vmem>>
      %dma_wait3A_356 = tpu.memref_squeeze %dma_wait3A_355 : memref<1x128x16xf32, #tpu.memory_space<vmem>> -> memref<128x16xf32, #tpu.memory_space<vmem>>
      tpu.wait_dma2 semaphore(%run_scoped3A_332 : memref<!tpu.dma_semaphore, #tpu.memory_space<semaphore_mem>>) src(%dma_wait3A_356 : memref<128x16xf32, #tpu.memory_space<vmem>>) dst(%dma_wait3A_352 : memref<128x16xf32, #tpu.memory_space<vmem_shared>>)
      tpu.yield
    }) : () -> ()
    %add3A_66 = arith.constant 384 : i32
    %add3A_67 = arith.addi %mul3A_2, %add3A_66 : i32
    %run_scoped3A_68 = arith.constant 0 : i32
    "tpu.region"() ({
      %run_scoped3A_332 = tpu.sem_alloc : memref<!tpu.dma_semaphore, #tpu.memory_space<semaphore_mem>>
      %dma_start3A_333 = arith.constant 0 : i32
      %dma_start3A_334 = arith.constant 0 : i32
      %dma_start3A_335 = tpu.memref_slice %arg8[%run_scoped3A_68, %dma_start3A_333, %dma_start3A_334] : memref<6x128x16xf32, #tpu.memory_space<vmem>> -> memref<1x128x16xf32, #tpu.memory_space<vmem>>
      %dma_start3A_336 = tpu.memref_squeeze %dma_start3A_335 : memref<1x128x16xf32, #tpu.memory_space<vmem>> -> memref<128x16xf32, #tpu.memory_space<vmem>>
      %dma_start3A_337 = arith.constant 0 : i32
      %dma_start3A_338 = tpu.memref_slice %arg9[%add3A_67, %dma_start3A_337] : memref<100096x16xf32, #tpu.memory_space<vmem_shared>> -> memref<128x16xf32, #tpu.memory_space<vmem_shared>>
      %dma_start3A_339 = arith.constant 0 : i32
      %dma_start3A_340 = tpu.memref_slice %arg9[%add3A_67, %dma_start3A_339] : memref<100096x16xf32, #tpu.memory_space<vmem_shared>> -> memref<128x16xf32, #tpu.memory_space<vmem_shared>>
      %dma_start3A_341 = arith.constant 0 : i32
      %dma_start3A_342 = arith.constant 0 : i32
      %dma_start3A_343 = tpu.memref_slice %arg8[%run_scoped3A_68, %dma_start3A_341, %dma_start3A_342] : memref<6x128x16xf32, #tpu.memory_space<vmem>> -> memref<1x128x16xf32, #tpu.memory_space<vmem>>
      %dma_start3A_344 = tpu.memref_squeeze %dma_start3A_343 : memref<1x128x16xf32, #tpu.memory_space<vmem>> -> memref<128x16xf32, #tpu.memory_space<vmem>>
      tpu.enqueue_dma source(%dma_start3A_344 : memref<128x16xf32, #tpu.memory_space<vmem>>) target(%dma_start3A_340 : memref<128x16xf32, #tpu.memory_space<vmem_shared>>) target_semaphore(%run_scoped3A_332 : memref<!tpu.dma_semaphore, #tpu.memory_space<semaphore_mem>>)
      %dma_wait3A_345 = arith.constant 0 : i32
      %dma_wait3A_346 = arith.constant 0 : i32
      %dma_wait3A_347 = tpu.memref_slice %arg8[%run_scoped3A_68, %dma_wait3A_345, %dma_wait3A_346] : memref<6x128x16xf32, #tpu.memory_space<vmem>> -> memref<1x128x16xf32, #tpu.memory_space<vmem>>
      %dma_wait3A_348 = tpu.memref_squeeze %dma_wait3A_347 : memref<1x128x16xf32, #tpu.memory_space<vmem>> -> memref<128x16xf32, #tpu.memory_space<vmem>>
      %dma_wait3A_349 = arith.constant 0 : i32
      %dma_wait3A_350 = tpu.memref_slice %arg9[%add3A_67, %dma_wait3A_349] : memref<100096x16xf32, #tpu.memory_space<vmem_shared>> -> memref<128x16xf32, #tpu.memory_space<vmem_shared>>
      %dma_wait3A_351 = arith.constant 0 : i32
      %dma_wait3A_352 = tpu.memref_slice %arg9[%add3A_67, %dma_wait3A_351] : memref<100096x16xf32, #tpu.memory_space<vmem_shared>> -> memref<128x16xf32, #tpu.memory_space<vmem_shared>>
      %dma_wait3A_353 = arith.constant 0 : i32
      %dma_wait3A_354 = arith.constant 0 : i32
      %dma_wait3A_355 = tpu.memref_slice %arg8[%run_scoped3A_68, %dma_wait3A_353, %dma_wait3A_354] : memref<6x128x16xf32, #tpu.memory_space<vmem>> -> memref<1x128x16xf32, #tpu.memory_space<vmem>>
      %dma_wait3A_356 = tpu.memref_squeeze %dma_wait3A_355 : memref<1x128x16xf32, #tpu.memory_space<vmem>> -> memref<128x16xf32, #tpu.memory_space<vmem>>
      tpu.wait_dma2 semaphore(%run_scoped3A_332 : memref<!tpu.dma_semaphore, #tpu.memory_space<semaphore_mem>>) src(%dma_wait3A_356 : memref<128x16xf32, #tpu.memory_space<vmem>>) dst(%dma_wait3A_352 : memref<128x16xf32, #tpu.memory_space<vmem_shared>>)
      tpu.yield
    }) : () -> ()
    %add3A_69 = arith.constant 512 : i32
    %add3A_70 = arith.addi %mul3A_2, %add3A_69 : i32
    %run_scoped3A_71 = arith.constant 0 : i32
    "tpu.region"() ({
      %run_scoped3A_332 = tpu.sem_alloc : memref<!tpu.dma_semaphore, #tpu.memory_space<semaphore_mem>>
      %dma_start3A_333 = arith.constant 0 : i32
      %dma_start3A_334 = arith.constant 0 : i32
      %dma_start3A_335 = tpu.memref_slice %arg8[%run_scoped3A_71, %dma_start3A_333, %dma_start3A_334] : memref<6x128x16xf32, #tpu.memory_space<vmem>> -> memref<1x128x16xf32, #tpu.memory_space<vmem>>
      %dma_start3A_336 = tpu.memref_squeeze %dma_start3A_335 : memref<1x128x16xf32, #tpu.memory_space<vmem>> -> memref<128x16xf32, #tpu.memory_space<vmem>>
      %dma_start3A_337 = arith.constant 0 : i32
      %dma_start3A_338 = tpu.memref_slice %arg9[%add3A_70, %dma_start3A_337] : memref<100096x16xf32, #tpu.memory_space<vmem_shared>> -> memref<128x16xf32, #tpu.memory_space<vmem_shared>>
      %dma_start3A_339 = arith.constant 0 : i32
      %dma_start3A_340 = tpu.memref_slice %arg9[%add3A_70, %dma_start3A_339] : memref<100096x16xf32, #tpu.memory_space<vmem_shared>> -> memref<128x16xf32, #tpu.memory_space<vmem_shared>>
      %dma_start3A_341 = arith.constant 0 : i32
      %dma_start3A_342 = arith.constant 0 : i32
      %dma_start3A_343 = tpu.memref_slice %arg8[%run_scoped3A_71, %dma_start3A_341, %dma_start3A_342] : memref<6x128x16xf32, #tpu.memory_space<vmem>> -> memref<1x128x16xf32, #tpu.memory_space<vmem>>
      %dma_start3A_344 = tpu.memref_squeeze %dma_start3A_343 : memref<1x128x16xf32, #tpu.memory_space<vmem>> -> memref<128x16xf32, #tpu.memory_space<vmem>>
      tpu.enqueue_dma source(%dma_start3A_344 : memref<128x16xf32, #tpu.memory_space<vmem>>) target(%dma_start3A_340 : memref<128x16xf32, #tpu.memory_space<vmem_shared>>) target_semaphore(%run_scoped3A_332 : memref<!tpu.dma_semaphore, #tpu.memory_space<semaphore_mem>>)
      %dma_wait3A_345 = arith.constant 0 : i32
      %dma_wait3A_346 = arith.constant 0 : i32
      %dma_wait3A_347 = tpu.memref_slice %arg8[%run_scoped3A_71, %dma_wait3A_345, %dma_wait3A_346] : memref<6x128x16xf32, #tpu.memory_space<vmem>> -> memref<1x128x16xf32, #tpu.memory_space<vmem>>
      %dma_wait3A_348 = tpu.memref_squeeze %dma_wait3A_347 : memref<1x128x16xf32, #tpu.memory_space<vmem>> -> memref<128x16xf32, #tpu.memory_space<vmem>>
      %dma_wait3A_349 = arith.constant 0 : i32
      %dma_wait3A_350 = tpu.memref_slice %arg9[%add3A_70, %dma_wait3A_349] : memref<100096x16xf32, #tpu.memory_space<vmem_shared>> -> memref<128x16xf32, #tpu.memory_space<vmem_shared>>
      %dma_wait3A_351 = arith.constant 0 : i32
      %dma_wait3A_352 = tpu.memref_slice %arg9[%add3A_70, %dma_wait3A_351] : memref<100096x16xf32, #tpu.memory_space<vmem_shared>> -> memref<128x16xf32, #tpu.memory_space<vmem_shared>>
      %dma_wait3A_353 = arith.constant 0 : i32
      %dma_wait3A_354 = arith.constant 0 : i32
      %dma_wait3A_355 = tpu.memref_slice %arg8[%run_scoped3A_71, %dma_wait3A_353, %dma_wait3A_354] : memref<6x128x16xf32, #tpu.memory_space<vmem>> -> memref<1x128x16xf32, #tpu.memory_space<vmem>>
      %dma_wait3A_356 = tpu.memref_squeeze %dma_wait3A_355 : memref<1x128x16xf32, #tpu.memory_space<vmem>> -> memref<128x16xf32, #tpu.memory_space<vmem>>
      tpu.wait_dma2 semaphore(%run_scoped3A_332 : memref<!tpu.dma_semaphore, #tpu.memory_space<semaphore_mem>>) src(%dma_wait3A_356 : memref<128x16xf32, #tpu.memory_space<vmem>>) dst(%dma_wait3A_352 : memref<128x16xf32, #tpu.memory_space<vmem_shared>>)
      tpu.yield
    }) : () -> ()
    %add3A_72 = arith.constant 640 : i32
    %add3A_73 = arith.addi %mul3A_2, %add3A_72 : i32
    %run_scoped3A_74 = arith.constant 0 : i32
    "tpu.region"() ({
      %run_scoped3A_332 = tpu.sem_alloc : memref<!tpu.dma_semaphore, #tpu.memory_space<semaphore_mem>>
      %dma_start3A_333 = arith.constant 0 : i32
      %dma_start3A_334 = arith.constant 0 : i32
      %dma_start3A_335 = tpu.memref_slice %arg8[%run_scoped3A_74, %dma_start3A_333, %dma_start3A_334] : memref<6x128x16xf32, #tpu.memory_space<vmem>> -> memref<1x128x16xf32, #tpu.memory_space<vmem>>
      %dma_start3A_336 = tpu.memref_squeeze %dma_start3A_335 : memref<1x128x16xf32, #tpu.memory_space<vmem>> -> memref<128x16xf32, #tpu.memory_space<vmem>>
      %dma_start3A_337 = arith.constant 0 : i32
      %dma_start3A_338 = tpu.memref_slice %arg9[%add3A_73, %dma_start3A_337] : memref<100096x16xf32, #tpu.memory_space<vmem_shared>> -> memref<128x16xf32, #tpu.memory_space<vmem_shared>>
      %dma_start3A_339 = arith.constant 0 : i32
      %dma_start3A_340 = tpu.memref_slice %arg9[%add3A_73, %dma_start3A_339] : memref<100096x16xf32, #tpu.memory_space<vmem_shared>> -> memref<128x16xf32, #tpu.memory_space<vmem_shared>>
      %dma_start3A_341 = arith.constant 0 : i32
      %dma_start3A_342 = arith.constant 0 : i32
      %dma_start3A_343 = tpu.memref_slice %arg8[%run_scoped3A_74, %dma_start3A_341, %dma_start3A_342] : memref<6x128x16xf32, #tpu.memory_space<vmem>> -> memref<1x128x16xf32, #tpu.memory_space<vmem>>
      %dma_start3A_344 = tpu.memref_squeeze %dma_start3A_343 : memref<1x128x16xf32, #tpu.memory_space<vmem>> -> memref<128x16xf32, #tpu.memory_space<vmem>>
      tpu.enqueue_dma source(%dma_start3A_344 : memref<128x16xf32, #tpu.memory_space<vmem>>) target(%dma_start3A_340 : memref<128x16xf32, #tpu.memory_space<vmem_shared>>) target_semaphore(%run_scoped3A_332 : memref<!tpu.dma_semaphore, #tpu.memory_space<semaphore_mem>>)
      %dma_wait3A_345 = arith.constant 0 : i32
      %dma_wait3A_346 = arith.constant 0 : i32
      %dma_wait3A_347 = tpu.memref_slice %arg8[%run_scoped3A_74, %dma_wait3A_345, %dma_wait3A_346] : memref<6x128x16xf32, #tpu.memory_space<vmem>> -> memref<1x128x16xf32, #tpu.memory_space<vmem>>
      %dma_wait3A_348 = tpu.memref_squeeze %dma_wait3A_347 : memref<1x128x16xf32, #tpu.memory_space<vmem>> -> memref<128x16xf32, #tpu.memory_space<vmem>>
      %dma_wait3A_349 = arith.constant 0 : i32
      %dma_wait3A_350 = tpu.memref_slice %arg9[%add3A_73, %dma_wait3A_349] : memref<100096x16xf32, #tpu.memory_space<vmem_shared>> -> memref<128x16xf32, #tpu.memory_space<vmem_shared>>
      %dma_wait3A_351 = arith.constant 0 : i32
      %dma_wait3A_352 = tpu.memref_slice %arg9[%add3A_73, %dma_wait3A_351] : memref<100096x16xf32, #tpu.memory_space<vmem_shared>> -> memref<128x16xf32, #tpu.memory_space<vmem_shared>>
      %dma_wait3A_353 = arith.constant 0 : i32
      %dma_wait3A_354 = arith.constant 0 : i32
      %dma_wait3A_355 = tpu.memref_slice %arg8[%run_scoped3A_74, %dma_wait3A_353, %dma_wait3A_354] : memref<6x128x16xf32, #tpu.memory_space<vmem>> -> memref<1x128x16xf32, #tpu.memory_space<vmem>>
      %dma_wait3A_356 = tpu.memref_squeeze %dma_wait3A_355 : memref<1x128x16xf32, #tpu.memory_space<vmem>> -> memref<128x16xf32, #tpu.memory_space<vmem>>
      tpu.wait_dma2 semaphore(%run_scoped3A_332 : memref<!tpu.dma_semaphore, #tpu.memory_space<semaphore_mem>>) src(%dma_wait3A_356 : memref<128x16xf32, #tpu.memory_space<vmem>>) dst(%dma_wait3A_352 : memref<128x16xf32, #tpu.memory_space<vmem_shared>>)
      tpu.yield
    }) : () -> ()
    %add3A_75 = arith.constant 768 : i32
    %add3A_76 = arith.addi %mul3A_2, %add3A_75 : i32
    %run_scoped3A_77 = arith.constant 0 : i32
    "tpu.region"() ({
      %run_scoped3A_332 = tpu.sem_alloc : memref<!tpu.dma_semaphore, #tpu.memory_space<semaphore_mem>>
      %dma_start3A_333 = arith.constant 0 : i32
      %dma_start3A_334 = arith.constant 0 : i32
      %dma_start3A_335 = tpu.memref_slice %arg8[%run_scoped3A_77, %dma_start3A_333, %dma_start3A_334] : memref<6x128x16xf32, #tpu.memory_space<vmem>> -> memref<1x128x16xf32, #tpu.memory_space<vmem>>
      %dma_start3A_336 = tpu.memref_squeeze %dma_start3A_335 : memref<1x128x16xf32, #tpu.memory_space<vmem>> -> memref<128x16xf32, #tpu.memory_space<vmem>>
      %dma_start3A_337 = arith.constant 0 : i32
      %dma_start3A_338 = tpu.memref_slice %arg9[%add3A_76, %dma_start3A_337] : memref<100096x16xf32, #tpu.memory_space<vmem_shared>> -> memref<128x16xf32, #tpu.memory_space<vmem_shared>>
      %dma_start3A_339 = arith.constant 0 : i32
      %dma_start3A_340 = tpu.memref_slice %arg9[%add3A_76, %dma_start3A_339] : memref<100096x16xf32, #tpu.memory_space<vmem_shared>> -> memref<128x16xf32, #tpu.memory_space<vmem_shared>>
      %dma_start3A_341 = arith.constant 0 : i32
      %dma_start3A_342 = arith.constant 0 : i32
      %dma_start3A_343 = tpu.memref_slice %arg8[%run_scoped3A_77, %dma_start3A_341, %dma_start3A_342] : memref<6x128x16xf32, #tpu.memory_space<vmem>> -> memref<1x128x16xf32, #tpu.memory_space<vmem>>
      %dma_start3A_344 = tpu.memref_squeeze %dma_start3A_343 : memref<1x128x16xf32, #tpu.memory_space<vmem>> -> memref<128x16xf32, #tpu.memory_space<vmem>>
      tpu.enqueue_dma source(%dma_start3A_344 : memref<128x16xf32, #tpu.memory_space<vmem>>) target(%dma_start3A_340 : memref<128x16xf32, #tpu.memory_space<vmem_shared>>) target_semaphore(%run_scoped3A_332 : memref<!tpu.dma_semaphore, #tpu.memory_space<semaphore_mem>>)
      %dma_wait3A_345 = arith.constant 0 : i32
      %dma_wait3A_346 = arith.constant 0 : i32
      %dma_wait3A_347 = tpu.memref_slice %arg8[%run_scoped3A_77, %dma_wait3A_345, %dma_wait3A_346] : memref<6x128x16xf32, #tpu.memory_space<vmem>> -> memref<1x128x16xf32, #tpu.memory_space<vmem>>
      %dma_wait3A_348 = tpu.memref_squeeze %dma_wait3A_347 : memref<1x128x16xf32, #tpu.memory_space<vmem>> -> memref<128x16xf32, #tpu.memory_space<vmem>>
      %dma_wait3A_349 = arith.constant 0 : i32
      %dma_wait3A_350 = tpu.memref_slice %arg9[%add3A_76, %dma_wait3A_349] : memref<100096x16xf32, #tpu.memory_space<vmem_shared>> -> memref<128x16xf32, #tpu.memory_space<vmem_shared>>
      %dma_wait3A_351 = arith.constant 0 : i32
      %dma_wait3A_352 = tpu.memref_slice %arg9[%add3A_76, %dma_wait3A_351] : memref<100096x16xf32, #tpu.memory_space<vmem_shared>> -> memref<128x16xf32, #tpu.memory_space<vmem_shared>>
      %dma_wait3A_353 = arith.constant 0 : i32
      %dma_wait3A_354 = arith.constant 0 : i32
      %dma_wait3A_355 = tpu.memref_slice %arg8[%run_scoped3A_77, %dma_wait3A_353, %dma_wait3A_354] : memref<6x128x16xf32, #tpu.memory_space<vmem>> -> memref<1x128x16xf32, #tpu.memory_space<vmem>>
      %dma_wait3A_356 = tpu.memref_squeeze %dma_wait3A_355 : memref<1x128x16xf32, #tpu.memory_space<vmem>> -> memref<128x16xf32, #tpu.memory_space<vmem>>
      tpu.wait_dma2 semaphore(%run_scoped3A_332 : memref<!tpu.dma_semaphore, #tpu.memory_space<semaphore_mem>>) src(%dma_wait3A_356 : memref<128x16xf32, #tpu.memory_space<vmem>>) dst(%dma_wait3A_352 : memref<128x16xf32, #tpu.memory_space<vmem_shared>>)
      tpu.yield
    }) : () -> ()
    %add3A_78 = arith.constant 896 : i32
    %add3A_79 = arith.addi %mul3A_2, %add3A_78 : i32
    %run_scoped3A_80 = arith.constant 0 : i32
    "tpu.region"() ({
      %run_scoped3A_332 = tpu.sem_alloc : memref<!tpu.dma_semaphore, #tpu.memory_space<semaphore_mem>>
      %dma_start3A_333 = arith.constant 0 : i32
      %dma_start3A_334 = arith.constant 0 : i32
      %dma_start3A_335 = tpu.memref_slice %arg8[%run_scoped3A_80, %dma_start3A_333, %dma_start3A_334] : memref<6x128x16xf32, #tpu.memory_space<vmem>> -> memref<1x128x16xf32, #tpu.memory_space<vmem>>
      %dma_start3A_336 = tpu.memref_squeeze %dma_start3A_335 : memref<1x128x16xf32, #tpu.memory_space<vmem>> -> memref<128x16xf32, #tpu.memory_space<vmem>>
      %dma_start3A_337 = arith.constant 0 : i32
      %dma_start3A_338 = tpu.memref_slice %arg9[%add3A_79, %dma_start3A_337] : memref<100096x16xf32, #tpu.memory_space<vmem_shared>> -> memref<128x16xf32, #tpu.memory_space<vmem_shared>>
      %dma_start3A_339 = arith.constant 0 : i32
      %dma_start3A_340 = tpu.memref_slice %arg9[%add3A_79, %dma_start3A_339] : memref<100096x16xf32, #tpu.memory_space<vmem_shared>> -> memref<128x16xf32, #tpu.memory_space<vmem_shared>>
      %dma_start3A_341 = arith.constant 0 : i32
      %dma_start3A_342 = arith.constant 0 : i32
      %dma_start3A_343 = tpu.memref_slice %arg8[%run_scoped3A_80, %dma_start3A_341, %dma_start3A_342] : memref<6x128x16xf32, #tpu.memory_space<vmem>> -> memref<1x128x16xf32, #tpu.memory_space<vmem>>
      %dma_start3A_344 = tpu.memref_squeeze %dma_start3A_343 : memref<1x128x16xf32, #tpu.memory_space<vmem>> -> memref<128x16xf32, #tpu.memory_space<vmem>>
      tpu.enqueue_dma source(%dma_start3A_344 : memref<128x16xf32, #tpu.memory_space<vmem>>) target(%dma_start3A_340 : memref<128x16xf32, #tpu.memory_space<vmem_shared>>) target_semaphore(%run_scoped3A_332 : memref<!tpu.dma_semaphore, #tpu.memory_space<semaphore_mem>>)
      %dma_wait3A_345 = arith.constant 0 : i32
      %dma_wait3A_346 = arith.constant 0 : i32
      %dma_wait3A_347 = tpu.memref_slice %arg8[%run_scoped3A_80, %dma_wait3A_345, %dma_wait3A_346] : memref<6x128x16xf32, #tpu.memory_space<vmem>> -> memref<1x128x16xf32, #tpu.memory_space<vmem>>
      %dma_wait3A_348 = tpu.memref_squeeze %dma_wait3A_347 : memref<1x128x16xf32, #tpu.memory_space<vmem>> -> memref<128x16xf32, #tpu.memory_space<vmem>>
      %dma_wait3A_349 = arith.constant 0 : i32
      %dma_wait3A_350 = tpu.memref_slice %arg9[%add3A_79, %dma_wait3A_349] : memref<100096x16xf32, #tpu.memory_space<vmem_shared>> -> memref<128x16xf32, #tpu.memory_space<vmem_shared>>
      %dma_wait3A_351 = arith.constant 0 : i32
      %dma_wait3A_352 = tpu.memref_slice %arg9[%add3A_79, %dma_wait3A_351] : memref<100096x16xf32, #tpu.memory_space<vmem_shared>> -> memref<128x16xf32, #tpu.memory_space<vmem_shared>>
      %dma_wait3A_353 = arith.constant 0 : i32
      %dma_wait3A_354 = arith.constant 0 : i32
      %dma_wait3A_355 = tpu.memref_slice %arg8[%run_scoped3A_80, %dma_wait3A_353, %dma_wait3A_354] : memref<6x128x16xf32, #tpu.memory_space<vmem>> -> memref<1x128x16xf32, #tpu.memory_space<vmem>>
      %dma_wait3A_356 = tpu.memref_squeeze %dma_wait3A_355 : memref<1x128x16xf32, #tpu.memory_space<vmem>> -> memref<128x16xf32, #tpu.memory_space<vmem>>
      tpu.wait_dma2 semaphore(%run_scoped3A_332 : memref<!tpu.dma_semaphore, #tpu.memory_space<semaphore_mem>>) src(%dma_wait3A_356 : memref<128x16xf32, #tpu.memory_space<vmem>>) dst(%dma_wait3A_352 : memref<128x16xf32, #tpu.memory_space<vmem_shared>>)
      tpu.yield
    }) : () -> ()
    %add3A_81 = arith.constant 1024 : i32
    %add3A_82 = arith.addi %mul3A_2, %add3A_81 : i32
    %run_scoped3A_83 = arith.constant 0 : i32
    "tpu.region"() ({
      %run_scoped3A_332 = tpu.sem_alloc : memref<!tpu.dma_semaphore, #tpu.memory_space<semaphore_mem>>
      %dma_start3A_333 = arith.constant 0 : i32
      %dma_start3A_334 = arith.constant 0 : i32
      %dma_start3A_335 = tpu.memref_slice %arg8[%run_scoped3A_83, %dma_start3A_333, %dma_start3A_334] : memref<6x128x16xf32, #tpu.memory_space<vmem>> -> memref<1x128x16xf32, #tpu.memory_space<vmem>>
      %dma_start3A_336 = tpu.memref_squeeze %dma_start3A_335 : memref<1x128x16xf32, #tpu.memory_space<vmem>> -> memref<128x16xf32, #tpu.memory_space<vmem>>
      %dma_start3A_337 = arith.constant 0 : i32
      %dma_start3A_338 = tpu.memref_slice %arg9[%add3A_82, %dma_start3A_337] : memref<100096x16xf32, #tpu.memory_space<vmem_shared>> -> memref<128x16xf32, #tpu.memory_space<vmem_shared>>
      %dma_start3A_339 = arith.constant 0 : i32
      %dma_start3A_340 = tpu.memref_slice %arg9[%add3A_82, %dma_start3A_339] : memref<100096x16xf32, #tpu.memory_space<vmem_shared>> -> memref<128x16xf32, #tpu.memory_space<vmem_shared>>
      %dma_start3A_341 = arith.constant 0 : i32
      %dma_start3A_342 = arith.constant 0 : i32
      %dma_start3A_343 = tpu.memref_slice %arg8[%run_scoped3A_83, %dma_start3A_341, %dma_start3A_342] : memref<6x128x16xf32, #tpu.memory_space<vmem>> -> memref<1x128x16xf32, #tpu.memory_space<vmem>>
      %dma_start3A_344 = tpu.memref_squeeze %dma_start3A_343 : memref<1x128x16xf32, #tpu.memory_space<vmem>> -> memref<128x16xf32, #tpu.memory_space<vmem>>
      tpu.enqueue_dma source(%dma_start3A_344 : memref<128x16xf32, #tpu.memory_space<vmem>>) target(%dma_start3A_340 : memref<128x16xf32, #tpu.memory_space<vmem_shared>>) target_semaphore(%run_scoped3A_332 : memref<!tpu.dma_semaphore, #tpu.memory_space<semaphore_mem>>)
      %dma_wait3A_345 = arith.constant 0 : i32
      %dma_wait3A_346 = arith.constant 0 : i32
      %dma_wait3A_347 = tpu.memref_slice %arg8[%run_scoped3A_83, %dma_wait3A_345, %dma_wait3A_346] : memref<6x128x16xf32, #tpu.memory_space<vmem>> -> memref<1x128x16xf32, #tpu.memory_space<vmem>>
      %dma_wait3A_348 = tpu.memref_squeeze %dma_wait3A_347 : memref<1x128x16xf32, #tpu.memory_space<vmem>> -> memref<128x16xf32, #tpu.memory_space<vmem>>
      %dma_wait3A_349 = arith.constant 0 : i32
      %dma_wait3A_350 = tpu.memref_slice %arg9[%add3A_82, %dma_wait3A_349] : memref<100096x16xf32, #tpu.memory_space<vmem_shared>> -> memref<128x16xf32, #tpu.memory_space<vmem_shared>>
      %dma_wait3A_351 = arith.constant 0 : i32
      %dma_wait3A_352 = tpu.memref_slice %arg9[%add3A_82, %dma_wait3A_351] : memref<100096x16xf32, #tpu.memory_space<vmem_shared>> -> memref<128x16xf32, #tpu.memory_space<vmem_shared>>
      %dma_wait3A_353 = arith.constant 0 : i32
      %dma_wait3A_354 = arith.constant 0 : i32
      %dma_wait3A_355 = tpu.memref_slice %arg8[%run_scoped3A_83, %dma_wait3A_353, %dma_wait3A_354] : memref<6x128x16xf32, #tpu.memory_space<vmem>> -> memref<1x128x16xf32, #tpu.memory_space<vmem>>
      %dma_wait3A_356 = tpu.memref_squeeze %dma_wait3A_355 : memref<1x128x16xf32, #tpu.memory_space<vmem>> -> memref<128x16xf32, #tpu.memory_space<vmem>>
      tpu.wait_dma2 semaphore(%run_scoped3A_332 : memref<!tpu.dma_semaphore, #tpu.memory_space<semaphore_mem>>) src(%dma_wait3A_356 : memref<128x16xf32, #tpu.memory_space<vmem>>) dst(%dma_wait3A_352 : memref<128x16xf32, #tpu.memory_space<vmem_shared>>)
      tpu.yield
    }) : () -> ()
    %add3A_84 = arith.constant 1152 : i32
    %add3A_85 = arith.addi %mul3A_2, %add3A_84 : i32
    %run_scoped3A_86 = arith.constant 0 : i32
    "tpu.region"() ({
      %run_scoped3A_332 = tpu.sem_alloc : memref<!tpu.dma_semaphore, #tpu.memory_space<semaphore_mem>>
      %dma_start3A_333 = arith.constant 0 : i32
      %dma_start3A_334 = arith.constant 0 : i32
      %dma_start3A_335 = tpu.memref_slice %arg8[%run_scoped3A_86, %dma_start3A_333, %dma_start3A_334] : memref<6x128x16xf32, #tpu.memory_space<vmem>> -> memref<1x128x16xf32, #tpu.memory_space<vmem>>
      %dma_start3A_336 = tpu.memref_squeeze %dma_start3A_335 : memref<1x128x16xf32, #tpu.memory_space<vmem>> -> memref<128x16xf32, #tpu.memory_space<vmem>>
      %dma_start3A_337 = arith.constant 0 : i32
      %dma_start3A_338 = tpu.memref_slice %arg9[%add3A_85, %dma_start3A_337] : memref<100096x16xf32, #tpu.memory_space<vmem_shared>> -> memref<128x16xf32, #tpu.memory_space<vmem_shared>>
      %dma_start3A_339 = arith.constant 0 : i32
      %dma_start3A_340 = tpu.memref_slice %arg9[%add3A_85, %dma_start3A_339] : memref<100096x16xf32, #tpu.memory_space<vmem_shared>> -> memref<128x16xf32, #tpu.memory_space<vmem_shared>>
      %dma_start3A_341 = arith.constant 0 : i32
      %dma_start3A_342 = arith.constant 0 : i32
      %dma_start3A_343 = tpu.memref_slice %arg8[%run_scoped3A_86, %dma_start3A_341, %dma_start3A_342] : memref<6x128x16xf32, #tpu.memory_space<vmem>> -> memref<1x128x16xf32, #tpu.memory_space<vmem>>
      %dma_start3A_344 = tpu.memref_squeeze %dma_start3A_343 : memref<1x128x16xf32, #tpu.memory_space<vmem>> -> memref<128x16xf32, #tpu.memory_space<vmem>>
      tpu.enqueue_dma source(%dma_start3A_344 : memref<128x16xf32, #tpu.memory_space<vmem>>) target(%dma_start3A_340 : memref<128x16xf32, #tpu.memory_space<vmem_shared>>) target_semaphore(%run_scoped3A_332 : memref<!tpu.dma_semaphore, #tpu.memory_space<semaphore_mem>>)
      %dma_wait3A_345 = arith.constant 0 : i32
      %dma_wait3A_346 = arith.constant 0 : i32
      %dma_wait3A_347 = tpu.memref_slice %arg8[%run_scoped3A_86, %dma_wait3A_345, %dma_wait3A_346] : memref<6x128x16xf32, #tpu.memory_space<vmem>> -> memref<1x128x16xf32, #tpu.memory_space<vmem>>
      %dma_wait3A_348 = tpu.memref_squeeze %dma_wait3A_347 : memref<1x128x16xf32, #tpu.memory_space<vmem>> -> memref<128x16xf32, #tpu.memory_space<vmem>>
      %dma_wait3A_349 = arith.constant 0 : i32
      %dma_wait3A_350 = tpu.memref_slice %arg9[%add3A_85, %dma_wait3A_349] : memref<100096x16xf32, #tpu.memory_space<vmem_shared>> -> memref<128x16xf32, #tpu.memory_space<vmem_shared>>
      %dma_wait3A_351 = arith.constant 0 : i32
      %dma_wait3A_352 = tpu.memref_slice %arg9[%add3A_85, %dma_wait3A_351] : memref<100096x16xf32, #tpu.memory_space<vmem_shared>> -> memref<128x16xf32, #tpu.memory_space<vmem_shared>>
      %dma_wait3A_353 = arith.constant 0 : i32
      %dma_wait3A_354 = arith.constant 0 : i32
      %dma_wait3A_355 = tpu.memref_slice %arg8[%run_scoped3A_86, %dma_wait3A_353, %dma_wait3A_354] : memref<6x128x16xf32, #tpu.memory_space<vmem>> -> memref<1x128x16xf32, #tpu.memory_space<vmem>>
      %dma_wait3A_356 = tpu.memref_squeeze %dma_wait3A_355 : memref<1x128x16xf32, #tpu.memory_space<vmem>> -> memref<128x16xf32, #tpu.memory_space<vmem>>
      tpu.wait_dma2 semaphore(%run_scoped3A_332 : memref<!tpu.dma_semaphore, #tpu.memory_space<semaphore_mem>>) src(%dma_wait3A_356 : memref<128x16xf32, #tpu.memory_space<vmem>>) dst(%dma_wait3A_352 : memref<128x16xf32, #tpu.memory_space<vmem_shared>>)
      tpu.yield
    }) : () -> ()
    %add3A_87 = arith.constant 1280 : i32
    %add3A_88 = arith.addi %mul3A_2, %add3A_87 : i32
    %run_scoped3A_89 = arith.constant 0 : i32
    "tpu.region"() ({
      %run_scoped3A_332 = tpu.sem_alloc : memref<!tpu.dma_semaphore, #tpu.memory_space<semaphore_mem>>
      %dma_start3A_333 = arith.constant 0 : i32
      %dma_start3A_334 = arith.constant 0 : i32
      %dma_start3A_335 = tpu.memref_slice %arg8[%run_scoped3A_89, %dma_start3A_333, %dma_start3A_334] : memref<6x128x16xf32, #tpu.memory_space<vmem>> -> memref<1x128x16xf32, #tpu.memory_space<vmem>>
      %dma_start3A_336 = tpu.memref_squeeze %dma_start3A_335 : memref<1x128x16xf32, #tpu.memory_space<vmem>> -> memref<128x16xf32, #tpu.memory_space<vmem>>
      %dma_start3A_337 = arith.constant 0 : i32
      %dma_start3A_338 = tpu.memref_slice %arg9[%add3A_88, %dma_start3A_337] : memref<100096x16xf32, #tpu.memory_space<vmem_shared>> -> memref<128x16xf32, #tpu.memory_space<vmem_shared>>
      %dma_start3A_339 = arith.constant 0 : i32
      %dma_start3A_340 = tpu.memref_slice %arg9[%add3A_88, %dma_start3A_339] : memref<100096x16xf32, #tpu.memory_space<vmem_shared>> -> memref<128x16xf32, #tpu.memory_space<vmem_shared>>
      %dma_start3A_341 = arith.constant 0 : i32
      %dma_start3A_342 = arith.constant 0 : i32
      %dma_start3A_343 = tpu.memref_slice %arg8[%run_scoped3A_89, %dma_start3A_341, %dma_start3A_342] : memref<6x128x16xf32, #tpu.memory_space<vmem>> -> memref<1x128x16xf32, #tpu.memory_space<vmem>>
      %dma_start3A_344 = tpu.memref_squeeze %dma_start3A_343 : memref<1x128x16xf32, #tpu.memory_space<vmem>> -> memref<128x16xf32, #tpu.memory_space<vmem>>
      tpu.enqueue_dma source(%dma_start3A_344 : memref<128x16xf32, #tpu.memory_space<vmem>>) target(%dma_start3A_340 : memref<128x16xf32, #tpu.memory_space<vmem_shared>>) target_semaphore(%run_scoped3A_332 : memref<!tpu.dma_semaphore, #tpu.memory_space<semaphore_mem>>)
      %dma_wait3A_345 = arith.constant 0 : i32
      %dma_wait3A_346 = arith.constant 0 : i32
      %dma_wait3A_347 = tpu.memref_slice %arg8[%run_scoped3A_89, %dma_wait3A_345, %dma_wait3A_346] : memref<6x128x16xf32, #tpu.memory_space<vmem>> -> memref<1x128x16xf32, #tpu.memory_space<vmem>>
      %dma_wait3A_348 = tpu.memref_squeeze %dma_wait3A_347 : memref<1x128x16xf32, #tpu.memory_space<vmem>> -> memref<128x16xf32, #tpu.memory_space<vmem>>
      %dma_wait3A_349 = arith.constant 0 : i32
      %dma_wait3A_350 = tpu.memref_slice %arg9[%add3A_88, %dma_wait3A_349] : memref<100096x16xf32, #tpu.memory_space<vmem_shared>> -> memref<128x16xf32, #tpu.memory_space<vmem_shared>>
      %dma_wait3A_351 = arith.constant 0 : i32
      %dma_wait3A_352 = tpu.memref_slice %arg9[%add3A_88, %dma_wait3A_351] : memref<100096x16xf32, #tpu.memory_space<vmem_shared>> -> memref<128x16xf32, #tpu.memory_space<vmem_shared>>
      %dma_wait3A_353 = arith.constant 0 : i32
      %dma_wait3A_354 = arith.constant 0 : i32
      %dma_wait3A_355 = tpu.memref_slice %arg8[%run_scoped3A_89, %dma_wait3A_353, %dma_wait3A_354] : memref<6x128x16xf32, #tpu.memory_space<vmem>> -> memref<1x128x16xf32, #tpu.memory_space<vmem>>
      %dma_wait3A_356 = tpu.memref_squeeze %dma_wait3A_355 : memref<1x128x16xf32, #tpu.memory_space<vmem>> -> memref<128x16xf32, #tpu.memory_space<vmem>>
      tpu.wait_dma2 semaphore(%run_scoped3A_332 : memref<!tpu.dma_semaphore, #tpu.memory_space<semaphore_mem>>) src(%dma_wait3A_356 : memref<128x16xf32, #tpu.memory_space<vmem>>) dst(%dma_wait3A_352 : memref<128x16xf32, #tpu.memory_space<vmem_shared>>)
      tpu.yield
    }) : () -> ()
    %add3A_90 = arith.constant 1408 : i32
    %add3A_91 = arith.addi %mul3A_2, %add3A_90 : i32
    %run_scoped3A_92 = arith.constant 0 : i32
    "tpu.region"() ({
      %run_scoped3A_332 = tpu.sem_alloc : memref<!tpu.dma_semaphore, #tpu.memory_space<semaphore_mem>>
      %dma_start3A_333 = arith.constant 0 : i32
      %dma_start3A_334 = arith.constant 0 : i32
      %dma_start3A_335 = tpu.memref_slice %arg8[%run_scoped3A_92, %dma_start3A_333, %dma_start3A_334] : memref<6x128x16xf32, #tpu.memory_space<vmem>> -> memref<1x128x16xf32, #tpu.memory_space<vmem>>
      %dma_start3A_336 = tpu.memref_squeeze %dma_start3A_335 : memref<1x128x16xf32, #tpu.memory_space<vmem>> -> memref<128x16xf32, #tpu.memory_space<vmem>>
      %dma_start3A_337 = arith.constant 0 : i32
      %dma_start3A_338 = tpu.memref_slice %arg9[%add3A_91, %dma_start3A_337] : memref<100096x16xf32, #tpu.memory_space<vmem_shared>> -> memref<128x16xf32, #tpu.memory_space<vmem_shared>>
      %dma_start3A_339 = arith.constant 0 : i32
      %dma_start3A_340 = tpu.memref_slice %arg9[%add3A_91, %dma_start3A_339] : memref<100096x16xf32, #tpu.memory_space<vmem_shared>> -> memref<128x16xf32, #tpu.memory_space<vmem_shared>>
      %dma_start3A_341 = arith.constant 0 : i32
      %dma_start3A_342 = arith.constant 0 : i32
      %dma_start3A_343 = tpu.memref_slice %arg8[%run_scoped3A_92, %dma_start3A_341, %dma_start3A_342] : memref<6x128x16xf32, #tpu.memory_space<vmem>> -> memref<1x128x16xf32, #tpu.memory_space<vmem>>
      %dma_start3A_344 = tpu.memref_squeeze %dma_start3A_343 : memref<1x128x16xf32, #tpu.memory_space<vmem>> -> memref<128x16xf32, #tpu.memory_space<vmem>>
      tpu.enqueue_dma source(%dma_start3A_344 : memref<128x16xf32, #tpu.memory_space<vmem>>) target(%dma_start3A_340 : memref<128x16xf32, #tpu.memory_space<vmem_shared>>) target_semaphore(%run_scoped3A_332 : memref<!tpu.dma_semaphore, #tpu.memory_space<semaphore_mem>>)
      %dma_wait3A_345 = arith.constant 0 : i32
      %dma_wait3A_346 = arith.constant 0 : i32
      %dma_wait3A_347 = tpu.memref_slice %arg8[%run_scoped3A_92, %dma_wait3A_345, %dma_wait3A_346] : memref<6x128x16xf32, #tpu.memory_space<vmem>> -> memref<1x128x16xf32, #tpu.memory_space<vmem>>
      %dma_wait3A_348 = tpu.memref_squeeze %dma_wait3A_347 : memref<1x128x16xf32, #tpu.memory_space<vmem>> -> memref<128x16xf32, #tpu.memory_space<vmem>>
      %dma_wait3A_349 = arith.constant 0 : i32
      %dma_wait3A_350 = tpu.memref_slice %arg9[%add3A_91, %dma_wait3A_349] : memref<100096x16xf32, #tpu.memory_space<vmem_shared>> -> memref<128x16xf32, #tpu.memory_space<vmem_shared>>
      %dma_wait3A_351 = arith.constant 0 : i32
      %dma_wait3A_352 = tpu.memref_slice %arg9[%add3A_91, %dma_wait3A_351] : memref<100096x16xf32, #tpu.memory_space<vmem_shared>> -> memref<128x16xf32, #tpu.memory_space<vmem_shared>>
      %dma_wait3A_353 = arith.constant 0 : i32
      %dma_wait3A_354 = arith.constant 0 : i32
      %dma_wait3A_355 = tpu.memref_slice %arg8[%run_scoped3A_92, %dma_wait3A_353, %dma_wait3A_354] : memref<6x128x16xf32, #tpu.memory_space<vmem>> -> memref<1x128x16xf32, #tpu.memory_space<vmem>>
      %dma_wait3A_356 = tpu.memref_squeeze %dma_wait3A_355 : memref<1x128x16xf32, #tpu.memory_space<vmem>> -> memref<128x16xf32, #tpu.memory_space<vmem>>
      tpu.wait_dma2 semaphore(%run_scoped3A_332 : memref<!tpu.dma_semaphore, #tpu.memory_space<semaphore_mem>>) src(%dma_wait3A_356 : memref<128x16xf32, #tpu.memory_space<vmem>>) dst(%dma_wait3A_352 : memref<128x16xf32, #tpu.memory_space<vmem_shared>>)
      tpu.yield
    }) : () -> ()
    %add3A_93 = arith.constant 1536 : i32
    %add3A_94 = arith.addi %mul3A_2, %add3A_93 : i32
    %run_scoped3A_95 = arith.constant 0 : i32
    "tpu.region"() ({
      %run_scoped3A_332 = tpu.sem_alloc : memref<!tpu.dma_semaphore, #tpu.memory_space<semaphore_mem>>
      %dma_start3A_333 = arith.constant 0 : i32
      %dma_start3A_334 = arith.constant 0 : i32
      %dma_start3A_335 = tpu.memref_slice %arg8[%run_scoped3A_95, %dma_start3A_333, %dma_start3A_334] : memref<6x128x16xf32, #tpu.memory_space<vmem>> -> memref<1x128x16xf32, #tpu.memory_space<vmem>>
      %dma_start3A_336 = tpu.memref_squeeze %dma_start3A_335 : memref<1x128x16xf32, #tpu.memory_space<vmem>> -> memref<128x16xf32, #tpu.memory_space<vmem>>
      %dma_start3A_337 = arith.constant 0 : i32
      %dma_start3A_338 = tpu.memref_slice %arg9[%add3A_94, %dma_start3A_337] : memref<100096x16xf32, #tpu.memory_space<vmem_shared>> -> memref<128x16xf32, #tpu.memory_space<vmem_shared>>
      %dma_start3A_339 = arith.constant 0 : i32
      %dma_start3A_340 = tpu.memref_slice %arg9[%add3A_94, %dma_start3A_339] : memref<100096x16xf32, #tpu.memory_space<vmem_shared>> -> memref<128x16xf32, #tpu.memory_space<vmem_shared>>
      %dma_start3A_341 = arith.constant 0 : i32
      %dma_start3A_342 = arith.constant 0 : i32
      %dma_start3A_343 = tpu.memref_slice %arg8[%run_scoped3A_95, %dma_start3A_341, %dma_start3A_342] : memref<6x128x16xf32, #tpu.memory_space<vmem>> -> memref<1x128x16xf32, #tpu.memory_space<vmem>>
      %dma_start3A_344 = tpu.memref_squeeze %dma_start3A_343 : memref<1x128x16xf32, #tpu.memory_space<vmem>> -> memref<128x16xf32, #tpu.memory_space<vmem>>
      tpu.enqueue_dma source(%dma_start3A_344 : memref<128x16xf32, #tpu.memory_space<vmem>>) target(%dma_start3A_340 : memref<128x16xf32, #tpu.memory_space<vmem_shared>>) target_semaphore(%run_scoped3A_332 : memref<!tpu.dma_semaphore, #tpu.memory_space<semaphore_mem>>)
      %dma_wait3A_345 = arith.constant 0 : i32
      %dma_wait3A_346 = arith.constant 0 : i32
      %dma_wait3A_347 = tpu.memref_slice %arg8[%run_scoped3A_95, %dma_wait3A_345, %dma_wait3A_346] : memref<6x128x16xf32, #tpu.memory_space<vmem>> -> memref<1x128x16xf32, #tpu.memory_space<vmem>>
      %dma_wait3A_348 = tpu.memref_squeeze %dma_wait3A_347 : memref<1x128x16xf32, #tpu.memory_space<vmem>> -> memref<128x16xf32, #tpu.memory_space<vmem>>
      %dma_wait3A_349 = arith.constant 0 : i32
      %dma_wait3A_350 = tpu.memref_slice %arg9[%add3A_94, %dma_wait3A_349] : memref<100096x16xf32, #tpu.memory_space<vmem_shared>> -> memref<128x16xf32, #tpu.memory_space<vmem_shared>>
      %dma_wait3A_351 = arith.constant 0 : i32
      %dma_wait3A_352 = tpu.memref_slice %arg9[%add3A_94, %dma_wait3A_351] : memref<100096x16xf32, #tpu.memory_space<vmem_shared>> -> memref<128x16xf32, #tpu.memory_space<vmem_shared>>
      %dma_wait3A_353 = arith.constant 0 : i32
      %dma_wait3A_354 = arith.constant 0 : i32
      %dma_wait3A_355 = tpu.memref_slice %arg8[%run_scoped3A_95, %dma_wait3A_353, %dma_wait3A_354] : memref<6x128x16xf32, #tpu.memory_space<vmem>> -> memref<1x128x16xf32, #tpu.memory_space<vmem>>
      %dma_wait3A_356 = tpu.memref_squeeze %dma_wait3A_355 : memref<1x128x16xf32, #tpu.memory_space<vmem>> -> memref<128x16xf32, #tpu.memory_space<vmem>>
      tpu.wait_dma2 semaphore(%run_scoped3A_332 : memref<!tpu.dma_semaphore, #tpu.memory_space<semaphore_mem>>) src(%dma_wait3A_356 : memref<128x16xf32, #tpu.memory_space<vmem>>) dst(%dma_wait3A_352 : memref<128x16xf32, #tpu.memory_space<vmem_shared>>)
      tpu.yield
    }) : () -> ()
    %add3A_96 = arith.constant 1664 : i32
    %add3A_97 = arith.addi %mul3A_2, %add3A_96 : i32
    %run_scoped3A_98 = arith.constant 0 : i32
    "tpu.region"() ({
      %run_scoped3A_332 = tpu.sem_alloc : memref<!tpu.dma_semaphore, #tpu.memory_space<semaphore_mem>>
      %dma_start3A_333 = arith.constant 0 : i32
      %dma_start3A_334 = arith.constant 0 : i32
      %dma_start3A_335 = tpu.memref_slice %arg8[%run_scoped3A_98, %dma_start3A_333, %dma_start3A_334] : memref<6x128x16xf32, #tpu.memory_space<vmem>> -> memref<1x128x16xf32, #tpu.memory_space<vmem>>
      %dma_start3A_336 = tpu.memref_squeeze %dma_start3A_335 : memref<1x128x16xf32, #tpu.memory_space<vmem>> -> memref<128x16xf32, #tpu.memory_space<vmem>>
      %dma_start3A_337 = arith.constant 0 : i32
      %dma_start3A_338 = tpu.memref_slice %arg9[%add3A_97, %dma_start3A_337] : memref<100096x16xf32, #tpu.memory_space<vmem_shared>> -> memref<128x16xf32, #tpu.memory_space<vmem_shared>>
      %dma_start3A_339 = arith.constant 0 : i32
      %dma_start3A_340 = tpu.memref_slice %arg9[%add3A_97, %dma_start3A_339] : memref<100096x16xf32, #tpu.memory_space<vmem_shared>> -> memref<128x16xf32, #tpu.memory_space<vmem_shared>>
      %dma_start3A_341 = arith.constant 0 : i32
      %dma_start3A_342 = arith.constant 0 : i32
      %dma_start3A_343 = tpu.memref_slice %arg8[%run_scoped3A_98, %dma_start3A_341, %dma_start3A_342] : memref<6x128x16xf32, #tpu.memory_space<vmem>> -> memref<1x128x16xf32, #tpu.memory_space<vmem>>
      %dma_start3A_344 = tpu.memref_squeeze %dma_start3A_343 : memref<1x128x16xf32, #tpu.memory_space<vmem>> -> memref<128x16xf32, #tpu.memory_space<vmem>>
      tpu.enqueue_dma source(%dma_start3A_344 : memref<128x16xf32, #tpu.memory_space<vmem>>) target(%dma_start3A_340 : memref<128x16xf32, #tpu.memory_space<vmem_shared>>) target_semaphore(%run_scoped3A_332 : memref<!tpu.dma_semaphore, #tpu.memory_space<semaphore_mem>>)
      %dma_wait3A_345 = arith.constant 0 : i32
      %dma_wait3A_346 = arith.constant 0 : i32
      %dma_wait3A_347 = tpu.memref_slice %arg8[%run_scoped3A_98, %dma_wait3A_345, %dma_wait3A_346] : memref<6x128x16xf32, #tpu.memory_space<vmem>> -> memref<1x128x16xf32, #tpu.memory_space<vmem>>
      %dma_wait3A_348 = tpu.memref_squeeze %dma_wait3A_347 : memref<1x128x16xf32, #tpu.memory_space<vmem>> -> memref<128x16xf32, #tpu.memory_space<vmem>>
      %dma_wait3A_349 = arith.constant 0 : i32
      %dma_wait3A_350 = tpu.memref_slice %arg9[%add3A_97, %dma_wait3A_349] : memref<100096x16xf32, #tpu.memory_space<vmem_shared>> -> memref<128x16xf32, #tpu.memory_space<vmem_shared>>
      %dma_wait3A_351 = arith.constant 0 : i32
      %dma_wait3A_352 = tpu.memref_slice %arg9[%add3A_97, %dma_wait3A_351] : memref<100096x16xf32, #tpu.memory_space<vmem_shared>> -> memref<128x16xf32, #tpu.memory_space<vmem_shared>>
      %dma_wait3A_353 = arith.constant 0 : i32
      %dma_wait3A_354 = arith.constant 0 : i32
      %dma_wait3A_355 = tpu.memref_slice %arg8[%run_scoped3A_98, %dma_wait3A_353, %dma_wait3A_354] : memref<6x128x16xf32, #tpu.memory_space<vmem>> -> memref<1x128x16xf32, #tpu.memory_space<vmem>>
      %dma_wait3A_356 = tpu.memref_squeeze %dma_wait3A_355 : memref<1x128x16xf32, #tpu.memory_space<vmem>> -> memref<128x16xf32, #tpu.memory_space<vmem>>
      tpu.wait_dma2 semaphore(%run_scoped3A_332 : memref<!tpu.dma_semaphore, #tpu.memory_space<semaphore_mem>>) src(%dma_wait3A_356 : memref<128x16xf32, #tpu.memory_space<vmem>>) dst(%dma_wait3A_352 : memref<128x16xf32, #tpu.memory_space<vmem_shared>>)
      tpu.yield
    }) : () -> ()
    %add3A_99 = arith.constant 1792 : i32
    %add3A_100 = arith.addi %mul3A_2, %add3A_99 : i32
    %run_scoped3A_101 = arith.constant 0 : i32
    "tpu.region"() ({
      %run_scoped3A_332 = tpu.sem_alloc : memref<!tpu.dma_semaphore, #tpu.memory_space<semaphore_mem>>
      %dma_start3A_333 = arith.constant 0 : i32
      %dma_start3A_334 = arith.constant 0 : i32
      %dma_start3A_335 = tpu.memref_slice %arg8[%run_scoped3A_101, %dma_start3A_333, %dma_start3A_334] : memref<6x128x16xf32, #tpu.memory_space<vmem>> -> memref<1x128x16xf32, #tpu.memory_space<vmem>>
      %dma_start3A_336 = tpu.memref_squeeze %dma_start3A_335 : memref<1x128x16xf32, #tpu.memory_space<vmem>> -> memref<128x16xf32, #tpu.memory_space<vmem>>
      %dma_start3A_337 = arith.constant 0 : i32
      %dma_start3A_338 = tpu.memref_slice %arg9[%add3A_100, %dma_start3A_337] : memref<100096x16xf32, #tpu.memory_space<vmem_shared>> -> memref<128x16xf32, #tpu.memory_space<vmem_shared>>
      %dma_start3A_339 = arith.constant 0 : i32
      %dma_start3A_340 = tpu.memref_slice %arg9[%add3A_100, %dma_start3A_339] : memref<100096x16xf32, #tpu.memory_space<vmem_shared>> -> memref<128x16xf32, #tpu.memory_space<vmem_shared>>
      %dma_start3A_341 = arith.constant 0 : i32
      %dma_start3A_342 = arith.constant 0 : i32
      %dma_start3A_343 = tpu.memref_slice %arg8[%run_scoped3A_101, %dma_start3A_341, %dma_start3A_342] : memref<6x128x16xf32, #tpu.memory_space<vmem>> -> memref<1x128x16xf32, #tpu.memory_space<vmem>>
      %dma_start3A_344 = tpu.memref_squeeze %dma_start3A_343 : memref<1x128x16xf32, #tpu.memory_space<vmem>> -> memref<128x16xf32, #tpu.memory_space<vmem>>
      tpu.enqueue_dma source(%dma_start3A_344 : memref<128x16xf32, #tpu.memory_space<vmem>>) target(%dma_start3A_340 : memref<128x16xf32, #tpu.memory_space<vmem_shared>>) target_semaphore(%run_scoped3A_332 : memref<!tpu.dma_semaphore, #tpu.memory_space<semaphore_mem>>)
      %dma_wait3A_345 = arith.constant 0 : i32
      %dma_wait3A_346 = arith.constant 0 : i32
      %dma_wait3A_347 = tpu.memref_slice %arg8[%run_scoped3A_101, %dma_wait3A_345, %dma_wait3A_346] : memref<6x128x16xf32, #tpu.memory_space<vmem>> -> memref<1x128x16xf32, #tpu.memory_space<vmem>>
      %dma_wait3A_348 = tpu.memref_squeeze %dma_wait3A_347 : memref<1x128x16xf32, #tpu.memory_space<vmem>> -> memref<128x16xf32, #tpu.memory_space<vmem>>
      %dma_wait3A_349 = arith.constant 0 : i32
      %dma_wait3A_350 = tpu.memref_slice %arg9[%add3A_100, %dma_wait3A_349] : memref<100096x16xf32, #tpu.memory_space<vmem_shared>> -> memref<128x16xf32, #tpu.memory_space<vmem_shared>>
      %dma_wait3A_351 = arith.constant 0 : i32
      %dma_wait3A_352 = tpu.memref_slice %arg9[%add3A_100, %dma_wait3A_351] : memref<100096x16xf32, #tpu.memory_space<vmem_shared>> -> memref<128x16xf32, #tpu.memory_space<vmem_shared>>
      %dma_wait3A_353 = arith.constant 0 : i32
      %dma_wait3A_354 = arith.constant 0 : i32
      %dma_wait3A_355 = tpu.memref_slice %arg8[%run_scoped3A_101, %dma_wait3A_353, %dma_wait3A_354] : memref<6x128x16xf32, #tpu.memory_space<vmem>> -> memref<1x128x16xf32, #tpu.memory_space<vmem>>
      %dma_wait3A_356 = tpu.memref_squeeze %dma_wait3A_355 : memref<1x128x16xf32, #tpu.memory_space<vmem>> -> memref<128x16xf32, #tpu.memory_space<vmem>>
      tpu.wait_dma2 semaphore(%run_scoped3A_332 : memref<!tpu.dma_semaphore, #tpu.memory_space<semaphore_mem>>) src(%dma_wait3A_356 : memref<128x16xf32, #tpu.memory_space<vmem>>) dst(%dma_wait3A_352 : memref<128x16xf32, #tpu.memory_space<vmem_shared>>)
      tpu.yield
    }) : () -> ()
    %add3A_102 = arith.constant 1920 : i32
    %add3A_103 = arith.addi %mul3A_2, %add3A_102 : i32
    %run_scoped3A_104 = arith.constant 0 : i32
    "tpu.region"() ({
      %run_scoped3A_332 = tpu.sem_alloc : memref<!tpu.dma_semaphore, #tpu.memory_space<semaphore_mem>>
      %dma_start3A_333 = arith.constant 0 : i32
      %dma_start3A_334 = arith.constant 0 : i32
      %dma_start3A_335 = tpu.memref_slice %arg8[%run_scoped3A_104, %dma_start3A_333, %dma_start3A_334] : memref<6x128x16xf32, #tpu.memory_space<vmem>> -> memref<1x128x16xf32, #tpu.memory_space<vmem>>
      %dma_start3A_336 = tpu.memref_squeeze %dma_start3A_335 : memref<1x128x16xf32, #tpu.memory_space<vmem>> -> memref<128x16xf32, #tpu.memory_space<vmem>>
      %dma_start3A_337 = arith.constant 0 : i32
      %dma_start3A_338 = tpu.memref_slice %arg9[%add3A_103, %dma_start3A_337] : memref<100096x16xf32, #tpu.memory_space<vmem_shared>> -> memref<128x16xf32, #tpu.memory_space<vmem_shared>>
      %dma_start3A_339 = arith.constant 0 : i32
      %dma_start3A_340 = tpu.memref_slice %arg9[%add3A_103, %dma_start3A_339] : memref<100096x16xf32, #tpu.memory_space<vmem_shared>> -> memref<128x16xf32, #tpu.memory_space<vmem_shared>>
      %dma_start3A_341 = arith.constant 0 : i32
      %dma_start3A_342 = arith.constant 0 : i32
      %dma_start3A_343 = tpu.memref_slice %arg8[%run_scoped3A_104, %dma_start3A_341, %dma_start3A_342] : memref<6x128x16xf32, #tpu.memory_space<vmem>> -> memref<1x128x16xf32, #tpu.memory_space<vmem>>
      %dma_start3A_344 = tpu.memref_squeeze %dma_start3A_343 : memref<1x128x16xf32, #tpu.memory_space<vmem>> -> memref<128x16xf32, #tpu.memory_space<vmem>>
      tpu.enqueue_dma source(%dma_start3A_344 : memref<128x16xf32, #tpu.memory_space<vmem>>) target(%dma_start3A_340 : memref<128x16xf32, #tpu.memory_space<vmem_shared>>) target_semaphore(%run_scoped3A_332 : memref<!tpu.dma_semaphore, #tpu.memory_space<semaphore_mem>>)
      %dma_wait3A_345 = arith.constant 0 : i32
      %dma_wait3A_346 = arith.constant 0 : i32
      %dma_wait3A_347 = tpu.memref_slice %arg8[%run_scoped3A_104, %dma_wait3A_345, %dma_wait3A_346] : memref<6x128x16xf32, #tpu.memory_space<vmem>> -> memref<1x128x16xf32, #tpu.memory_space<vmem>>
      %dma_wait3A_348 = tpu.memref_squeeze %dma_wait3A_347 : memref<1x128x16xf32, #tpu.memory_space<vmem>> -> memref<128x16xf32, #tpu.memory_space<vmem>>
      %dma_wait3A_349 = arith.constant 0 : i32
      %dma_wait3A_350 = tpu.memref_slice %arg9[%add3A_103, %dma_wait3A_349] : memref<100096x16xf32, #tpu.memory_space<vmem_shared>> -> memref<128x16xf32, #tpu.memory_space<vmem_shared>>
      %dma_wait3A_351 = arith.constant 0 : i32
      %dma_wait3A_352 = tpu.memref_slice %arg9[%add3A_103, %dma_wait3A_351] : memref<100096x16xf32, #tpu.memory_space<vmem_shared>> -> memref<128x16xf32, #tpu.memory_space<vmem_shared>>
      %dma_wait3A_353 = arith.constant 0 : i32
      %dma_wait3A_354 = arith.constant 0 : i32
      %dma_wait3A_355 = tpu.memref_slice %arg8[%run_scoped3A_104, %dma_wait3A_353, %dma_wait3A_354] : memref<6x128x16xf32, #tpu.memory_space<vmem>> -> memref<1x128x16xf32, #tpu.memory_space<vmem>>
      %dma_wait3A_356 = tpu.memref_squeeze %dma_wait3A_355 : memref<1x128x16xf32, #tpu.memory_space<vmem>> -> memref<128x16xf32, #tpu.memory_space<vmem>>
      tpu.wait_dma2 semaphore(%run_scoped3A_332 : memref<!tpu.dma_semaphore, #tpu.memory_space<semaphore_mem>>) src(%dma_wait3A_356 : memref<128x16xf32, #tpu.memory_space<vmem>>) dst(%dma_wait3A_352 : memref<128x16xf32, #tpu.memory_space<vmem_shared>>)
      tpu.yield
    }) : () -> ()
    %add3A_105 = arith.constant 2048 : i32
    %add3A_106 = arith.addi %mul3A_2, %add3A_105 : i32
    %run_scoped3A_107 = arith.constant 0 : i32
    "tpu.region"() ({
      %run_scoped3A_332 = tpu.sem_alloc : memref<!tpu.dma_semaphore, #tpu.memory_space<semaphore_mem>>
      %dma_start3A_333 = arith.constant 0 : i32
      %dma_start3A_334 = arith.constant 0 : i32
      %dma_start3A_335 = tpu.memref_slice %arg8[%run_scoped3A_107, %dma_start3A_333, %dma_start3A_334] : memref<6x128x16xf32, #tpu.memory_space<vmem>> -> memref<1x128x16xf32, #tpu.memory_space<vmem>>
      %dma_start3A_336 = tpu.memref_squeeze %dma_start3A_335 : memref<1x128x16xf32, #tpu.memory_space<vmem>> -> memref<128x16xf32, #tpu.memory_space<vmem>>
      %dma_start3A_337 = arith.constant 0 : i32
      %dma_start3A_338 = tpu.memref_slice %arg9[%add3A_106, %dma_start3A_337] : memref<100096x16xf32, #tpu.memory_space<vmem_shared>> -> memref<128x16xf32, #tpu.memory_space<vmem_shared>>
      %dma_start3A_339 = arith.constant 0 : i32
      %dma_start3A_340 = tpu.memref_slice %arg9[%add3A_106, %dma_start3A_339] : memref<100096x16xf32, #tpu.memory_space<vmem_shared>> -> memref<128x16xf32, #tpu.memory_space<vmem_shared>>
      %dma_start3A_341 = arith.constant 0 : i32
      %dma_start3A_342 = arith.constant 0 : i32
      %dma_start3A_343 = tpu.memref_slice %arg8[%run_scoped3A_107, %dma_start3A_341, %dma_start3A_342] : memref<6x128x16xf32, #tpu.memory_space<vmem>> -> memref<1x128x16xf32, #tpu.memory_space<vmem>>
      %dma_start3A_344 = tpu.memref_squeeze %dma_start3A_343 : memref<1x128x16xf32, #tpu.memory_space<vmem>> -> memref<128x16xf32, #tpu.memory_space<vmem>>
      tpu.enqueue_dma source(%dma_start3A_344 : memref<128x16xf32, #tpu.memory_space<vmem>>) target(%dma_start3A_340 : memref<128x16xf32, #tpu.memory_space<vmem_shared>>) target_semaphore(%run_scoped3A_332 : memref<!tpu.dma_semaphore, #tpu.memory_space<semaphore_mem>>)
      %dma_wait3A_345 = arith.constant 0 : i32
      %dma_wait3A_346 = arith.constant 0 : i32
      %dma_wait3A_347 = tpu.memref_slice %arg8[%run_scoped3A_107, %dma_wait3A_345, %dma_wait3A_346] : memref<6x128x16xf32, #tpu.memory_space<vmem>> -> memref<1x128x16xf32, #tpu.memory_space<vmem>>
      %dma_wait3A_348 = tpu.memref_squeeze %dma_wait3A_347 : memref<1x128x16xf32, #tpu.memory_space<vmem>> -> memref<128x16xf32, #tpu.memory_space<vmem>>
      %dma_wait3A_349 = arith.constant 0 : i32
      %dma_wait3A_350 = tpu.memref_slice %arg9[%add3A_106, %dma_wait3A_349] : memref<100096x16xf32, #tpu.memory_space<vmem_shared>> -> memref<128x16xf32, #tpu.memory_space<vmem_shared>>
      %dma_wait3A_351 = arith.constant 0 : i32
      %dma_wait3A_352 = tpu.memref_slice %arg9[%add3A_106, %dma_wait3A_351] : memref<100096x16xf32, #tpu.memory_space<vmem_shared>> -> memref<128x16xf32, #tpu.memory_space<vmem_shared>>
      %dma_wait3A_353 = arith.constant 0 : i32
      %dma_wait3A_354 = arith.constant 0 : i32
      %dma_wait3A_355 = tpu.memref_slice %arg8[%run_scoped3A_107, %dma_wait3A_353, %dma_wait3A_354] : memref<6x128x16xf32, #tpu.memory_space<vmem>> -> memref<1x128x16xf32, #tpu.memory_space<vmem>>
      %dma_wait3A_356 = tpu.memref_squeeze %dma_wait3A_355 : memref<1x128x16xf32, #tpu.memory_space<vmem>> -> memref<128x16xf32, #tpu.memory_space<vmem>>
      tpu.wait_dma2 semaphore(%run_scoped3A_332 : memref<!tpu.dma_semaphore, #tpu.memory_space<semaphore_mem>>) src(%dma_wait3A_356 : memref<128x16xf32, #tpu.memory_space<vmem>>) dst(%dma_wait3A_352 : memref<128x16xf32, #tpu.memory_space<vmem_shared>>)
      tpu.yield
    }) : () -> ()
    %add3A_108 = arith.constant 2176 : i32
    %add3A_109 = arith.addi %mul3A_2, %add3A_108 : i32
    %run_scoped3A_110 = arith.constant 0 : i32
    "tpu.region"() ({
      %run_scoped3A_332 = tpu.sem_alloc : memref<!tpu.dma_semaphore, #tpu.memory_space<semaphore_mem>>
      %dma_start3A_333 = arith.constant 0 : i32
      %dma_start3A_334 = arith.constant 0 : i32
      %dma_start3A_335 = tpu.memref_slice %arg8[%run_scoped3A_110, %dma_start3A_333, %dma_start3A_334] : memref<6x128x16xf32, #tpu.memory_space<vmem>> -> memref<1x128x16xf32, #tpu.memory_space<vmem>>
      %dma_start3A_336 = tpu.memref_squeeze %dma_start3A_335 : memref<1x128x16xf32, #tpu.memory_space<vmem>> -> memref<128x16xf32, #tpu.memory_space<vmem>>
      %dma_start3A_337 = arith.constant 0 : i32
      %dma_start3A_338 = tpu.memref_slice %arg9[%add3A_109, %dma_start3A_337] : memref<100096x16xf32, #tpu.memory_space<vmem_shared>> -> memref<128x16xf32, #tpu.memory_space<vmem_shared>>
      %dma_start3A_339 = arith.constant 0 : i32
      %dma_start3A_340 = tpu.memref_slice %arg9[%add3A_109, %dma_start3A_339] : memref<100096x16xf32, #tpu.memory_space<vmem_shared>> -> memref<128x16xf32, #tpu.memory_space<vmem_shared>>
      %dma_start3A_341 = arith.constant 0 : i32
      %dma_start3A_342 = arith.constant 0 : i32
      %dma_start3A_343 = tpu.memref_slice %arg8[%run_scoped3A_110, %dma_start3A_341, %dma_start3A_342] : memref<6x128x16xf32, #tpu.memory_space<vmem>> -> memref<1x128x16xf32, #tpu.memory_space<vmem>>
      %dma_start3A_344 = tpu.memref_squeeze %dma_start3A_343 : memref<1x128x16xf32, #tpu.memory_space<vmem>> -> memref<128x16xf32, #tpu.memory_space<vmem>>
      tpu.enqueue_dma source(%dma_start3A_344 : memref<128x16xf32, #tpu.memory_space<vmem>>) target(%dma_start3A_340 : memref<128x16xf32, #tpu.memory_space<vmem_shared>>) target_semaphore(%run_scoped3A_332 : memref<!tpu.dma_semaphore, #tpu.memory_space<semaphore_mem>>)
      %dma_wait3A_345 = arith.constant 0 : i32
      %dma_wait3A_346 = arith.constant 0 : i32
      %dma_wait3A_347 = tpu.memref_slice %arg8[%run_scoped3A_110, %dma_wait3A_345, %dma_wait3A_346] : memref<6x128x16xf32, #tpu.memory_space<vmem>> -> memref<1x128x16xf32, #tpu.memory_space<vmem>>
      %dma_wait3A_348 = tpu.memref_squeeze %dma_wait3A_347 : memref<1x128x16xf32, #tpu.memory_space<vmem>> -> memref<128x16xf32, #tpu.memory_space<vmem>>
      %dma_wait3A_349 = arith.constant 0 : i32
      %dma_wait3A_350 = tpu.memref_slice %arg9[%add3A_109, %dma_wait3A_349] : memref<100096x16xf32, #tpu.memory_space<vmem_shared>> -> memref<128x16xf32, #tpu.memory_space<vmem_shared>>
      %dma_wait3A_351 = arith.constant 0 : i32
      %dma_wait3A_352 = tpu.memref_slice %arg9[%add3A_109, %dma_wait3A_351] : memref<100096x16xf32, #tpu.memory_space<vmem_shared>> -> memref<128x16xf32, #tpu.memory_space<vmem_shared>>
      %dma_wait3A_353 = arith.constant 0 : i32
      %dma_wait3A_354 = arith.constant 0 : i32
      %dma_wait3A_355 = tpu.memref_slice %arg8[%run_scoped3A_110, %dma_wait3A_353, %dma_wait3A_354] : memref<6x128x16xf32, #tpu.memory_space<vmem>> -> memref<1x128x16xf32, #tpu.memory_space<vmem>>
      %dma_wait3A_356 = tpu.memref_squeeze %dma_wait3A_355 : memref<1x128x16xf32, #tpu.memory_space<vmem>> -> memref<128x16xf32, #tpu.memory_space<vmem>>
      tpu.wait_dma2 semaphore(%run_scoped3A_332 : memref<!tpu.dma_semaphore, #tpu.memory_space<semaphore_mem>>) src(%dma_wait3A_356 : memref<128x16xf32, #tpu.memory_space<vmem>>) dst(%dma_wait3A_352 : memref<128x16xf32, #tpu.memory_space<vmem_shared>>)
      tpu.yield
    }) : () -> ()
    %add3A_111 = arith.constant 2304 : i32
    %add3A_112 = arith.addi %mul3A_2, %add3A_111 : i32
    %run_scoped3A_113 = arith.constant 0 : i32
    "tpu.region"() ({
      %run_scoped3A_332 = tpu.sem_alloc : memref<!tpu.dma_semaphore, #tpu.memory_space<semaphore_mem>>
      %dma_start3A_333 = arith.constant 0 : i32
      %dma_start3A_334 = arith.constant 0 : i32
      %dma_start3A_335 = tpu.memref_slice %arg8[%run_scoped3A_113, %dma_start3A_333, %dma_start3A_334] : memref<6x128x16xf32, #tpu.memory_space<vmem>> -> memref<1x128x16xf32, #tpu.memory_space<vmem>>
      %dma_start3A_336 = tpu.memref_squeeze %dma_start3A_335 : memref<1x128x16xf32, #tpu.memory_space<vmem>> -> memref<128x16xf32, #tpu.memory_space<vmem>>
      %dma_start3A_337 = arith.constant 0 : i32
      %dma_start3A_338 = tpu.memref_slice %arg9[%add3A_112, %dma_start3A_337] : memref<100096x16xf32, #tpu.memory_space<vmem_shared>> -> memref<128x16xf32, #tpu.memory_space<vmem_shared>>
      %dma_start3A_339 = arith.constant 0 : i32
      %dma_start3A_340 = tpu.memref_slice %arg9[%add3A_112, %dma_start3A_339] : memref<100096x16xf32, #tpu.memory_space<vmem_shared>> -> memref<128x16xf32, #tpu.memory_space<vmem_shared>>
      %dma_start3A_341 = arith.constant 0 : i32
      %dma_start3A_342 = arith.constant 0 : i32
      %dma_start3A_343 = tpu.memref_slice %arg8[%run_scoped3A_113, %dma_start3A_341, %dma_start3A_342] : memref<6x128x16xf32, #tpu.memory_space<vmem>> -> memref<1x128x16xf32, #tpu.memory_space<vmem>>
      %dma_start3A_344 = tpu.memref_squeeze %dma_start3A_343 : memref<1x128x16xf32, #tpu.memory_space<vmem>> -> memref<128x16xf32, #tpu.memory_space<vmem>>
      tpu.enqueue_dma source(%dma_start3A_344 : memref<128x16xf32, #tpu.memory_space<vmem>>) target(%dma_start3A_340 : memref<128x16xf32, #tpu.memory_space<vmem_shared>>) target_semaphore(%run_scoped3A_332 : memref<!tpu.dma_semaphore, #tpu.memory_space<semaphore_mem>>)
      %dma_wait3A_345 = arith.constant 0 : i32
      %dma_wait3A_346 = arith.constant 0 : i32
      %dma_wait3A_347 = tpu.memref_slice %arg8[%run_scoped3A_113, %dma_wait3A_345, %dma_wait3A_346] : memref<6x128x16xf32, #tpu.memory_space<vmem>> -> memref<1x128x16xf32, #tpu.memory_space<vmem>>
      %dma_wait3A_348 = tpu.memref_squeeze %dma_wait3A_347 : memref<1x128x16xf32, #tpu.memory_space<vmem>> -> memref<128x16xf32, #tpu.memory_space<vmem>>
      %dma_wait3A_349 = arith.constant 0 : i32
      %dma_wait3A_350 = tpu.memref_slice %arg9[%add3A_112, %dma_wait3A_349] : memref<100096x16xf32, #tpu.memory_space<vmem_shared>> -> memref<128x16xf32, #tpu.memory_space<vmem_shared>>
      %dma_wait3A_351 = arith.constant 0 : i32
      %dma_wait3A_352 = tpu.memref_slice %arg9[%add3A_112, %dma_wait3A_351] : memref<100096x16xf32, #tpu.memory_space<vmem_shared>> -> memref<128x16xf32, #tpu.memory_space<vmem_shared>>
      %dma_wait3A_353 = arith.constant 0 : i32
      %dma_wait3A_354 = arith.constant 0 : i32
      %dma_wait3A_355 = tpu.memref_slice %arg8[%run_scoped3A_113, %dma_wait3A_353, %dma_wait3A_354] : memref<6x128x16xf32, #tpu.memory_space<vmem>> -> memref<1x128x16xf32, #tpu.memory_space<vmem>>
      %dma_wait3A_356 = tpu.memref_squeeze %dma_wait3A_355 : memref<1x128x16xf32, #tpu.memory_space<vmem>> -> memref<128x16xf32, #tpu.memory_space<vmem>>
      tpu.wait_dma2 semaphore(%run_scoped3A_332 : memref<!tpu.dma_semaphore, #tpu.memory_space<semaphore_mem>>) src(%dma_wait3A_356 : memref<128x16xf32, #tpu.memory_space<vmem>>) dst(%dma_wait3A_352 : memref<128x16xf32, #tpu.memory_space<vmem_shared>>)
      tpu.yield
    }) : () -> ()
    %add3A_114 = arith.constant 2432 : i32
    %add3A_115 = arith.addi %mul3A_2, %add3A_114 : i32
    %run_scoped3A_116 = arith.constant 0 : i32
    "tpu.region"() ({
      %run_scoped3A_332 = tpu.sem_alloc : memref<!tpu.dma_semaphore, #tpu.memory_space<semaphore_mem>>
      %dma_start3A_333 = arith.constant 0 : i32
      %dma_start3A_334 = arith.constant 0 : i32
      %dma_start3A_335 = tpu.memref_slice %arg8[%run_scoped3A_116, %dma_start3A_333, %dma_start3A_334] : memref<6x128x16xf32, #tpu.memory_space<vmem>> -> memref<1x128x16xf32, #tpu.memory_space<vmem>>
      %dma_start3A_336 = tpu.memref_squeeze %dma_start3A_335 : memref<1x128x16xf32, #tpu.memory_space<vmem>> -> memref<128x16xf32, #tpu.memory_space<vmem>>
      %dma_start3A_337 = arith.constant 0 : i32
      %dma_start3A_338 = tpu.memref_slice %arg9[%add3A_115, %dma_start3A_337] : memref<100096x16xf32, #tpu.memory_space<vmem_shared>> -> memref<128x16xf32, #tpu.memory_space<vmem_shared>>
      %dma_start3A_339 = arith.constant 0 : i32
      %dma_start3A_340 = tpu.memref_slice %arg9[%add3A_115, %dma_start3A_339] : memref<100096x16xf32, #tpu.memory_space<vmem_shared>> -> memref<128x16xf32, #tpu.memory_space<vmem_shared>>
      %dma_start3A_341 = arith.constant 0 : i32
      %dma_start3A_342 = arith.constant 0 : i32
      %dma_start3A_343 = tpu.memref_slice %arg8[%run_scoped3A_116, %dma_start3A_341, %dma_start3A_342] : memref<6x128x16xf32, #tpu.memory_space<vmem>> -> memref<1x128x16xf32, #tpu.memory_space<vmem>>
      %dma_start3A_344 = tpu.memref_squeeze %dma_start3A_343 : memref<1x128x16xf32, #tpu.memory_space<vmem>> -> memref<128x16xf32, #tpu.memory_space<vmem>>
      tpu.enqueue_dma source(%dma_start3A_344 : memref<128x16xf32, #tpu.memory_space<vmem>>) target(%dma_start3A_340 : memref<128x16xf32, #tpu.memory_space<vmem_shared>>) target_semaphore(%run_scoped3A_332 : memref<!tpu.dma_semaphore, #tpu.memory_space<semaphore_mem>>)
      %dma_wait3A_345 = arith.constant 0 : i32
      %dma_wait3A_346 = arith.constant 0 : i32
      %dma_wait3A_347 = tpu.memref_slice %arg8[%run_scoped3A_116, %dma_wait3A_345, %dma_wait3A_346] : memref<6x128x16xf32, #tpu.memory_space<vmem>> -> memref<1x128x16xf32, #tpu.memory_space<vmem>>
      %dma_wait3A_348 = tpu.memref_squeeze %dma_wait3A_347 : memref<1x128x16xf32, #tpu.memory_space<vmem>> -> memref<128x16xf32, #tpu.memory_space<vmem>>
      %dma_wait3A_349 = arith.constant 0 : i32
      %dma_wait3A_350 = tpu.memref_slice %arg9[%add3A_115, %dma_wait3A_349] : memref<100096x16xf32, #tpu.memory_space<vmem_shared>> -> memref<128x16xf32, #tpu.memory_space<vmem_shared>>
      %dma_wait3A_351 = arith.constant 0 : i32
      %dma_wait3A_352 = tpu.memref_slice %arg9[%add3A_115, %dma_wait3A_351] : memref<100096x16xf32, #tpu.memory_space<vmem_shared>> -> memref<128x16xf32, #tpu.memory_space<vmem_shared>>
      %dma_wait3A_353 = arith.constant 0 : i32
      %dma_wait3A_354 = arith.constant 0 : i32
      %dma_wait3A_355 = tpu.memref_slice %arg8[%run_scoped3A_116, %dma_wait3A_353, %dma_wait3A_354] : memref<6x128x16xf32, #tpu.memory_space<vmem>> -> memref<1x128x16xf32, #tpu.memory_space<vmem>>
      %dma_wait3A_356 = tpu.memref_squeeze %dma_wait3A_355 : memref<1x128x16xf32, #tpu.memory_space<vmem>> -> memref<128x16xf32, #tpu.memory_space<vmem>>
      tpu.wait_dma2 semaphore(%run_scoped3A_332 : memref<!tpu.dma_semaphore, #tpu.memory_space<semaphore_mem>>) src(%dma_wait3A_356 : memref<128x16xf32, #tpu.memory_space<vmem>>) dst(%dma_wait3A_352 : memref<128x16xf32, #tpu.memory_space<vmem_shared>>)
      tpu.yield
    }) : () -> ()
    %add3A_117 = arith.constant 2560 : i32
    %add3A_118 = arith.addi %mul3A_2, %add3A_117 : i32
    %run_scoped3A_119 = arith.constant 0 : i32
    "tpu.region"() ({
      %run_scoped3A_332 = tpu.sem_alloc : memref<!tpu.dma_semaphore, #tpu.memory_space<semaphore_mem>>
      %dma_start3A_333 = arith.constant 0 : i32
      %dma_start3A_334 = arith.constant 0 : i32
      %dma_start3A_335 = tpu.memref_slice %arg8[%run_scoped3A_119, %dma_start3A_333, %dma_start3A_334] : memref<6x128x16xf32, #tpu.memory_space<vmem>> -> memref<1x128x16xf32, #tpu.memory_space<vmem>>
      %dma_start3A_336 = tpu.memref_squeeze %dma_start3A_335 : memref<1x128x16xf32, #tpu.memory_space<vmem>> -> memref<128x16xf32, #tpu.memory_space<vmem>>
      %dma_start3A_337 = arith.constant 0 : i32
      %dma_start3A_338 = tpu.memref_slice %arg9[%add3A_118, %dma_start3A_337] : memref<100096x16xf32, #tpu.memory_space<vmem_shared>> -> memref<128x16xf32, #tpu.memory_space<vmem_shared>>
      %dma_start3A_339 = arith.constant 0 : i32
      %dma_start3A_340 = tpu.memref_slice %arg9[%add3A_118, %dma_start3A_339] : memref<100096x16xf32, #tpu.memory_space<vmem_shared>> -> memref<128x16xf32, #tpu.memory_space<vmem_shared>>
      %dma_start3A_341 = arith.constant 0 : i32
      %dma_start3A_342 = arith.constant 0 : i32
      %dma_start3A_343 = tpu.memref_slice %arg8[%run_scoped3A_119, %dma_start3A_341, %dma_start3A_342] : memref<6x128x16xf32, #tpu.memory_space<vmem>> -> memref<1x128x16xf32, #tpu.memory_space<vmem>>
      %dma_start3A_344 = tpu.memref_squeeze %dma_start3A_343 : memref<1x128x16xf32, #tpu.memory_space<vmem>> -> memref<128x16xf32, #tpu.memory_space<vmem>>
      tpu.enqueue_dma source(%dma_start3A_344 : memref<128x16xf32, #tpu.memory_space<vmem>>) target(%dma_start3A_340 : memref<128x16xf32, #tpu.memory_space<vmem_shared>>) target_semaphore(%run_scoped3A_332 : memref<!tpu.dma_semaphore, #tpu.memory_space<semaphore_mem>>)
      %dma_wait3A_345 = arith.constant 0 : i32
      %dma_wait3A_346 = arith.constant 0 : i32
      %dma_wait3A_347 = tpu.memref_slice %arg8[%run_scoped3A_119, %dma_wait3A_345, %dma_wait3A_346] : memref<6x128x16xf32, #tpu.memory_space<vmem>> -> memref<1x128x16xf32, #tpu.memory_space<vmem>>
      %dma_wait3A_348 = tpu.memref_squeeze %dma_wait3A_347 : memref<1x128x16xf32, #tpu.memory_space<vmem>> -> memref<128x16xf32, #tpu.memory_space<vmem>>
      %dma_wait3A_349 = arith.constant 0 : i32
      %dma_wait3A_350 = tpu.memref_slice %arg9[%add3A_118, %dma_wait3A_349] : memref<100096x16xf32, #tpu.memory_space<vmem_shared>> -> memref<128x16xf32, #tpu.memory_space<vmem_shared>>
      %dma_wait3A_351 = arith.constant 0 : i32
      %dma_wait3A_352 = tpu.memref_slice %arg9[%add3A_118, %dma_wait3A_351] : memref<100096x16xf32, #tpu.memory_space<vmem_shared>> -> memref<128x16xf32, #tpu.memory_space<vmem_shared>>
      %dma_wait3A_353 = arith.constant 0 : i32
      %dma_wait3A_354 = arith.constant 0 : i32
      %dma_wait3A_355 = tpu.memref_slice %arg8[%run_scoped3A_119, %dma_wait3A_353, %dma_wait3A_354] : memref<6x128x16xf32, #tpu.memory_space<vmem>> -> memref<1x128x16xf32, #tpu.memory_space<vmem>>
      %dma_wait3A_356 = tpu.memref_squeeze %dma_wait3A_355 : memref<1x128x16xf32, #tpu.memory_space<vmem>> -> memref<128x16xf32, #tpu.memory_space<vmem>>
      tpu.wait_dma2 semaphore(%run_scoped3A_332 : memref<!tpu.dma_semaphore, #tpu.memory_space<semaphore_mem>>) src(%dma_wait3A_356 : memref<128x16xf32, #tpu.memory_space<vmem>>) dst(%dma_wait3A_352 : memref<128x16xf32, #tpu.memory_space<vmem_shared>>)
      tpu.yield
    }) : () -> ()
    %add3A_120 = arith.constant 2688 : i32
    %add3A_121 = arith.addi %mul3A_2, %add3A_120 : i32
    %run_scoped3A_122 = arith.constant 0 : i32
    "tpu.region"() ({
      %run_scoped3A_332 = tpu.sem_alloc : memref<!tpu.dma_semaphore, #tpu.memory_space<semaphore_mem>>
      %dma_start3A_333 = arith.constant 0 : i32
      %dma_start3A_334 = arith.constant 0 : i32
      %dma_start3A_335 = tpu.memref_slice %arg8[%run_scoped3A_122, %dma_start3A_333, %dma_start3A_334] : memref<6x128x16xf32, #tpu.memory_space<vmem>> -> memref<1x128x16xf32, #tpu.memory_space<vmem>>
      %dma_start3A_336 = tpu.memref_squeeze %dma_start3A_335 : memref<1x128x16xf32, #tpu.memory_space<vmem>> -> memref<128x16xf32, #tpu.memory_space<vmem>>
      %dma_start3A_337 = arith.constant 0 : i32
      %dma_start3A_338 = tpu.memref_slice %arg9[%add3A_121, %dma_start3A_337] : memref<100096x16xf32, #tpu.memory_space<vmem_shared>> -> memref<128x16xf32, #tpu.memory_space<vmem_shared>>
      %dma_start3A_339 = arith.constant 0 : i32
      %dma_start3A_340 = tpu.memref_slice %arg9[%add3A_121, %dma_start3A_339] : memref<100096x16xf32, #tpu.memory_space<vmem_shared>> -> memref<128x16xf32, #tpu.memory_space<vmem_shared>>
      %dma_start3A_341 = arith.constant 0 : i32
      %dma_start3A_342 = arith.constant 0 : i32
      %dma_start3A_343 = tpu.memref_slice %arg8[%run_scoped3A_122, %dma_start3A_341, %dma_start3A_342] : memref<6x128x16xf32, #tpu.memory_space<vmem>> -> memref<1x128x16xf32, #tpu.memory_space<vmem>>
      %dma_start3A_344 = tpu.memref_squeeze %dma_start3A_343 : memref<1x128x16xf32, #tpu.memory_space<vmem>> -> memref<128x16xf32, #tpu.memory_space<vmem>>
      tpu.enqueue_dma source(%dma_start3A_344 : memref<128x16xf32, #tpu.memory_space<vmem>>) target(%dma_start3A_340 : memref<128x16xf32, #tpu.memory_space<vmem_shared>>) target_semaphore(%run_scoped3A_332 : memref<!tpu.dma_semaphore, #tpu.memory_space<semaphore_mem>>)
      %dma_wait3A_345 = arith.constant 0 : i32
      %dma_wait3A_346 = arith.constant 0 : i32
      %dma_wait3A_347 = tpu.memref_slice %arg8[%run_scoped3A_122, %dma_wait3A_345, %dma_wait3A_346] : memref<6x128x16xf32, #tpu.memory_space<vmem>> -> memref<1x128x16xf32, #tpu.memory_space<vmem>>
      %dma_wait3A_348 = tpu.memref_squeeze %dma_wait3A_347 : memref<1x128x16xf32, #tpu.memory_space<vmem>> -> memref<128x16xf32, #tpu.memory_space<vmem>>
      %dma_wait3A_349 = arith.constant 0 : i32
      %dma_wait3A_350 = tpu.memref_slice %arg9[%add3A_121, %dma_wait3A_349] : memref<100096x16xf32, #tpu.memory_space<vmem_shared>> -> memref<128x16xf32, #tpu.memory_space<vmem_shared>>
      %dma_wait3A_351 = arith.constant 0 : i32
      %dma_wait3A_352 = tpu.memref_slice %arg9[%add3A_121, %dma_wait3A_351] : memref<100096x16xf32, #tpu.memory_space<vmem_shared>> -> memref<128x16xf32, #tpu.memory_space<vmem_shared>>
      %dma_wait3A_353 = arith.constant 0 : i32
      %dma_wait3A_354 = arith.constant 0 : i32
      %dma_wait3A_355 = tpu.memref_slice %arg8[%run_scoped3A_122, %dma_wait3A_353, %dma_wait3A_354] : memref<6x128x16xf32, #tpu.memory_space<vmem>> -> memref<1x128x16xf32, #tpu.memory_space<vmem>>
      %dma_wait3A_356 = tpu.memref_squeeze %dma_wait3A_355 : memref<1x128x16xf32, #tpu.memory_space<vmem>> -> memref<128x16xf32, #tpu.memory_space<vmem>>
      tpu.wait_dma2 semaphore(%run_scoped3A_332 : memref<!tpu.dma_semaphore, #tpu.memory_space<semaphore_mem>>) src(%dma_wait3A_356 : memref<128x16xf32, #tpu.memory_space<vmem>>) dst(%dma_wait3A_352 : memref<128x16xf32, #tpu.memory_space<vmem_shared>>)
      tpu.yield
    }) : () -> ()
    %add3A_123 = arith.constant 2816 : i32
    %add3A_124 = arith.addi %mul3A_2, %add3A_123 : i32
    %run_scoped3A_125 = arith.constant 0 : i32
    "tpu.region"() ({
      %run_scoped3A_332 = tpu.sem_alloc : memref<!tpu.dma_semaphore, #tpu.memory_space<semaphore_mem>>
      %dma_start3A_333 = arith.constant 0 : i32
      %dma_start3A_334 = arith.constant 0 : i32
      %dma_start3A_335 = tpu.memref_slice %arg8[%run_scoped3A_125, %dma_start3A_333, %dma_start3A_334] : memref<6x128x16xf32, #tpu.memory_space<vmem>> -> memref<1x128x16xf32, #tpu.memory_space<vmem>>
      %dma_start3A_336 = tpu.memref_squeeze %dma_start3A_335 : memref<1x128x16xf32, #tpu.memory_space<vmem>> -> memref<128x16xf32, #tpu.memory_space<vmem>>
      %dma_start3A_337 = arith.constant 0 : i32
      %dma_start3A_338 = tpu.memref_slice %arg9[%add3A_124, %dma_start3A_337] : memref<100096x16xf32, #tpu.memory_space<vmem_shared>> -> memref<128x16xf32, #tpu.memory_space<vmem_shared>>
      %dma_start3A_339 = arith.constant 0 : i32
      %dma_start3A_340 = tpu.memref_slice %arg9[%add3A_124, %dma_start3A_339] : memref<100096x16xf32, #tpu.memory_space<vmem_shared>> -> memref<128x16xf32, #tpu.memory_space<vmem_shared>>
      %dma_start3A_341 = arith.constant 0 : i32
      %dma_start3A_342 = arith.constant 0 : i32
      %dma_start3A_343 = tpu.memref_slice %arg8[%run_scoped3A_125, %dma_start3A_341, %dma_start3A_342] : memref<6x128x16xf32, #tpu.memory_space<vmem>> -> memref<1x128x16xf32, #tpu.memory_space<vmem>>
      %dma_start3A_344 = tpu.memref_squeeze %dma_start3A_343 : memref<1x128x16xf32, #tpu.memory_space<vmem>> -> memref<128x16xf32, #tpu.memory_space<vmem>>
      tpu.enqueue_dma source(%dma_start3A_344 : memref<128x16xf32, #tpu.memory_space<vmem>>) target(%dma_start3A_340 : memref<128x16xf32, #tpu.memory_space<vmem_shared>>) target_semaphore(%run_scoped3A_332 : memref<!tpu.dma_semaphore, #tpu.memory_space<semaphore_mem>>)
      %dma_wait3A_345 = arith.constant 0 : i32
      %dma_wait3A_346 = arith.constant 0 : i32
      %dma_wait3A_347 = tpu.memref_slice %arg8[%run_scoped3A_125, %dma_wait3A_345, %dma_wait3A_346] : memref<6x128x16xf32, #tpu.memory_space<vmem>> -> memref<1x128x16xf32, #tpu.memory_space<vmem>>
      %dma_wait3A_348 = tpu.memref_squeeze %dma_wait3A_347 : memref<1x128x16xf32, #tpu.memory_space<vmem>> -> memref<128x16xf32, #tpu.memory_space<vmem>>
      %dma_wait3A_349 = arith.constant 0 : i32
      %dma_wait3A_350 = tpu.memref_slice %arg9[%add3A_124, %dma_wait3A_349] : memref<100096x16xf32, #tpu.memory_space<vmem_shared>> -> memref<128x16xf32, #tpu.memory_space<vmem_shared>>
      %dma_wait3A_351 = arith.constant 0 : i32
      %dma_wait3A_352 = tpu.memref_slice %arg9[%add3A_124, %dma_wait3A_351] : memref<100096x16xf32, #tpu.memory_space<vmem_shared>> -> memref<128x16xf32, #tpu.memory_space<vmem_shared>>
      %dma_wait3A_353 = arith.constant 0 : i32
      %dma_wait3A_354 = arith.constant 0 : i32
      %dma_wait3A_355 = tpu.memref_slice %arg8[%run_scoped3A_125, %dma_wait3A_353, %dma_wait3A_354] : memref<6x128x16xf32, #tpu.memory_space<vmem>> -> memref<1x128x16xf32, #tpu.memory_space<vmem>>
      %dma_wait3A_356 = tpu.memref_squeeze %dma_wait3A_355 : memref<1x128x16xf32, #tpu.memory_space<vmem>> -> memref<128x16xf32, #tpu.memory_space<vmem>>
      tpu.wait_dma2 semaphore(%run_scoped3A_332 : memref<!tpu.dma_semaphore, #tpu.memory_space<semaphore_mem>>) src(%dma_wait3A_356 : memref<128x16xf32, #tpu.memory_space<vmem>>) dst(%dma_wait3A_352 : memref<128x16xf32, #tpu.memory_space<vmem_shared>>)
      tpu.yield
    }) : () -> ()
    %add3A_126 = arith.constant 2944 : i32
    %add3A_127 = arith.addi %mul3A_2, %add3A_126 : i32
    %run_scoped3A_128 = arith.constant 0 : i32
    "tpu.region"() ({
      %run_scoped3A_332 = tpu.sem_alloc : memref<!tpu.dma_semaphore, #tpu.memory_space<semaphore_mem>>
      %dma_start3A_333 = arith.constant 0 : i32
      %dma_start3A_334 = arith.constant 0 : i32
      %dma_start3A_335 = tpu.memref_slice %arg8[%run_scoped3A_128, %dma_start3A_333, %dma_start3A_334] : memref<6x128x16xf32, #tpu.memory_space<vmem>> -> memref<1x128x16xf32, #tpu.memory_space<vmem>>
      %dma_start3A_336 = tpu.memref_squeeze %dma_start3A_335 : memref<1x128x16xf32, #tpu.memory_space<vmem>> -> memref<128x16xf32, #tpu.memory_space<vmem>>
      %dma_start3A_337 = arith.constant 0 : i32
      %dma_start3A_338 = tpu.memref_slice %arg9[%add3A_127, %dma_start3A_337] : memref<100096x16xf32, #tpu.memory_space<vmem_shared>> -> memref<128x16xf32, #tpu.memory_space<vmem_shared>>
      %dma_start3A_339 = arith.constant 0 : i32
      %dma_start3A_340 = tpu.memref_slice %arg9[%add3A_127, %dma_start3A_339] : memref<100096x16xf32, #tpu.memory_space<vmem_shared>> -> memref<128x16xf32, #tpu.memory_space<vmem_shared>>
      %dma_start3A_341 = arith.constant 0 : i32
      %dma_start3A_342 = arith.constant 0 : i32
      %dma_start3A_343 = tpu.memref_slice %arg8[%run_scoped3A_128, %dma_start3A_341, %dma_start3A_342] : memref<6x128x16xf32, #tpu.memory_space<vmem>> -> memref<1x128x16xf32, #tpu.memory_space<vmem>>
      %dma_start3A_344 = tpu.memref_squeeze %dma_start3A_343 : memref<1x128x16xf32, #tpu.memory_space<vmem>> -> memref<128x16xf32, #tpu.memory_space<vmem>>
      tpu.enqueue_dma source(%dma_start3A_344 : memref<128x16xf32, #tpu.memory_space<vmem>>) target(%dma_start3A_340 : memref<128x16xf32, #tpu.memory_space<vmem_shared>>) target_semaphore(%run_scoped3A_332 : memref<!tpu.dma_semaphore, #tpu.memory_space<semaphore_mem>>)
      %dma_wait3A_345 = arith.constant 0 : i32
      %dma_wait3A_346 = arith.constant 0 : i32
      %dma_wait3A_347 = tpu.memref_slice %arg8[%run_scoped3A_128, %dma_wait3A_345, %dma_wait3A_346] : memref<6x128x16xf32, #tpu.memory_space<vmem>> -> memref<1x128x16xf32, #tpu.memory_space<vmem>>
      %dma_wait3A_348 = tpu.memref_squeeze %dma_wait3A_347 : memref<1x128x16xf32, #tpu.memory_space<vmem>> -> memref<128x16xf32, #tpu.memory_space<vmem>>
      %dma_wait3A_349 = arith.constant 0 : i32
      %dma_wait3A_350 = tpu.memref_slice %arg9[%add3A_127, %dma_wait3A_349] : memref<100096x16xf32, #tpu.memory_space<vmem_shared>> -> memref<128x16xf32, #tpu.memory_space<vmem_shared>>
      %dma_wait3A_351 = arith.constant 0 : i32
      %dma_wait3A_352 = tpu.memref_slice %arg9[%add3A_127, %dma_wait3A_351] : memref<100096x16xf32, #tpu.memory_space<vmem_shared>> -> memref<128x16xf32, #tpu.memory_space<vmem_shared>>
      %dma_wait3A_353 = arith.constant 0 : i32
      %dma_wait3A_354 = arith.constant 0 : i32
      %dma_wait3A_355 = tpu.memref_slice %arg8[%run_scoped3A_128, %dma_wait3A_353, %dma_wait3A_354] : memref<6x128x16xf32, #tpu.memory_space<vmem>> -> memref<1x128x16xf32, #tpu.memory_space<vmem>>
      %dma_wait3A_356 = tpu.memref_squeeze %dma_wait3A_355 : memref<1x128x16xf32, #tpu.memory_space<vmem>> -> memref<128x16xf32, #tpu.memory_space<vmem>>
      tpu.wait_dma2 semaphore(%run_scoped3A_332 : memref<!tpu.dma_semaphore, #tpu.memory_space<semaphore_mem>>) src(%dma_wait3A_356 : memref<128x16xf32, #tpu.memory_space<vmem>>) dst(%dma_wait3A_352 : memref<128x16xf32, #tpu.memory_space<vmem_shared>>)
      tpu.yield
    }) : () -> ()
    %add3A_129 = arith.constant 3072 : i32
    %add3A_130 = arith.addi %mul3A_2, %add3A_129 : i32
    %run_scoped3A_131 = arith.constant 0 : i32
    "tpu.region"() ({
      %run_scoped3A_332 = tpu.sem_alloc : memref<!tpu.dma_semaphore, #tpu.memory_space<semaphore_mem>>
      %dma_start3A_333 = arith.constant 0 : i32
      %dma_start3A_334 = arith.constant 0 : i32
      %dma_start3A_335 = tpu.memref_slice %arg8[%run_scoped3A_131, %dma_start3A_333, %dma_start3A_334] : memref<6x128x16xf32, #tpu.memory_space<vmem>> -> memref<1x128x16xf32, #tpu.memory_space<vmem>>
      %dma_start3A_336 = tpu.memref_squeeze %dma_start3A_335 : memref<1x128x16xf32, #tpu.memory_space<vmem>> -> memref<128x16xf32, #tpu.memory_space<vmem>>
      %dma_start3A_337 = arith.constant 0 : i32
      %dma_start3A_338 = tpu.memref_slice %arg9[%add3A_130, %dma_start3A_337] : memref<100096x16xf32, #tpu.memory_space<vmem_shared>> -> memref<128x16xf32, #tpu.memory_space<vmem_shared>>
      %dma_start3A_339 = arith.constant 0 : i32
      %dma_start3A_340 = tpu.memref_slice %arg9[%add3A_130, %dma_start3A_339] : memref<100096x16xf32, #tpu.memory_space<vmem_shared>> -> memref<128x16xf32, #tpu.memory_space<vmem_shared>>
      %dma_start3A_341 = arith.constant 0 : i32
      %dma_start3A_342 = arith.constant 0 : i32
      %dma_start3A_343 = tpu.memref_slice %arg8[%run_scoped3A_131, %dma_start3A_341, %dma_start3A_342] : memref<6x128x16xf32, #tpu.memory_space<vmem>> -> memref<1x128x16xf32, #tpu.memory_space<vmem>>
      %dma_start3A_344 = tpu.memref_squeeze %dma_start3A_343 : memref<1x128x16xf32, #tpu.memory_space<vmem>> -> memref<128x16xf32, #tpu.memory_space<vmem>>
      tpu.enqueue_dma source(%dma_start3A_344 : memref<128x16xf32, #tpu.memory_space<vmem>>) target(%dma_start3A_340 : memref<128x16xf32, #tpu.memory_space<vmem_shared>>) target_semaphore(%run_scoped3A_332 : memref<!tpu.dma_semaphore, #tpu.memory_space<semaphore_mem>>)
      %dma_wait3A_345 = arith.constant 0 : i32
      %dma_wait3A_346 = arith.constant 0 : i32
      %dma_wait3A_347 = tpu.memref_slice %arg8[%run_scoped3A_131, %dma_wait3A_345, %dma_wait3A_346] : memref<6x128x16xf32, #tpu.memory_space<vmem>> -> memref<1x128x16xf32, #tpu.memory_space<vmem>>
      %dma_wait3A_348 = tpu.memref_squeeze %dma_wait3A_347 : memref<1x128x16xf32, #tpu.memory_space<vmem>> -> memref<128x16xf32, #tpu.memory_space<vmem>>
      %dma_wait3A_349 = arith.constant 0 : i32
      %dma_wait3A_350 = tpu.memref_slice %arg9[%add3A_130, %dma_wait3A_349] : memref<100096x16xf32, #tpu.memory_space<vmem_shared>> -> memref<128x16xf32, #tpu.memory_space<vmem_shared>>
      %dma_wait3A_351 = arith.constant 0 : i32
      %dma_wait3A_352 = tpu.memref_slice %arg9[%add3A_130, %dma_wait3A_351] : memref<100096x16xf32, #tpu.memory_space<vmem_shared>> -> memref<128x16xf32, #tpu.memory_space<vmem_shared>>
      %dma_wait3A_353 = arith.constant 0 : i32
      %dma_wait3A_354 = arith.constant 0 : i32
      %dma_wait3A_355 = tpu.memref_slice %arg8[%run_scoped3A_131, %dma_wait3A_353, %dma_wait3A_354] : memref<6x128x16xf32, #tpu.memory_space<vmem>> -> memref<1x128x16xf32, #tpu.memory_space<vmem>>
      %dma_wait3A_356 = tpu.memref_squeeze %dma_wait3A_355 : memref<1x128x16xf32, #tpu.memory_space<vmem>> -> memref<128x16xf32, #tpu.memory_space<vmem>>
      tpu.wait_dma2 semaphore(%run_scoped3A_332 : memref<!tpu.dma_semaphore, #tpu.memory_space<semaphore_mem>>) src(%dma_wait3A_356 : memref<128x16xf32, #tpu.memory_space<vmem>>) dst(%dma_wait3A_352 : memref<128x16xf32, #tpu.memory_space<vmem_shared>>)
      tpu.yield
    }) : () -> ()
    %add3A_132 = arith.constant 3200 : i32
    %add3A_133 = arith.addi %mul3A_2, %add3A_132 : i32
    %run_scoped3A_134 = arith.constant 0 : i32
    "tpu.region"() ({
      %run_scoped3A_332 = tpu.sem_alloc : memref<!tpu.dma_semaphore, #tpu.memory_space<semaphore_mem>>
      %dma_start3A_333 = arith.constant 0 : i32
      %dma_start3A_334 = arith.constant 0 : i32
      %dma_start3A_335 = tpu.memref_slice %arg8[%run_scoped3A_134, %dma_start3A_333, %dma_start3A_334] : memref<6x128x16xf32, #tpu.memory_space<vmem>> -> memref<1x128x16xf32, #tpu.memory_space<vmem>>
      %dma_start3A_336 = tpu.memref_squeeze %dma_start3A_335 : memref<1x128x16xf32, #tpu.memory_space<vmem>> -> memref<128x16xf32, #tpu.memory_space<vmem>>
      %dma_start3A_337 = arith.constant 0 : i32
      %dma_start3A_338 = tpu.memref_slice %arg9[%add3A_133, %dma_start3A_337] : memref<100096x16xf32, #tpu.memory_space<vmem_shared>> -> memref<128x16xf32, #tpu.memory_space<vmem_shared>>
      %dma_start3A_339 = arith.constant 0 : i32
      %dma_start3A_340 = tpu.memref_slice %arg9[%add3A_133, %dma_start3A_339] : memref<100096x16xf32, #tpu.memory_space<vmem_shared>> -> memref<128x16xf32, #tpu.memory_space<vmem_shared>>
      %dma_start3A_341 = arith.constant 0 : i32
      %dma_start3A_342 = arith.constant 0 : i32
      %dma_start3A_343 = tpu.memref_slice %arg8[%run_scoped3A_134, %dma_start3A_341, %dma_start3A_342] : memref<6x128x16xf32, #tpu.memory_space<vmem>> -> memref<1x128x16xf32, #tpu.memory_space<vmem>>
      %dma_start3A_344 = tpu.memref_squeeze %dma_start3A_343 : memref<1x128x16xf32, #tpu.memory_space<vmem>> -> memref<128x16xf32, #tpu.memory_space<vmem>>
      tpu.enqueue_dma source(%dma_start3A_344 : memref<128x16xf32, #tpu.memory_space<vmem>>) target(%dma_start3A_340 : memref<128x16xf32, #tpu.memory_space<vmem_shared>>) target_semaphore(%run_scoped3A_332 : memref<!tpu.dma_semaphore, #tpu.memory_space<semaphore_mem>>)
      %dma_wait3A_345 = arith.constant 0 : i32
      %dma_wait3A_346 = arith.constant 0 : i32
      %dma_wait3A_347 = tpu.memref_slice %arg8[%run_scoped3A_134, %dma_wait3A_345, %dma_wait3A_346] : memref<6x128x16xf32, #tpu.memory_space<vmem>> -> memref<1x128x16xf32, #tpu.memory_space<vmem>>
      %dma_wait3A_348 = tpu.memref_squeeze %dma_wait3A_347 : memref<1x128x16xf32, #tpu.memory_space<vmem>> -> memref<128x16xf32, #tpu.memory_space<vmem>>
      %dma_wait3A_349 = arith.constant 0 : i32
      %dma_wait3A_350 = tpu.memref_slice %arg9[%add3A_133, %dma_wait3A_349] : memref<100096x16xf32, #tpu.memory_space<vmem_shared>> -> memref<128x16xf32, #tpu.memory_space<vmem_shared>>
      %dma_wait3A_351 = arith.constant 0 : i32
      %dma_wait3A_352 = tpu.memref_slice %arg9[%add3A_133, %dma_wait3A_351] : memref<100096x16xf32, #tpu.memory_space<vmem_shared>> -> memref<128x16xf32, #tpu.memory_space<vmem_shared>>
      %dma_wait3A_353 = arith.constant 0 : i32
      %dma_wait3A_354 = arith.constant 0 : i32
      %dma_wait3A_355 = tpu.memref_slice %arg8[%run_scoped3A_134, %dma_wait3A_353, %dma_wait3A_354] : memref<6x128x16xf32, #tpu.memory_space<vmem>> -> memref<1x128x16xf32, #tpu.memory_space<vmem>>
      %dma_wait3A_356 = tpu.memref_squeeze %dma_wait3A_355 : memref<1x128x16xf32, #tpu.memory_space<vmem>> -> memref<128x16xf32, #tpu.memory_space<vmem>>
      tpu.wait_dma2 semaphore(%run_scoped3A_332 : memref<!tpu.dma_semaphore, #tpu.memory_space<semaphore_mem>>) src(%dma_wait3A_356 : memref<128x16xf32, #tpu.memory_space<vmem>>) dst(%dma_wait3A_352 : memref<128x16xf32, #tpu.memory_space<vmem_shared>>)
      tpu.yield
    }) : () -> ()
    %add3A_135 = arith.constant 3328 : i32
    %add3A_136 = arith.addi %mul3A_2, %add3A_135 : i32
    %run_scoped3A_137 = arith.constant 0 : i32
    "tpu.region"() ({
      %run_scoped3A_332 = tpu.sem_alloc : memref<!tpu.dma_semaphore, #tpu.memory_space<semaphore_mem>>
      %dma_start3A_333 = arith.constant 0 : i32
      %dma_start3A_334 = arith.constant 0 : i32
      %dma_start3A_335 = tpu.memref_slice %arg8[%run_scoped3A_137, %dma_start3A_333, %dma_start3A_334] : memref<6x128x16xf32, #tpu.memory_space<vmem>> -> memref<1x128x16xf32, #tpu.memory_space<vmem>>
      %dma_start3A_336 = tpu.memref_squeeze %dma_start3A_335 : memref<1x128x16xf32, #tpu.memory_space<vmem>> -> memref<128x16xf32, #tpu.memory_space<vmem>>
      %dma_start3A_337 = arith.constant 0 : i32
      %dma_start3A_338 = tpu.memref_slice %arg9[%add3A_136, %dma_start3A_337] : memref<100096x16xf32, #tpu.memory_space<vmem_shared>> -> memref<128x16xf32, #tpu.memory_space<vmem_shared>>
      %dma_start3A_339 = arith.constant 0 : i32
      %dma_start3A_340 = tpu.memref_slice %arg9[%add3A_136, %dma_start3A_339] : memref<100096x16xf32, #tpu.memory_space<vmem_shared>> -> memref<128x16xf32, #tpu.memory_space<vmem_shared>>
      %dma_start3A_341 = arith.constant 0 : i32
      %dma_start3A_342 = arith.constant 0 : i32
      %dma_start3A_343 = tpu.memref_slice %arg8[%run_scoped3A_137, %dma_start3A_341, %dma_start3A_342] : memref<6x128x16xf32, #tpu.memory_space<vmem>> -> memref<1x128x16xf32, #tpu.memory_space<vmem>>
      %dma_start3A_344 = tpu.memref_squeeze %dma_start3A_343 : memref<1x128x16xf32, #tpu.memory_space<vmem>> -> memref<128x16xf32, #tpu.memory_space<vmem>>
      tpu.enqueue_dma source(%dma_start3A_344 : memref<128x16xf32, #tpu.memory_space<vmem>>) target(%dma_start3A_340 : memref<128x16xf32, #tpu.memory_space<vmem_shared>>) target_semaphore(%run_scoped3A_332 : memref<!tpu.dma_semaphore, #tpu.memory_space<semaphore_mem>>)
      %dma_wait3A_345 = arith.constant 0 : i32
      %dma_wait3A_346 = arith.constant 0 : i32
      %dma_wait3A_347 = tpu.memref_slice %arg8[%run_scoped3A_137, %dma_wait3A_345, %dma_wait3A_346] : memref<6x128x16xf32, #tpu.memory_space<vmem>> -> memref<1x128x16xf32, #tpu.memory_space<vmem>>
      %dma_wait3A_348 = tpu.memref_squeeze %dma_wait3A_347 : memref<1x128x16xf32, #tpu.memory_space<vmem>> -> memref<128x16xf32, #tpu.memory_space<vmem>>
      %dma_wait3A_349 = arith.constant 0 : i32
      %dma_wait3A_350 = tpu.memref_slice %arg9[%add3A_136, %dma_wait3A_349] : memref<100096x16xf32, #tpu.memory_space<vmem_shared>> -> memref<128x16xf32, #tpu.memory_space<vmem_shared>>
      %dma_wait3A_351 = arith.constant 0 : i32
      %dma_wait3A_352 = tpu.memref_slice %arg9[%add3A_136, %dma_wait3A_351] : memref<100096x16xf32, #tpu.memory_space<vmem_shared>> -> memref<128x16xf32, #tpu.memory_space<vmem_shared>>
      %dma_wait3A_353 = arith.constant 0 : i32
      %dma_wait3A_354 = arith.constant 0 : i32
      %dma_wait3A_355 = tpu.memref_slice %arg8[%run_scoped3A_137, %dma_wait3A_353, %dma_wait3A_354] : memref<6x128x16xf32, #tpu.memory_space<vmem>> -> memref<1x128x16xf32, #tpu.memory_space<vmem>>
      %dma_wait3A_356 = tpu.memref_squeeze %dma_wait3A_355 : memref<1x128x16xf32, #tpu.memory_space<vmem>> -> memref<128x16xf32, #tpu.memory_space<vmem>>
      tpu.wait_dma2 semaphore(%run_scoped3A_332 : memref<!tpu.dma_semaphore, #tpu.memory_space<semaphore_mem>>) src(%dma_wait3A_356 : memref<128x16xf32, #tpu.memory_space<vmem>>) dst(%dma_wait3A_352 : memref<128x16xf32, #tpu.memory_space<vmem_shared>>)
      tpu.yield
    }) : () -> ()
    %add3A_138 = arith.constant 3456 : i32
    %add3A_139 = arith.addi %mul3A_2, %add3A_138 : i32
    %run_scoped3A_140 = arith.constant 0 : i32
    "tpu.region"() ({
      %run_scoped3A_332 = tpu.sem_alloc : memref<!tpu.dma_semaphore, #tpu.memory_space<semaphore_mem>>
      %dma_start3A_333 = arith.constant 0 : i32
      %dma_start3A_334 = arith.constant 0 : i32
      %dma_start3A_335 = tpu.memref_slice %arg8[%run_scoped3A_140, %dma_start3A_333, %dma_start3A_334] : memref<6x128x16xf32, #tpu.memory_space<vmem>> -> memref<1x128x16xf32, #tpu.memory_space<vmem>>
      %dma_start3A_336 = tpu.memref_squeeze %dma_start3A_335 : memref<1x128x16xf32, #tpu.memory_space<vmem>> -> memref<128x16xf32, #tpu.memory_space<vmem>>
      %dma_start3A_337 = arith.constant 0 : i32
      %dma_start3A_338 = tpu.memref_slice %arg9[%add3A_139, %dma_start3A_337] : memref<100096x16xf32, #tpu.memory_space<vmem_shared>> -> memref<128x16xf32, #tpu.memory_space<vmem_shared>>
      %dma_start3A_339 = arith.constant 0 : i32
      %dma_start3A_340 = tpu.memref_slice %arg9[%add3A_139, %dma_start3A_339] : memref<100096x16xf32, #tpu.memory_space<vmem_shared>> -> memref<128x16xf32, #tpu.memory_space<vmem_shared>>
      %dma_start3A_341 = arith.constant 0 : i32
      %dma_start3A_342 = arith.constant 0 : i32
      %dma_start3A_343 = tpu.memref_slice %arg8[%run_scoped3A_140, %dma_start3A_341, %dma_start3A_342] : memref<6x128x16xf32, #tpu.memory_space<vmem>> -> memref<1x128x16xf32, #tpu.memory_space<vmem>>
      %dma_start3A_344 = tpu.memref_squeeze %dma_start3A_343 : memref<1x128x16xf32, #tpu.memory_space<vmem>> -> memref<128x16xf32, #tpu.memory_space<vmem>>
      tpu.enqueue_dma source(%dma_start3A_344 : memref<128x16xf32, #tpu.memory_space<vmem>>) target(%dma_start3A_340 : memref<128x16xf32, #tpu.memory_space<vmem_shared>>) target_semaphore(%run_scoped3A_332 : memref<!tpu.dma_semaphore, #tpu.memory_space<semaphore_mem>>)
      %dma_wait3A_345 = arith.constant 0 : i32
      %dma_wait3A_346 = arith.constant 0 : i32
      %dma_wait3A_347 = tpu.memref_slice %arg8[%run_scoped3A_140, %dma_wait3A_345, %dma_wait3A_346] : memref<6x128x16xf32, #tpu.memory_space<vmem>> -> memref<1x128x16xf32, #tpu.memory_space<vmem>>
      %dma_wait3A_348 = tpu.memref_squeeze %dma_wait3A_347 : memref<1x128x16xf32, #tpu.memory_space<vmem>> -> memref<128x16xf32, #tpu.memory_space<vmem>>
      %dma_wait3A_349 = arith.constant 0 : i32
      %dma_wait3A_350 = tpu.memref_slice %arg9[%add3A_139, %dma_wait3A_349] : memref<100096x16xf32, #tpu.memory_space<vmem_shared>> -> memref<128x16xf32, #tpu.memory_space<vmem_shared>>
      %dma_wait3A_351 = arith.constant 0 : i32
      %dma_wait3A_352 = tpu.memref_slice %arg9[%add3A_139, %dma_wait3A_351] : memref<100096x16xf32, #tpu.memory_space<vmem_shared>> -> memref<128x16xf32, #tpu.memory_space<vmem_shared>>
      %dma_wait3A_353 = arith.constant 0 : i32
      %dma_wait3A_354 = arith.constant 0 : i32
      %dma_wait3A_355 = tpu.memref_slice %arg8[%run_scoped3A_140, %dma_wait3A_353, %dma_wait3A_354] : memref<6x128x16xf32, #tpu.memory_space<vmem>> -> memref<1x128x16xf32, #tpu.memory_space<vmem>>
      %dma_wait3A_356 = tpu.memref_squeeze %dma_wait3A_355 : memref<1x128x16xf32, #tpu.memory_space<vmem>> -> memref<128x16xf32, #tpu.memory_space<vmem>>
      tpu.wait_dma2 semaphore(%run_scoped3A_332 : memref<!tpu.dma_semaphore, #tpu.memory_space<semaphore_mem>>) src(%dma_wait3A_356 : memref<128x16xf32, #tpu.memory_space<vmem>>) dst(%dma_wait3A_352 : memref<128x16xf32, #tpu.memory_space<vmem_shared>>)
      tpu.yield
    }) : () -> ()
    %add3A_141 = arith.constant 3584 : i32
    %add3A_142 = arith.addi %mul3A_2, %add3A_141 : i32
    %run_scoped3A_143 = arith.constant 0 : i32
    "tpu.region"() ({
      %run_scoped3A_332 = tpu.sem_alloc : memref<!tpu.dma_semaphore, #tpu.memory_space<semaphore_mem>>
      %dma_start3A_333 = arith.constant 0 : i32
      %dma_start3A_334 = arith.constant 0 : i32
      %dma_start3A_335 = tpu.memref_slice %arg8[%run_scoped3A_143, %dma_start3A_333, %dma_start3A_334] : memref<6x128x16xf32, #tpu.memory_space<vmem>> -> memref<1x128x16xf32, #tpu.memory_space<vmem>>
      %dma_start3A_336 = tpu.memref_squeeze %dma_start3A_335 : memref<1x128x16xf32, #tpu.memory_space<vmem>> -> memref<128x16xf32, #tpu.memory_space<vmem>>
      %dma_start3A_337 = arith.constant 0 : i32
      %dma_start3A_338 = tpu.memref_slice %arg9[%add3A_142, %dma_start3A_337] : memref<100096x16xf32, #tpu.memory_space<vmem_shared>> -> memref<128x16xf32, #tpu.memory_space<vmem_shared>>
      %dma_start3A_339 = arith.constant 0 : i32
      %dma_start3A_340 = tpu.memref_slice %arg9[%add3A_142, %dma_start3A_339] : memref<100096x16xf32, #tpu.memory_space<vmem_shared>> -> memref<128x16xf32, #tpu.memory_space<vmem_shared>>
      %dma_start3A_341 = arith.constant 0 : i32
      %dma_start3A_342 = arith.constant 0 : i32
      %dma_start3A_343 = tpu.memref_slice %arg8[%run_scoped3A_143, %dma_start3A_341, %dma_start3A_342] : memref<6x128x16xf32, #tpu.memory_space<vmem>> -> memref<1x128x16xf32, #tpu.memory_space<vmem>>
      %dma_start3A_344 = tpu.memref_squeeze %dma_start3A_343 : memref<1x128x16xf32, #tpu.memory_space<vmem>> -> memref<128x16xf32, #tpu.memory_space<vmem>>
      tpu.enqueue_dma source(%dma_start3A_344 : memref<128x16xf32, #tpu.memory_space<vmem>>) target(%dma_start3A_340 : memref<128x16xf32, #tpu.memory_space<vmem_shared>>) target_semaphore(%run_scoped3A_332 : memref<!tpu.dma_semaphore, #tpu.memory_space<semaphore_mem>>)
      %dma_wait3A_345 = arith.constant 0 : i32
      %dma_wait3A_346 = arith.constant 0 : i32
      %dma_wait3A_347 = tpu.memref_slice %arg8[%run_scoped3A_143, %dma_wait3A_345, %dma_wait3A_346] : memref<6x128x16xf32, #tpu.memory_space<vmem>> -> memref<1x128x16xf32, #tpu.memory_space<vmem>>
      %dma_wait3A_348 = tpu.memref_squeeze %dma_wait3A_347 : memref<1x128x16xf32, #tpu.memory_space<vmem>> -> memref<128x16xf32, #tpu.memory_space<vmem>>
      %dma_wait3A_349 = arith.constant 0 : i32
      %dma_wait3A_350 = tpu.memref_slice %arg9[%add3A_142, %dma_wait3A_349] : memref<100096x16xf32, #tpu.memory_space<vmem_shared>> -> memref<128x16xf32, #tpu.memory_space<vmem_shared>>
      %dma_wait3A_351 = arith.constant 0 : i32
      %dma_wait3A_352 = tpu.memref_slice %arg9[%add3A_142, %dma_wait3A_351] : memref<100096x16xf32, #tpu.memory_space<vmem_shared>> -> memref<128x16xf32, #tpu.memory_space<vmem_shared>>
      %dma_wait3A_353 = arith.constant 0 : i32
      %dma_wait3A_354 = arith.constant 0 : i32
      %dma_wait3A_355 = tpu.memref_slice %arg8[%run_scoped3A_143, %dma_wait3A_353, %dma_wait3A_354] : memref<6x128x16xf32, #tpu.memory_space<vmem>> -> memref<1x128x16xf32, #tpu.memory_space<vmem>>
      %dma_wait3A_356 = tpu.memref_squeeze %dma_wait3A_355 : memref<1x128x16xf32, #tpu.memory_space<vmem>> -> memref<128x16xf32, #tpu.memory_space<vmem>>
      tpu.wait_dma2 semaphore(%run_scoped3A_332 : memref<!tpu.dma_semaphore, #tpu.memory_space<semaphore_mem>>) src(%dma_wait3A_356 : memref<128x16xf32, #tpu.memory_space<vmem>>) dst(%dma_wait3A_352 : memref<128x16xf32, #tpu.memory_space<vmem_shared>>)
      tpu.yield
    }) : () -> ()
    %add3A_144 = arith.constant 3712 : i32
    %add3A_145 = arith.addi %mul3A_2, %add3A_144 : i32
    %run_scoped3A_146 = arith.constant 0 : i32
    "tpu.region"() ({
      %run_scoped3A_332 = tpu.sem_alloc : memref<!tpu.dma_semaphore, #tpu.memory_space<semaphore_mem>>
      %dma_start3A_333 = arith.constant 0 : i32
      %dma_start3A_334 = arith.constant 0 : i32
      %dma_start3A_335 = tpu.memref_slice %arg8[%run_scoped3A_146, %dma_start3A_333, %dma_start3A_334] : memref<6x128x16xf32, #tpu.memory_space<vmem>> -> memref<1x128x16xf32, #tpu.memory_space<vmem>>
      %dma_start3A_336 = tpu.memref_squeeze %dma_start3A_335 : memref<1x128x16xf32, #tpu.memory_space<vmem>> -> memref<128x16xf32, #tpu.memory_space<vmem>>
      %dma_start3A_337 = arith.constant 0 : i32
      %dma_start3A_338 = tpu.memref_slice %arg9[%add3A_145, %dma_start3A_337] : memref<100096x16xf32, #tpu.memory_space<vmem_shared>> -> memref<128x16xf32, #tpu.memory_space<vmem_shared>>
      %dma_start3A_339 = arith.constant 0 : i32
      %dma_start3A_340 = tpu.memref_slice %arg9[%add3A_145, %dma_start3A_339] : memref<100096x16xf32, #tpu.memory_space<vmem_shared>> -> memref<128x16xf32, #tpu.memory_space<vmem_shared>>
      %dma_start3A_341 = arith.constant 0 : i32
      %dma_start3A_342 = arith.constant 0 : i32
      %dma_start3A_343 = tpu.memref_slice %arg8[%run_scoped3A_146, %dma_start3A_341, %dma_start3A_342] : memref<6x128x16xf32, #tpu.memory_space<vmem>> -> memref<1x128x16xf32, #tpu.memory_space<vmem>>
      %dma_start3A_344 = tpu.memref_squeeze %dma_start3A_343 : memref<1x128x16xf32, #tpu.memory_space<vmem>> -> memref<128x16xf32, #tpu.memory_space<vmem>>
      tpu.enqueue_dma source(%dma_start3A_344 : memref<128x16xf32, #tpu.memory_space<vmem>>) target(%dma_start3A_340 : memref<128x16xf32, #tpu.memory_space<vmem_shared>>) target_semaphore(%run_scoped3A_332 : memref<!tpu.dma_semaphore, #tpu.memory_space<semaphore_mem>>)
      %dma_wait3A_345 = arith.constant 0 : i32
      %dma_wait3A_346 = arith.constant 0 : i32
      %dma_wait3A_347 = tpu.memref_slice %arg8[%run_scoped3A_146, %dma_wait3A_345, %dma_wait3A_346] : memref<6x128x16xf32, #tpu.memory_space<vmem>> -> memref<1x128x16xf32, #tpu.memory_space<vmem>>
      %dma_wait3A_348 = tpu.memref_squeeze %dma_wait3A_347 : memref<1x128x16xf32, #tpu.memory_space<vmem>> -> memref<128x16xf32, #tpu.memory_space<vmem>>
      %dma_wait3A_349 = arith.constant 0 : i32
      %dma_wait3A_350 = tpu.memref_slice %arg9[%add3A_145, %dma_wait3A_349] : memref<100096x16xf32, #tpu.memory_space<vmem_shared>> -> memref<128x16xf32, #tpu.memory_space<vmem_shared>>
      %dma_wait3A_351 = arith.constant 0 : i32
      %dma_wait3A_352 = tpu.memref_slice %arg9[%add3A_145, %dma_wait3A_351] : memref<100096x16xf32, #tpu.memory_space<vmem_shared>> -> memref<128x16xf32, #tpu.memory_space<vmem_shared>>
      %dma_wait3A_353 = arith.constant 0 : i32
      %dma_wait3A_354 = arith.constant 0 : i32
      %dma_wait3A_355 = tpu.memref_slice %arg8[%run_scoped3A_146, %dma_wait3A_353, %dma_wait3A_354] : memref<6x128x16xf32, #tpu.memory_space<vmem>> -> memref<1x128x16xf32, #tpu.memory_space<vmem>>
      %dma_wait3A_356 = tpu.memref_squeeze %dma_wait3A_355 : memref<1x128x16xf32, #tpu.memory_space<vmem>> -> memref<128x16xf32, #tpu.memory_space<vmem>>
      tpu.wait_dma2 semaphore(%run_scoped3A_332 : memref<!tpu.dma_semaphore, #tpu.memory_space<semaphore_mem>>) src(%dma_wait3A_356 : memref<128x16xf32, #tpu.memory_space<vmem>>) dst(%dma_wait3A_352 : memref<128x16xf32, #tpu.memory_space<vmem_shared>>)
      tpu.yield
    }) : () -> ()
    %add3A_147 = arith.constant 3840 : i32
    %add3A_148 = arith.addi %mul3A_2, %add3A_147 : i32
    %run_scoped3A_149 = arith.constant 0 : i32
    "tpu.region"() ({
      %run_scoped3A_332 = tpu.sem_alloc : memref<!tpu.dma_semaphore, #tpu.memory_space<semaphore_mem>>
      %dma_start3A_333 = arith.constant 0 : i32
      %dma_start3A_334 = arith.constant 0 : i32
      %dma_start3A_335 = tpu.memref_slice %arg8[%run_scoped3A_149, %dma_start3A_333, %dma_start3A_334] : memref<6x128x16xf32, #tpu.memory_space<vmem>> -> memref<1x128x16xf32, #tpu.memory_space<vmem>>
      %dma_start3A_336 = tpu.memref_squeeze %dma_start3A_335 : memref<1x128x16xf32, #tpu.memory_space<vmem>> -> memref<128x16xf32, #tpu.memory_space<vmem>>
      %dma_start3A_337 = arith.constant 0 : i32
      %dma_start3A_338 = tpu.memref_slice %arg9[%add3A_148, %dma_start3A_337] : memref<100096x16xf32, #tpu.memory_space<vmem_shared>> -> memref<128x16xf32, #tpu.memory_space<vmem_shared>>
      %dma_start3A_339 = arith.constant 0 : i32
      %dma_start3A_340 = tpu.memref_slice %arg9[%add3A_148, %dma_start3A_339] : memref<100096x16xf32, #tpu.memory_space<vmem_shared>> -> memref<128x16xf32, #tpu.memory_space<vmem_shared>>
      %dma_start3A_341 = arith.constant 0 : i32
      %dma_start3A_342 = arith.constant 0 : i32
      %dma_start3A_343 = tpu.memref_slice %arg8[%run_scoped3A_149, %dma_start3A_341, %dma_start3A_342] : memref<6x128x16xf32, #tpu.memory_space<vmem>> -> memref<1x128x16xf32, #tpu.memory_space<vmem>>
      %dma_start3A_344 = tpu.memref_squeeze %dma_start3A_343 : memref<1x128x16xf32, #tpu.memory_space<vmem>> -> memref<128x16xf32, #tpu.memory_space<vmem>>
      tpu.enqueue_dma source(%dma_start3A_344 : memref<128x16xf32, #tpu.memory_space<vmem>>) target(%dma_start3A_340 : memref<128x16xf32, #tpu.memory_space<vmem_shared>>) target_semaphore(%run_scoped3A_332 : memref<!tpu.dma_semaphore, #tpu.memory_space<semaphore_mem>>)
      %dma_wait3A_345 = arith.constant 0 : i32
      %dma_wait3A_346 = arith.constant 0 : i32
      %dma_wait3A_347 = tpu.memref_slice %arg8[%run_scoped3A_149, %dma_wait3A_345, %dma_wait3A_346] : memref<6x128x16xf32, #tpu.memory_space<vmem>> -> memref<1x128x16xf32, #tpu.memory_space<vmem>>
      %dma_wait3A_348 = tpu.memref_squeeze %dma_wait3A_347 : memref<1x128x16xf32, #tpu.memory_space<vmem>> -> memref<128x16xf32, #tpu.memory_space<vmem>>
      %dma_wait3A_349 = arith.constant 0 : i32
      %dma_wait3A_350 = tpu.memref_slice %arg9[%add3A_148, %dma_wait3A_349] : memref<100096x16xf32, #tpu.memory_space<vmem_shared>> -> memref<128x16xf32, #tpu.memory_space<vmem_shared>>
      %dma_wait3A_351 = arith.constant 0 : i32
      %dma_wait3A_352 = tpu.memref_slice %arg9[%add3A_148, %dma_wait3A_351] : memref<100096x16xf32, #tpu.memory_space<vmem_shared>> -> memref<128x16xf32, #tpu.memory_space<vmem_shared>>
      %dma_wait3A_353 = arith.constant 0 : i32
      %dma_wait3A_354 = arith.constant 0 : i32
      %dma_wait3A_355 = tpu.memref_slice %arg8[%run_scoped3A_149, %dma_wait3A_353, %dma_wait3A_354] : memref<6x128x16xf32, #tpu.memory_space<vmem>> -> memref<1x128x16xf32, #tpu.memory_space<vmem>>
      %dma_wait3A_356 = tpu.memref_squeeze %dma_wait3A_355 : memref<1x128x16xf32, #tpu.memory_space<vmem>> -> memref<128x16xf32, #tpu.memory_space<vmem>>
      tpu.wait_dma2 semaphore(%run_scoped3A_332 : memref<!tpu.dma_semaphore, #tpu.memory_space<semaphore_mem>>) src(%dma_wait3A_356 : memref<128x16xf32, #tpu.memory_space<vmem>>) dst(%dma_wait3A_352 : memref<128x16xf32, #tpu.memory_space<vmem_shared>>)
      tpu.yield
    }) : () -> ()
    %add3A_150 = arith.constant 3968 : i32
    %add3A_151 = arith.addi %mul3A_2, %add3A_150 : i32
    %run_scoped3A_152 = arith.constant 0 : i32
    "tpu.region"() ({
      %run_scoped3A_332 = tpu.sem_alloc : memref<!tpu.dma_semaphore, #tpu.memory_space<semaphore_mem>>
      %dma_start3A_333 = arith.constant 0 : i32
      %dma_start3A_334 = arith.constant 0 : i32
      %dma_start3A_335 = tpu.memref_slice %arg8[%run_scoped3A_152, %dma_start3A_333, %dma_start3A_334] : memref<6x128x16xf32, #tpu.memory_space<vmem>> -> memref<1x128x16xf32, #tpu.memory_space<vmem>>
      %dma_start3A_336 = tpu.memref_squeeze %dma_start3A_335 : memref<1x128x16xf32, #tpu.memory_space<vmem>> -> memref<128x16xf32, #tpu.memory_space<vmem>>
      %dma_start3A_337 = arith.constant 0 : i32
      %dma_start3A_338 = tpu.memref_slice %arg9[%add3A_151, %dma_start3A_337] : memref<100096x16xf32, #tpu.memory_space<vmem_shared>> -> memref<128x16xf32, #tpu.memory_space<vmem_shared>>
      %dma_start3A_339 = arith.constant 0 : i32
      %dma_start3A_340 = tpu.memref_slice %arg9[%add3A_151, %dma_start3A_339] : memref<100096x16xf32, #tpu.memory_space<vmem_shared>> -> memref<128x16xf32, #tpu.memory_space<vmem_shared>>
      %dma_start3A_341 = arith.constant 0 : i32
      %dma_start3A_342 = arith.constant 0 : i32
      %dma_start3A_343 = tpu.memref_slice %arg8[%run_scoped3A_152, %dma_start3A_341, %dma_start3A_342] : memref<6x128x16xf32, #tpu.memory_space<vmem>> -> memref<1x128x16xf32, #tpu.memory_space<vmem>>
      %dma_start3A_344 = tpu.memref_squeeze %dma_start3A_343 : memref<1x128x16xf32, #tpu.memory_space<vmem>> -> memref<128x16xf32, #tpu.memory_space<vmem>>
      tpu.enqueue_dma source(%dma_start3A_344 : memref<128x16xf32, #tpu.memory_space<vmem>>) target(%dma_start3A_340 : memref<128x16xf32, #tpu.memory_space<vmem_shared>>) target_semaphore(%run_scoped3A_332 : memref<!tpu.dma_semaphore, #tpu.memory_space<semaphore_mem>>)
      %dma_wait3A_345 = arith.constant 0 : i32
      %dma_wait3A_346 = arith.constant 0 : i32
      %dma_wait3A_347 = tpu.memref_slice %arg8[%run_scoped3A_152, %dma_wait3A_345, %dma_wait3A_346] : memref<6x128x16xf32, #tpu.memory_space<vmem>> -> memref<1x128x16xf32, #tpu.memory_space<vmem>>
      %dma_wait3A_348 = tpu.memref_squeeze %dma_wait3A_347 : memref<1x128x16xf32, #tpu.memory_space<vmem>> -> memref<128x16xf32, #tpu.memory_space<vmem>>
      %dma_wait3A_349 = arith.constant 0 : i32
      %dma_wait3A_350 = tpu.memref_slice %arg9[%add3A_151, %dma_wait3A_349] : memref<100096x16xf32, #tpu.memory_space<vmem_shared>> -> memref<128x16xf32, #tpu.memory_space<vmem_shared>>
      %dma_wait3A_351 = arith.constant 0 : i32
      %dma_wait3A_352 = tpu.memref_slice %arg9[%add3A_151, %dma_wait3A_351] : memref<100096x16xf32, #tpu.memory_space<vmem_shared>> -> memref<128x16xf32, #tpu.memory_space<vmem_shared>>
      %dma_wait3A_353 = arith.constant 0 : i32
      %dma_wait3A_354 = arith.constant 0 : i32
      %dma_wait3A_355 = tpu.memref_slice %arg8[%run_scoped3A_152, %dma_wait3A_353, %dma_wait3A_354] : memref<6x128x16xf32, #tpu.memory_space<vmem>> -> memref<1x128x16xf32, #tpu.memory_space<vmem>>
      %dma_wait3A_356 = tpu.memref_squeeze %dma_wait3A_355 : memref<1x128x16xf32, #tpu.memory_space<vmem>> -> memref<128x16xf32, #tpu.memory_space<vmem>>
      tpu.wait_dma2 semaphore(%run_scoped3A_332 : memref<!tpu.dma_semaphore, #tpu.memory_space<semaphore_mem>>) src(%dma_wait3A_356 : memref<128x16xf32, #tpu.memory_space<vmem>>) dst(%dma_wait3A_352 : memref<128x16xf32, #tpu.memory_space<vmem_shared>>)
      tpu.yield
    }) : () -> ()
    %add3A_153 = arith.constant 4096 : i32
    %add3A_154 = arith.addi %mul3A_2, %add3A_153 : i32
    %run_scoped3A_155 = arith.constant 0 : i32
    "tpu.region"() ({
      %run_scoped3A_332 = tpu.sem_alloc : memref<!tpu.dma_semaphore, #tpu.memory_space<semaphore_mem>>
      %dma_start3A_333 = arith.constant 0 : i32
      %dma_start3A_334 = arith.constant 0 : i32
      %dma_start3A_335 = tpu.memref_slice %arg8[%run_scoped3A_155, %dma_start3A_333, %dma_start3A_334] : memref<6x128x16xf32, #tpu.memory_space<vmem>> -> memref<1x128x16xf32, #tpu.memory_space<vmem>>
      %dma_start3A_336 = tpu.memref_squeeze %dma_start3A_335 : memref<1x128x16xf32, #tpu.memory_space<vmem>> -> memref<128x16xf32, #tpu.memory_space<vmem>>
      %dma_start3A_337 = arith.constant 0 : i32
      %dma_start3A_338 = tpu.memref_slice %arg9[%add3A_154, %dma_start3A_337] : memref<100096x16xf32, #tpu.memory_space<vmem_shared>> -> memref<128x16xf32, #tpu.memory_space<vmem_shared>>
      %dma_start3A_339 = arith.constant 0 : i32
      %dma_start3A_340 = tpu.memref_slice %arg9[%add3A_154, %dma_start3A_339] : memref<100096x16xf32, #tpu.memory_space<vmem_shared>> -> memref<128x16xf32, #tpu.memory_space<vmem_shared>>
      %dma_start3A_341 = arith.constant 0 : i32
      %dma_start3A_342 = arith.constant 0 : i32
      %dma_start3A_343 = tpu.memref_slice %arg8[%run_scoped3A_155, %dma_start3A_341, %dma_start3A_342] : memref<6x128x16xf32, #tpu.memory_space<vmem>> -> memref<1x128x16xf32, #tpu.memory_space<vmem>>
      %dma_start3A_344 = tpu.memref_squeeze %dma_start3A_343 : memref<1x128x16xf32, #tpu.memory_space<vmem>> -> memref<128x16xf32, #tpu.memory_space<vmem>>
      tpu.enqueue_dma source(%dma_start3A_344 : memref<128x16xf32, #tpu.memory_space<vmem>>) target(%dma_start3A_340 : memref<128x16xf32, #tpu.memory_space<vmem_shared>>) target_semaphore(%run_scoped3A_332 : memref<!tpu.dma_semaphore, #tpu.memory_space<semaphore_mem>>)
      %dma_wait3A_345 = arith.constant 0 : i32
      %dma_wait3A_346 = arith.constant 0 : i32
      %dma_wait3A_347 = tpu.memref_slice %arg8[%run_scoped3A_155, %dma_wait3A_345, %dma_wait3A_346] : memref<6x128x16xf32, #tpu.memory_space<vmem>> -> memref<1x128x16xf32, #tpu.memory_space<vmem>>
      %dma_wait3A_348 = tpu.memref_squeeze %dma_wait3A_347 : memref<1x128x16xf32, #tpu.memory_space<vmem>> -> memref<128x16xf32, #tpu.memory_space<vmem>>
      %dma_wait3A_349 = arith.constant 0 : i32
      %dma_wait3A_350 = tpu.memref_slice %arg9[%add3A_154, %dma_wait3A_349] : memref<100096x16xf32, #tpu.memory_space<vmem_shared>> -> memref<128x16xf32, #tpu.memory_space<vmem_shared>>
      %dma_wait3A_351 = arith.constant 0 : i32
      %dma_wait3A_352 = tpu.memref_slice %arg9[%add3A_154, %dma_wait3A_351] : memref<100096x16xf32, #tpu.memory_space<vmem_shared>> -> memref<128x16xf32, #tpu.memory_space<vmem_shared>>
      %dma_wait3A_353 = arith.constant 0 : i32
      %dma_wait3A_354 = arith.constant 0 : i32
      %dma_wait3A_355 = tpu.memref_slice %arg8[%run_scoped3A_155, %dma_wait3A_353, %dma_wait3A_354] : memref<6x128x16xf32, #tpu.memory_space<vmem>> -> memref<1x128x16xf32, #tpu.memory_space<vmem>>
      %dma_wait3A_356 = tpu.memref_squeeze %dma_wait3A_355 : memref<1x128x16xf32, #tpu.memory_space<vmem>> -> memref<128x16xf32, #tpu.memory_space<vmem>>
      tpu.wait_dma2 semaphore(%run_scoped3A_332 : memref<!tpu.dma_semaphore, #tpu.memory_space<semaphore_mem>>) src(%dma_wait3A_356 : memref<128x16xf32, #tpu.memory_space<vmem>>) dst(%dma_wait3A_352 : memref<128x16xf32, #tpu.memory_space<vmem_shared>>)
      tpu.yield
    }) : () -> ()
    %add3A_156 = arith.constant 4224 : i32
    %add3A_157 = arith.addi %mul3A_2, %add3A_156 : i32
    %run_scoped3A_158 = arith.constant 0 : i32
    "tpu.region"() ({
      %run_scoped3A_332 = tpu.sem_alloc : memref<!tpu.dma_semaphore, #tpu.memory_space<semaphore_mem>>
      %dma_start3A_333 = arith.constant 0 : i32
      %dma_start3A_334 = arith.constant 0 : i32
      %dma_start3A_335 = tpu.memref_slice %arg8[%run_scoped3A_158, %dma_start3A_333, %dma_start3A_334] : memref<6x128x16xf32, #tpu.memory_space<vmem>> -> memref<1x128x16xf32, #tpu.memory_space<vmem>>
      %dma_start3A_336 = tpu.memref_squeeze %dma_start3A_335 : memref<1x128x16xf32, #tpu.memory_space<vmem>> -> memref<128x16xf32, #tpu.memory_space<vmem>>
      %dma_start3A_337 = arith.constant 0 : i32
      %dma_start3A_338 = tpu.memref_slice %arg9[%add3A_157, %dma_start3A_337] : memref<100096x16xf32, #tpu.memory_space<vmem_shared>> -> memref<128x16xf32, #tpu.memory_space<vmem_shared>>
      %dma_start3A_339 = arith.constant 0 : i32
      %dma_start3A_340 = tpu.memref_slice %arg9[%add3A_157, %dma_start3A_339] : memref<100096x16xf32, #tpu.memory_space<vmem_shared>> -> memref<128x16xf32, #tpu.memory_space<vmem_shared>>
      %dma_start3A_341 = arith.constant 0 : i32
      %dma_start3A_342 = arith.constant 0 : i32
      %dma_start3A_343 = tpu.memref_slice %arg8[%run_scoped3A_158, %dma_start3A_341, %dma_start3A_342] : memref<6x128x16xf32, #tpu.memory_space<vmem>> -> memref<1x128x16xf32, #tpu.memory_space<vmem>>
      %dma_start3A_344 = tpu.memref_squeeze %dma_start3A_343 : memref<1x128x16xf32, #tpu.memory_space<vmem>> -> memref<128x16xf32, #tpu.memory_space<vmem>>
      tpu.enqueue_dma source(%dma_start3A_344 : memref<128x16xf32, #tpu.memory_space<vmem>>) target(%dma_start3A_340 : memref<128x16xf32, #tpu.memory_space<vmem_shared>>) target_semaphore(%run_scoped3A_332 : memref<!tpu.dma_semaphore, #tpu.memory_space<semaphore_mem>>)
      %dma_wait3A_345 = arith.constant 0 : i32
      %dma_wait3A_346 = arith.constant 0 : i32
      %dma_wait3A_347 = tpu.memref_slice %arg8[%run_scoped3A_158, %dma_wait3A_345, %dma_wait3A_346] : memref<6x128x16xf32, #tpu.memory_space<vmem>> -> memref<1x128x16xf32, #tpu.memory_space<vmem>>
      %dma_wait3A_348 = tpu.memref_squeeze %dma_wait3A_347 : memref<1x128x16xf32, #tpu.memory_space<vmem>> -> memref<128x16xf32, #tpu.memory_space<vmem>>
      %dma_wait3A_349 = arith.constant 0 : i32
      %dma_wait3A_350 = tpu.memref_slice %arg9[%add3A_157, %dma_wait3A_349] : memref<100096x16xf32, #tpu.memory_space<vmem_shared>> -> memref<128x16xf32, #tpu.memory_space<vmem_shared>>
      %dma_wait3A_351 = arith.constant 0 : i32
      %dma_wait3A_352 = tpu.memref_slice %arg9[%add3A_157, %dma_wait3A_351] : memref<100096x16xf32, #tpu.memory_space<vmem_shared>> -> memref<128x16xf32, #tpu.memory_space<vmem_shared>>
      %dma_wait3A_353 = arith.constant 0 : i32
      %dma_wait3A_354 = arith.constant 0 : i32
      %dma_wait3A_355 = tpu.memref_slice %arg8[%run_scoped3A_158, %dma_wait3A_353, %dma_wait3A_354] : memref<6x128x16xf32, #tpu.memory_space<vmem>> -> memref<1x128x16xf32, #tpu.memory_space<vmem>>
      %dma_wait3A_356 = tpu.memref_squeeze %dma_wait3A_355 : memref<1x128x16xf32, #tpu.memory_space<vmem>> -> memref<128x16xf32, #tpu.memory_space<vmem>>
      tpu.wait_dma2 semaphore(%run_scoped3A_332 : memref<!tpu.dma_semaphore, #tpu.memory_space<semaphore_mem>>) src(%dma_wait3A_356 : memref<128x16xf32, #tpu.memory_space<vmem>>) dst(%dma_wait3A_352 : memref<128x16xf32, #tpu.memory_space<vmem_shared>>)
      tpu.yield
    }) : () -> ()
    %add3A_159 = arith.constant 4352 : i32
    %add3A_160 = arith.addi %mul3A_2, %add3A_159 : i32
    %run_scoped3A_161 = arith.constant 0 : i32
    "tpu.region"() ({
      %run_scoped3A_332 = tpu.sem_alloc : memref<!tpu.dma_semaphore, #tpu.memory_space<semaphore_mem>>
      %dma_start3A_333 = arith.constant 0 : i32
      %dma_start3A_334 = arith.constant 0 : i32
      %dma_start3A_335 = tpu.memref_slice %arg8[%run_scoped3A_161, %dma_start3A_333, %dma_start3A_334] : memref<6x128x16xf32, #tpu.memory_space<vmem>> -> memref<1x128x16xf32, #tpu.memory_space<vmem>>
      %dma_start3A_336 = tpu.memref_squeeze %dma_start3A_335 : memref<1x128x16xf32, #tpu.memory_space<vmem>> -> memref<128x16xf32, #tpu.memory_space<vmem>>
      %dma_start3A_337 = arith.constant 0 : i32
      %dma_start3A_338 = tpu.memref_slice %arg9[%add3A_160, %dma_start3A_337] : memref<100096x16xf32, #tpu.memory_space<vmem_shared>> -> memref<128x16xf32, #tpu.memory_space<vmem_shared>>
      %dma_start3A_339 = arith.constant 0 : i32
      %dma_start3A_340 = tpu.memref_slice %arg9[%add3A_160, %dma_start3A_339] : memref<100096x16xf32, #tpu.memory_space<vmem_shared>> -> memref<128x16xf32, #tpu.memory_space<vmem_shared>>
      %dma_start3A_341 = arith.constant 0 : i32
      %dma_start3A_342 = arith.constant 0 : i32
      %dma_start3A_343 = tpu.memref_slice %arg8[%run_scoped3A_161, %dma_start3A_341, %dma_start3A_342] : memref<6x128x16xf32, #tpu.memory_space<vmem>> -> memref<1x128x16xf32, #tpu.memory_space<vmem>>
      %dma_start3A_344 = tpu.memref_squeeze %dma_start3A_343 : memref<1x128x16xf32, #tpu.memory_space<vmem>> -> memref<128x16xf32, #tpu.memory_space<vmem>>
      tpu.enqueue_dma source(%dma_start3A_344 : memref<128x16xf32, #tpu.memory_space<vmem>>) target(%dma_start3A_340 : memref<128x16xf32, #tpu.memory_space<vmem_shared>>) target_semaphore(%run_scoped3A_332 : memref<!tpu.dma_semaphore, #tpu.memory_space<semaphore_mem>>)
      %dma_wait3A_345 = arith.constant 0 : i32
      %dma_wait3A_346 = arith.constant 0 : i32
      %dma_wait3A_347 = tpu.memref_slice %arg8[%run_scoped3A_161, %dma_wait3A_345, %dma_wait3A_346] : memref<6x128x16xf32, #tpu.memory_space<vmem>> -> memref<1x128x16xf32, #tpu.memory_space<vmem>>
      %dma_wait3A_348 = tpu.memref_squeeze %dma_wait3A_347 : memref<1x128x16xf32, #tpu.memory_space<vmem>> -> memref<128x16xf32, #tpu.memory_space<vmem>>
      %dma_wait3A_349 = arith.constant 0 : i32
      %dma_wait3A_350 = tpu.memref_slice %arg9[%add3A_160, %dma_wait3A_349] : memref<100096x16xf32, #tpu.memory_space<vmem_shared>> -> memref<128x16xf32, #tpu.memory_space<vmem_shared>>
      %dma_wait3A_351 = arith.constant 0 : i32
      %dma_wait3A_352 = tpu.memref_slice %arg9[%add3A_160, %dma_wait3A_351] : memref<100096x16xf32, #tpu.memory_space<vmem_shared>> -> memref<128x16xf32, #tpu.memory_space<vmem_shared>>
      %dma_wait3A_353 = arith.constant 0 : i32
      %dma_wait3A_354 = arith.constant 0 : i32
      %dma_wait3A_355 = tpu.memref_slice %arg8[%run_scoped3A_161, %dma_wait3A_353, %dma_wait3A_354] : memref<6x128x16xf32, #tpu.memory_space<vmem>> -> memref<1x128x16xf32, #tpu.memory_space<vmem>>
      %dma_wait3A_356 = tpu.memref_squeeze %dma_wait3A_355 : memref<1x128x16xf32, #tpu.memory_space<vmem>> -> memref<128x16xf32, #tpu.memory_space<vmem>>
      tpu.wait_dma2 semaphore(%run_scoped3A_332 : memref<!tpu.dma_semaphore, #tpu.memory_space<semaphore_mem>>) src(%dma_wait3A_356 : memref<128x16xf32, #tpu.memory_space<vmem>>) dst(%dma_wait3A_352 : memref<128x16xf32, #tpu.memory_space<vmem_shared>>)
      tpu.yield
    }) : () -> ()
    %add3A_162 = arith.constant 4480 : i32
    %add3A_163 = arith.addi %mul3A_2, %add3A_162 : i32
    %run_scoped3A_164 = arith.constant 0 : i32
    "tpu.region"() ({
      %run_scoped3A_332 = tpu.sem_alloc : memref<!tpu.dma_semaphore, #tpu.memory_space<semaphore_mem>>
      %dma_start3A_333 = arith.constant 0 : i32
      %dma_start3A_334 = arith.constant 0 : i32
      %dma_start3A_335 = tpu.memref_slice %arg8[%run_scoped3A_164, %dma_start3A_333, %dma_start3A_334] : memref<6x128x16xf32, #tpu.memory_space<vmem>> -> memref<1x128x16xf32, #tpu.memory_space<vmem>>
      %dma_start3A_336 = tpu.memref_squeeze %dma_start3A_335 : memref<1x128x16xf32, #tpu.memory_space<vmem>> -> memref<128x16xf32, #tpu.memory_space<vmem>>
      %dma_start3A_337 = arith.constant 0 : i32
      %dma_start3A_338 = tpu.memref_slice %arg9[%add3A_163, %dma_start3A_337] : memref<100096x16xf32, #tpu.memory_space<vmem_shared>> -> memref<128x16xf32, #tpu.memory_space<vmem_shared>>
      %dma_start3A_339 = arith.constant 0 : i32
      %dma_start3A_340 = tpu.memref_slice %arg9[%add3A_163, %dma_start3A_339] : memref<100096x16xf32, #tpu.memory_space<vmem_shared>> -> memref<128x16xf32, #tpu.memory_space<vmem_shared>>
      %dma_start3A_341 = arith.constant 0 : i32
      %dma_start3A_342 = arith.constant 0 : i32
      %dma_start3A_343 = tpu.memref_slice %arg8[%run_scoped3A_164, %dma_start3A_341, %dma_start3A_342] : memref<6x128x16xf32, #tpu.memory_space<vmem>> -> memref<1x128x16xf32, #tpu.memory_space<vmem>>
      %dma_start3A_344 = tpu.memref_squeeze %dma_start3A_343 : memref<1x128x16xf32, #tpu.memory_space<vmem>> -> memref<128x16xf32, #tpu.memory_space<vmem>>
      tpu.enqueue_dma source(%dma_start3A_344 : memref<128x16xf32, #tpu.memory_space<vmem>>) target(%dma_start3A_340 : memref<128x16xf32, #tpu.memory_space<vmem_shared>>) target_semaphore(%run_scoped3A_332 : memref<!tpu.dma_semaphore, #tpu.memory_space<semaphore_mem>>)
      %dma_wait3A_345 = arith.constant 0 : i32
      %dma_wait3A_346 = arith.constant 0 : i32
      %dma_wait3A_347 = tpu.memref_slice %arg8[%run_scoped3A_164, %dma_wait3A_345, %dma_wait3A_346] : memref<6x128x16xf32, #tpu.memory_space<vmem>> -> memref<1x128x16xf32, #tpu.memory_space<vmem>>
      %dma_wait3A_348 = tpu.memref_squeeze %dma_wait3A_347 : memref<1x128x16xf32, #tpu.memory_space<vmem>> -> memref<128x16xf32, #tpu.memory_space<vmem>>
      %dma_wait3A_349 = arith.constant 0 : i32
      %dma_wait3A_350 = tpu.memref_slice %arg9[%add3A_163, %dma_wait3A_349] : memref<100096x16xf32, #tpu.memory_space<vmem_shared>> -> memref<128x16xf32, #tpu.memory_space<vmem_shared>>
      %dma_wait3A_351 = arith.constant 0 : i32
      %dma_wait3A_352 = tpu.memref_slice %arg9[%add3A_163, %dma_wait3A_351] : memref<100096x16xf32, #tpu.memory_space<vmem_shared>> -> memref<128x16xf32, #tpu.memory_space<vmem_shared>>
      %dma_wait3A_353 = arith.constant 0 : i32
      %dma_wait3A_354 = arith.constant 0 : i32
      %dma_wait3A_355 = tpu.memref_slice %arg8[%run_scoped3A_164, %dma_wait3A_353, %dma_wait3A_354] : memref<6x128x16xf32, #tpu.memory_space<vmem>> -> memref<1x128x16xf32, #tpu.memory_space<vmem>>
      %dma_wait3A_356 = tpu.memref_squeeze %dma_wait3A_355 : memref<1x128x16xf32, #tpu.memory_space<vmem>> -> memref<128x16xf32, #tpu.memory_space<vmem>>
      tpu.wait_dma2 semaphore(%run_scoped3A_332 : memref<!tpu.dma_semaphore, #tpu.memory_space<semaphore_mem>>) src(%dma_wait3A_356 : memref<128x16xf32, #tpu.memory_space<vmem>>) dst(%dma_wait3A_352 : memref<128x16xf32, #tpu.memory_space<vmem_shared>>)
      tpu.yield
    }) : () -> ()
    %add3A_165 = arith.constant 4608 : i32
    %add3A_166 = arith.addi %mul3A_2, %add3A_165 : i32
    %run_scoped3A_167 = arith.constant 0 : i32
    "tpu.region"() ({
      %run_scoped3A_332 = tpu.sem_alloc : memref<!tpu.dma_semaphore, #tpu.memory_space<semaphore_mem>>
      %dma_start3A_333 = arith.constant 0 : i32
      %dma_start3A_334 = arith.constant 0 : i32
      %dma_start3A_335 = tpu.memref_slice %arg8[%run_scoped3A_167, %dma_start3A_333, %dma_start3A_334] : memref<6x128x16xf32, #tpu.memory_space<vmem>> -> memref<1x128x16xf32, #tpu.memory_space<vmem>>
      %dma_start3A_336 = tpu.memref_squeeze %dma_start3A_335 : memref<1x128x16xf32, #tpu.memory_space<vmem>> -> memref<128x16xf32, #tpu.memory_space<vmem>>
      %dma_start3A_337 = arith.constant 0 : i32
      %dma_start3A_338 = tpu.memref_slice %arg9[%add3A_166, %dma_start3A_337] : memref<100096x16xf32, #tpu.memory_space<vmem_shared>> -> memref<128x16xf32, #tpu.memory_space<vmem_shared>>
      %dma_start3A_339 = arith.constant 0 : i32
      %dma_start3A_340 = tpu.memref_slice %arg9[%add3A_166, %dma_start3A_339] : memref<100096x16xf32, #tpu.memory_space<vmem_shared>> -> memref<128x16xf32, #tpu.memory_space<vmem_shared>>
      %dma_start3A_341 = arith.constant 0 : i32
      %dma_start3A_342 = arith.constant 0 : i32
      %dma_start3A_343 = tpu.memref_slice %arg8[%run_scoped3A_167, %dma_start3A_341, %dma_start3A_342] : memref<6x128x16xf32, #tpu.memory_space<vmem>> -> memref<1x128x16xf32, #tpu.memory_space<vmem>>
      %dma_start3A_344 = tpu.memref_squeeze %dma_start3A_343 : memref<1x128x16xf32, #tpu.memory_space<vmem>> -> memref<128x16xf32, #tpu.memory_space<vmem>>
      tpu.enqueue_dma source(%dma_start3A_344 : memref<128x16xf32, #tpu.memory_space<vmem>>) target(%dma_start3A_340 : memref<128x16xf32, #tpu.memory_space<vmem_shared>>) target_semaphore(%run_scoped3A_332 : memref<!tpu.dma_semaphore, #tpu.memory_space<semaphore_mem>>)
      %dma_wait3A_345 = arith.constant 0 : i32
      %dma_wait3A_346 = arith.constant 0 : i32
      %dma_wait3A_347 = tpu.memref_slice %arg8[%run_scoped3A_167, %dma_wait3A_345, %dma_wait3A_346] : memref<6x128x16xf32, #tpu.memory_space<vmem>> -> memref<1x128x16xf32, #tpu.memory_space<vmem>>
      %dma_wait3A_348 = tpu.memref_squeeze %dma_wait3A_347 : memref<1x128x16xf32, #tpu.memory_space<vmem>> -> memref<128x16xf32, #tpu.memory_space<vmem>>
      %dma_wait3A_349 = arith.constant 0 : i32
      %dma_wait3A_350 = tpu.memref_slice %arg9[%add3A_166, %dma_wait3A_349] : memref<100096x16xf32, #tpu.memory_space<vmem_shared>> -> memref<128x16xf32, #tpu.memory_space<vmem_shared>>
      %dma_wait3A_351 = arith.constant 0 : i32
      %dma_wait3A_352 = tpu.memref_slice %arg9[%add3A_166, %dma_wait3A_351] : memref<100096x16xf32, #tpu.memory_space<vmem_shared>> -> memref<128x16xf32, #tpu.memory_space<vmem_shared>>
      %dma_wait3A_353 = arith.constant 0 : i32
      %dma_wait3A_354 = arith.constant 0 : i32
      %dma_wait3A_355 = tpu.memref_slice %arg8[%run_scoped3A_167, %dma_wait3A_353, %dma_wait3A_354] : memref<6x128x16xf32, #tpu.memory_space<vmem>> -> memref<1x128x16xf32, #tpu.memory_space<vmem>>
      %dma_wait3A_356 = tpu.memref_squeeze %dma_wait3A_355 : memref<1x128x16xf32, #tpu.memory_space<vmem>> -> memref<128x16xf32, #tpu.memory_space<vmem>>
      tpu.wait_dma2 semaphore(%run_scoped3A_332 : memref<!tpu.dma_semaphore, #tpu.memory_space<semaphore_mem>>) src(%dma_wait3A_356 : memref<128x16xf32, #tpu.memory_space<vmem>>) dst(%dma_wait3A_352 : memref<128x16xf32, #tpu.memory_space<vmem_shared>>)
      tpu.yield
    }) : () -> ()
    %add3A_168 = arith.constant 4736 : i32
    %add3A_169 = arith.addi %mul3A_2, %add3A_168 : i32
    %run_scoped3A_170 = arith.constant 0 : i32
    "tpu.region"() ({
      %run_scoped3A_332 = tpu.sem_alloc : memref<!tpu.dma_semaphore, #tpu.memory_space<semaphore_mem>>
      %dma_start3A_333 = arith.constant 0 : i32
      %dma_start3A_334 = arith.constant 0 : i32
      %dma_start3A_335 = tpu.memref_slice %arg8[%run_scoped3A_170, %dma_start3A_333, %dma_start3A_334] : memref<6x128x16xf32, #tpu.memory_space<vmem>> -> memref<1x128x16xf32, #tpu.memory_space<vmem>>
      %dma_start3A_336 = tpu.memref_squeeze %dma_start3A_335 : memref<1x128x16xf32, #tpu.memory_space<vmem>> -> memref<128x16xf32, #tpu.memory_space<vmem>>
      %dma_start3A_337 = arith.constant 0 : i32
      %dma_start3A_338 = tpu.memref_slice %arg9[%add3A_169, %dma_start3A_337] : memref<100096x16xf32, #tpu.memory_space<vmem_shared>> -> memref<128x16xf32, #tpu.memory_space<vmem_shared>>
      %dma_start3A_339 = arith.constant 0 : i32
      %dma_start3A_340 = tpu.memref_slice %arg9[%add3A_169, %dma_start3A_339] : memref<100096x16xf32, #tpu.memory_space<vmem_shared>> -> memref<128x16xf32, #tpu.memory_space<vmem_shared>>
      %dma_start3A_341 = arith.constant 0 : i32
      %dma_start3A_342 = arith.constant 0 : i32
      %dma_start3A_343 = tpu.memref_slice %arg8[%run_scoped3A_170, %dma_start3A_341, %dma_start3A_342] : memref<6x128x16xf32, #tpu.memory_space<vmem>> -> memref<1x128x16xf32, #tpu.memory_space<vmem>>
      %dma_start3A_344 = tpu.memref_squeeze %dma_start3A_343 : memref<1x128x16xf32, #tpu.memory_space<vmem>> -> memref<128x16xf32, #tpu.memory_space<vmem>>
      tpu.enqueue_dma source(%dma_start3A_344 : memref<128x16xf32, #tpu.memory_space<vmem>>) target(%dma_start3A_340 : memref<128x16xf32, #tpu.memory_space<vmem_shared>>) target_semaphore(%run_scoped3A_332 : memref<!tpu.dma_semaphore, #tpu.memory_space<semaphore_mem>>)
      %dma_wait3A_345 = arith.constant 0 : i32
      %dma_wait3A_346 = arith.constant 0 : i32
      %dma_wait3A_347 = tpu.memref_slice %arg8[%run_scoped3A_170, %dma_wait3A_345, %dma_wait3A_346] : memref<6x128x16xf32, #tpu.memory_space<vmem>> -> memref<1x128x16xf32, #tpu.memory_space<vmem>>
      %dma_wait3A_348 = tpu.memref_squeeze %dma_wait3A_347 : memref<1x128x16xf32, #tpu.memory_space<vmem>> -> memref<128x16xf32, #tpu.memory_space<vmem>>
      %dma_wait3A_349 = arith.constant 0 : i32
      %dma_wait3A_350 = tpu.memref_slice %arg9[%add3A_169, %dma_wait3A_349] : memref<100096x16xf32, #tpu.memory_space<vmem_shared>> -> memref<128x16xf32, #tpu.memory_space<vmem_shared>>
      %dma_wait3A_351 = arith.constant 0 : i32
      %dma_wait3A_352 = tpu.memref_slice %arg9[%add3A_169, %dma_wait3A_351] : memref<100096x16xf32, #tpu.memory_space<vmem_shared>> -> memref<128x16xf32, #tpu.memory_space<vmem_shared>>
      %dma_wait3A_353 = arith.constant 0 : i32
      %dma_wait3A_354 = arith.constant 0 : i32
      %dma_wait3A_355 = tpu.memref_slice %arg8[%run_scoped3A_170, %dma_wait3A_353, %dma_wait3A_354] : memref<6x128x16xf32, #tpu.memory_space<vmem>> -> memref<1x128x16xf32, #tpu.memory_space<vmem>>
      %dma_wait3A_356 = tpu.memref_squeeze %dma_wait3A_355 : memref<1x128x16xf32, #tpu.memory_space<vmem>> -> memref<128x16xf32, #tpu.memory_space<vmem>>
      tpu.wait_dma2 semaphore(%run_scoped3A_332 : memref<!tpu.dma_semaphore, #tpu.memory_space<semaphore_mem>>) src(%dma_wait3A_356 : memref<128x16xf32, #tpu.memory_space<vmem>>) dst(%dma_wait3A_352 : memref<128x16xf32, #tpu.memory_space<vmem_shared>>)
      tpu.yield
    }) : () -> ()
    %add3A_171 = arith.constant 4864 : i32
    %add3A_172 = arith.addi %mul3A_2, %add3A_171 : i32
    %run_scoped3A_173 = arith.constant 0 : i32
    "tpu.region"() ({
      %run_scoped3A_332 = tpu.sem_alloc : memref<!tpu.dma_semaphore, #tpu.memory_space<semaphore_mem>>
      %dma_start3A_333 = arith.constant 0 : i32
      %dma_start3A_334 = arith.constant 0 : i32
      %dma_start3A_335 = tpu.memref_slice %arg8[%run_scoped3A_173, %dma_start3A_333, %dma_start3A_334] : memref<6x128x16xf32, #tpu.memory_space<vmem>> -> memref<1x128x16xf32, #tpu.memory_space<vmem>>
      %dma_start3A_336 = tpu.memref_squeeze %dma_start3A_335 : memref<1x128x16xf32, #tpu.memory_space<vmem>> -> memref<128x16xf32, #tpu.memory_space<vmem>>
      %dma_start3A_337 = arith.constant 0 : i32
      %dma_start3A_338 = tpu.memref_slice %arg9[%add3A_172, %dma_start3A_337] : memref<100096x16xf32, #tpu.memory_space<vmem_shared>> -> memref<128x16xf32, #tpu.memory_space<vmem_shared>>
      %dma_start3A_339 = arith.constant 0 : i32
      %dma_start3A_340 = tpu.memref_slice %arg9[%add3A_172, %dma_start3A_339] : memref<100096x16xf32, #tpu.memory_space<vmem_shared>> -> memref<128x16xf32, #tpu.memory_space<vmem_shared>>
      %dma_start3A_341 = arith.constant 0 : i32
      %dma_start3A_342 = arith.constant 0 : i32
      %dma_start3A_343 = tpu.memref_slice %arg8[%run_scoped3A_173, %dma_start3A_341, %dma_start3A_342] : memref<6x128x16xf32, #tpu.memory_space<vmem>> -> memref<1x128x16xf32, #tpu.memory_space<vmem>>
      %dma_start3A_344 = tpu.memref_squeeze %dma_start3A_343 : memref<1x128x16xf32, #tpu.memory_space<vmem>> -> memref<128x16xf32, #tpu.memory_space<vmem>>
      tpu.enqueue_dma source(%dma_start3A_344 : memref<128x16xf32, #tpu.memory_space<vmem>>) target(%dma_start3A_340 : memref<128x16xf32, #tpu.memory_space<vmem_shared>>) target_semaphore(%run_scoped3A_332 : memref<!tpu.dma_semaphore, #tpu.memory_space<semaphore_mem>>)
      %dma_wait3A_345 = arith.constant 0 : i32
      %dma_wait3A_346 = arith.constant 0 : i32
      %dma_wait3A_347 = tpu.memref_slice %arg8[%run_scoped3A_173, %dma_wait3A_345, %dma_wait3A_346] : memref<6x128x16xf32, #tpu.memory_space<vmem>> -> memref<1x128x16xf32, #tpu.memory_space<vmem>>
      %dma_wait3A_348 = tpu.memref_squeeze %dma_wait3A_347 : memref<1x128x16xf32, #tpu.memory_space<vmem>> -> memref<128x16xf32, #tpu.memory_space<vmem>>
      %dma_wait3A_349 = arith.constant 0 : i32
      %dma_wait3A_350 = tpu.memref_slice %arg9[%add3A_172, %dma_wait3A_349] : memref<100096x16xf32, #tpu.memory_space<vmem_shared>> -> memref<128x16xf32, #tpu.memory_space<vmem_shared>>
      %dma_wait3A_351 = arith.constant 0 : i32
      %dma_wait3A_352 = tpu.memref_slice %arg9[%add3A_172, %dma_wait3A_351] : memref<100096x16xf32, #tpu.memory_space<vmem_shared>> -> memref<128x16xf32, #tpu.memory_space<vmem_shared>>
      %dma_wait3A_353 = arith.constant 0 : i32
      %dma_wait3A_354 = arith.constant 0 : i32
      %dma_wait3A_355 = tpu.memref_slice %arg8[%run_scoped3A_173, %dma_wait3A_353, %dma_wait3A_354] : memref<6x128x16xf32, #tpu.memory_space<vmem>> -> memref<1x128x16xf32, #tpu.memory_space<vmem>>
      %dma_wait3A_356 = tpu.memref_squeeze %dma_wait3A_355 : memref<1x128x16xf32, #tpu.memory_space<vmem>> -> memref<128x16xf32, #tpu.memory_space<vmem>>
      tpu.wait_dma2 semaphore(%run_scoped3A_332 : memref<!tpu.dma_semaphore, #tpu.memory_space<semaphore_mem>>) src(%dma_wait3A_356 : memref<128x16xf32, #tpu.memory_space<vmem>>) dst(%dma_wait3A_352 : memref<128x16xf32, #tpu.memory_space<vmem_shared>>)
      tpu.yield
    }) : () -> ()
    %add3A_174 = arith.constant 4992 : i32
    %add3A_175 = arith.addi %mul3A_2, %add3A_174 : i32
    %run_scoped3A_176 = arith.constant 0 : i32
    "tpu.region"() ({
      %run_scoped3A_332 = tpu.sem_alloc : memref<!tpu.dma_semaphore, #tpu.memory_space<semaphore_mem>>
      %dma_start3A_333 = arith.constant 0 : i32
      %dma_start3A_334 = arith.constant 0 : i32
      %dma_start3A_335 = tpu.memref_slice %arg8[%run_scoped3A_176, %dma_start3A_333, %dma_start3A_334] : memref<6x128x16xf32, #tpu.memory_space<vmem>> -> memref<1x128x16xf32, #tpu.memory_space<vmem>>
      %dma_start3A_336 = tpu.memref_squeeze %dma_start3A_335 : memref<1x128x16xf32, #tpu.memory_space<vmem>> -> memref<128x16xf32, #tpu.memory_space<vmem>>
      %dma_start3A_337 = arith.constant 0 : i32
      %dma_start3A_338 = tpu.memref_slice %arg9[%add3A_175, %dma_start3A_337] : memref<100096x16xf32, #tpu.memory_space<vmem_shared>> -> memref<128x16xf32, #tpu.memory_space<vmem_shared>>
      %dma_start3A_339 = arith.constant 0 : i32
      %dma_start3A_340 = tpu.memref_slice %arg9[%add3A_175, %dma_start3A_339] : memref<100096x16xf32, #tpu.memory_space<vmem_shared>> -> memref<128x16xf32, #tpu.memory_space<vmem_shared>>
      %dma_start3A_341 = arith.constant 0 : i32
      %dma_start3A_342 = arith.constant 0 : i32
      %dma_start3A_343 = tpu.memref_slice %arg8[%run_scoped3A_176, %dma_start3A_341, %dma_start3A_342] : memref<6x128x16xf32, #tpu.memory_space<vmem>> -> memref<1x128x16xf32, #tpu.memory_space<vmem>>
      %dma_start3A_344 = tpu.memref_squeeze %dma_start3A_343 : memref<1x128x16xf32, #tpu.memory_space<vmem>> -> memref<128x16xf32, #tpu.memory_space<vmem>>
      tpu.enqueue_dma source(%dma_start3A_344 : memref<128x16xf32, #tpu.memory_space<vmem>>) target(%dma_start3A_340 : memref<128x16xf32, #tpu.memory_space<vmem_shared>>) target_semaphore(%run_scoped3A_332 : memref<!tpu.dma_semaphore, #tpu.memory_space<semaphore_mem>>)
      %dma_wait3A_345 = arith.constant 0 : i32
      %dma_wait3A_346 = arith.constant 0 : i32
      %dma_wait3A_347 = tpu.memref_slice %arg8[%run_scoped3A_176, %dma_wait3A_345, %dma_wait3A_346] : memref<6x128x16xf32, #tpu.memory_space<vmem>> -> memref<1x128x16xf32, #tpu.memory_space<vmem>>
      %dma_wait3A_348 = tpu.memref_squeeze %dma_wait3A_347 : memref<1x128x16xf32, #tpu.memory_space<vmem>> -> memref<128x16xf32, #tpu.memory_space<vmem>>
      %dma_wait3A_349 = arith.constant 0 : i32
      %dma_wait3A_350 = tpu.memref_slice %arg9[%add3A_175, %dma_wait3A_349] : memref<100096x16xf32, #tpu.memory_space<vmem_shared>> -> memref<128x16xf32, #tpu.memory_space<vmem_shared>>
      %dma_wait3A_351 = arith.constant 0 : i32
      %dma_wait3A_352 = tpu.memref_slice %arg9[%add3A_175, %dma_wait3A_351] : memref<100096x16xf32, #tpu.memory_space<vmem_shared>> -> memref<128x16xf32, #tpu.memory_space<vmem_shared>>
      %dma_wait3A_353 = arith.constant 0 : i32
      %dma_wait3A_354 = arith.constant 0 : i32
      %dma_wait3A_355 = tpu.memref_slice %arg8[%run_scoped3A_176, %dma_wait3A_353, %dma_wait3A_354] : memref<6x128x16xf32, #tpu.memory_space<vmem>> -> memref<1x128x16xf32, #tpu.memory_space<vmem>>
      %dma_wait3A_356 = tpu.memref_squeeze %dma_wait3A_355 : memref<1x128x16xf32, #tpu.memory_space<vmem>> -> memref<128x16xf32, #tpu.memory_space<vmem>>
      tpu.wait_dma2 semaphore(%run_scoped3A_332 : memref<!tpu.dma_semaphore, #tpu.memory_space<semaphore_mem>>) src(%dma_wait3A_356 : memref<128x16xf32, #tpu.memory_space<vmem>>) dst(%dma_wait3A_352 : memref<128x16xf32, #tpu.memory_space<vmem_shared>>)
      tpu.yield
    }) : () -> ()
    %add3A_177 = arith.constant 5120 : i32
    %add3A_178 = arith.addi %mul3A_2, %add3A_177 : i32
    %run_scoped3A_179 = arith.constant 0 : i32
    "tpu.region"() ({
      %run_scoped3A_332 = tpu.sem_alloc : memref<!tpu.dma_semaphore, #tpu.memory_space<semaphore_mem>>
      %dma_start3A_333 = arith.constant 0 : i32
      %dma_start3A_334 = arith.constant 0 : i32
      %dma_start3A_335 = tpu.memref_slice %arg8[%run_scoped3A_179, %dma_start3A_333, %dma_start3A_334] : memref<6x128x16xf32, #tpu.memory_space<vmem>> -> memref<1x128x16xf32, #tpu.memory_space<vmem>>
      %dma_start3A_336 = tpu.memref_squeeze %dma_start3A_335 : memref<1x128x16xf32, #tpu.memory_space<vmem>> -> memref<128x16xf32, #tpu.memory_space<vmem>>
      %dma_start3A_337 = arith.constant 0 : i32
      %dma_start3A_338 = tpu.memref_slice %arg9[%add3A_178, %dma_start3A_337] : memref<100096x16xf32, #tpu.memory_space<vmem_shared>> -> memref<128x16xf32, #tpu.memory_space<vmem_shared>>
      %dma_start3A_339 = arith.constant 0 : i32
      %dma_start3A_340 = tpu.memref_slice %arg9[%add3A_178, %dma_start3A_339] : memref<100096x16xf32, #tpu.memory_space<vmem_shared>> -> memref<128x16xf32, #tpu.memory_space<vmem_shared>>
      %dma_start3A_341 = arith.constant 0 : i32
      %dma_start3A_342 = arith.constant 0 : i32
      %dma_start3A_343 = tpu.memref_slice %arg8[%run_scoped3A_179, %dma_start3A_341, %dma_start3A_342] : memref<6x128x16xf32, #tpu.memory_space<vmem>> -> memref<1x128x16xf32, #tpu.memory_space<vmem>>
      %dma_start3A_344 = tpu.memref_squeeze %dma_start3A_343 : memref<1x128x16xf32, #tpu.memory_space<vmem>> -> memref<128x16xf32, #tpu.memory_space<vmem>>
      tpu.enqueue_dma source(%dma_start3A_344 : memref<128x16xf32, #tpu.memory_space<vmem>>) target(%dma_start3A_340 : memref<128x16xf32, #tpu.memory_space<vmem_shared>>) target_semaphore(%run_scoped3A_332 : memref<!tpu.dma_semaphore, #tpu.memory_space<semaphore_mem>>)
      %dma_wait3A_345 = arith.constant 0 : i32
      %dma_wait3A_346 = arith.constant 0 : i32
      %dma_wait3A_347 = tpu.memref_slice %arg8[%run_scoped3A_179, %dma_wait3A_345, %dma_wait3A_346] : memref<6x128x16xf32, #tpu.memory_space<vmem>> -> memref<1x128x16xf32, #tpu.memory_space<vmem>>
      %dma_wait3A_348 = tpu.memref_squeeze %dma_wait3A_347 : memref<1x128x16xf32, #tpu.memory_space<vmem>> -> memref<128x16xf32, #tpu.memory_space<vmem>>
      %dma_wait3A_349 = arith.constant 0 : i32
      %dma_wait3A_350 = tpu.memref_slice %arg9[%add3A_178, %dma_wait3A_349] : memref<100096x16xf32, #tpu.memory_space<vmem_shared>> -> memref<128x16xf32, #tpu.memory_space<vmem_shared>>
      %dma_wait3A_351 = arith.constant 0 : i32
      %dma_wait3A_352 = tpu.memref_slice %arg9[%add3A_178, %dma_wait3A_351] : memref<100096x16xf32, #tpu.memory_space<vmem_shared>> -> memref<128x16xf32, #tpu.memory_space<vmem_shared>>
      %dma_wait3A_353 = arith.constant 0 : i32
      %dma_wait3A_354 = arith.constant 0 : i32
      %dma_wait3A_355 = tpu.memref_slice %arg8[%run_scoped3A_179, %dma_wait3A_353, %dma_wait3A_354] : memref<6x128x16xf32, #tpu.memory_space<vmem>> -> memref<1x128x16xf32, #tpu.memory_space<vmem>>
      %dma_wait3A_356 = tpu.memref_squeeze %dma_wait3A_355 : memref<1x128x16xf32, #tpu.memory_space<vmem>> -> memref<128x16xf32, #tpu.memory_space<vmem>>
      tpu.wait_dma2 semaphore(%run_scoped3A_332 : memref<!tpu.dma_semaphore, #tpu.memory_space<semaphore_mem>>) src(%dma_wait3A_356 : memref<128x16xf32, #tpu.memory_space<vmem>>) dst(%dma_wait3A_352 : memref<128x16xf32, #tpu.memory_space<vmem_shared>>)
      tpu.yield
    }) : () -> ()
    %add3A_180 = arith.constant 5248 : i32
    %add3A_181 = arith.addi %mul3A_2, %add3A_180 : i32
    %run_scoped3A_182 = arith.constant 0 : i32
    "tpu.region"() ({
      %run_scoped3A_332 = tpu.sem_alloc : memref<!tpu.dma_semaphore, #tpu.memory_space<semaphore_mem>>
      %dma_start3A_333 = arith.constant 0 : i32
      %dma_start3A_334 = arith.constant 0 : i32
      %dma_start3A_335 = tpu.memref_slice %arg8[%run_scoped3A_182, %dma_start3A_333, %dma_start3A_334] : memref<6x128x16xf32, #tpu.memory_space<vmem>> -> memref<1x128x16xf32, #tpu.memory_space<vmem>>
      %dma_start3A_336 = tpu.memref_squeeze %dma_start3A_335 : memref<1x128x16xf32, #tpu.memory_space<vmem>> -> memref<128x16xf32, #tpu.memory_space<vmem>>
      %dma_start3A_337 = arith.constant 0 : i32
      %dma_start3A_338 = tpu.memref_slice %arg9[%add3A_181, %dma_start3A_337] : memref<100096x16xf32, #tpu.memory_space<vmem_shared>> -> memref<128x16xf32, #tpu.memory_space<vmem_shared>>
      %dma_start3A_339 = arith.constant 0 : i32
      %dma_start3A_340 = tpu.memref_slice %arg9[%add3A_181, %dma_start3A_339] : memref<100096x16xf32, #tpu.memory_space<vmem_shared>> -> memref<128x16xf32, #tpu.memory_space<vmem_shared>>
      %dma_start3A_341 = arith.constant 0 : i32
      %dma_start3A_342 = arith.constant 0 : i32
      %dma_start3A_343 = tpu.memref_slice %arg8[%run_scoped3A_182, %dma_start3A_341, %dma_start3A_342] : memref<6x128x16xf32, #tpu.memory_space<vmem>> -> memref<1x128x16xf32, #tpu.memory_space<vmem>>
      %dma_start3A_344 = tpu.memref_squeeze %dma_start3A_343 : memref<1x128x16xf32, #tpu.memory_space<vmem>> -> memref<128x16xf32, #tpu.memory_space<vmem>>
      tpu.enqueue_dma source(%dma_start3A_344 : memref<128x16xf32, #tpu.memory_space<vmem>>) target(%dma_start3A_340 : memref<128x16xf32, #tpu.memory_space<vmem_shared>>) target_semaphore(%run_scoped3A_332 : memref<!tpu.dma_semaphore, #tpu.memory_space<semaphore_mem>>)
      %dma_wait3A_345 = arith.constant 0 : i32
      %dma_wait3A_346 = arith.constant 0 : i32
      %dma_wait3A_347 = tpu.memref_slice %arg8[%run_scoped3A_182, %dma_wait3A_345, %dma_wait3A_346] : memref<6x128x16xf32, #tpu.memory_space<vmem>> -> memref<1x128x16xf32, #tpu.memory_space<vmem>>
      %dma_wait3A_348 = tpu.memref_squeeze %dma_wait3A_347 : memref<1x128x16xf32, #tpu.memory_space<vmem>> -> memref<128x16xf32, #tpu.memory_space<vmem>>
      %dma_wait3A_349 = arith.constant 0 : i32
      %dma_wait3A_350 = tpu.memref_slice %arg9[%add3A_181, %dma_wait3A_349] : memref<100096x16xf32, #tpu.memory_space<vmem_shared>> -> memref<128x16xf32, #tpu.memory_space<vmem_shared>>
      %dma_wait3A_351 = arith.constant 0 : i32
      %dma_wait3A_352 = tpu.memref_slice %arg9[%add3A_181, %dma_wait3A_351] : memref<100096x16xf32, #tpu.memory_space<vmem_shared>> -> memref<128x16xf32, #tpu.memory_space<vmem_shared>>
      %dma_wait3A_353 = arith.constant 0 : i32
      %dma_wait3A_354 = arith.constant 0 : i32
      %dma_wait3A_355 = tpu.memref_slice %arg8[%run_scoped3A_182, %dma_wait3A_353, %dma_wait3A_354] : memref<6x128x16xf32, #tpu.memory_space<vmem>> -> memref<1x128x16xf32, #tpu.memory_space<vmem>>
      %dma_wait3A_356 = tpu.memref_squeeze %dma_wait3A_355 : memref<1x128x16xf32, #tpu.memory_space<vmem>> -> memref<128x16xf32, #tpu.memory_space<vmem>>
      tpu.wait_dma2 semaphore(%run_scoped3A_332 : memref<!tpu.dma_semaphore, #tpu.memory_space<semaphore_mem>>) src(%dma_wait3A_356 : memref<128x16xf32, #tpu.memory_space<vmem>>) dst(%dma_wait3A_352 : memref<128x16xf32, #tpu.memory_space<vmem_shared>>)
      tpu.yield
    }) : () -> ()
    %add3A_183 = arith.constant 5376 : i32
    %add3A_184 = arith.addi %mul3A_2, %add3A_183 : i32
    %run_scoped3A_185 = arith.constant 0 : i32
    "tpu.region"() ({
      %run_scoped3A_332 = tpu.sem_alloc : memref<!tpu.dma_semaphore, #tpu.memory_space<semaphore_mem>>
      %dma_start3A_333 = arith.constant 0 : i32
      %dma_start3A_334 = arith.constant 0 : i32
      %dma_start3A_335 = tpu.memref_slice %arg8[%run_scoped3A_185, %dma_start3A_333, %dma_start3A_334] : memref<6x128x16xf32, #tpu.memory_space<vmem>> -> memref<1x128x16xf32, #tpu.memory_space<vmem>>
      %dma_start3A_336 = tpu.memref_squeeze %dma_start3A_335 : memref<1x128x16xf32, #tpu.memory_space<vmem>> -> memref<128x16xf32, #tpu.memory_space<vmem>>
      %dma_start3A_337 = arith.constant 0 : i32
      %dma_start3A_338 = tpu.memref_slice %arg9[%add3A_184, %dma_start3A_337] : memref<100096x16xf32, #tpu.memory_space<vmem_shared>> -> memref<128x16xf32, #tpu.memory_space<vmem_shared>>
      %dma_start3A_339 = arith.constant 0 : i32
      %dma_start3A_340 = tpu.memref_slice %arg9[%add3A_184, %dma_start3A_339] : memref<100096x16xf32, #tpu.memory_space<vmem_shared>> -> memref<128x16xf32, #tpu.memory_space<vmem_shared>>
      %dma_start3A_341 = arith.constant 0 : i32
      %dma_start3A_342 = arith.constant 0 : i32
      %dma_start3A_343 = tpu.memref_slice %arg8[%run_scoped3A_185, %dma_start3A_341, %dma_start3A_342] : memref<6x128x16xf32, #tpu.memory_space<vmem>> -> memref<1x128x16xf32, #tpu.memory_space<vmem>>
      %dma_start3A_344 = tpu.memref_squeeze %dma_start3A_343 : memref<1x128x16xf32, #tpu.memory_space<vmem>> -> memref<128x16xf32, #tpu.memory_space<vmem>>
      tpu.enqueue_dma source(%dma_start3A_344 : memref<128x16xf32, #tpu.memory_space<vmem>>) target(%dma_start3A_340 : memref<128x16xf32, #tpu.memory_space<vmem_shared>>) target_semaphore(%run_scoped3A_332 : memref<!tpu.dma_semaphore, #tpu.memory_space<semaphore_mem>>)
      %dma_wait3A_345 = arith.constant 0 : i32
      %dma_wait3A_346 = arith.constant 0 : i32
      %dma_wait3A_347 = tpu.memref_slice %arg8[%run_scoped3A_185, %dma_wait3A_345, %dma_wait3A_346] : memref<6x128x16xf32, #tpu.memory_space<vmem>> -> memref<1x128x16xf32, #tpu.memory_space<vmem>>
      %dma_wait3A_348 = tpu.memref_squeeze %dma_wait3A_347 : memref<1x128x16xf32, #tpu.memory_space<vmem>> -> memref<128x16xf32, #tpu.memory_space<vmem>>
      %dma_wait3A_349 = arith.constant 0 : i32
      %dma_wait3A_350 = tpu.memref_slice %arg9[%add3A_184, %dma_wait3A_349] : memref<100096x16xf32, #tpu.memory_space<vmem_shared>> -> memref<128x16xf32, #tpu.memory_space<vmem_shared>>
      %dma_wait3A_351 = arith.constant 0 : i32
      %dma_wait3A_352 = tpu.memref_slice %arg9[%add3A_184, %dma_wait3A_351] : memref<100096x16xf32, #tpu.memory_space<vmem_shared>> -> memref<128x16xf32, #tpu.memory_space<vmem_shared>>
      %dma_wait3A_353 = arith.constant 0 : i32
      %dma_wait3A_354 = arith.constant 0 : i32
      %dma_wait3A_355 = tpu.memref_slice %arg8[%run_scoped3A_185, %dma_wait3A_353, %dma_wait3A_354] : memref<6x128x16xf32, #tpu.memory_space<vmem>> -> memref<1x128x16xf32, #tpu.memory_space<vmem>>
      %dma_wait3A_356 = tpu.memref_squeeze %dma_wait3A_355 : memref<1x128x16xf32, #tpu.memory_space<vmem>> -> memref<128x16xf32, #tpu.memory_space<vmem>>
      tpu.wait_dma2 semaphore(%run_scoped3A_332 : memref<!tpu.dma_semaphore, #tpu.memory_space<semaphore_mem>>) src(%dma_wait3A_356 : memref<128x16xf32, #tpu.memory_space<vmem>>) dst(%dma_wait3A_352 : memref<128x16xf32, #tpu.memory_space<vmem_shared>>)
      tpu.yield
    }) : () -> ()
    %add3A_186 = arith.constant 5504 : i32
    %add3A_187 = arith.addi %mul3A_2, %add3A_186 : i32
    %run_scoped3A_188 = arith.constant 0 : i32
    "tpu.region"() ({
      %run_scoped3A_332 = tpu.sem_alloc : memref<!tpu.dma_semaphore, #tpu.memory_space<semaphore_mem>>
      %dma_start3A_333 = arith.constant 0 : i32
      %dma_start3A_334 = arith.constant 0 : i32
      %dma_start3A_335 = tpu.memref_slice %arg8[%run_scoped3A_188, %dma_start3A_333, %dma_start3A_334] : memref<6x128x16xf32, #tpu.memory_space<vmem>> -> memref<1x128x16xf32, #tpu.memory_space<vmem>>
      %dma_start3A_336 = tpu.memref_squeeze %dma_start3A_335 : memref<1x128x16xf32, #tpu.memory_space<vmem>> -> memref<128x16xf32, #tpu.memory_space<vmem>>
      %dma_start3A_337 = arith.constant 0 : i32
      %dma_start3A_338 = tpu.memref_slice %arg9[%add3A_187, %dma_start3A_337] : memref<100096x16xf32, #tpu.memory_space<vmem_shared>> -> memref<128x16xf32, #tpu.memory_space<vmem_shared>>
      %dma_start3A_339 = arith.constant 0 : i32
      %dma_start3A_340 = tpu.memref_slice %arg9[%add3A_187, %dma_start3A_339] : memref<100096x16xf32, #tpu.memory_space<vmem_shared>> -> memref<128x16xf32, #tpu.memory_space<vmem_shared>>
      %dma_start3A_341 = arith.constant 0 : i32
      %dma_start3A_342 = arith.constant 0 : i32
      %dma_start3A_343 = tpu.memref_slice %arg8[%run_scoped3A_188, %dma_start3A_341, %dma_start3A_342] : memref<6x128x16xf32, #tpu.memory_space<vmem>> -> memref<1x128x16xf32, #tpu.memory_space<vmem>>
      %dma_start3A_344 = tpu.memref_squeeze %dma_start3A_343 : memref<1x128x16xf32, #tpu.memory_space<vmem>> -> memref<128x16xf32, #tpu.memory_space<vmem>>
      tpu.enqueue_dma source(%dma_start3A_344 : memref<128x16xf32, #tpu.memory_space<vmem>>) target(%dma_start3A_340 : memref<128x16xf32, #tpu.memory_space<vmem_shared>>) target_semaphore(%run_scoped3A_332 : memref<!tpu.dma_semaphore, #tpu.memory_space<semaphore_mem>>)
      %dma_wait3A_345 = arith.constant 0 : i32
      %dma_wait3A_346 = arith.constant 0 : i32
      %dma_wait3A_347 = tpu.memref_slice %arg8[%run_scoped3A_188, %dma_wait3A_345, %dma_wait3A_346] : memref<6x128x16xf32, #tpu.memory_space<vmem>> -> memref<1x128x16xf32, #tpu.memory_space<vmem>>
      %dma_wait3A_348 = tpu.memref_squeeze %dma_wait3A_347 : memref<1x128x16xf32, #tpu.memory_space<vmem>> -> memref<128x16xf32, #tpu.memory_space<vmem>>
      %dma_wait3A_349 = arith.constant 0 : i32
      %dma_wait3A_350 = tpu.memref_slice %arg9[%add3A_187, %dma_wait3A_349] : memref<100096x16xf32, #tpu.memory_space<vmem_shared>> -> memref<128x16xf32, #tpu.memory_space<vmem_shared>>
      %dma_wait3A_351 = arith.constant 0 : i32
      %dma_wait3A_352 = tpu.memref_slice %arg9[%add3A_187, %dma_wait3A_351] : memref<100096x16xf32, #tpu.memory_space<vmem_shared>> -> memref<128x16xf32, #tpu.memory_space<vmem_shared>>
      %dma_wait3A_353 = arith.constant 0 : i32
      %dma_wait3A_354 = arith.constant 0 : i32
      %dma_wait3A_355 = tpu.memref_slice %arg8[%run_scoped3A_188, %dma_wait3A_353, %dma_wait3A_354] : memref<6x128x16xf32, #tpu.memory_space<vmem>> -> memref<1x128x16xf32, #tpu.memory_space<vmem>>
      %dma_wait3A_356 = tpu.memref_squeeze %dma_wait3A_355 : memref<1x128x16xf32, #tpu.memory_space<vmem>> -> memref<128x16xf32, #tpu.memory_space<vmem>>
      tpu.wait_dma2 semaphore(%run_scoped3A_332 : memref<!tpu.dma_semaphore, #tpu.memory_space<semaphore_mem>>) src(%dma_wait3A_356 : memref<128x16xf32, #tpu.memory_space<vmem>>) dst(%dma_wait3A_352 : memref<128x16xf32, #tpu.memory_space<vmem_shared>>)
      tpu.yield
    }) : () -> ()
    %add3A_189 = arith.constant 5632 : i32
    %add3A_190 = arith.addi %mul3A_2, %add3A_189 : i32
    %run_scoped3A_191 = arith.constant 0 : i32
    "tpu.region"() ({
      %run_scoped3A_332 = tpu.sem_alloc : memref<!tpu.dma_semaphore, #tpu.memory_space<semaphore_mem>>
      %dma_start3A_333 = arith.constant 0 : i32
      %dma_start3A_334 = arith.constant 0 : i32
      %dma_start3A_335 = tpu.memref_slice %arg8[%run_scoped3A_191, %dma_start3A_333, %dma_start3A_334] : memref<6x128x16xf32, #tpu.memory_space<vmem>> -> memref<1x128x16xf32, #tpu.memory_space<vmem>>
      %dma_start3A_336 = tpu.memref_squeeze %dma_start3A_335 : memref<1x128x16xf32, #tpu.memory_space<vmem>> -> memref<128x16xf32, #tpu.memory_space<vmem>>
      %dma_start3A_337 = arith.constant 0 : i32
      %dma_start3A_338 = tpu.memref_slice %arg9[%add3A_190, %dma_start3A_337] : memref<100096x16xf32, #tpu.memory_space<vmem_shared>> -> memref<128x16xf32, #tpu.memory_space<vmem_shared>>
      %dma_start3A_339 = arith.constant 0 : i32
      %dma_start3A_340 = tpu.memref_slice %arg9[%add3A_190, %dma_start3A_339] : memref<100096x16xf32, #tpu.memory_space<vmem_shared>> -> memref<128x16xf32, #tpu.memory_space<vmem_shared>>
      %dma_start3A_341 = arith.constant 0 : i32
      %dma_start3A_342 = arith.constant 0 : i32
      %dma_start3A_343 = tpu.memref_slice %arg8[%run_scoped3A_191, %dma_start3A_341, %dma_start3A_342] : memref<6x128x16xf32, #tpu.memory_space<vmem>> -> memref<1x128x16xf32, #tpu.memory_space<vmem>>
      %dma_start3A_344 = tpu.memref_squeeze %dma_start3A_343 : memref<1x128x16xf32, #tpu.memory_space<vmem>> -> memref<128x16xf32, #tpu.memory_space<vmem>>
      tpu.enqueue_dma source(%dma_start3A_344 : memref<128x16xf32, #tpu.memory_space<vmem>>) target(%dma_start3A_340 : memref<128x16xf32, #tpu.memory_space<vmem_shared>>) target_semaphore(%run_scoped3A_332 : memref<!tpu.dma_semaphore, #tpu.memory_space<semaphore_mem>>)
      %dma_wait3A_345 = arith.constant 0 : i32
      %dma_wait3A_346 = arith.constant 0 : i32
      %dma_wait3A_347 = tpu.memref_slice %arg8[%run_scoped3A_191, %dma_wait3A_345, %dma_wait3A_346] : memref<6x128x16xf32, #tpu.memory_space<vmem>> -> memref<1x128x16xf32, #tpu.memory_space<vmem>>
      %dma_wait3A_348 = tpu.memref_squeeze %dma_wait3A_347 : memref<1x128x16xf32, #tpu.memory_space<vmem>> -> memref<128x16xf32, #tpu.memory_space<vmem>>
      %dma_wait3A_349 = arith.constant 0 : i32
      %dma_wait3A_350 = tpu.memref_slice %arg9[%add3A_190, %dma_wait3A_349] : memref<100096x16xf32, #tpu.memory_space<vmem_shared>> -> memref<128x16xf32, #tpu.memory_space<vmem_shared>>
      %dma_wait3A_351 = arith.constant 0 : i32
      %dma_wait3A_352 = tpu.memref_slice %arg9[%add3A_190, %dma_wait3A_351] : memref<100096x16xf32, #tpu.memory_space<vmem_shared>> -> memref<128x16xf32, #tpu.memory_space<vmem_shared>>
      %dma_wait3A_353 = arith.constant 0 : i32
      %dma_wait3A_354 = arith.constant 0 : i32
      %dma_wait3A_355 = tpu.memref_slice %arg8[%run_scoped3A_191, %dma_wait3A_353, %dma_wait3A_354] : memref<6x128x16xf32, #tpu.memory_space<vmem>> -> memref<1x128x16xf32, #tpu.memory_space<vmem>>
      %dma_wait3A_356 = tpu.memref_squeeze %dma_wait3A_355 : memref<1x128x16xf32, #tpu.memory_space<vmem>> -> memref<128x16xf32, #tpu.memory_space<vmem>>
      tpu.wait_dma2 semaphore(%run_scoped3A_332 : memref<!tpu.dma_semaphore, #tpu.memory_space<semaphore_mem>>) src(%dma_wait3A_356 : memref<128x16xf32, #tpu.memory_space<vmem>>) dst(%dma_wait3A_352 : memref<128x16xf32, #tpu.memory_space<vmem_shared>>)
      tpu.yield
    }) : () -> ()
    %add3A_192 = arith.constant 5760 : i32
    %add3A_193 = arith.addi %mul3A_2, %add3A_192 : i32
    %run_scoped3A_194 = arith.constant 0 : i32
    "tpu.region"() ({
      %run_scoped3A_332 = tpu.sem_alloc : memref<!tpu.dma_semaphore, #tpu.memory_space<semaphore_mem>>
      %dma_start3A_333 = arith.constant 0 : i32
      %dma_start3A_334 = arith.constant 0 : i32
      %dma_start3A_335 = tpu.memref_slice %arg8[%run_scoped3A_194, %dma_start3A_333, %dma_start3A_334] : memref<6x128x16xf32, #tpu.memory_space<vmem>> -> memref<1x128x16xf32, #tpu.memory_space<vmem>>
      %dma_start3A_336 = tpu.memref_squeeze %dma_start3A_335 : memref<1x128x16xf32, #tpu.memory_space<vmem>> -> memref<128x16xf32, #tpu.memory_space<vmem>>
      %dma_start3A_337 = arith.constant 0 : i32
      %dma_start3A_338 = tpu.memref_slice %arg9[%add3A_193, %dma_start3A_337] : memref<100096x16xf32, #tpu.memory_space<vmem_shared>> -> memref<128x16xf32, #tpu.memory_space<vmem_shared>>
      %dma_start3A_339 = arith.constant 0 : i32
      %dma_start3A_340 = tpu.memref_slice %arg9[%add3A_193, %dma_start3A_339] : memref<100096x16xf32, #tpu.memory_space<vmem_shared>> -> memref<128x16xf32, #tpu.memory_space<vmem_shared>>
      %dma_start3A_341 = arith.constant 0 : i32
      %dma_start3A_342 = arith.constant 0 : i32
      %dma_start3A_343 = tpu.memref_slice %arg8[%run_scoped3A_194, %dma_start3A_341, %dma_start3A_342] : memref<6x128x16xf32, #tpu.memory_space<vmem>> -> memref<1x128x16xf32, #tpu.memory_space<vmem>>
      %dma_start3A_344 = tpu.memref_squeeze %dma_start3A_343 : memref<1x128x16xf32, #tpu.memory_space<vmem>> -> memref<128x16xf32, #tpu.memory_space<vmem>>
      tpu.enqueue_dma source(%dma_start3A_344 : memref<128x16xf32, #tpu.memory_space<vmem>>) target(%dma_start3A_340 : memref<128x16xf32, #tpu.memory_space<vmem_shared>>) target_semaphore(%run_scoped3A_332 : memref<!tpu.dma_semaphore, #tpu.memory_space<semaphore_mem>>)
      %dma_wait3A_345 = arith.constant 0 : i32
      %dma_wait3A_346 = arith.constant 0 : i32
      %dma_wait3A_347 = tpu.memref_slice %arg8[%run_scoped3A_194, %dma_wait3A_345, %dma_wait3A_346] : memref<6x128x16xf32, #tpu.memory_space<vmem>> -> memref<1x128x16xf32, #tpu.memory_space<vmem>>
      %dma_wait3A_348 = tpu.memref_squeeze %dma_wait3A_347 : memref<1x128x16xf32, #tpu.memory_space<vmem>> -> memref<128x16xf32, #tpu.memory_space<vmem>>
      %dma_wait3A_349 = arith.constant 0 : i32
      %dma_wait3A_350 = tpu.memref_slice %arg9[%add3A_193, %dma_wait3A_349] : memref<100096x16xf32, #tpu.memory_space<vmem_shared>> -> memref<128x16xf32, #tpu.memory_space<vmem_shared>>
      %dma_wait3A_351 = arith.constant 0 : i32
      %dma_wait3A_352 = tpu.memref_slice %arg9[%add3A_193, %dma_wait3A_351] : memref<100096x16xf32, #tpu.memory_space<vmem_shared>> -> memref<128x16xf32, #tpu.memory_space<vmem_shared>>
      %dma_wait3A_353 = arith.constant 0 : i32
      %dma_wait3A_354 = arith.constant 0 : i32
      %dma_wait3A_355 = tpu.memref_slice %arg8[%run_scoped3A_194, %dma_wait3A_353, %dma_wait3A_354] : memref<6x128x16xf32, #tpu.memory_space<vmem>> -> memref<1x128x16xf32, #tpu.memory_space<vmem>>
      %dma_wait3A_356 = tpu.memref_squeeze %dma_wait3A_355 : memref<1x128x16xf32, #tpu.memory_space<vmem>> -> memref<128x16xf32, #tpu.memory_space<vmem>>
      tpu.wait_dma2 semaphore(%run_scoped3A_332 : memref<!tpu.dma_semaphore, #tpu.memory_space<semaphore_mem>>) src(%dma_wait3A_356 : memref<128x16xf32, #tpu.memory_space<vmem>>) dst(%dma_wait3A_352 : memref<128x16xf32, #tpu.memory_space<vmem_shared>>)
      tpu.yield
    }) : () -> ()
    %add3A_195 = arith.constant 5888 : i32
    %add3A_196 = arith.addi %mul3A_2, %add3A_195 : i32
    %run_scoped3A_197 = arith.constant 0 : i32
    "tpu.region"() ({
      %run_scoped3A_332 = tpu.sem_alloc : memref<!tpu.dma_semaphore, #tpu.memory_space<semaphore_mem>>
      %dma_start3A_333 = arith.constant 0 : i32
      %dma_start3A_334 = arith.constant 0 : i32
      %dma_start3A_335 = tpu.memref_slice %arg8[%run_scoped3A_197, %dma_start3A_333, %dma_start3A_334] : memref<6x128x16xf32, #tpu.memory_space<vmem>> -> memref<1x128x16xf32, #tpu.memory_space<vmem>>
      %dma_start3A_336 = tpu.memref_squeeze %dma_start3A_335 : memref<1x128x16xf32, #tpu.memory_space<vmem>> -> memref<128x16xf32, #tpu.memory_space<vmem>>
      %dma_start3A_337 = arith.constant 0 : i32
      %dma_start3A_338 = tpu.memref_slice %arg9[%add3A_196, %dma_start3A_337] : memref<100096x16xf32, #tpu.memory_space<vmem_shared>> -> memref<128x16xf32, #tpu.memory_space<vmem_shared>>
      %dma_start3A_339 = arith.constant 0 : i32
      %dma_start3A_340 = tpu.memref_slice %arg9[%add3A_196, %dma_start3A_339] : memref<100096x16xf32, #tpu.memory_space<vmem_shared>> -> memref<128x16xf32, #tpu.memory_space<vmem_shared>>
      %dma_start3A_341 = arith.constant 0 : i32
      %dma_start3A_342 = arith.constant 0 : i32
      %dma_start3A_343 = tpu.memref_slice %arg8[%run_scoped3A_197, %dma_start3A_341, %dma_start3A_342] : memref<6x128x16xf32, #tpu.memory_space<vmem>> -> memref<1x128x16xf32, #tpu.memory_space<vmem>>
      %dma_start3A_344 = tpu.memref_squeeze %dma_start3A_343 : memref<1x128x16xf32, #tpu.memory_space<vmem>> -> memref<128x16xf32, #tpu.memory_space<vmem>>
      tpu.enqueue_dma source(%dma_start3A_344 : memref<128x16xf32, #tpu.memory_space<vmem>>) target(%dma_start3A_340 : memref<128x16xf32, #tpu.memory_space<vmem_shared>>) target_semaphore(%run_scoped3A_332 : memref<!tpu.dma_semaphore, #tpu.memory_space<semaphore_mem>>)
      %dma_wait3A_345 = arith.constant 0 : i32
      %dma_wait3A_346 = arith.constant 0 : i32
      %dma_wait3A_347 = tpu.memref_slice %arg8[%run_scoped3A_197, %dma_wait3A_345, %dma_wait3A_346] : memref<6x128x16xf32, #tpu.memory_space<vmem>> -> memref<1x128x16xf32, #tpu.memory_space<vmem>>
      %dma_wait3A_348 = tpu.memref_squeeze %dma_wait3A_347 : memref<1x128x16xf32, #tpu.memory_space<vmem>> -> memref<128x16xf32, #tpu.memory_space<vmem>>
      %dma_wait3A_349 = arith.constant 0 : i32
      %dma_wait3A_350 = tpu.memref_slice %arg9[%add3A_196, %dma_wait3A_349] : memref<100096x16xf32, #tpu.memory_space<vmem_shared>> -> memref<128x16xf32, #tpu.memory_space<vmem_shared>>
      %dma_wait3A_351 = arith.constant 0 : i32
      %dma_wait3A_352 = tpu.memref_slice %arg9[%add3A_196, %dma_wait3A_351] : memref<100096x16xf32, #tpu.memory_space<vmem_shared>> -> memref<128x16xf32, #tpu.memory_space<vmem_shared>>
      %dma_wait3A_353 = arith.constant 0 : i32
      %dma_wait3A_354 = arith.constant 0 : i32
      %dma_wait3A_355 = tpu.memref_slice %arg8[%run_scoped3A_197, %dma_wait3A_353, %dma_wait3A_354] : memref<6x128x16xf32, #tpu.memory_space<vmem>> -> memref<1x128x16xf32, #tpu.memory_space<vmem>>
      %dma_wait3A_356 = tpu.memref_squeeze %dma_wait3A_355 : memref<1x128x16xf32, #tpu.memory_space<vmem>> -> memref<128x16xf32, #tpu.memory_space<vmem>>
      tpu.wait_dma2 semaphore(%run_scoped3A_332 : memref<!tpu.dma_semaphore, #tpu.memory_space<semaphore_mem>>) src(%dma_wait3A_356 : memref<128x16xf32, #tpu.memory_space<vmem>>) dst(%dma_wait3A_352 : memref<128x16xf32, #tpu.memory_space<vmem_shared>>)
      tpu.yield
    }) : () -> ()
    %add3A_198 = arith.constant 6016 : i32
    %add3A_199 = arith.addi %mul3A_2, %add3A_198 : i32
    %run_scoped3A_200 = arith.constant 0 : i32
    "tpu.region"() ({
      %run_scoped3A_332 = tpu.sem_alloc : memref<!tpu.dma_semaphore, #tpu.memory_space<semaphore_mem>>
      %dma_start3A_333 = arith.constant 0 : i32
      %dma_start3A_334 = arith.constant 0 : i32
      %dma_start3A_335 = tpu.memref_slice %arg8[%run_scoped3A_200, %dma_start3A_333, %dma_start3A_334] : memref<6x128x16xf32, #tpu.memory_space<vmem>> -> memref<1x128x16xf32, #tpu.memory_space<vmem>>
      %dma_start3A_336 = tpu.memref_squeeze %dma_start3A_335 : memref<1x128x16xf32, #tpu.memory_space<vmem>> -> memref<128x16xf32, #tpu.memory_space<vmem>>
      %dma_start3A_337 = arith.constant 0 : i32
      %dma_start3A_338 = tpu.memref_slice %arg9[%add3A_199, %dma_start3A_337] : memref<100096x16xf32, #tpu.memory_space<vmem_shared>> -> memref<128x16xf32, #tpu.memory_space<vmem_shared>>
      %dma_start3A_339 = arith.constant 0 : i32
      %dma_start3A_340 = tpu.memref_slice %arg9[%add3A_199, %dma_start3A_339] : memref<100096x16xf32, #tpu.memory_space<vmem_shared>> -> memref<128x16xf32, #tpu.memory_space<vmem_shared>>
      %dma_start3A_341 = arith.constant 0 : i32
      %dma_start3A_342 = arith.constant 0 : i32
      %dma_start3A_343 = tpu.memref_slice %arg8[%run_scoped3A_200, %dma_start3A_341, %dma_start3A_342] : memref<6x128x16xf32, #tpu.memory_space<vmem>> -> memref<1x128x16xf32, #tpu.memory_space<vmem>>
      %dma_start3A_344 = tpu.memref_squeeze %dma_start3A_343 : memref<1x128x16xf32, #tpu.memory_space<vmem>> -> memref<128x16xf32, #tpu.memory_space<vmem>>
      tpu.enqueue_dma source(%dma_start3A_344 : memref<128x16xf32, #tpu.memory_space<vmem>>) target(%dma_start3A_340 : memref<128x16xf32, #tpu.memory_space<vmem_shared>>) target_semaphore(%run_scoped3A_332 : memref<!tpu.dma_semaphore, #tpu.memory_space<semaphore_mem>>)
      %dma_wait3A_345 = arith.constant 0 : i32
      %dma_wait3A_346 = arith.constant 0 : i32
      %dma_wait3A_347 = tpu.memref_slice %arg8[%run_scoped3A_200, %dma_wait3A_345, %dma_wait3A_346] : memref<6x128x16xf32, #tpu.memory_space<vmem>> -> memref<1x128x16xf32, #tpu.memory_space<vmem>>
      %dma_wait3A_348 = tpu.memref_squeeze %dma_wait3A_347 : memref<1x128x16xf32, #tpu.memory_space<vmem>> -> memref<128x16xf32, #tpu.memory_space<vmem>>
      %dma_wait3A_349 = arith.constant 0 : i32
      %dma_wait3A_350 = tpu.memref_slice %arg9[%add3A_199, %dma_wait3A_349] : memref<100096x16xf32, #tpu.memory_space<vmem_shared>> -> memref<128x16xf32, #tpu.memory_space<vmem_shared>>
      %dma_wait3A_351 = arith.constant 0 : i32
      %dma_wait3A_352 = tpu.memref_slice %arg9[%add3A_199, %dma_wait3A_351] : memref<100096x16xf32, #tpu.memory_space<vmem_shared>> -> memref<128x16xf32, #tpu.memory_space<vmem_shared>>
      %dma_wait3A_353 = arith.constant 0 : i32
      %dma_wait3A_354 = arith.constant 0 : i32
      %dma_wait3A_355 = tpu.memref_slice %arg8[%run_scoped3A_200, %dma_wait3A_353, %dma_wait3A_354] : memref<6x128x16xf32, #tpu.memory_space<vmem>> -> memref<1x128x16xf32, #tpu.memory_space<vmem>>
      %dma_wait3A_356 = tpu.memref_squeeze %dma_wait3A_355 : memref<1x128x16xf32, #tpu.memory_space<vmem>> -> memref<128x16xf32, #tpu.memory_space<vmem>>
      tpu.wait_dma2 semaphore(%run_scoped3A_332 : memref<!tpu.dma_semaphore, #tpu.memory_space<semaphore_mem>>) src(%dma_wait3A_356 : memref<128x16xf32, #tpu.memory_space<vmem>>) dst(%dma_wait3A_352 : memref<128x16xf32, #tpu.memory_space<vmem_shared>>)
      tpu.yield
    }) : () -> ()
    %add3A_201 = arith.constant 6144 : i32
    %add3A_202 = arith.addi %mul3A_2, %add3A_201 : i32
    %run_scoped3A_203 = arith.constant 0 : i32
    "tpu.region"() ({
      %run_scoped3A_332 = tpu.sem_alloc : memref<!tpu.dma_semaphore, #tpu.memory_space<semaphore_mem>>
      %dma_start3A_333 = arith.constant 0 : i32
      %dma_start3A_334 = arith.constant 0 : i32
      %dma_start3A_335 = tpu.memref_slice %arg8[%run_scoped3A_203, %dma_start3A_333, %dma_start3A_334] : memref<6x128x16xf32, #tpu.memory_space<vmem>> -> memref<1x128x16xf32, #tpu.memory_space<vmem>>
      %dma_start3A_336 = tpu.memref_squeeze %dma_start3A_335 : memref<1x128x16xf32, #tpu.memory_space<vmem>> -> memref<128x16xf32, #tpu.memory_space<vmem>>
      %dma_start3A_337 = arith.constant 0 : i32
      %dma_start3A_338 = arith.constant 0 : i32
      %dma_start3A_339 = tpu.memref_slice %dma_start3A_336[%dma_start3A_337, %dma_start3A_338] : memref<128x16xf32, #tpu.memory_space<vmem>> -> memref<112x16xf32, #tpu.memory_space<vmem>>
      %dma_start3A_340 = arith.constant 0 : i32
      %dma_start3A_341 = tpu.memref_slice %arg9[%add3A_202, %dma_start3A_340] : memref<100096x16xf32, #tpu.memory_space<vmem_shared>> -> memref<112x16xf32, #tpu.memory_space<vmem_shared>>
      %dma_start3A_342 = arith.constant 0 : i32
      %dma_start3A_343 = tpu.memref_slice %arg9[%add3A_202, %dma_start3A_342] : memref<100096x16xf32, #tpu.memory_space<vmem_shared>> -> memref<112x16xf32, #tpu.memory_space<vmem_shared>>
      %dma_start3A_344 = arith.constant 0 : i32
      %dma_start3A_345 = arith.constant 0 : i32
      %dma_start3A_346 = tpu.memref_slice %arg8[%run_scoped3A_203, %dma_start3A_344, %dma_start3A_345] : memref<6x128x16xf32, #tpu.memory_space<vmem>> -> memref<1x128x16xf32, #tpu.memory_space<vmem>>
      %dma_start3A_347 = tpu.memref_squeeze %dma_start3A_346 : memref<1x128x16xf32, #tpu.memory_space<vmem>> -> memref<128x16xf32, #tpu.memory_space<vmem>>
      %dma_start3A_348 = arith.constant 0 : i32
      %dma_start3A_349 = arith.constant 0 : i32
      %dma_start3A_350 = tpu.memref_slice %dma_start3A_347[%dma_start3A_348, %dma_start3A_349] : memref<128x16xf32, #tpu.memory_space<vmem>> -> memref<112x16xf32, #tpu.memory_space<vmem>>
      tpu.enqueue_dma source(%dma_start3A_350 : memref<112x16xf32, #tpu.memory_space<vmem>>) target(%dma_start3A_343 : memref<112x16xf32, #tpu.memory_space<vmem_shared>>) target_semaphore(%run_scoped3A_332 : memref<!tpu.dma_semaphore, #tpu.memory_space<semaphore_mem>>)
      %dma_wait3A_351 = arith.constant 0 : i32
      %dma_wait3A_352 = arith.constant 0 : i32
      %dma_wait3A_353 = tpu.memref_slice %arg8[%run_scoped3A_203, %dma_wait3A_351, %dma_wait3A_352] : memref<6x128x16xf32, #tpu.memory_space<vmem>> -> memref<1x128x16xf32, #tpu.memory_space<vmem>>
      %dma_wait3A_354 = tpu.memref_squeeze %dma_wait3A_353 : memref<1x128x16xf32, #tpu.memory_space<vmem>> -> memref<128x16xf32, #tpu.memory_space<vmem>>
      %dma_wait3A_355 = arith.constant 0 : i32
      %dma_wait3A_356 = arith.constant 0 : i32
      %dma_wait3A_357 = tpu.memref_slice %dma_wait3A_354[%dma_wait3A_355, %dma_wait3A_356] : memref<128x16xf32, #tpu.memory_space<vmem>> -> memref<112x16xf32, #tpu.memory_space<vmem>>
      %dma_wait3A_358 = arith.constant 0 : i32
      %dma_wait3A_359 = tpu.memref_slice %arg9[%add3A_202, %dma_wait3A_358] : memref<100096x16xf32, #tpu.memory_space<vmem_shared>> -> memref<112x16xf32, #tpu.memory_space<vmem_shared>>
      %dma_wait3A_360 = arith.constant 0 : i32
      %dma_wait3A_361 = tpu.memref_slice %arg9[%add3A_202, %dma_wait3A_360] : memref<100096x16xf32, #tpu.memory_space<vmem_shared>> -> memref<112x16xf32, #tpu.memory_space<vmem_shared>>
      %dma_wait3A_362 = arith.constant 0 : i32
      %dma_wait3A_363 = arith.constant 0 : i32
      %dma_wait3A_364 = tpu.memref_slice %arg8[%run_scoped3A_203, %dma_wait3A_362, %dma_wait3A_363] : memref<6x128x16xf32, #tpu.memory_space<vmem>> -> memref<1x128x16xf32, #tpu.memory_space<vmem>>
      %dma_wait3A_365 = tpu.memref_squeeze %dma_wait3A_364 : memref<1x128x16xf32, #tpu.memory_space<vmem>> -> memref<128x16xf32, #tpu.memory_space<vmem>>
      %dma_wait3A_366 = arith.constant 0 : i32
      %dma_wait3A_367 = arith.constant 0 : i32
      %dma_wait3A_368 = tpu.memref_slice %dma_wait3A_365[%dma_wait3A_366, %dma_wait3A_367] : memref<128x16xf32, #tpu.memory_space<vmem>> -> memref<112x16xf32, #tpu.memory_space<vmem>>
      tpu.wait_dma2 semaphore(%run_scoped3A_332 : memref<!tpu.dma_semaphore, #tpu.memory_space<semaphore_mem>>) src(%dma_wait3A_368 : memref<112x16xf32, #tpu.memory_space<vmem>>) dst(%dma_wait3A_361 : memref<112x16xf32, #tpu.memory_space<vmem_shared>>)
      tpu.yield
    }) : () -> ()
    %barrier3A = arith.constant 0 : index
    tpu.barrier barrier_id(%barrier3A)
    %dma_wait3A = arith.constant 0 : i32
    %dma_wait3A_204 = arith.constant 0 : i32
    %dma_wait3A_205 = arith.constant 0 : i32
    %dma_wait3A_206 = tpu.memref_slice %arg6[%dma_wait3A_204, %dma_wait3A_205] : memref<48x128xi32, #tpu.memory_space<vmem>> -> memref<24x128xi32, #tpu.memory_space<vmem>>
    %dma_wait3A_207 = arith.constant 0 : i32
    %dma_wait3A_208 = arith.constant 0 : i32
    %dma_wait3A_209 = arith.constant 0 : i32
    %dma_wait3A_210 = tpu.memref_slice %arg3[%add3A, %dma_wait3A_207, %dma_wait3A_208, %dma_wait3A_209] : memref<32x14x24x128xi32, #tpu.memory_space<hbm>> -> memref<1x14x24x128xi32, #tpu.memory_space<hbm>>
    %dma_wait3A_211 = tpu.memref_squeeze %dma_wait3A_210 : memref<1x14x24x128xi32, #tpu.memory_space<hbm>> -> memref<14x24x128xi32, #tpu.memory_space<hbm>>
    %dma_wait3A_212 = arith.constant 0 : i32
    %dma_wait3A_213 = arith.constant 0 : i32
    %dma_wait3A_214 = tpu.memref_slice %dma_wait3A_211[%dma_wait3A, %dma_wait3A_212, %dma_wait3A_213] : memref<14x24x128xi32, #tpu.memory_space<hbm>> -> memref<1x24x128xi32, #tpu.memory_space<hbm>>
    %dma_wait3A_215 = tpu.memref_squeeze %dma_wait3A_214 : memref<1x24x128xi32, #tpu.memory_space<hbm>> -> memref<24x128xi32, #tpu.memory_space<hbm>>
    %dma_wait3A_216 = arith.constant 0 : i32
    %dma_wait3A_217 = arith.constant 0 : i32
    %dma_wait3A_218 = tpu.memref_slice %arg6[%dma_wait3A_216, %dma_wait3A_217] : memref<48x128xi32, #tpu.memory_space<vmem>> -> memref<24x128xi32, #tpu.memory_space<vmem>>
    %dma_wait3A_219 = arith.constant 0 : i32
    %dma_wait3A_220 = arith.constant 0 : i32
    %dma_wait3A_221 = arith.constant 0 : i32
    %dma_wait3A_222 = tpu.memref_slice %arg3[%add3A, %dma_wait3A_219, %dma_wait3A_220, %dma_wait3A_221] : memref<32x14x24x128xi32, #tpu.memory_space<hbm>> -> memref<1x14x24x128xi32, #tpu.memory_space<hbm>>
    %dma_wait3A_223 = tpu.memref_squeeze %dma_wait3A_222 : memref<1x14x24x128xi32, #tpu.memory_space<hbm>> -> memref<14x24x128xi32, #tpu.memory_space<hbm>>
    %dma_wait3A_224 = arith.constant 0 : i32
    %dma_wait3A_225 = arith.constant 0 : i32
    %dma_wait3A_226 = tpu.memref_slice %dma_wait3A_223[%dma_wait3A, %dma_wait3A_224, %dma_wait3A_225] : memref<14x24x128xi32, #tpu.memory_space<hbm>> -> memref<1x24x128xi32, #tpu.memory_space<hbm>>
    %dma_wait3A_227 = tpu.memref_squeeze %dma_wait3A_226 : memref<1x24x128xi32, #tpu.memory_space<hbm>> -> memref<24x128xi32, #tpu.memory_space<hbm>>
    tpu.wait_dma2 semaphore(%arg17 : memref<!tpu.dma_semaphore, #tpu.memory_space<semaphore_mem>>) src(%dma_wait3A_227 : memref<24x128xi32, #tpu.memory_space<hbm>>) dst(%dma_wait3A_218 : memref<24x128xi32, #tpu.memory_space<vmem>>)
    %dma_wait3A_228 = arith.constant 0 : i32
    %dma_wait3A_229 = arith.constant 0 : i32
    %dma_wait3A_230 = arith.constant 0 : i32
    %dma_wait3A_231 = tpu.memref_slice %arg7[%dma_wait3A_229, %dma_wait3A_230] : memref<48x128xi32, #tpu.memory_space<vmem>> -> memref<24x128xi32, #tpu.memory_space<vmem>>
    %dma_wait3A_232 = arith.constant 0 : i32
    %dma_wait3A_233 = arith.constant 0 : i32
    %dma_wait3A_234 = arith.constant 0 : i32
    %dma_wait3A_235 = tpu.memref_slice %arg4[%add3A, %dma_wait3A_232, %dma_wait3A_233, %dma_wait3A_234] : memref<32x14x24x128xi32, #tpu.memory_space<hbm>> -> memref<1x14x24x128xi32, #tpu.memory_space<hbm>>
    %dma_wait3A_236 = tpu.memref_squeeze %dma_wait3A_235 : memref<1x14x24x128xi32, #tpu.memory_space<hbm>> -> memref<14x24x128xi32, #tpu.memory_space<hbm>>
    %dma_wait3A_237 = arith.constant 0 : i32
    %dma_wait3A_238 = arith.constant 0 : i32
    %dma_wait3A_239 = tpu.memref_slice %dma_wait3A_236[%dma_wait3A_228, %dma_wait3A_237, %dma_wait3A_238] : memref<14x24x128xi32, #tpu.memory_space<hbm>> -> memref<1x24x128xi32, #tpu.memory_space<hbm>>
    %dma_wait3A_240 = tpu.memref_squeeze %dma_wait3A_239 : memref<1x24x128xi32, #tpu.memory_space<hbm>> -> memref<24x128xi32, #tpu.memory_space<hbm>>
    %dma_wait3A_241 = arith.constant 0 : i32
    %dma_wait3A_242 = arith.constant 0 : i32
    %dma_wait3A_243 = tpu.memref_slice %arg7[%dma_wait3A_241, %dma_wait3A_242] : memref<48x128xi32, #tpu.memory_space<vmem>> -> memref<24x128xi32, #tpu.memory_space<vmem>>
    %dma_wait3A_244 = arith.constant 0 : i32
    %dma_wait3A_245 = arith.constant 0 : i32
    %dma_wait3A_246 = arith.constant 0 : i32
    %dma_wait3A_247 = tpu.memref_slice %arg4[%add3A, %dma_wait3A_244, %dma_wait3A_245, %dma_wait3A_246] : memref<32x14x24x128xi32, #tpu.memory_space<hbm>> -> memref<1x14x24x128xi32, #tpu.memory_space<hbm>>
    %dma_wait3A_248 = tpu.memref_squeeze %dma_wait3A_247 : memref<1x14x24x128xi32, #tpu.memory_space<hbm>> -> memref<14x24x128xi32, #tpu.memory_space<hbm>>
    %dma_wait3A_249 = arith.constant 0 : i32
    %dma_wait3A_250 = arith.constant 0 : i32
    %dma_wait3A_251 = tpu.memref_slice %dma_wait3A_248[%dma_wait3A_228, %dma_wait3A_249, %dma_wait3A_250] : memref<14x24x128xi32, #tpu.memory_space<hbm>> -> memref<1x24x128xi32, #tpu.memory_space<hbm>>
    %dma_wait3A_252 = tpu.memref_squeeze %dma_wait3A_251 : memref<1x24x128xi32, #tpu.memory_space<hbm>> -> memref<24x128xi32, #tpu.memory_space<hbm>>
    tpu.wait_dma2 semaphore(%arg18 : memref<!tpu.dma_semaphore, #tpu.memory_space<semaphore_mem>>) src(%dma_wait3A_252 : memref<24x128xi32, #tpu.memory_space<hbm>>) dst(%dma_wait3A_243 : memref<24x128xi32, #tpu.memory_space<vmem>>)
    %dma_start3A_253 = arith.constant 0 : i32
    %dma_start3A_254 = arith.constant 0 : i32
    %dma_start3A_255 = arith.constant 0 : i32
    %dma_start3A_256 = arith.constant 0 : i32
    %dma_start3A_257 = tpu.memref_slice %arg8[%dma_start3A_254, %dma_start3A_255, %dma_start3A_256] : memref<6x128x16xf32, #tpu.memory_space<vmem>> -> memref<1x128x16xf32, #tpu.memory_space<vmem>>
    %dma_start3A_258 = tpu.memref_squeeze %dma_start3A_257 : memref<1x128x16xf32, #tpu.memory_space<vmem>> -> memref<128x16xf32, #tpu.memory_space<vmem>>
    %dma_start3A_259 = arith.constant 0 : i32
    %dma_start3A_260 = tpu.memref_slice %arg6[%dma_start3A_253, %dma_start3A_259] : memref<48x128xi32, #tpu.memory_space<vmem>> -> memref<1x128xi32, #tpu.memory_space<vmem>>
    %dma_start3A_261 = tpu.memref_squeeze %dma_start3A_260 : memref<1x128xi32, #tpu.memory_space<vmem>> -> memref<128xi32, #tpu.memory_space<vmem>>
    %dma_start3A_262 = arith.constant 0 : i32
    %dma_start3A_263 = arith.constant 0 : i32
    %dma_start3A_264 = tpu.memref_slice %arg2[%dma_start3A_262, %dma_start3A_263] : memref<2700864x16xf32, #tpu.memory_space<hbm>> -> memref<2700864x16xf32, #tpu.memory_space<hbm>>
    tpu.enqueue_indirect_dma source(%dma_start3A_264 : memref<2700864x16xf32, #tpu.memory_space<hbm>>) target(%dma_start3A_258 : memref<128x16xf32, #tpu.memory_space<vmem>>) offsets(%dma_start3A_261 : memref<128xi32, #tpu.memory_space<vmem>>) semaphore(%arg10 : memref<!tpu.dma_semaphore, #tpu.memory_space<semaphore_mem>>)
    %dma_start3A_265 = arith.constant 1 : i32
    %dma_start3A_266 = arith.constant 1 : i32
    %dma_start3A_267 = arith.constant 0 : i32
    %dma_start3A_268 = arith.constant 0 : i32
    %dma_start3A_269 = tpu.memref_slice %arg8[%dma_start3A_266, %dma_start3A_267, %dma_start3A_268] : memref<6x128x16xf32, #tpu.memory_space<vmem>> -> memref<1x128x16xf32, #tpu.memory_space<vmem>>
    %dma_start3A_270 = tpu.memref_squeeze %dma_start3A_269 : memref<1x128x16xf32, #tpu.memory_space<vmem>> -> memref<128x16xf32, #tpu.memory_space<vmem>>
    %dma_start3A_271 = arith.constant 0 : i32
    %dma_start3A_272 = tpu.memref_slice %arg6[%dma_start3A_265, %dma_start3A_271] : memref<48x128xi32, #tpu.memory_space<vmem>> -> memref<1x128xi32, #tpu.memory_space<vmem>>
    %dma_start3A_273 = tpu.memref_squeeze %dma_start3A_272 : memref<1x128xi32, #tpu.memory_space<vmem>> -> memref<128xi32, #tpu.memory_space<vmem>>
    %dma_start3A_274 = arith.constant 0 : i32
    %dma_start3A_275 = arith.constant 0 : i32
    %dma_start3A_276 = tpu.memref_slice %arg2[%dma_start3A_274, %dma_start3A_275] : memref<2700864x16xf32, #tpu.memory_space<hbm>> -> memref<2700864x16xf32, #tpu.memory_space<hbm>>
    tpu.enqueue_indirect_dma source(%dma_start3A_276 : memref<2700864x16xf32, #tpu.memory_space<hbm>>) target(%dma_start3A_270 : memref<128x16xf32, #tpu.memory_space<vmem>>) offsets(%dma_start3A_273 : memref<128xi32, #tpu.memory_space<vmem>>) semaphore(%arg11 : memref<!tpu.dma_semaphore, #tpu.memory_space<semaphore_mem>>)
    %dma_start3A_277 = arith.constant 2 : i32
    %dma_start3A_278 = arith.constant 2 : i32
    %dma_start3A_279 = arith.constant 0 : i32
    %dma_start3A_280 = arith.constant 0 : i32
    %dma_start3A_281 = tpu.memref_slice %arg8[%dma_start3A_278, %dma_start3A_279, %dma_start3A_280] : memref<6x128x16xf32, #tpu.memory_space<vmem>> -> memref<1x128x16xf32, #tpu.memory_space<vmem>>
    %dma_start3A_282 = tpu.memref_squeeze %dma_start3A_281 : memref<1x128x16xf32, #tpu.memory_space<vmem>> -> memref<128x16xf32, #tpu.memory_space<vmem>>
    %dma_start3A_283 = arith.constant 0 : i32
    %dma_start3A_284 = tpu.memref_slice %arg6[%dma_start3A_277, %dma_start3A_283] : memref<48x128xi32, #tpu.memory_space<vmem>> -> memref<1x128xi32, #tpu.memory_space<vmem>>
    %dma_start3A_285 = tpu.memref_squeeze %dma_start3A_284 : memref<1x128xi32, #tpu.memory_space<vmem>> -> memref<128xi32, #tpu.memory_space<vmem>>
    %dma_start3A_286 = arith.constant 0 : i32
    %dma_start3A_287 = arith.constant 0 : i32
    %dma_start3A_288 = tpu.memref_slice %arg2[%dma_start3A_286, %dma_start3A_287] : memref<2700864x16xf32, #tpu.memory_space<hbm>> -> memref<2700864x16xf32, #tpu.memory_space<hbm>>
    tpu.enqueue_indirect_dma source(%dma_start3A_288 : memref<2700864x16xf32, #tpu.memory_space<hbm>>) target(%dma_start3A_282 : memref<128x16xf32, #tpu.memory_space<vmem>>) offsets(%dma_start3A_285 : memref<128xi32, #tpu.memory_space<vmem>>) semaphore(%arg12 : memref<!tpu.dma_semaphore, #tpu.memory_space<semaphore_mem>>)
    %dma_start3A_289 = arith.constant 3 : i32
    %dma_start3A_290 = arith.constant 3 : i32
    %dma_start3A_291 = arith.constant 0 : i32
    %dma_start3A_292 = arith.constant 0 : i32
    %dma_start3A_293 = tpu.memref_slice %arg8[%dma_start3A_290, %dma_start3A_291, %dma_start3A_292] : memref<6x128x16xf32, #tpu.memory_space<vmem>> -> memref<1x128x16xf32, #tpu.memory_space<vmem>>
    %dma_start3A_294 = tpu.memref_squeeze %dma_start3A_293 : memref<1x128x16xf32, #tpu.memory_space<vmem>> -> memref<128x16xf32, #tpu.memory_space<vmem>>
    %dma_start3A_295 = arith.constant 0 : i32
    %dma_start3A_296 = tpu.memref_slice %arg6[%dma_start3A_289, %dma_start3A_295] : memref<48x128xi32, #tpu.memory_space<vmem>> -> memref<1x128xi32, #tpu.memory_space<vmem>>
    %dma_start3A_297 = tpu.memref_squeeze %dma_start3A_296 : memref<1x128xi32, #tpu.memory_space<vmem>> -> memref<128xi32, #tpu.memory_space<vmem>>
    %dma_start3A_298 = arith.constant 0 : i32
    %dma_start3A_299 = arith.constant 0 : i32
    %dma_start3A_300 = tpu.memref_slice %arg2[%dma_start3A_298, %dma_start3A_299] : memref<2700864x16xf32, #tpu.memory_space<hbm>> -> memref<2700864x16xf32, #tpu.memory_space<hbm>>
    tpu.enqueue_indirect_dma source(%dma_start3A_300 : memref<2700864x16xf32, #tpu.memory_space<hbm>>) target(%dma_start3A_294 : memref<128x16xf32, #tpu.memory_space<vmem>>) offsets(%dma_start3A_297 : memref<128xi32, #tpu.memory_space<vmem>>) semaphore(%arg13 : memref<!tpu.dma_semaphore, #tpu.memory_space<semaphore_mem>>)
    %dma_start3A_301 = arith.constant 4 : i32
    %dma_start3A_302 = arith.constant 4 : i32
    %dma_start3A_303 = arith.constant 0 : i32
    %dma_start3A_304 = arith.constant 0 : i32
    %dma_start3A_305 = tpu.memref_slice %arg8[%dma_start3A_302, %dma_start3A_303, %dma_start3A_304] : memref<6x128x16xf32, #tpu.memory_space<vmem>> -> memref<1x128x16xf32, #tpu.memory_space<vmem>>
    %dma_start3A_306 = tpu.memref_squeeze %dma_start3A_305 : memref<1x128x16xf32, #tpu.memory_space<vmem>> -> memref<128x16xf32, #tpu.memory_space<vmem>>
    %dma_start3A_307 = arith.constant 0 : i32
    %dma_start3A_308 = tpu.memref_slice %arg6[%dma_start3A_301, %dma_start3A_307] : memref<48x128xi32, #tpu.memory_space<vmem>> -> memref<1x128xi32, #tpu.memory_space<vmem>>
    %dma_start3A_309 = tpu.memref_squeeze %dma_start3A_308 : memref<1x128xi32, #tpu.memory_space<vmem>> -> memref<128xi32, #tpu.memory_space<vmem>>
    %dma_start3A_310 = arith.constant 0 : i32
    %dma_start3A_311 = arith.constant 0 : i32
    %dma_start3A_312 = tpu.memref_slice %arg2[%dma_start3A_310, %dma_start3A_311] : memref<2700864x16xf32, #tpu.memory_space<hbm>> -> memref<2700864x16xf32, #tpu.memory_space<hbm>>
    tpu.enqueue_indirect_dma source(%dma_start3A_312 : memref<2700864x16xf32, #tpu.memory_space<hbm>>) target(%dma_start3A_306 : memref<128x16xf32, #tpu.memory_space<vmem>>) offsets(%dma_start3A_309 : memref<128xi32, #tpu.memory_space<vmem>>) semaphore(%arg14 : memref<!tpu.dma_semaphore, #tpu.memory_space<semaphore_mem>>)
    %scan3A_313 = arith.constant 0 : i32
    %scan3A_314 = arith.constant 0 : i32
    %scan3A_315 = arith.constant 56 : i32
    %scan3A_316 = arith.addi %scan3A_314, %scan3A_315 : i32
    %scan3A_317 = arith.constant 1 : i32
    scf.for %scan3A_332 = %scan3A_314 to %scan3A_316 step %scan3A_317  : i32 {
      %mul3A_333 = arith.constant 6 : i32
      %mul3A_334 = arith.muli %mul3A_333, %scan3A_332 : i32
      %add3A_335 = arith.constant 0 : i32
      %add3A_336 = arith.addi %mul3A_334, %add3A_335 : i32
      %jit3A = arith.constant 24 : i32
      %div3A = arith.divsi %add3A_336, %jit3A : i32
      %sign3A = arith.constant 0 : i32
      %sign3A_337 = arith.cmpi sgt, %add3A_336, %sign3A : i32
      %sign3A_338 = arith.extui %sign3A_337 : i1 to i32
      %sign3A_339 = arith.constant 0 : i32
      %sign3A_340 = arith.cmpi slt, %add3A_336, %sign3A_339 : i32
      %sign3A_341 = arith.extui %sign3A_340 : i1 to i32
      %sign3A_342 = arith.subi %sign3A_338, %sign3A_341 : i32
      %sign3A_343 = arith.constant 0 : i32
      %sign3A_344 = arith.cmpi sgt, %jit3A, %sign3A_343 : i32
      %sign3A_345 = arith.extui %sign3A_344 : i1 to i32
      %sign3A_346 = arith.constant 0 : i32
      %sign3A_347 = arith.cmpi slt, %jit3A, %sign3A_346 : i32
      %sign3A_348 = arith.extui %sign3A_347 : i1 to i32
      %sign3A_349 = arith.subi %sign3A_345, %sign3A_348 : i32
      %ne3A = arith.cmpi ne, %sign3A_342, %sign3A_349 : i32
      %rem3A = arith.remsi %add3A_336, %jit3A : i32
      %ne3A_350 = arith.constant 0 : i32
      %ne3A_351 = arith.cmpi ne, %rem3A, %ne3A_350 : i32
      %and3A = arith.andi %ne3A, %ne3A_351 : i1
      %sub3A = arith.constant 1 : i32
      %sub3A_352 = arith.subi %div3A, %sub3A : i32
      %select_n3A = arith.select %and3A, %sub3A_352, %div3A : i32
      %jit3A_353 = arith.constant 2 : i32
      %eq3A = arith.constant 0 : i32
      %eq3A_354 = arith.cmpi eq, %jit3A_353, %eq3A : i32
      %jit3A_355 = arith.constant 1 : i32
      %select_n3A_356 = arith.select %eq3A_354, %jit3A_355, %jit3A_353 : i32
      %rem3A_357 = arith.remsi %select_n3A, %select_n3A_356 : i32
      %ne3A_358 = arith.constant 0 : i32
      %ne3A_359 = arith.cmpi ne, %rem3A_357, %ne3A_358 : i32
      %lt3A = arith.constant 0 : i32
      %lt3A_360 = arith.cmpi slt, %rem3A_357, %lt3A : i32
      %lt3A_361 = arith.constant 0 : i32
      %lt3A_362 = arith.cmpi slt, %select_n3A_356, %lt3A_361 : i32
      %ne3A_363 = arith.xori %lt3A_360, %lt3A_362 : i1
      %and3A_364 = arith.andi %ne3A_363, %ne3A_359 : i1
      %add3A_365 = arith.addi %rem3A_357, %select_n3A_356 : i32
      %select_n3A_366 = arith.select %and3A_364, %add3A_365, %rem3A_357 : i32
      %jit3A_367 = arith.constant 24 : i32
      %eq3A_368 = arith.constant 0 : i32
      %eq3A_369 = arith.cmpi eq, %jit3A_367, %eq3A_368 : i32
      %jit3A_370 = arith.constant 1 : i32
      %select_n3A_371 = arith.select %eq3A_369, %jit3A_370, %jit3A_367 : i32
      %rem3A_372 = arith.remsi %add3A_336, %select_n3A_371 : i32
      %ne3A_373 = arith.constant 0 : i32
      %ne3A_374 = arith.cmpi ne, %rem3A_372, %ne3A_373 : i32
      %lt3A_375 = arith.constant 0 : i32
      %lt3A_376 = arith.cmpi slt, %rem3A_372, %lt3A_375 : i32
      %lt3A_377 = arith.constant 0 : i32
      %lt3A_378 = arith.cmpi slt, %select_n3A_371, %lt3A_377 : i32
      %ne3A_379 = arith.xori %lt3A_376, %lt3A_378 : i1
      %and3A_380 = arith.andi %ne3A_379, %ne3A_374 : i1
      %add3A_381 = arith.addi %rem3A_372, %select_n3A_371 : i32
      %select_n3A_382 = arith.select %and3A_380, %add3A_381, %rem3A_372 : i32
      %jit3A_383 = arith.constant 48 : i32
      %eq3A_384 = arith.constant 0 : i32
      %eq3A_385 = arith.cmpi eq, %jit3A_383, %eq3A_384 : i32
      %jit3A_386 = arith.constant 1 : i32
      %select_n3A_387 = arith.select %eq3A_385, %jit3A_386, %jit3A_383 : i32
      %rem3A_388 = arith.remsi %add3A_336, %select_n3A_387 : i32
      %ne3A_389 = arith.constant 0 : i32
      %ne3A_390 = arith.cmpi ne, %rem3A_388, %ne3A_389 : i32
      %lt3A_391 = arith.constant 0 : i32
      %lt3A_392 = arith.cmpi slt, %rem3A_388, %lt3A_391 : i32
      %lt3A_393 = arith.constant 0 : i32
      %lt3A_394 = arith.cmpi slt, %select_n3A_387, %lt3A_393 : i32
      %ne3A_395 = arith.xori %lt3A_392, %lt3A_394 : i1
      %and3A_396 = arith.andi %ne3A_395, %ne3A_390 : i1
      %add3A_397 = arith.addi %rem3A_388, %select_n3A_387 : i32
      %select_n3A_398 = arith.select %and3A_396, %add3A_397, %rem3A_388 : i32
      %eq3A_399 = arith.constant 8 : i32
      %eq3A_400 = arith.cmpi eq, %select_n3A_382, %eq3A_399 : i32
      %lt3A_401 = arith.constant 13 : i32
      %lt3A_402 = arith.cmpi slt, %select_n3A, %lt3A_401 : i32
      %and3A_403 = arith.andi %eq3A_400, %lt3A_402 : i1
      %convert_element_type3A = arith.extui %and3A_403 : i1 to i32
      %cond3A = arith.constant 0 : i32
      %cond3A_404 = arith.cmpi ne, %convert_element_type3A, %cond3A : i32
      scf.if %cond3A_404 {
        %add3A_1088 = arith.constant 1 : i32
        %add3A_1089 = arith.addi %select_n3A, %add3A_1088 : i32
        %sub3A_1090 = arith.constant 1 : i32
        %sub3A_1091 = arith.subi %sub3A_1090, %select_n3A_366 : i32
        %mul3A_1092 = arith.constant 24 : i32
        %mul3A_1093 = arith.muli %sub3A_1091, %mul3A_1092 : i32
        %dma_start3A_1094 = arith.constant 0 : i32
        %dma_start3A_1095 = tpu.memref_slice %arg6[%mul3A_1093, %dma_start3A_1094] : memref<48x128xi32, #tpu.memory_space<vmem>> -> memref<24x128xi32, #tpu.memory_space<vmem>>
        %dma_start3A_1096 = arith.constant 0 : i32
        %dma_start3A_1097 = arith.constant 0 : i32
        %dma_start3A_1098 = arith.constant 0 : i32
        %dma_start3A_1099 = tpu.memref_slice %arg3[%add3A, %dma_start3A_1096, %dma_start3A_1097, %dma_start3A_1098] : memref<32x14x24x128xi32, #tpu.memory_space<hbm>> -> memref<1x14x24x128xi32, #tpu.memory_space<hbm>>
        %dma_start3A_1100 = tpu.memref_squeeze %dma_start3A_1099 : memref<1x14x24x128xi32, #tpu.memory_space<hbm>> -> memref<14x24x128xi32, #tpu.memory_space<hbm>>
        %dma_start3A_1101 = arith.constant 0 : i32
        %dma_start3A_1102 = arith.constant 0 : i32
        %dma_start3A_1103 = tpu.memref_slice %dma_start3A_1100[%add3A_1089, %dma_start3A_1101, %dma_start3A_1102] : memref<14x24x128xi32, #tpu.memory_space<hbm>> -> memref<1x24x128xi32, #tpu.memory_space<hbm>>
        %dma_start3A_1104 = tpu.memref_squeeze %dma_start3A_1103 : memref<1x24x128xi32, #tpu.memory_space<hbm>> -> memref<24x128xi32, #tpu.memory_space<hbm>>
        %dma_start3A_1105 = arith.constant 0 : i32
        %dma_start3A_1106 = tpu.memref_slice %arg6[%mul3A_1093, %dma_start3A_1105] : memref<48x128xi32, #tpu.memory_space<vmem>> -> memref<24x128xi32, #tpu.memory_space<vmem>>
        %dma_start3A_1107 = arith.constant 0 : i32
        %dma_start3A_1108 = arith.constant 0 : i32
        %dma_start3A_1109 = arith.constant 0 : i32
        %dma_start3A_1110 = tpu.memref_slice %arg3[%add3A, %dma_start3A_1107, %dma_start3A_1108, %dma_start3A_1109] : memref<32x14x24x128xi32, #tpu.memory_space<hbm>> -> memref<1x14x24x128xi32, #tpu.memory_space<hbm>>
        %dma_start3A_1111 = tpu.memref_squeeze %dma_start3A_1110 : memref<1x14x24x128xi32, #tpu.memory_space<hbm>> -> memref<14x24x128xi32, #tpu.memory_space<hbm>>
        %dma_start3A_1112 = arith.constant 0 : i32
        %dma_start3A_1113 = arith.constant 0 : i32
        %dma_start3A_1114 = tpu.memref_slice %dma_start3A_1111[%add3A_1089, %dma_start3A_1112, %dma_start3A_1113] : memref<14x24x128xi32, #tpu.memory_space<hbm>> -> memref<1x24x128xi32, #tpu.memory_space<hbm>>
        %dma_start3A_1115 = tpu.memref_squeeze %dma_start3A_1114 : memref<1x24x128xi32, #tpu.memory_space<hbm>> -> memref<24x128xi32, #tpu.memory_space<hbm>>
        tpu.enqueue_dma source(%dma_start3A_1115 : memref<24x128xi32, #tpu.memory_space<hbm>>) target(%dma_start3A_1106 : memref<24x128xi32, #tpu.memory_space<vmem>>) target_semaphore(%arg17 : memref<!tpu.dma_semaphore, #tpu.memory_space<semaphore_mem>>)
        %add3A_1116 = arith.constant 1 : i32
        %add3A_1117 = arith.addi %select_n3A, %add3A_1116 : i32
        %sub3A_1118 = arith.constant 1 : i32
        %sub3A_1119 = arith.subi %sub3A_1118, %select_n3A_366 : i32
        %mul3A_1120 = arith.constant 24 : i32
        %mul3A_1121 = arith.muli %sub3A_1119, %mul3A_1120 : i32
        %dma_start3A_1122 = arith.constant 0 : i32
        %dma_start3A_1123 = tpu.memref_slice %arg7[%mul3A_1121, %dma_start3A_1122] : memref<48x128xi32, #tpu.memory_space<vmem>> -> memref<24x128xi32, #tpu.memory_space<vmem>>
        %dma_start3A_1124 = arith.constant 0 : i32
        %dma_start3A_1125 = arith.constant 0 : i32
        %dma_start3A_1126 = arith.constant 0 : i32
        %dma_start3A_1127 = tpu.memref_slice %arg4[%add3A, %dma_start3A_1124, %dma_start3A_1125, %dma_start3A_1126] : memref<32x14x24x128xi32, #tpu.memory_space<hbm>> -> memref<1x14x24x128xi32, #tpu.memory_space<hbm>>
        %dma_start3A_1128 = tpu.memref_squeeze %dma_start3A_1127 : memref<1x14x24x128xi32, #tpu.memory_space<hbm>> -> memref<14x24x128xi32, #tpu.memory_space<hbm>>
        %dma_start3A_1129 = arith.constant 0 : i32
        %dma_start3A_1130 = arith.constant 0 : i32
        %dma_start3A_1131 = tpu.memref_slice %dma_start3A_1128[%add3A_1117, %dma_start3A_1129, %dma_start3A_1130] : memref<14x24x128xi32, #tpu.memory_space<hbm>> -> memref<1x24x128xi32, #tpu.memory_space<hbm>>
        %dma_start3A_1132 = tpu.memref_squeeze %dma_start3A_1131 : memref<1x24x128xi32, #tpu.memory_space<hbm>> -> memref<24x128xi32, #tpu.memory_space<hbm>>
        %dma_start3A_1133 = arith.constant 0 : i32
        %dma_start3A_1134 = tpu.memref_slice %arg7[%mul3A_1121, %dma_start3A_1133] : memref<48x128xi32, #tpu.memory_space<vmem>> -> memref<24x128xi32, #tpu.memory_space<vmem>>
        %dma_start3A_1135 = arith.constant 0 : i32
        %dma_start3A_1136 = arith.constant 0 : i32
        %dma_start3A_1137 = arith.constant 0 : i32
        %dma_start3A_1138 = tpu.memref_slice %arg4[%add3A, %dma_start3A_1135, %dma_start3A_1136, %dma_start3A_1137] : memref<32x14x24x128xi32, #tpu.memory_space<hbm>> -> memref<1x14x24x128xi32, #tpu.memory_space<hbm>>
        %dma_start3A_1139 = tpu.memref_squeeze %dma_start3A_1138 : memref<1x14x24x128xi32, #tpu.memory_space<hbm>> -> memref<14x24x128xi32, #tpu.memory_space<hbm>>
        %dma_start3A_1140 = arith.constant 0 : i32
        %dma_start3A_1141 = arith.constant 0 : i32
        %dma_start3A_1142 = tpu.memref_slice %dma_start3A_1139[%add3A_1117, %dma_start3A_1140, %dma_start3A_1141] : memref<14x24x128xi32, #tpu.memory_space<hbm>> -> memref<1x24x128xi32, #tpu.memory_space<hbm>>
        %dma_start3A_1143 = tpu.memref_squeeze %dma_start3A_1142 : memref<1x24x128xi32, #tpu.memory_space<hbm>> -> memref<24x128xi32, #tpu.memory_space<hbm>>
        tpu.enqueue_dma source(%dma_start3A_1143 : memref<24x128xi32, #tpu.memory_space<hbm>>) target(%dma_start3A_1134 : memref<24x128xi32, #tpu.memory_space<vmem>>) target_semaphore(%arg18 : memref<!tpu.dma_semaphore, #tpu.memory_space<semaphore_mem>>)
      } else {
      }
      %eq3A_405 = arith.constant 19 : i32
      %eq3A_406 = arith.cmpi eq, %select_n3A_382, %eq3A_405 : i32
      %lt3A_407 = arith.constant 13 : i32
      %lt3A_408 = arith.cmpi slt, %select_n3A, %lt3A_407 : i32
      %and3A_409 = arith.andi %eq3A_406, %lt3A_408 : i1
      %convert_element_type3A_410 = arith.extui %and3A_409 : i1 to i32
      %cond3A_411 = arith.constant 0 : i32
      %cond3A_412 = arith.cmpi ne, %convert_element_type3A_410, %cond3A_411 : i32
      scf.if %cond3A_412 {
        %add3A_1088 = arith.constant 1 : i32
        %add3A_1089 = arith.addi %select_n3A, %add3A_1088 : i32
        %sub3A_1090 = arith.constant 1 : i32
        %sub3A_1091 = arith.subi %sub3A_1090, %select_n3A_366 : i32
        %mul3A_1092 = arith.constant 24 : i32
        %mul3A_1093 = arith.muli %sub3A_1091, %mul3A_1092 : i32
        %dma_wait3A_1094 = arith.constant 0 : i32
        %dma_wait3A_1095 = tpu.memref_slice %arg6[%mul3A_1093, %dma_wait3A_1094] : memref<48x128xi32, #tpu.memory_space<vmem>> -> memref<24x128xi32, #tpu.memory_space<vmem>>
        %dma_wait3A_1096 = arith.constant 0 : i32
        %dma_wait3A_1097 = arith.constant 0 : i32
        %dma_wait3A_1098 = arith.constant 0 : i32
        %dma_wait3A_1099 = tpu.memref_slice %arg3[%add3A, %dma_wait3A_1096, %dma_wait3A_1097, %dma_wait3A_1098] : memref<32x14x24x128xi32, #tpu.memory_space<hbm>> -> memref<1x14x24x128xi32, #tpu.memory_space<hbm>>
        %dma_wait3A_1100 = tpu.memref_squeeze %dma_wait3A_1099 : memref<1x14x24x128xi32, #tpu.memory_space<hbm>> -> memref<14x24x128xi32, #tpu.memory_space<hbm>>
        %dma_wait3A_1101 = arith.constant 0 : i32
        %dma_wait3A_1102 = arith.constant 0 : i32
        %dma_wait3A_1103 = tpu.memref_slice %dma_wait3A_1100[%add3A_1089, %dma_wait3A_1101, %dma_wait3A_1102] : memref<14x24x128xi32, #tpu.memory_space<hbm>> -> memref<1x24x128xi32, #tpu.memory_space<hbm>>
        %dma_wait3A_1104 = tpu.memref_squeeze %dma_wait3A_1103 : memref<1x24x128xi32, #tpu.memory_space<hbm>> -> memref<24x128xi32, #tpu.memory_space<hbm>>
        %dma_wait3A_1105 = arith.constant 0 : i32
        %dma_wait3A_1106 = tpu.memref_slice %arg6[%mul3A_1093, %dma_wait3A_1105] : memref<48x128xi32, #tpu.memory_space<vmem>> -> memref<24x128xi32, #tpu.memory_space<vmem>>
        %dma_wait3A_1107 = arith.constant 0 : i32
        %dma_wait3A_1108 = arith.constant 0 : i32
        %dma_wait3A_1109 = arith.constant 0 : i32
        %dma_wait3A_1110 = tpu.memref_slice %arg3[%add3A, %dma_wait3A_1107, %dma_wait3A_1108, %dma_wait3A_1109] : memref<32x14x24x128xi32, #tpu.memory_space<hbm>> -> memref<1x14x24x128xi32, #tpu.memory_space<hbm>>
        %dma_wait3A_1111 = tpu.memref_squeeze %dma_wait3A_1110 : memref<1x14x24x128xi32, #tpu.memory_space<hbm>> -> memref<14x24x128xi32, #tpu.memory_space<hbm>>
        %dma_wait3A_1112 = arith.constant 0 : i32
        %dma_wait3A_1113 = arith.constant 0 : i32
        %dma_wait3A_1114 = tpu.memref_slice %dma_wait3A_1111[%add3A_1089, %dma_wait3A_1112, %dma_wait3A_1113] : memref<14x24x128xi32, #tpu.memory_space<hbm>> -> memref<1x24x128xi32, #tpu.memory_space<hbm>>
        %dma_wait3A_1115 = tpu.memref_squeeze %dma_wait3A_1114 : memref<1x24x128xi32, #tpu.memory_space<hbm>> -> memref<24x128xi32, #tpu.memory_space<hbm>>
        tpu.wait_dma2 semaphore(%arg17 : memref<!tpu.dma_semaphore, #tpu.memory_space<semaphore_mem>>) src(%dma_wait3A_1115 : memref<24x128xi32, #tpu.memory_space<hbm>>) dst(%dma_wait3A_1106 : memref<24x128xi32, #tpu.memory_space<vmem>>)
        %add3A_1116 = arith.constant 1 : i32
        %add3A_1117 = arith.addi %select_n3A, %add3A_1116 : i32
        %sub3A_1118 = arith.constant 1 : i32
        %sub3A_1119 = arith.subi %sub3A_1118, %select_n3A_366 : i32
        %mul3A_1120 = arith.constant 24 : i32
        %mul3A_1121 = arith.muli %sub3A_1119, %mul3A_1120 : i32
        %dma_wait3A_1122 = arith.constant 0 : i32
        %dma_wait3A_1123 = tpu.memref_slice %arg7[%mul3A_1121, %dma_wait3A_1122] : memref<48x128xi32, #tpu.memory_space<vmem>> -> memref<24x128xi32, #tpu.memory_space<vmem>>
        %dma_wait3A_1124 = arith.constant 0 : i32
        %dma_wait3A_1125 = arith.constant 0 : i32
        %dma_wait3A_1126 = arith.constant 0 : i32
        %dma_wait3A_1127 = tpu.memref_slice %arg4[%add3A, %dma_wait3A_1124, %dma_wait3A_1125, %dma_wait3A_1126] : memref<32x14x24x128xi32, #tpu.memory_space<hbm>> -> memref<1x14x24x128xi32, #tpu.memory_space<hbm>>
        %dma_wait3A_1128 = tpu.memref_squeeze %dma_wait3A_1127 : memref<1x14x24x128xi32, #tpu.memory_space<hbm>> -> memref<14x24x128xi32, #tpu.memory_space<hbm>>
        %dma_wait3A_1129 = arith.constant 0 : i32
        %dma_wait3A_1130 = arith.constant 0 : i32
        %dma_wait3A_1131 = tpu.memref_slice %dma_wait3A_1128[%add3A_1117, %dma_wait3A_1129, %dma_wait3A_1130] : memref<14x24x128xi32, #tpu.memory_space<hbm>> -> memref<1x24x128xi32, #tpu.memory_space<hbm>>
        %dma_wait3A_1132 = tpu.memref_squeeze %dma_wait3A_1131 : memref<1x24x128xi32, #tpu.memory_space<hbm>> -> memref<24x128xi32, #tpu.memory_space<hbm>>
        %dma_wait3A_1133 = arith.constant 0 : i32
        %dma_wait3A_1134 = tpu.memref_slice %arg7[%mul3A_1121, %dma_wait3A_1133] : memref<48x128xi32, #tpu.memory_space<vmem>> -> memref<24x128xi32, #tpu.memory_space<vmem>>
        %dma_wait3A_1135 = arith.constant 0 : i32
        %dma_wait3A_1136 = arith.constant 0 : i32
        %dma_wait3A_1137 = arith.constant 0 : i32
        %dma_wait3A_1138 = tpu.memref_slice %arg4[%add3A, %dma_wait3A_1135, %dma_wait3A_1136, %dma_wait3A_1137] : memref<32x14x24x128xi32, #tpu.memory_space<hbm>> -> memref<1x14x24x128xi32, #tpu.memory_space<hbm>>
        %dma_wait3A_1139 = tpu.memref_squeeze %dma_wait3A_1138 : memref<1x14x24x128xi32, #tpu.memory_space<hbm>> -> memref<14x24x128xi32, #tpu.memory_space<hbm>>
        %dma_wait3A_1140 = arith.constant 0 : i32
        %dma_wait3A_1141 = arith.constant 0 : i32
        %dma_wait3A_1142 = tpu.memref_slice %dma_wait3A_1139[%add3A_1117, %dma_wait3A_1140, %dma_wait3A_1141] : memref<14x24x128xi32, #tpu.memory_space<hbm>> -> memref<1x24x128xi32, #tpu.memory_space<hbm>>
        %dma_wait3A_1143 = tpu.memref_squeeze %dma_wait3A_1142 : memref<1x24x128xi32, #tpu.memory_space<hbm>> -> memref<24x128xi32, #tpu.memory_space<hbm>>
        tpu.wait_dma2 semaphore(%arg18 : memref<!tpu.dma_semaphore, #tpu.memory_space<semaphore_mem>>) src(%dma_wait3A_1143 : memref<24x128xi32, #tpu.memory_space<hbm>>) dst(%dma_wait3A_1134 : memref<24x128xi32, #tpu.memory_space<vmem>>)
      } else {
      }
      %dma_wait3A_413 = arith.constant 0 : i32
      %dma_wait3A_414 = arith.constant 0 : i32
      %dma_wait3A_415 = arith.constant 0 : i32
      %dma_wait3A_416 = tpu.memref_slice %arg8[%dma_wait3A_413, %dma_wait3A_414, %dma_wait3A_415] : memref<6x128x16xf32, #tpu.memory_space<vmem>> -> memref<1x128x16xf32, #tpu.memory_space<vmem>>
      %dma_wait3A_417 = tpu.memref_squeeze %dma_wait3A_416 : memref<1x128x16xf32, #tpu.memory_space<vmem>> -> memref<128x16xf32, #tpu.memory_space<vmem>>
      %dma_wait3A_418 = arith.constant 0 : i32
      %dma_wait3A_419 = tpu.memref_slice %arg6[%select_n3A_398, %dma_wait3A_418] : memref<48x128xi32, #tpu.memory_space<vmem>> -> memref<1x128xi32, #tpu.memory_space<vmem>>
      %dma_wait3A_420 = tpu.memref_squeeze %dma_wait3A_419 : memref<1x128xi32, #tpu.memory_space<vmem>> -> memref<128xi32, #tpu.memory_space<vmem>>
      %dma_wait3A_421 = arith.constant 0 : i32
      %dma_wait3A_422 = arith.constant 0 : i32
      %dma_wait3A_423 = tpu.memref_slice %arg2[%dma_wait3A_421, %dma_wait3A_422] : memref<2700864x16xf32, #tpu.memory_space<hbm>> -> memref<2700864x16xf32, #tpu.memory_space<hbm>>
      tpu.wait_indirect_dma semaphore(%arg10 : memref<!tpu.dma_semaphore, #tpu.memory_space<semaphore_mem>>) src(%dma_wait3A_423 : memref<2700864x16xf32, #tpu.memory_space<hbm>>) dst(%dma_wait3A_417 : memref<128x16xf32, #tpu.memory_space<vmem>>)
      %ge3A = arith.constant 1 : i32
      %ge3A_424 = arith.cmpi sge, %add3A_336, %ge3A : i32
      %convert_element_type3A_425 = arith.extui %ge3A_424 : i1 to i32
      %cond3A_426 = arith.constant 0 : i32
      %cond3A_427 = arith.cmpi ne, %convert_element_type3A_425, %cond3A_426 : i32
      scf.if %cond3A_427 {
        %dma_wait3A_1088 = arith.constant 5 : i32
        %dma_wait3A_1089 = arith.constant 0 : i32
        %dma_wait3A_1090 = arith.constant 0 : i32
        %dma_wait3A_1091 = tpu.memref_slice %arg8[%dma_wait3A_1088, %dma_wait3A_1089, %dma_wait3A_1090] : memref<6x128x16xf32, #tpu.memory_space<vmem>> -> memref<1x128x16xf32, #tpu.memory_space<vmem>>
        %dma_wait3A_1092 = tpu.memref_squeeze %dma_wait3A_1091 : memref<1x128x16xf32, #tpu.memory_space<vmem>> -> memref<128x16xf32, #tpu.memory_space<vmem>>
        %dma_wait3A_1093 = arith.constant 0 : i32
        %dma_wait3A_1094 = tpu.memref_slice %arg7[%select_n3A_398, %dma_wait3A_1093] : memref<48x128xi32, #tpu.memory_space<vmem>> -> memref<1x128xi32, #tpu.memory_space<vmem>>
        %dma_wait3A_1095 = tpu.memref_squeeze %dma_wait3A_1094 : memref<1x128xi32, #tpu.memory_space<vmem>> -> memref<128xi32, #tpu.memory_space<vmem>>
        %dma_wait3A_1096 = arith.constant 0 : i32
        %dma_wait3A_1097 = arith.constant 0 : i32
        %dma_wait3A_1098 = tpu.memref_slice %arg9[%dma_wait3A_1096, %dma_wait3A_1097] : memref<100096x16xf32, #tpu.memory_space<vmem_shared>> -> memref<100096x16xf32, #tpu.memory_space<vmem_shared>>
        tpu.wait_indirect_dma semaphore(%arg16 : memref<!tpu.dma_semaphore, #tpu.memory_space<semaphore_mem>>) src(%dma_wait3A_1092 : memref<128x16xf32, #tpu.memory_space<vmem>>) dst(%dma_wait3A_1098 : memref<100096x16xf32, #tpu.memory_space<vmem_shared>>)
      } else {
      }
      %dma_start3A_428 = arith.constant 0 : i32
      %dma_start3A_429 = arith.constant 0 : i32
      %dma_start3A_430 = arith.constant 0 : i32
      %dma_start3A_431 = tpu.memref_slice %arg8[%dma_start3A_428, %dma_start3A_429, %dma_start3A_430] : memref<6x128x16xf32, #tpu.memory_space<vmem>> -> memref<1x128x16xf32, #tpu.memory_space<vmem>>
      %dma_start3A_432 = tpu.memref_squeeze %dma_start3A_431 : memref<1x128x16xf32, #tpu.memory_space<vmem>> -> memref<128x16xf32, #tpu.memory_space<vmem>>
      %dma_start3A_433 = arith.constant 0 : i32
      %dma_start3A_434 = tpu.memref_slice %arg7[%select_n3A_398, %dma_start3A_433] : memref<48x128xi32, #tpu.memory_space<vmem>> -> memref<1x128xi32, #tpu.memory_space<vmem>>
      %dma_start3A_435 = tpu.memref_squeeze %dma_start3A_434 : memref<1x128xi32, #tpu.memory_space<vmem>> -> memref<128xi32, #tpu.memory_space<vmem>>
      %dma_start3A_436 = arith.constant 0 : i32
      %dma_start3A_437 = arith.constant 0 : i32
      %dma_start3A_438 = tpu.memref_slice %arg9[%dma_start3A_436, %dma_start3A_437] : memref<100096x16xf32, #tpu.memory_space<vmem_shared>> -> memref<100096x16xf32, #tpu.memory_space<vmem_shared>>
      tpu.enqueue_indirect_dma source(%dma_start3A_432 : memref<128x16xf32, #tpu.memory_space<vmem>>) target(%dma_start3A_438 : memref<100096x16xf32, #tpu.memory_space<vmem_shared>>) offsets(%dma_start3A_435 : memref<128xi32, #tpu.memory_space<vmem>>) semaphore(%arg16 : memref<!tpu.dma_semaphore, #tpu.memory_space<semaphore_mem>>) {add = true}
      %add3A_439 = arith.constant 6 : i32
      %add3A_440 = arith.addi %add3A_336, %add3A_439 : i32
      %sub3A_441 = arith.constant 1 : i32
      %sub3A_442 = arith.subi %add3A_440, %sub3A_441 : i32
      %lt3A_443 = arith.constant 336 : i32
      %lt3A_444 = arith.cmpi slt, %sub3A_442, %lt3A_443 : i32
      %convert_element_type3A_445 = arith.extui %lt3A_444 : i1 to i32
      %cond3A_446 = arith.constant 0 : i32
      %cond3A_447 = arith.cmpi ne, %convert_element_type3A_445, %cond3A_446 : i32
      scf.if %cond3A_447 {
        %add3A_1088 = arith.constant 6 : i32
        %add3A_1089 = arith.addi %add3A_336, %add3A_1088 : i32
        %sub3A_1090 = arith.constant 1 : i32
        %sub3A_1091 = arith.subi %add3A_1089, %sub3A_1090 : i32
        %jit3A_1092 = arith.constant 48 : i32
        %eq3A_1093 = arith.constant 0 : i32
        %eq3A_1094 = arith.cmpi eq, %jit3A_1092, %eq3A_1093 : i32
        %jit3A_1095 = arith.constant 1 : i32
        %select_n3A_1096 = arith.select %eq3A_1094, %jit3A_1095, %jit3A_1092 : i32
        %rem3A_1097 = arith.remsi %sub3A_1091, %select_n3A_1096 : i32
        %ne3A_1098 = arith.constant 0 : i32
        %ne3A_1099 = arith.cmpi ne, %rem3A_1097, %ne3A_1098 : i32
        %lt3A_1100 = arith.constant 0 : i32
        %lt3A_1101 = arith.cmpi slt, %rem3A_1097, %lt3A_1100 : i32
        %lt3A_1102 = arith.constant 0 : i32
        %lt3A_1103 = arith.cmpi slt, %select_n3A_1096, %lt3A_1102 : i32
        %ne3A_1104 = arith.xori %lt3A_1101, %lt3A_1103 : i1
        %and3A_1105 = arith.andi %ne3A_1104, %ne3A_1099 : i1
        %add3A_1106 = arith.addi %rem3A_1097, %select_n3A_1096 : i32
        %select_n3A_1107 = arith.select %and3A_1105, %add3A_1106, %rem3A_1097 : i32
        %dma_start3A_1108 = arith.constant 5 : i32
        %dma_start3A_1109 = arith.constant 0 : i32
        %dma_start3A_1110 = arith.constant 0 : i32
        %dma_start3A_1111 = tpu.memref_slice %arg8[%dma_start3A_1108, %dma_start3A_1109, %dma_start3A_1110] : memref<6x128x16xf32, #tpu.memory_space<vmem>> -> memref<1x128x16xf32, #tpu.memory_space<vmem>>
        %dma_start3A_1112 = tpu.memref_squeeze %dma_start3A_1111 : memref<1x128x16xf32, #tpu.memory_space<vmem>> -> memref<128x16xf32, #tpu.memory_space<vmem>>
        %dma_start3A_1113 = arith.constant 0 : i32
        %dma_start3A_1114 = tpu.memref_slice %arg6[%select_n3A_1107, %dma_start3A_1113] : memref<48x128xi32, #tpu.memory_space<vmem>> -> memref<1x128xi32, #tpu.memory_space<vmem>>
        %dma_start3A_1115 = tpu.memref_squeeze %dma_start3A_1114 : memref<1x128xi32, #tpu.memory_space<vmem>> -> memref<128xi32, #tpu.memory_space<vmem>>
        %dma_start3A_1116 = arith.constant 0 : i32
        %dma_start3A_1117 = arith.constant 0 : i32
        %dma_start3A_1118 = tpu.memref_slice %arg2[%dma_start3A_1116, %dma_start3A_1117] : memref<2700864x16xf32, #tpu.memory_space<hbm>> -> memref<2700864x16xf32, #tpu.memory_space<hbm>>
        tpu.enqueue_indirect_dma source(%dma_start3A_1118 : memref<2700864x16xf32, #tpu.memory_space<hbm>>) target(%dma_start3A_1112 : memref<128x16xf32, #tpu.memory_space<vmem>>) offsets(%dma_start3A_1115 : memref<128xi32, #tpu.memory_space<vmem>>) semaphore(%arg15 : memref<!tpu.dma_semaphore, #tpu.memory_space<semaphore_mem>>)
      } else {
      }
      %mul3A_448 = arith.constant 6 : i32
      %mul3A_449 = arith.muli %mul3A_448, %scan3A_332 : i32
      %add3A_450 = arith.constant 1 : i32
      %add3A_451 = arith.addi %mul3A_449, %add3A_450 : i32
      %jit3A_452 = arith.constant 24 : i32
      %div3A_453 = arith.divsi %add3A_451, %jit3A_452 : i32
      %sign3A_454 = arith.constant 0 : i32
      %sign3A_455 = arith.cmpi sgt, %add3A_451, %sign3A_454 : i32
      %sign3A_456 = arith.extui %sign3A_455 : i1 to i32
      %sign3A_457 = arith.constant 0 : i32
      %sign3A_458 = arith.cmpi slt, %add3A_451, %sign3A_457 : i32
      %sign3A_459 = arith.extui %sign3A_458 : i1 to i32
      %sign3A_460 = arith.subi %sign3A_456, %sign3A_459 : i32
      %sign3A_461 = arith.constant 0 : i32
      %sign3A_462 = arith.cmpi sgt, %jit3A_452, %sign3A_461 : i32
      %sign3A_463 = arith.extui %sign3A_462 : i1 to i32
      %sign3A_464 = arith.constant 0 : i32
      %sign3A_465 = arith.cmpi slt, %jit3A_452, %sign3A_464 : i32
      %sign3A_466 = arith.extui %sign3A_465 : i1 to i32
      %sign3A_467 = arith.subi %sign3A_463, %sign3A_466 : i32
      %ne3A_468 = arith.cmpi ne, %sign3A_460, %sign3A_467 : i32
      %rem3A_469 = arith.remsi %add3A_451, %jit3A_452 : i32
      %ne3A_470 = arith.constant 0 : i32
      %ne3A_471 = arith.cmpi ne, %rem3A_469, %ne3A_470 : i32
      %and3A_472 = arith.andi %ne3A_468, %ne3A_471 : i1
      %sub3A_473 = arith.constant 1 : i32
      %sub3A_474 = arith.subi %div3A_453, %sub3A_473 : i32
      %select_n3A_475 = arith.select %and3A_472, %sub3A_474, %div3A_453 : i32
      %jit3A_476 = arith.constant 2 : i32
      %eq3A_477 = arith.constant 0 : i32
      %eq3A_478 = arith.cmpi eq, %jit3A_476, %eq3A_477 : i32
      %jit3A_479 = arith.constant 1 : i32
      %select_n3A_480 = arith.select %eq3A_478, %jit3A_479, %jit3A_476 : i32
      %rem3A_481 = arith.remsi %select_n3A_475, %select_n3A_480 : i32
      %ne3A_482 = arith.constant 0 : i32
      %ne3A_483 = arith.cmpi ne, %rem3A_481, %ne3A_482 : i32
      %lt3A_484 = arith.constant 0 : i32
      %lt3A_485 = arith.cmpi slt, %rem3A_481, %lt3A_484 : i32
      %lt3A_486 = arith.constant 0 : i32
      %lt3A_487 = arith.cmpi slt, %select_n3A_480, %lt3A_486 : i32
      %ne3A_488 = arith.xori %lt3A_485, %lt3A_487 : i1
      %and3A_489 = arith.andi %ne3A_488, %ne3A_483 : i1
      %add3A_490 = arith.addi %rem3A_481, %select_n3A_480 : i32
      %select_n3A_491 = arith.select %and3A_489, %add3A_490, %rem3A_481 : i32
      %jit3A_492 = arith.constant 24 : i32
      %eq3A_493 = arith.constant 0 : i32
      %eq3A_494 = arith.cmpi eq, %jit3A_492, %eq3A_493 : i32
      %jit3A_495 = arith.constant 1 : i32
      %select_n3A_496 = arith.select %eq3A_494, %jit3A_495, %jit3A_492 : i32
      %rem3A_497 = arith.remsi %add3A_451, %select_n3A_496 : i32
      %ne3A_498 = arith.constant 0 : i32
      %ne3A_499 = arith.cmpi ne, %rem3A_497, %ne3A_498 : i32
      %lt3A_500 = arith.constant 0 : i32
      %lt3A_501 = arith.cmpi slt, %rem3A_497, %lt3A_500 : i32
      %lt3A_502 = arith.constant 0 : i32
      %lt3A_503 = arith.cmpi slt, %select_n3A_496, %lt3A_502 : i32
      %ne3A_504 = arith.xori %lt3A_501, %lt3A_503 : i1
      %and3A_505 = arith.andi %ne3A_504, %ne3A_499 : i1
      %add3A_506 = arith.addi %rem3A_497, %select_n3A_496 : i32
      %select_n3A_507 = arith.select %and3A_505, %add3A_506, %rem3A_497 : i32
      %jit3A_508 = arith.constant 48 : i32
      %eq3A_509 = arith.constant 0 : i32
      %eq3A_510 = arith.cmpi eq, %jit3A_508, %eq3A_509 : i32
      %jit3A_511 = arith.constant 1 : i32
      %select_n3A_512 = arith.select %eq3A_510, %jit3A_511, %jit3A_508 : i32
      %rem3A_513 = arith.remsi %add3A_451, %select_n3A_512 : i32
      %ne3A_514 = arith.constant 0 : i32
      %ne3A_515 = arith.cmpi ne, %rem3A_513, %ne3A_514 : i32
      %lt3A_516 = arith.constant 0 : i32
      %lt3A_517 = arith.cmpi slt, %rem3A_513, %lt3A_516 : i32
      %lt3A_518 = arith.constant 0 : i32
      %lt3A_519 = arith.cmpi slt, %select_n3A_512, %lt3A_518 : i32
      %ne3A_520 = arith.xori %lt3A_517, %lt3A_519 : i1
      %and3A_521 = arith.andi %ne3A_520, %ne3A_515 : i1
      %add3A_522 = arith.addi %rem3A_513, %select_n3A_512 : i32
      %select_n3A_523 = arith.select %and3A_521, %add3A_522, %rem3A_513 : i32
      %eq3A_524 = arith.constant 8 : i32
      %eq3A_525 = arith.cmpi eq, %select_n3A_507, %eq3A_524 : i32
      %lt3A_526 = arith.constant 13 : i32
      %lt3A_527 = arith.cmpi slt, %select_n3A_475, %lt3A_526 : i32
      %and3A_528 = arith.andi %eq3A_525, %lt3A_527 : i1
      %convert_element_type3A_529 = arith.extui %and3A_528 : i1 to i32
      %cond3A_530 = arith.constant 0 : i32
      %cond3A_531 = arith.cmpi ne, %convert_element_type3A_529, %cond3A_530 : i32
      scf.if %cond3A_531 {
        %add3A_1088 = arith.constant 1 : i32
        %add3A_1089 = arith.addi %select_n3A_475, %add3A_1088 : i32
        %sub3A_1090 = arith.constant 1 : i32
        %sub3A_1091 = arith.subi %sub3A_1090, %select_n3A_491 : i32
        %mul3A_1092 = arith.constant 24 : i32
        %mul3A_1093 = arith.muli %sub3A_1091, %mul3A_1092 : i32
        %dma_start3A_1094 = arith.constant 0 : i32
        %dma_start3A_1095 = tpu.memref_slice %arg6[%mul3A_1093, %dma_start3A_1094] : memref<48x128xi32, #tpu.memory_space<vmem>> -> memref<24x128xi32, #tpu.memory_space<vmem>>
        %dma_start3A_1096 = arith.constant 0 : i32
        %dma_start3A_1097 = arith.constant 0 : i32
        %dma_start3A_1098 = arith.constant 0 : i32
        %dma_start3A_1099 = tpu.memref_slice %arg3[%add3A, %dma_start3A_1096, %dma_start3A_1097, %dma_start3A_1098] : memref<32x14x24x128xi32, #tpu.memory_space<hbm>> -> memref<1x14x24x128xi32, #tpu.memory_space<hbm>>
        %dma_start3A_1100 = tpu.memref_squeeze %dma_start3A_1099 : memref<1x14x24x128xi32, #tpu.memory_space<hbm>> -> memref<14x24x128xi32, #tpu.memory_space<hbm>>
        %dma_start3A_1101 = arith.constant 0 : i32
        %dma_start3A_1102 = arith.constant 0 : i32
        %dma_start3A_1103 = tpu.memref_slice %dma_start3A_1100[%add3A_1089, %dma_start3A_1101, %dma_start3A_1102] : memref<14x24x128xi32, #tpu.memory_space<hbm>> -> memref<1x24x128xi32, #tpu.memory_space<hbm>>
        %dma_start3A_1104 = tpu.memref_squeeze %dma_start3A_1103 : memref<1x24x128xi32, #tpu.memory_space<hbm>> -> memref<24x128xi32, #tpu.memory_space<hbm>>
        %dma_start3A_1105 = arith.constant 0 : i32
        %dma_start3A_1106 = tpu.memref_slice %arg6[%mul3A_1093, %dma_start3A_1105] : memref<48x128xi32, #tpu.memory_space<vmem>> -> memref<24x128xi32, #tpu.memory_space<vmem>>
        %dma_start3A_1107 = arith.constant 0 : i32
        %dma_start3A_1108 = arith.constant 0 : i32
        %dma_start3A_1109 = arith.constant 0 : i32
        %dma_start3A_1110 = tpu.memref_slice %arg3[%add3A, %dma_start3A_1107, %dma_start3A_1108, %dma_start3A_1109] : memref<32x14x24x128xi32, #tpu.memory_space<hbm>> -> memref<1x14x24x128xi32, #tpu.memory_space<hbm>>
        %dma_start3A_1111 = tpu.memref_squeeze %dma_start3A_1110 : memref<1x14x24x128xi32, #tpu.memory_space<hbm>> -> memref<14x24x128xi32, #tpu.memory_space<hbm>>
        %dma_start3A_1112 = arith.constant 0 : i32
        %dma_start3A_1113 = arith.constant 0 : i32
        %dma_start3A_1114 = tpu.memref_slice %dma_start3A_1111[%add3A_1089, %dma_start3A_1112, %dma_start3A_1113] : memref<14x24x128xi32, #tpu.memory_space<hbm>> -> memref<1x24x128xi32, #tpu.memory_space<hbm>>
        %dma_start3A_1115 = tpu.memref_squeeze %dma_start3A_1114 : memref<1x24x128xi32, #tpu.memory_space<hbm>> -> memref<24x128xi32, #tpu.memory_space<hbm>>
        tpu.enqueue_dma source(%dma_start3A_1115 : memref<24x128xi32, #tpu.memory_space<hbm>>) target(%dma_start3A_1106 : memref<24x128xi32, #tpu.memory_space<vmem>>) target_semaphore(%arg17 : memref<!tpu.dma_semaphore, #tpu.memory_space<semaphore_mem>>)
        %add3A_1116 = arith.constant 1 : i32
        %add3A_1117 = arith.addi %select_n3A_475, %add3A_1116 : i32
        %sub3A_1118 = arith.constant 1 : i32
        %sub3A_1119 = arith.subi %sub3A_1118, %select_n3A_491 : i32
        %mul3A_1120 = arith.constant 24 : i32
        %mul3A_1121 = arith.muli %sub3A_1119, %mul3A_1120 : i32
        %dma_start3A_1122 = arith.constant 0 : i32
        %dma_start3A_1123 = tpu.memref_slice %arg7[%mul3A_1121, %dma_start3A_1122] : memref<48x128xi32, #tpu.memory_space<vmem>> -> memref<24x128xi32, #tpu.memory_space<vmem>>
        %dma_start3A_1124 = arith.constant 0 : i32
        %dma_start3A_1125 = arith.constant 0 : i32
        %dma_start3A_1126 = arith.constant 0 : i32
        %dma_start3A_1127 = tpu.memref_slice %arg4[%add3A, %dma_start3A_1124, %dma_start3A_1125, %dma_start3A_1126] : memref<32x14x24x128xi32, #tpu.memory_space<hbm>> -> memref<1x14x24x128xi32, #tpu.memory_space<hbm>>
        %dma_start3A_1128 = tpu.memref_squeeze %dma_start3A_1127 : memref<1x14x24x128xi32, #tpu.memory_space<hbm>> -> memref<14x24x128xi32, #tpu.memory_space<hbm>>
        %dma_start3A_1129 = arith.constant 0 : i32
        %dma_start3A_1130 = arith.constant 0 : i32
        %dma_start3A_1131 = tpu.memref_slice %dma_start3A_1128[%add3A_1117, %dma_start3A_1129, %dma_start3A_1130] : memref<14x24x128xi32, #tpu.memory_space<hbm>> -> memref<1x24x128xi32, #tpu.memory_space<hbm>>
        %dma_start3A_1132 = tpu.memref_squeeze %dma_start3A_1131 : memref<1x24x128xi32, #tpu.memory_space<hbm>> -> memref<24x128xi32, #tpu.memory_space<hbm>>
        %dma_start3A_1133 = arith.constant 0 : i32
        %dma_start3A_1134 = tpu.memref_slice %arg7[%mul3A_1121, %dma_start3A_1133] : memref<48x128xi32, #tpu.memory_space<vmem>> -> memref<24x128xi32, #tpu.memory_space<vmem>>
        %dma_start3A_1135 = arith.constant 0 : i32
        %dma_start3A_1136 = arith.constant 0 : i32
        %dma_start3A_1137 = arith.constant 0 : i32
        %dma_start3A_1138 = tpu.memref_slice %arg4[%add3A, %dma_start3A_1135, %dma_start3A_1136, %dma_start3A_1137] : memref<32x14x24x128xi32, #tpu.memory_space<hbm>> -> memref<1x14x24x128xi32, #tpu.memory_space<hbm>>
        %dma_start3A_1139 = tpu.memref_squeeze %dma_start3A_1138 : memref<1x14x24x128xi32, #tpu.memory_space<hbm>> -> memref<14x24x128xi32, #tpu.memory_space<hbm>>
        %dma_start3A_1140 = arith.constant 0 : i32
        %dma_start3A_1141 = arith.constant 0 : i32
        %dma_start3A_1142 = tpu.memref_slice %dma_start3A_1139[%add3A_1117, %dma_start3A_1140, %dma_start3A_1141] : memref<14x24x128xi32, #tpu.memory_space<hbm>> -> memref<1x24x128xi32, #tpu.memory_space<hbm>>
        %dma_start3A_1143 = tpu.memref_squeeze %dma_start3A_1142 : memref<1x24x128xi32, #tpu.memory_space<hbm>> -> memref<24x128xi32, #tpu.memory_space<hbm>>
        tpu.enqueue_dma source(%dma_start3A_1143 : memref<24x128xi32, #tpu.memory_space<hbm>>) target(%dma_start3A_1134 : memref<24x128xi32, #tpu.memory_space<vmem>>) target_semaphore(%arg18 : memref<!tpu.dma_semaphore, #tpu.memory_space<semaphore_mem>>)
      } else {
      }
      %eq3A_532 = arith.constant 19 : i32
      %eq3A_533 = arith.cmpi eq, %select_n3A_507, %eq3A_532 : i32
      %lt3A_534 = arith.constant 13 : i32
      %lt3A_535 = arith.cmpi slt, %select_n3A_475, %lt3A_534 : i32
      %and3A_536 = arith.andi %eq3A_533, %lt3A_535 : i1
      %convert_element_type3A_537 = arith.extui %and3A_536 : i1 to i32
      %cond3A_538 = arith.constant 0 : i32
      %cond3A_539 = arith.cmpi ne, %convert_element_type3A_537, %cond3A_538 : i32
      scf.if %cond3A_539 {
        %add3A_1088 = arith.constant 1 : i32
        %add3A_1089 = arith.addi %select_n3A_475, %add3A_1088 : i32
        %sub3A_1090 = arith.constant 1 : i32
        %sub3A_1091 = arith.subi %sub3A_1090, %select_n3A_491 : i32
        %mul3A_1092 = arith.constant 24 : i32
        %mul3A_1093 = arith.muli %sub3A_1091, %mul3A_1092 : i32
        %dma_wait3A_1094 = arith.constant 0 : i32
        %dma_wait3A_1095 = tpu.memref_slice %arg6[%mul3A_1093, %dma_wait3A_1094] : memref<48x128xi32, #tpu.memory_space<vmem>> -> memref<24x128xi32, #tpu.memory_space<vmem>>
        %dma_wait3A_1096 = arith.constant 0 : i32
        %dma_wait3A_1097 = arith.constant 0 : i32
        %dma_wait3A_1098 = arith.constant 0 : i32
        %dma_wait3A_1099 = tpu.memref_slice %arg3[%add3A, %dma_wait3A_1096, %dma_wait3A_1097, %dma_wait3A_1098] : memref<32x14x24x128xi32, #tpu.memory_space<hbm>> -> memref<1x14x24x128xi32, #tpu.memory_space<hbm>>
        %dma_wait3A_1100 = tpu.memref_squeeze %dma_wait3A_1099 : memref<1x14x24x128xi32, #tpu.memory_space<hbm>> -> memref<14x24x128xi32, #tpu.memory_space<hbm>>
        %dma_wait3A_1101 = arith.constant 0 : i32
        %dma_wait3A_1102 = arith.constant 0 : i32
        %dma_wait3A_1103 = tpu.memref_slice %dma_wait3A_1100[%add3A_1089, %dma_wait3A_1101, %dma_wait3A_1102] : memref<14x24x128xi32, #tpu.memory_space<hbm>> -> memref<1x24x128xi32, #tpu.memory_space<hbm>>
        %dma_wait3A_1104 = tpu.memref_squeeze %dma_wait3A_1103 : memref<1x24x128xi32, #tpu.memory_space<hbm>> -> memref<24x128xi32, #tpu.memory_space<hbm>>
        %dma_wait3A_1105 = arith.constant 0 : i32
        %dma_wait3A_1106 = tpu.memref_slice %arg6[%mul3A_1093, %dma_wait3A_1105] : memref<48x128xi32, #tpu.memory_space<vmem>> -> memref<24x128xi32, #tpu.memory_space<vmem>>
        %dma_wait3A_1107 = arith.constant 0 : i32
        %dma_wait3A_1108 = arith.constant 0 : i32
        %dma_wait3A_1109 = arith.constant 0 : i32
        %dma_wait3A_1110 = tpu.memref_slice %arg3[%add3A, %dma_wait3A_1107, %dma_wait3A_1108, %dma_wait3A_1109] : memref<32x14x24x128xi32, #tpu.memory_space<hbm>> -> memref<1x14x24x128xi32, #tpu.memory_space<hbm>>
        %dma_wait3A_1111 = tpu.memref_squeeze %dma_wait3A_1110 : memref<1x14x24x128xi32, #tpu.memory_space<hbm>> -> memref<14x24x128xi32, #tpu.memory_space<hbm>>
        %dma_wait3A_1112 = arith.constant 0 : i32
        %dma_wait3A_1113 = arith.constant 0 : i32
        %dma_wait3A_1114 = tpu.memref_slice %dma_wait3A_1111[%add3A_1089, %dma_wait3A_1112, %dma_wait3A_1113] : memref<14x24x128xi32, #tpu.memory_space<hbm>> -> memref<1x24x128xi32, #tpu.memory_space<hbm>>
        %dma_wait3A_1115 = tpu.memref_squeeze %dma_wait3A_1114 : memref<1x24x128xi32, #tpu.memory_space<hbm>> -> memref<24x128xi32, #tpu.memory_space<hbm>>
        tpu.wait_dma2 semaphore(%arg17 : memref<!tpu.dma_semaphore, #tpu.memory_space<semaphore_mem>>) src(%dma_wait3A_1115 : memref<24x128xi32, #tpu.memory_space<hbm>>) dst(%dma_wait3A_1106 : memref<24x128xi32, #tpu.memory_space<vmem>>)
        %add3A_1116 = arith.constant 1 : i32
        %add3A_1117 = arith.addi %select_n3A_475, %add3A_1116 : i32
        %sub3A_1118 = arith.constant 1 : i32
        %sub3A_1119 = arith.subi %sub3A_1118, %select_n3A_491 : i32
        %mul3A_1120 = arith.constant 24 : i32
        %mul3A_1121 = arith.muli %sub3A_1119, %mul3A_1120 : i32
        %dma_wait3A_1122 = arith.constant 0 : i32
        %dma_wait3A_1123 = tpu.memref_slice %arg7[%mul3A_1121, %dma_wait3A_1122] : memref<48x128xi32, #tpu.memory_space<vmem>> -> memref<24x128xi32, #tpu.memory_space<vmem>>
        %dma_wait3A_1124 = arith.constant 0 : i32
        %dma_wait3A_1125 = arith.constant 0 : i32
        %dma_wait3A_1126 = arith.constant 0 : i32
        %dma_wait3A_1127 = tpu.memref_slice %arg4[%add3A, %dma_wait3A_1124, %dma_wait3A_1125, %dma_wait3A_1126] : memref<32x14x24x128xi32, #tpu.memory_space<hbm>> -> memref<1x14x24x128xi32, #tpu.memory_space<hbm>>
        %dma_wait3A_1128 = tpu.memref_squeeze %dma_wait3A_1127 : memref<1x14x24x128xi32, #tpu.memory_space<hbm>> -> memref<14x24x128xi32, #tpu.memory_space<hbm>>
        %dma_wait3A_1129 = arith.constant 0 : i32
        %dma_wait3A_1130 = arith.constant 0 : i32
        %dma_wait3A_1131 = tpu.memref_slice %dma_wait3A_1128[%add3A_1117, %dma_wait3A_1129, %dma_wait3A_1130] : memref<14x24x128xi32, #tpu.memory_space<hbm>> -> memref<1x24x128xi32, #tpu.memory_space<hbm>>
        %dma_wait3A_1132 = tpu.memref_squeeze %dma_wait3A_1131 : memref<1x24x128xi32, #tpu.memory_space<hbm>> -> memref<24x128xi32, #tpu.memory_space<hbm>>
        %dma_wait3A_1133 = arith.constant 0 : i32
        %dma_wait3A_1134 = tpu.memref_slice %arg7[%mul3A_1121, %dma_wait3A_1133] : memref<48x128xi32, #tpu.memory_space<vmem>> -> memref<24x128xi32, #tpu.memory_space<vmem>>
        %dma_wait3A_1135 = arith.constant 0 : i32
        %dma_wait3A_1136 = arith.constant 0 : i32
        %dma_wait3A_1137 = arith.constant 0 : i32
        %dma_wait3A_1138 = tpu.memref_slice %arg4[%add3A, %dma_wait3A_1135, %dma_wait3A_1136, %dma_wait3A_1137] : memref<32x14x24x128xi32, #tpu.memory_space<hbm>> -> memref<1x14x24x128xi32, #tpu.memory_space<hbm>>
        %dma_wait3A_1139 = tpu.memref_squeeze %dma_wait3A_1138 : memref<1x14x24x128xi32, #tpu.memory_space<hbm>> -> memref<14x24x128xi32, #tpu.memory_space<hbm>>
        %dma_wait3A_1140 = arith.constant 0 : i32
        %dma_wait3A_1141 = arith.constant 0 : i32
        %dma_wait3A_1142 = tpu.memref_slice %dma_wait3A_1139[%add3A_1117, %dma_wait3A_1140, %dma_wait3A_1141] : memref<14x24x128xi32, #tpu.memory_space<hbm>> -> memref<1x24x128xi32, #tpu.memory_space<hbm>>
        %dma_wait3A_1143 = tpu.memref_squeeze %dma_wait3A_1142 : memref<1x24x128xi32, #tpu.memory_space<hbm>> -> memref<24x128xi32, #tpu.memory_space<hbm>>
        tpu.wait_dma2 semaphore(%arg18 : memref<!tpu.dma_semaphore, #tpu.memory_space<semaphore_mem>>) src(%dma_wait3A_1143 : memref<24x128xi32, #tpu.memory_space<hbm>>) dst(%dma_wait3A_1134 : memref<24x128xi32, #tpu.memory_space<vmem>>)
      } else {
      }
      %dma_wait3A_540 = arith.constant 1 : i32
      %dma_wait3A_541 = arith.constant 0 : i32
      %dma_wait3A_542 = arith.constant 0 : i32
      %dma_wait3A_543 = tpu.memref_slice %arg8[%dma_wait3A_540, %dma_wait3A_541, %dma_wait3A_542] : memref<6x128x16xf32, #tpu.memory_space<vmem>> -> memref<1x128x16xf32, #tpu.memory_space<vmem>>
      %dma_wait3A_544 = tpu.memref_squeeze %dma_wait3A_543 : memref<1x128x16xf32, #tpu.memory_space<vmem>> -> memref<128x16xf32, #tpu.memory_space<vmem>>
      %dma_wait3A_545 = arith.constant 0 : i32
      %dma_wait3A_546 = tpu.memref_slice %arg6[%select_n3A_523, %dma_wait3A_545] : memref<48x128xi32, #tpu.memory_space<vmem>> -> memref<1x128xi32, #tpu.memory_space<vmem>>
      %dma_wait3A_547 = tpu.memref_squeeze %dma_wait3A_546 : memref<1x128xi32, #tpu.memory_space<vmem>> -> memref<128xi32, #tpu.memory_space<vmem>>
      %dma_wait3A_548 = arith.constant 0 : i32
      %dma_wait3A_549 = arith.constant 0 : i32
      %dma_wait3A_550 = tpu.memref_slice %arg2[%dma_wait3A_548, %dma_wait3A_549] : memref<2700864x16xf32, #tpu.memory_space<hbm>> -> memref<2700864x16xf32, #tpu.memory_space<hbm>>
      tpu.wait_indirect_dma semaphore(%arg11 : memref<!tpu.dma_semaphore, #tpu.memory_space<semaphore_mem>>) src(%dma_wait3A_550 : memref<2700864x16xf32, #tpu.memory_space<hbm>>) dst(%dma_wait3A_544 : memref<128x16xf32, #tpu.memory_space<vmem>>)
      %ge3A_551 = arith.constant 1 : i32
      %ge3A_552 = arith.cmpi sge, %add3A_451, %ge3A_551 : i32
      %convert_element_type3A_553 = arith.extui %ge3A_552 : i1 to i32
      %cond3A_554 = arith.constant 0 : i32
      %cond3A_555 = arith.cmpi ne, %convert_element_type3A_553, %cond3A_554 : i32
      scf.if %cond3A_555 {
        %dma_wait3A_1088 = arith.constant 0 : i32
        %dma_wait3A_1089 = arith.constant 0 : i32
        %dma_wait3A_1090 = arith.constant 0 : i32
        %dma_wait3A_1091 = tpu.memref_slice %arg8[%dma_wait3A_1088, %dma_wait3A_1089, %dma_wait3A_1090] : memref<6x128x16xf32, #tpu.memory_space<vmem>> -> memref<1x128x16xf32, #tpu.memory_space<vmem>>
        %dma_wait3A_1092 = tpu.memref_squeeze %dma_wait3A_1091 : memref<1x128x16xf32, #tpu.memory_space<vmem>> -> memref<128x16xf32, #tpu.memory_space<vmem>>
        %dma_wait3A_1093 = arith.constant 0 : i32
        %dma_wait3A_1094 = tpu.memref_slice %arg7[%select_n3A_523, %dma_wait3A_1093] : memref<48x128xi32, #tpu.memory_space<vmem>> -> memref<1x128xi32, #tpu.memory_space<vmem>>
        %dma_wait3A_1095 = tpu.memref_squeeze %dma_wait3A_1094 : memref<1x128xi32, #tpu.memory_space<vmem>> -> memref<128xi32, #tpu.memory_space<vmem>>
        %dma_wait3A_1096 = arith.constant 0 : i32
        %dma_wait3A_1097 = arith.constant 0 : i32
        %dma_wait3A_1098 = tpu.memref_slice %arg9[%dma_wait3A_1096, %dma_wait3A_1097] : memref<100096x16xf32, #tpu.memory_space<vmem_shared>> -> memref<100096x16xf32, #tpu.memory_space<vmem_shared>>
        tpu.wait_indirect_dma semaphore(%arg16 : memref<!tpu.dma_semaphore, #tpu.memory_space<semaphore_mem>>) src(%dma_wait3A_1092 : memref<128x16xf32, #tpu.memory_space<vmem>>) dst(%dma_wait3A_1098 : memref<100096x16xf32, #tpu.memory_space<vmem_shared>>)
      } else {
      }
      %dma_start3A_556 = arith.constant 1 : i32
      %dma_start3A_557 = arith.constant 0 : i32
      %dma_start3A_558 = arith.constant 0 : i32
      %dma_start3A_559 = tpu.memref_slice %arg8[%dma_start3A_556, %dma_start3A_557, %dma_start3A_558] : memref<6x128x16xf32, #tpu.memory_space<vmem>> -> memref<1x128x16xf32, #tpu.memory_space<vmem>>
      %dma_start3A_560 = tpu.memref_squeeze %dma_start3A_559 : memref<1x128x16xf32, #tpu.memory_space<vmem>> -> memref<128x16xf32, #tpu.memory_space<vmem>>
      %dma_start3A_561 = arith.constant 0 : i32
      %dma_start3A_562 = tpu.memref_slice %arg7[%select_n3A_523, %dma_start3A_561] : memref<48x128xi32, #tpu.memory_space<vmem>> -> memref<1x128xi32, #tpu.memory_space<vmem>>
      %dma_start3A_563 = tpu.memref_squeeze %dma_start3A_562 : memref<1x128xi32, #tpu.memory_space<vmem>> -> memref<128xi32, #tpu.memory_space<vmem>>
      %dma_start3A_564 = arith.constant 0 : i32
      %dma_start3A_565 = arith.constant 0 : i32
      %dma_start3A_566 = tpu.memref_slice %arg9[%dma_start3A_564, %dma_start3A_565] : memref<100096x16xf32, #tpu.memory_space<vmem_shared>> -> memref<100096x16xf32, #tpu.memory_space<vmem_shared>>
      tpu.enqueue_indirect_dma source(%dma_start3A_560 : memref<128x16xf32, #tpu.memory_space<vmem>>) target(%dma_start3A_566 : memref<100096x16xf32, #tpu.memory_space<vmem_shared>>) offsets(%dma_start3A_563 : memref<128xi32, #tpu.memory_space<vmem>>) semaphore(%arg16 : memref<!tpu.dma_semaphore, #tpu.memory_space<semaphore_mem>>) {add = true}
      %add3A_567 = arith.constant 6 : i32
      %add3A_568 = arith.addi %add3A_451, %add3A_567 : i32
      %sub3A_569 = arith.constant 1 : i32
      %sub3A_570 = arith.subi %add3A_568, %sub3A_569 : i32
      %lt3A_571 = arith.constant 336 : i32
      %lt3A_572 = arith.cmpi slt, %sub3A_570, %lt3A_571 : i32
      %convert_element_type3A_573 = arith.extui %lt3A_572 : i1 to i32
      %cond3A_574 = arith.constant 0 : i32
      %cond3A_575 = arith.cmpi ne, %convert_element_type3A_573, %cond3A_574 : i32
      scf.if %cond3A_575 {
        %add3A_1088 = arith.constant 6 : i32
        %add3A_1089 = arith.addi %add3A_451, %add3A_1088 : i32
        %sub3A_1090 = arith.constant 1 : i32
        %sub3A_1091 = arith.subi %add3A_1089, %sub3A_1090 : i32
        %jit3A_1092 = arith.constant 48 : i32
        %eq3A_1093 = arith.constant 0 : i32
        %eq3A_1094 = arith.cmpi eq, %jit3A_1092, %eq3A_1093 : i32
        %jit3A_1095 = arith.constant 1 : i32
        %select_n3A_1096 = arith.select %eq3A_1094, %jit3A_1095, %jit3A_1092 : i32
        %rem3A_1097 = arith.remsi %sub3A_1091, %select_n3A_1096 : i32
        %ne3A_1098 = arith.constant 0 : i32
        %ne3A_1099 = arith.cmpi ne, %rem3A_1097, %ne3A_1098 : i32
        %lt3A_1100 = arith.constant 0 : i32
        %lt3A_1101 = arith.cmpi slt, %rem3A_1097, %lt3A_1100 : i32
        %lt3A_1102 = arith.constant 0 : i32
        %lt3A_1103 = arith.cmpi slt, %select_n3A_1096, %lt3A_1102 : i32
        %ne3A_1104 = arith.xori %lt3A_1101, %lt3A_1103 : i1
        %and3A_1105 = arith.andi %ne3A_1104, %ne3A_1099 : i1
        %add3A_1106 = arith.addi %rem3A_1097, %select_n3A_1096 : i32
        %select_n3A_1107 = arith.select %and3A_1105, %add3A_1106, %rem3A_1097 : i32
        %dma_start3A_1108 = arith.constant 0 : i32
        %dma_start3A_1109 = arith.constant 0 : i32
        %dma_start3A_1110 = arith.constant 0 : i32
        %dma_start3A_1111 = tpu.memref_slice %arg8[%dma_start3A_1108, %dma_start3A_1109, %dma_start3A_1110] : memref<6x128x16xf32, #tpu.memory_space<vmem>> -> memref<1x128x16xf32, #tpu.memory_space<vmem>>
        %dma_start3A_1112 = tpu.memref_squeeze %dma_start3A_1111 : memref<1x128x16xf32, #tpu.memory_space<vmem>> -> memref<128x16xf32, #tpu.memory_space<vmem>>
        %dma_start3A_1113 = arith.constant 0 : i32
        %dma_start3A_1114 = tpu.memref_slice %arg6[%select_n3A_1107, %dma_start3A_1113] : memref<48x128xi32, #tpu.memory_space<vmem>> -> memref<1x128xi32, #tpu.memory_space<vmem>>
        %dma_start3A_1115 = tpu.memref_squeeze %dma_start3A_1114 : memref<1x128xi32, #tpu.memory_space<vmem>> -> memref<128xi32, #tpu.memory_space<vmem>>
        %dma_start3A_1116 = arith.constant 0 : i32
        %dma_start3A_1117 = arith.constant 0 : i32
        %dma_start3A_1118 = tpu.memref_slice %arg2[%dma_start3A_1116, %dma_start3A_1117] : memref<2700864x16xf32, #tpu.memory_space<hbm>> -> memref<2700864x16xf32, #tpu.memory_space<hbm>>
        tpu.enqueue_indirect_dma source(%dma_start3A_1118 : memref<2700864x16xf32, #tpu.memory_space<hbm>>) target(%dma_start3A_1112 : memref<128x16xf32, #tpu.memory_space<vmem>>) offsets(%dma_start3A_1115 : memref<128xi32, #tpu.memory_space<vmem>>) semaphore(%arg10 : memref<!tpu.dma_semaphore, #tpu.memory_space<semaphore_mem>>)
      } else {
      }
      %mul3A_576 = arith.constant 6 : i32
      %mul3A_577 = arith.muli %mul3A_576, %scan3A_332 : i32
      %add3A_578 = arith.constant 2 : i32
      %add3A_579 = arith.addi %mul3A_577, %add3A_578 : i32
      %jit3A_580 = arith.constant 24 : i32
      %div3A_581 = arith.divsi %add3A_579, %jit3A_580 : i32
      %sign3A_582 = arith.constant 0 : i32
      %sign3A_583 = arith.cmpi sgt, %add3A_579, %sign3A_582 : i32
      %sign3A_584 = arith.extui %sign3A_583 : i1 to i32
      %sign3A_585 = arith.constant 0 : i32
      %sign3A_586 = arith.cmpi slt, %add3A_579, %sign3A_585 : i32
      %sign3A_587 = arith.extui %sign3A_586 : i1 to i32
      %sign3A_588 = arith.subi %sign3A_584, %sign3A_587 : i32
      %sign3A_589 = arith.constant 0 : i32
      %sign3A_590 = arith.cmpi sgt, %jit3A_580, %sign3A_589 : i32
      %sign3A_591 = arith.extui %sign3A_590 : i1 to i32
      %sign3A_592 = arith.constant 0 : i32
      %sign3A_593 = arith.cmpi slt, %jit3A_580, %sign3A_592 : i32
      %sign3A_594 = arith.extui %sign3A_593 : i1 to i32
      %sign3A_595 = arith.subi %sign3A_591, %sign3A_594 : i32
      %ne3A_596 = arith.cmpi ne, %sign3A_588, %sign3A_595 : i32
      %rem3A_597 = arith.remsi %add3A_579, %jit3A_580 : i32
      %ne3A_598 = arith.constant 0 : i32
      %ne3A_599 = arith.cmpi ne, %rem3A_597, %ne3A_598 : i32
      %and3A_600 = arith.andi %ne3A_596, %ne3A_599 : i1
      %sub3A_601 = arith.constant 1 : i32
      %sub3A_602 = arith.subi %div3A_581, %sub3A_601 : i32
      %select_n3A_603 = arith.select %and3A_600, %sub3A_602, %div3A_581 : i32
      %jit3A_604 = arith.constant 2 : i32
      %eq3A_605 = arith.constant 0 : i32
      %eq3A_606 = arith.cmpi eq, %jit3A_604, %eq3A_605 : i32
      %jit3A_607 = arith.constant 1 : i32
      %select_n3A_608 = arith.select %eq3A_606, %jit3A_607, %jit3A_604 : i32
      %rem3A_609 = arith.remsi %select_n3A_603, %select_n3A_608 : i32
      %ne3A_610 = arith.constant 0 : i32
      %ne3A_611 = arith.cmpi ne, %rem3A_609, %ne3A_610 : i32
      %lt3A_612 = arith.constant 0 : i32
      %lt3A_613 = arith.cmpi slt, %rem3A_609, %lt3A_612 : i32
      %lt3A_614 = arith.constant 0 : i32
      %lt3A_615 = arith.cmpi slt, %select_n3A_608, %lt3A_614 : i32
      %ne3A_616 = arith.xori %lt3A_613, %lt3A_615 : i1
      %and3A_617 = arith.andi %ne3A_616, %ne3A_611 : i1
      %add3A_618 = arith.addi %rem3A_609, %select_n3A_608 : i32
      %select_n3A_619 = arith.select %and3A_617, %add3A_618, %rem3A_609 : i32
      %jit3A_620 = arith.constant 24 : i32
      %eq3A_621 = arith.constant 0 : i32
      %eq3A_622 = arith.cmpi eq, %jit3A_620, %eq3A_621 : i32
      %jit3A_623 = arith.constant 1 : i32
      %select_n3A_624 = arith.select %eq3A_622, %jit3A_623, %jit3A_620 : i32
      %rem3A_625 = arith.remsi %add3A_579, %select_n3A_624 : i32
      %ne3A_626 = arith.constant 0 : i32
      %ne3A_627 = arith.cmpi ne, %rem3A_625, %ne3A_626 : i32
      %lt3A_628 = arith.constant 0 : i32
      %lt3A_629 = arith.cmpi slt, %rem3A_625, %lt3A_628 : i32
      %lt3A_630 = arith.constant 0 : i32
      %lt3A_631 = arith.cmpi slt, %select_n3A_624, %lt3A_630 : i32
      %ne3A_632 = arith.xori %lt3A_629, %lt3A_631 : i1
      %and3A_633 = arith.andi %ne3A_632, %ne3A_627 : i1
      %add3A_634 = arith.addi %rem3A_625, %select_n3A_624 : i32
      %select_n3A_635 = arith.select %and3A_633, %add3A_634, %rem3A_625 : i32
      %jit3A_636 = arith.constant 48 : i32
      %eq3A_637 = arith.constant 0 : i32
      %eq3A_638 = arith.cmpi eq, %jit3A_636, %eq3A_637 : i32
      %jit3A_639 = arith.constant 1 : i32
      %select_n3A_640 = arith.select %eq3A_638, %jit3A_639, %jit3A_636 : i32
      %rem3A_641 = arith.remsi %add3A_579, %select_n3A_640 : i32
      %ne3A_642 = arith.constant 0 : i32
      %ne3A_643 = arith.cmpi ne, %rem3A_641, %ne3A_642 : i32
      %lt3A_644 = arith.constant 0 : i32
      %lt3A_645 = arith.cmpi slt, %rem3A_641, %lt3A_644 : i32
      %lt3A_646 = arith.constant 0 : i32
      %lt3A_647 = arith.cmpi slt, %select_n3A_640, %lt3A_646 : i32
      %ne3A_648 = arith.xori %lt3A_645, %lt3A_647 : i1
      %and3A_649 = arith.andi %ne3A_648, %ne3A_643 : i1
      %add3A_650 = arith.addi %rem3A_641, %select_n3A_640 : i32
      %select_n3A_651 = arith.select %and3A_649, %add3A_650, %rem3A_641 : i32
      %eq3A_652 = arith.constant 8 : i32
      %eq3A_653 = arith.cmpi eq, %select_n3A_635, %eq3A_652 : i32
      %lt3A_654 = arith.constant 13 : i32
      %lt3A_655 = arith.cmpi slt, %select_n3A_603, %lt3A_654 : i32
      %and3A_656 = arith.andi %eq3A_653, %lt3A_655 : i1
      %convert_element_type3A_657 = arith.extui %and3A_656 : i1 to i32
      %cond3A_658 = arith.constant 0 : i32
      %cond3A_659 = arith.cmpi ne, %convert_element_type3A_657, %cond3A_658 : i32
      scf.if %cond3A_659 {
        %add3A_1088 = arith.constant 1 : i32
        %add3A_1089 = arith.addi %select_n3A_603, %add3A_1088 : i32
        %sub3A_1090 = arith.constant 1 : i32
        %sub3A_1091 = arith.subi %sub3A_1090, %select_n3A_619 : i32
        %mul3A_1092 = arith.constant 24 : i32
        %mul3A_1093 = arith.muli %sub3A_1091, %mul3A_1092 : i32
        %dma_start3A_1094 = arith.constant 0 : i32
        %dma_start3A_1095 = tpu.memref_slice %arg6[%mul3A_1093, %dma_start3A_1094] : memref<48x128xi32, #tpu.memory_space<vmem>> -> memref<24x128xi32, #tpu.memory_space<vmem>>
        %dma_start3A_1096 = arith.constant 0 : i32
        %dma_start3A_1097 = arith.constant 0 : i32
        %dma_start3A_1098 = arith.constant 0 : i32
        %dma_start3A_1099 = tpu.memref_slice %arg3[%add3A, %dma_start3A_1096, %dma_start3A_1097, %dma_start3A_1098] : memref<32x14x24x128xi32, #tpu.memory_space<hbm>> -> memref<1x14x24x128xi32, #tpu.memory_space<hbm>>
        %dma_start3A_1100 = tpu.memref_squeeze %dma_start3A_1099 : memref<1x14x24x128xi32, #tpu.memory_space<hbm>> -> memref<14x24x128xi32, #tpu.memory_space<hbm>>
        %dma_start3A_1101 = arith.constant 0 : i32
        %dma_start3A_1102 = arith.constant 0 : i32
        %dma_start3A_1103 = tpu.memref_slice %dma_start3A_1100[%add3A_1089, %dma_start3A_1101, %dma_start3A_1102] : memref<14x24x128xi32, #tpu.memory_space<hbm>> -> memref<1x24x128xi32, #tpu.memory_space<hbm>>
        %dma_start3A_1104 = tpu.memref_squeeze %dma_start3A_1103 : memref<1x24x128xi32, #tpu.memory_space<hbm>> -> memref<24x128xi32, #tpu.memory_space<hbm>>
        %dma_start3A_1105 = arith.constant 0 : i32
        %dma_start3A_1106 = tpu.memref_slice %arg6[%mul3A_1093, %dma_start3A_1105] : memref<48x128xi32, #tpu.memory_space<vmem>> -> memref<24x128xi32, #tpu.memory_space<vmem>>
        %dma_start3A_1107 = arith.constant 0 : i32
        %dma_start3A_1108 = arith.constant 0 : i32
        %dma_start3A_1109 = arith.constant 0 : i32
        %dma_start3A_1110 = tpu.memref_slice %arg3[%add3A, %dma_start3A_1107, %dma_start3A_1108, %dma_start3A_1109] : memref<32x14x24x128xi32, #tpu.memory_space<hbm>> -> memref<1x14x24x128xi32, #tpu.memory_space<hbm>>
        %dma_start3A_1111 = tpu.memref_squeeze %dma_start3A_1110 : memref<1x14x24x128xi32, #tpu.memory_space<hbm>> -> memref<14x24x128xi32, #tpu.memory_space<hbm>>
        %dma_start3A_1112 = arith.constant 0 : i32
        %dma_start3A_1113 = arith.constant 0 : i32
        %dma_start3A_1114 = tpu.memref_slice %dma_start3A_1111[%add3A_1089, %dma_start3A_1112, %dma_start3A_1113] : memref<14x24x128xi32, #tpu.memory_space<hbm>> -> memref<1x24x128xi32, #tpu.memory_space<hbm>>
        %dma_start3A_1115 = tpu.memref_squeeze %dma_start3A_1114 : memref<1x24x128xi32, #tpu.memory_space<hbm>> -> memref<24x128xi32, #tpu.memory_space<hbm>>
        tpu.enqueue_dma source(%dma_start3A_1115 : memref<24x128xi32, #tpu.memory_space<hbm>>) target(%dma_start3A_1106 : memref<24x128xi32, #tpu.memory_space<vmem>>) target_semaphore(%arg17 : memref<!tpu.dma_semaphore, #tpu.memory_space<semaphore_mem>>)
        %add3A_1116 = arith.constant 1 : i32
        %add3A_1117 = arith.addi %select_n3A_603, %add3A_1116 : i32
        %sub3A_1118 = arith.constant 1 : i32
        %sub3A_1119 = arith.subi %sub3A_1118, %select_n3A_619 : i32
        %mul3A_1120 = arith.constant 24 : i32
        %mul3A_1121 = arith.muli %sub3A_1119, %mul3A_1120 : i32
        %dma_start3A_1122 = arith.constant 0 : i32
        %dma_start3A_1123 = tpu.memref_slice %arg7[%mul3A_1121, %dma_start3A_1122] : memref<48x128xi32, #tpu.memory_space<vmem>> -> memref<24x128xi32, #tpu.memory_space<vmem>>
        %dma_start3A_1124 = arith.constant 0 : i32
        %dma_start3A_1125 = arith.constant 0 : i32
        %dma_start3A_1126 = arith.constant 0 : i32
        %dma_start3A_1127 = tpu.memref_slice %arg4[%add3A, %dma_start3A_1124, %dma_start3A_1125, %dma_start3A_1126] : memref<32x14x24x128xi32, #tpu.memory_space<hbm>> -> memref<1x14x24x128xi32, #tpu.memory_space<hbm>>
        %dma_start3A_1128 = tpu.memref_squeeze %dma_start3A_1127 : memref<1x14x24x128xi32, #tpu.memory_space<hbm>> -> memref<14x24x128xi32, #tpu.memory_space<hbm>>
        %dma_start3A_1129 = arith.constant 0 : i32
        %dma_start3A_1130 = arith.constant 0 : i32
        %dma_start3A_1131 = tpu.memref_slice %dma_start3A_1128[%add3A_1117, %dma_start3A_1129, %dma_start3A_1130] : memref<14x24x128xi32, #tpu.memory_space<hbm>> -> memref<1x24x128xi32, #tpu.memory_space<hbm>>
        %dma_start3A_1132 = tpu.memref_squeeze %dma_start3A_1131 : memref<1x24x128xi32, #tpu.memory_space<hbm>> -> memref<24x128xi32, #tpu.memory_space<hbm>>
        %dma_start3A_1133 = arith.constant 0 : i32
        %dma_start3A_1134 = tpu.memref_slice %arg7[%mul3A_1121, %dma_start3A_1133] : memref<48x128xi32, #tpu.memory_space<vmem>> -> memref<24x128xi32, #tpu.memory_space<vmem>>
        %dma_start3A_1135 = arith.constant 0 : i32
        %dma_start3A_1136 = arith.constant 0 : i32
        %dma_start3A_1137 = arith.constant 0 : i32
        %dma_start3A_1138 = tpu.memref_slice %arg4[%add3A, %dma_start3A_1135, %dma_start3A_1136, %dma_start3A_1137] : memref<32x14x24x128xi32, #tpu.memory_space<hbm>> -> memref<1x14x24x128xi32, #tpu.memory_space<hbm>>
        %dma_start3A_1139 = tpu.memref_squeeze %dma_start3A_1138 : memref<1x14x24x128xi32, #tpu.memory_space<hbm>> -> memref<14x24x128xi32, #tpu.memory_space<hbm>>
        %dma_start3A_1140 = arith.constant 0 : i32
        %dma_start3A_1141 = arith.constant 0 : i32
        %dma_start3A_1142 = tpu.memref_slice %dma_start3A_1139[%add3A_1117, %dma_start3A_1140, %dma_start3A_1141] : memref<14x24x128xi32, #tpu.memory_space<hbm>> -> memref<1x24x128xi32, #tpu.memory_space<hbm>>
        %dma_start3A_1143 = tpu.memref_squeeze %dma_start3A_1142 : memref<1x24x128xi32, #tpu.memory_space<hbm>> -> memref<24x128xi32, #tpu.memory_space<hbm>>
        tpu.enqueue_dma source(%dma_start3A_1143 : memref<24x128xi32, #tpu.memory_space<hbm>>) target(%dma_start3A_1134 : memref<24x128xi32, #tpu.memory_space<vmem>>) target_semaphore(%arg18 : memref<!tpu.dma_semaphore, #tpu.memory_space<semaphore_mem>>)
      } else {
      }
      %eq3A_660 = arith.constant 19 : i32
      %eq3A_661 = arith.cmpi eq, %select_n3A_635, %eq3A_660 : i32
      %lt3A_662 = arith.constant 13 : i32
      %lt3A_663 = arith.cmpi slt, %select_n3A_603, %lt3A_662 : i32
      %and3A_664 = arith.andi %eq3A_661, %lt3A_663 : i1
      %convert_element_type3A_665 = arith.extui %and3A_664 : i1 to i32
      %cond3A_666 = arith.constant 0 : i32
      %cond3A_667 = arith.cmpi ne, %convert_element_type3A_665, %cond3A_666 : i32
      scf.if %cond3A_667 {
        %add3A_1088 = arith.constant 1 : i32
        %add3A_1089 = arith.addi %select_n3A_603, %add3A_1088 : i32
        %sub3A_1090 = arith.constant 1 : i32
        %sub3A_1091 = arith.subi %sub3A_1090, %select_n3A_619 : i32
        %mul3A_1092 = arith.constant 24 : i32
        %mul3A_1093 = arith.muli %sub3A_1091, %mul3A_1092 : i32
        %dma_wait3A_1094 = arith.constant 0 : i32
        %dma_wait3A_1095 = tpu.memref_slice %arg6[%mul3A_1093, %dma_wait3A_1094] : memref<48x128xi32, #tpu.memory_space<vmem>> -> memref<24x128xi32, #tpu.memory_space<vmem>>
        %dma_wait3A_1096 = arith.constant 0 : i32
        %dma_wait3A_1097 = arith.constant 0 : i32
        %dma_wait3A_1098 = arith.constant 0 : i32
        %dma_wait3A_1099 = tpu.memref_slice %arg3[%add3A, %dma_wait3A_1096, %dma_wait3A_1097, %dma_wait3A_1098] : memref<32x14x24x128xi32, #tpu.memory_space<hbm>> -> memref<1x14x24x128xi32, #tpu.memory_space<hbm>>
        %dma_wait3A_1100 = tpu.memref_squeeze %dma_wait3A_1099 : memref<1x14x24x128xi32, #tpu.memory_space<hbm>> -> memref<14x24x128xi32, #tpu.memory_space<hbm>>
        %dma_wait3A_1101 = arith.constant 0 : i32
        %dma_wait3A_1102 = arith.constant 0 : i32
        %dma_wait3A_1103 = tpu.memref_slice %dma_wait3A_1100[%add3A_1089, %dma_wait3A_1101, %dma_wait3A_1102] : memref<14x24x128xi32, #tpu.memory_space<hbm>> -> memref<1x24x128xi32, #tpu.memory_space<hbm>>
        %dma_wait3A_1104 = tpu.memref_squeeze %dma_wait3A_1103 : memref<1x24x128xi32, #tpu.memory_space<hbm>> -> memref<24x128xi32, #tpu.memory_space<hbm>>
        %dma_wait3A_1105 = arith.constant 0 : i32
        %dma_wait3A_1106 = tpu.memref_slice %arg6[%mul3A_1093, %dma_wait3A_1105] : memref<48x128xi32, #tpu.memory_space<vmem>> -> memref<24x128xi32, #tpu.memory_space<vmem>>
        %dma_wait3A_1107 = arith.constant 0 : i32
        %dma_wait3A_1108 = arith.constant 0 : i32
        %dma_wait3A_1109 = arith.constant 0 : i32
        %dma_wait3A_1110 = tpu.memref_slice %arg3[%add3A, %dma_wait3A_1107, %dma_wait3A_1108, %dma_wait3A_1109] : memref<32x14x24x128xi32, #tpu.memory_space<hbm>> -> memref<1x14x24x128xi32, #tpu.memory_space<hbm>>
        %dma_wait3A_1111 = tpu.memref_squeeze %dma_wait3A_1110 : memref<1x14x24x128xi32, #tpu.memory_space<hbm>> -> memref<14x24x128xi32, #tpu.memory_space<hbm>>
        %dma_wait3A_1112 = arith.constant 0 : i32
        %dma_wait3A_1113 = arith.constant 0 : i32
        %dma_wait3A_1114 = tpu.memref_slice %dma_wait3A_1111[%add3A_1089, %dma_wait3A_1112, %dma_wait3A_1113] : memref<14x24x128xi32, #tpu.memory_space<hbm>> -> memref<1x24x128xi32, #tpu.memory_space<hbm>>
        %dma_wait3A_1115 = tpu.memref_squeeze %dma_wait3A_1114 : memref<1x24x128xi32, #tpu.memory_space<hbm>> -> memref<24x128xi32, #tpu.memory_space<hbm>>
        tpu.wait_dma2 semaphore(%arg17 : memref<!tpu.dma_semaphore, #tpu.memory_space<semaphore_mem>>) src(%dma_wait3A_1115 : memref<24x128xi32, #tpu.memory_space<hbm>>) dst(%dma_wait3A_1106 : memref<24x128xi32, #tpu.memory_space<vmem>>)
        %add3A_1116 = arith.constant 1 : i32
        %add3A_1117 = arith.addi %select_n3A_603, %add3A_1116 : i32
        %sub3A_1118 = arith.constant 1 : i32
        %sub3A_1119 = arith.subi %sub3A_1118, %select_n3A_619 : i32
        %mul3A_1120 = arith.constant 24 : i32
        %mul3A_1121 = arith.muli %sub3A_1119, %mul3A_1120 : i32
        %dma_wait3A_1122 = arith.constant 0 : i32
        %dma_wait3A_1123 = tpu.memref_slice %arg7[%mul3A_1121, %dma_wait3A_1122] : memref<48x128xi32, #tpu.memory_space<vmem>> -> memref<24x128xi32, #tpu.memory_space<vmem>>
        %dma_wait3A_1124 = arith.constant 0 : i32
        %dma_wait3A_1125 = arith.constant 0 : i32
        %dma_wait3A_1126 = arith.constant 0 : i32
        %dma_wait3A_1127 = tpu.memref_slice %arg4[%add3A, %dma_wait3A_1124, %dma_wait3A_1125, %dma_wait3A_1126] : memref<32x14x24x128xi32, #tpu.memory_space<hbm>> -> memref<1x14x24x128xi32, #tpu.memory_space<hbm>>
        %dma_wait3A_1128 = tpu.memref_squeeze %dma_wait3A_1127 : memref<1x14x24x128xi32, #tpu.memory_space<hbm>> -> memref<14x24x128xi32, #tpu.memory_space<hbm>>
        %dma_wait3A_1129 = arith.constant 0 : i32
        %dma_wait3A_1130 = arith.constant 0 : i32
        %dma_wait3A_1131 = tpu.memref_slice %dma_wait3A_1128[%add3A_1117, %dma_wait3A_1129, %dma_wait3A_1130] : memref<14x24x128xi32, #tpu.memory_space<hbm>> -> memref<1x24x128xi32, #tpu.memory_space<hbm>>
        %dma_wait3A_1132 = tpu.memref_squeeze %dma_wait3A_1131 : memref<1x24x128xi32, #tpu.memory_space<hbm>> -> memref<24x128xi32, #tpu.memory_space<hbm>>
        %dma_wait3A_1133 = arith.constant 0 : i32
        %dma_wait3A_1134 = tpu.memref_slice %arg7[%mul3A_1121, %dma_wait3A_1133] : memref<48x128xi32, #tpu.memory_space<vmem>> -> memref<24x128xi32, #tpu.memory_space<vmem>>
        %dma_wait3A_1135 = arith.constant 0 : i32
        %dma_wait3A_1136 = arith.constant 0 : i32
        %dma_wait3A_1137 = arith.constant 0 : i32
        %dma_wait3A_1138 = tpu.memref_slice %arg4[%add3A, %dma_wait3A_1135, %dma_wait3A_1136, %dma_wait3A_1137] : memref<32x14x24x128xi32, #tpu.memory_space<hbm>> -> memref<1x14x24x128xi32, #tpu.memory_space<hbm>>
        %dma_wait3A_1139 = tpu.memref_squeeze %dma_wait3A_1138 : memref<1x14x24x128xi32, #tpu.memory_space<hbm>> -> memref<14x24x128xi32, #tpu.memory_space<hbm>>
        %dma_wait3A_1140 = arith.constant 0 : i32
        %dma_wait3A_1141 = arith.constant 0 : i32
        %dma_wait3A_1142 = tpu.memref_slice %dma_wait3A_1139[%add3A_1117, %dma_wait3A_1140, %dma_wait3A_1141] : memref<14x24x128xi32, #tpu.memory_space<hbm>> -> memref<1x24x128xi32, #tpu.memory_space<hbm>>
        %dma_wait3A_1143 = tpu.memref_squeeze %dma_wait3A_1142 : memref<1x24x128xi32, #tpu.memory_space<hbm>> -> memref<24x128xi32, #tpu.memory_space<hbm>>
        tpu.wait_dma2 semaphore(%arg18 : memref<!tpu.dma_semaphore, #tpu.memory_space<semaphore_mem>>) src(%dma_wait3A_1143 : memref<24x128xi32, #tpu.memory_space<hbm>>) dst(%dma_wait3A_1134 : memref<24x128xi32, #tpu.memory_space<vmem>>)
      } else {
      }
      %dma_wait3A_668 = arith.constant 2 : i32
      %dma_wait3A_669 = arith.constant 0 : i32
      %dma_wait3A_670 = arith.constant 0 : i32
      %dma_wait3A_671 = tpu.memref_slice %arg8[%dma_wait3A_668, %dma_wait3A_669, %dma_wait3A_670] : memref<6x128x16xf32, #tpu.memory_space<vmem>> -> memref<1x128x16xf32, #tpu.memory_space<vmem>>
      %dma_wait3A_672 = tpu.memref_squeeze %dma_wait3A_671 : memref<1x128x16xf32, #tpu.memory_space<vmem>> -> memref<128x16xf32, #tpu.memory_space<vmem>>
      %dma_wait3A_673 = arith.constant 0 : i32
      %dma_wait3A_674 = tpu.memref_slice %arg6[%select_n3A_651, %dma_wait3A_673] : memref<48x128xi32, #tpu.memory_space<vmem>> -> memref<1x128xi32, #tpu.memory_space<vmem>>
      %dma_wait3A_675 = tpu.memref_squeeze %dma_wait3A_674 : memref<1x128xi32, #tpu.memory_space<vmem>> -> memref<128xi32, #tpu.memory_space<vmem>>
      %dma_wait3A_676 = arith.constant 0 : i32
      %dma_wait3A_677 = arith.constant 0 : i32
      %dma_wait3A_678 = tpu.memref_slice %arg2[%dma_wait3A_676, %dma_wait3A_677] : memref<2700864x16xf32, #tpu.memory_space<hbm>> -> memref<2700864x16xf32, #tpu.memory_space<hbm>>
      tpu.wait_indirect_dma semaphore(%arg12 : memref<!tpu.dma_semaphore, #tpu.memory_space<semaphore_mem>>) src(%dma_wait3A_678 : memref<2700864x16xf32, #tpu.memory_space<hbm>>) dst(%dma_wait3A_672 : memref<128x16xf32, #tpu.memory_space<vmem>>)
      %ge3A_679 = arith.constant 1 : i32
      %ge3A_680 = arith.cmpi sge, %add3A_579, %ge3A_679 : i32
      %convert_element_type3A_681 = arith.extui %ge3A_680 : i1 to i32
      %cond3A_682 = arith.constant 0 : i32
      %cond3A_683 = arith.cmpi ne, %convert_element_type3A_681, %cond3A_682 : i32
      scf.if %cond3A_683 {
        %dma_wait3A_1088 = arith.constant 1 : i32
        %dma_wait3A_1089 = arith.constant 0 : i32
        %dma_wait3A_1090 = arith.constant 0 : i32
        %dma_wait3A_1091 = tpu.memref_slice %arg8[%dma_wait3A_1088, %dma_wait3A_1089, %dma_wait3A_1090] : memref<6x128x16xf32, #tpu.memory_space<vmem>> -> memref<1x128x16xf32, #tpu.memory_space<vmem>>
        %dma_wait3A_1092 = tpu.memref_squeeze %dma_wait3A_1091 : memref<1x128x16xf32, #tpu.memory_space<vmem>> -> memref<128x16xf32, #tpu.memory_space<vmem>>
        %dma_wait3A_1093 = arith.constant 0 : i32
        %dma_wait3A_1094 = tpu.memref_slice %arg7[%select_n3A_651, %dma_wait3A_1093] : memref<48x128xi32, #tpu.memory_space<vmem>> -> memref<1x128xi32, #tpu.memory_space<vmem>>
        %dma_wait3A_1095 = tpu.memref_squeeze %dma_wait3A_1094 : memref<1x128xi32, #tpu.memory_space<vmem>> -> memref<128xi32, #tpu.memory_space<vmem>>
        %dma_wait3A_1096 = arith.constant 0 : i32
        %dma_wait3A_1097 = arith.constant 0 : i32
        %dma_wait3A_1098 = tpu.memref_slice %arg9[%dma_wait3A_1096, %dma_wait3A_1097] : memref<100096x16xf32, #tpu.memory_space<vmem_shared>> -> memref<100096x16xf32, #tpu.memory_space<vmem_shared>>
        tpu.wait_indirect_dma semaphore(%arg16 : memref<!tpu.dma_semaphore, #tpu.memory_space<semaphore_mem>>) src(%dma_wait3A_1092 : memref<128x16xf32, #tpu.memory_space<vmem>>) dst(%dma_wait3A_1098 : memref<100096x16xf32, #tpu.memory_space<vmem_shared>>)
      } else {
      }
      %dma_start3A_684 = arith.constant 2 : i32
      %dma_start3A_685 = arith.constant 0 : i32
      %dma_start3A_686 = arith.constant 0 : i32
      %dma_start3A_687 = tpu.memref_slice %arg8[%dma_start3A_684, %dma_start3A_685, %dma_start3A_686] : memref<6x128x16xf32, #tpu.memory_space<vmem>> -> memref<1x128x16xf32, #tpu.memory_space<vmem>>
      %dma_start3A_688 = tpu.memref_squeeze %dma_start3A_687 : memref<1x128x16xf32, #tpu.memory_space<vmem>> -> memref<128x16xf32, #tpu.memory_space<vmem>>
      %dma_start3A_689 = arith.constant 0 : i32
      %dma_start3A_690 = tpu.memref_slice %arg7[%select_n3A_651, %dma_start3A_689] : memref<48x128xi32, #tpu.memory_space<vmem>> -> memref<1x128xi32, #tpu.memory_space<vmem>>
      %dma_start3A_691 = tpu.memref_squeeze %dma_start3A_690 : memref<1x128xi32, #tpu.memory_space<vmem>> -> memref<128xi32, #tpu.memory_space<vmem>>
      %dma_start3A_692 = arith.constant 0 : i32
      %dma_start3A_693 = arith.constant 0 : i32
      %dma_start3A_694 = tpu.memref_slice %arg9[%dma_start3A_692, %dma_start3A_693] : memref<100096x16xf32, #tpu.memory_space<vmem_shared>> -> memref<100096x16xf32, #tpu.memory_space<vmem_shared>>
      tpu.enqueue_indirect_dma source(%dma_start3A_688 : memref<128x16xf32, #tpu.memory_space<vmem>>) target(%dma_start3A_694 : memref<100096x16xf32, #tpu.memory_space<vmem_shared>>) offsets(%dma_start3A_691 : memref<128xi32, #tpu.memory_space<vmem>>) semaphore(%arg16 : memref<!tpu.dma_semaphore, #tpu.memory_space<semaphore_mem>>) {add = true}
      %add3A_695 = arith.constant 6 : i32
      %add3A_696 = arith.addi %add3A_579, %add3A_695 : i32
      %sub3A_697 = arith.constant 1 : i32
      %sub3A_698 = arith.subi %add3A_696, %sub3A_697 : i32
      %lt3A_699 = arith.constant 336 : i32
      %lt3A_700 = arith.cmpi slt, %sub3A_698, %lt3A_699 : i32
      %convert_element_type3A_701 = arith.extui %lt3A_700 : i1 to i32
      %cond3A_702 = arith.constant 0 : i32
      %cond3A_703 = arith.cmpi ne, %convert_element_type3A_701, %cond3A_702 : i32
      scf.if %cond3A_703 {
        %add3A_1088 = arith.constant 6 : i32
        %add3A_1089 = arith.addi %add3A_579, %add3A_1088 : i32
        %sub3A_1090 = arith.constant 1 : i32
        %sub3A_1091 = arith.subi %add3A_1089, %sub3A_1090 : i32
        %jit3A_1092 = arith.constant 48 : i32
        %eq3A_1093 = arith.constant 0 : i32
        %eq3A_1094 = arith.cmpi eq, %jit3A_1092, %eq3A_1093 : i32
        %jit3A_1095 = arith.constant 1 : i32
        %select_n3A_1096 = arith.select %eq3A_1094, %jit3A_1095, %jit3A_1092 : i32
        %rem3A_1097 = arith.remsi %sub3A_1091, %select_n3A_1096 : i32
        %ne3A_1098 = arith.constant 0 : i32
        %ne3A_1099 = arith.cmpi ne, %rem3A_1097, %ne3A_1098 : i32
        %lt3A_1100 = arith.constant 0 : i32
        %lt3A_1101 = arith.cmpi slt, %rem3A_1097, %lt3A_1100 : i32
        %lt3A_1102 = arith.constant 0 : i32
        %lt3A_1103 = arith.cmpi slt, %select_n3A_1096, %lt3A_1102 : i32
        %ne3A_1104 = arith.xori %lt3A_1101, %lt3A_1103 : i1
        %and3A_1105 = arith.andi %ne3A_1104, %ne3A_1099 : i1
        %add3A_1106 = arith.addi %rem3A_1097, %select_n3A_1096 : i32
        %select_n3A_1107 = arith.select %and3A_1105, %add3A_1106, %rem3A_1097 : i32
        %dma_start3A_1108 = arith.constant 1 : i32
        %dma_start3A_1109 = arith.constant 0 : i32
        %dma_start3A_1110 = arith.constant 0 : i32
        %dma_start3A_1111 = tpu.memref_slice %arg8[%dma_start3A_1108, %dma_start3A_1109, %dma_start3A_1110] : memref<6x128x16xf32, #tpu.memory_space<vmem>> -> memref<1x128x16xf32, #tpu.memory_space<vmem>>
        %dma_start3A_1112 = tpu.memref_squeeze %dma_start3A_1111 : memref<1x128x16xf32, #tpu.memory_space<vmem>> -> memref<128x16xf32, #tpu.memory_space<vmem>>
        %dma_start3A_1113 = arith.constant 0 : i32
        %dma_start3A_1114 = tpu.memref_slice %arg6[%select_n3A_1107, %dma_start3A_1113] : memref<48x128xi32, #tpu.memory_space<vmem>> -> memref<1x128xi32, #tpu.memory_space<vmem>>
        %dma_start3A_1115 = tpu.memref_squeeze %dma_start3A_1114 : memref<1x128xi32, #tpu.memory_space<vmem>> -> memref<128xi32, #tpu.memory_space<vmem>>
        %dma_start3A_1116 = arith.constant 0 : i32
        %dma_start3A_1117 = arith.constant 0 : i32
        %dma_start3A_1118 = tpu.memref_slice %arg2[%dma_start3A_1116, %dma_start3A_1117] : memref<2700864x16xf32, #tpu.memory_space<hbm>> -> memref<2700864x16xf32, #tpu.memory_space<hbm>>
        tpu.enqueue_indirect_dma source(%dma_start3A_1118 : memref<2700864x16xf32, #tpu.memory_space<hbm>>) target(%dma_start3A_1112 : memref<128x16xf32, #tpu.memory_space<vmem>>) offsets(%dma_start3A_1115 : memref<128xi32, #tpu.memory_space<vmem>>) semaphore(%arg11 : memref<!tpu.dma_semaphore, #tpu.memory_space<semaphore_mem>>)
      } else {
      }
      %mul3A_704 = arith.constant 6 : i32
      %mul3A_705 = arith.muli %mul3A_704, %scan3A_332 : i32
      %add3A_706 = arith.constant 3 : i32
      %add3A_707 = arith.addi %mul3A_705, %add3A_706 : i32
      %jit3A_708 = arith.constant 24 : i32
      %div3A_709 = arith.divsi %add3A_707, %jit3A_708 : i32
      %sign3A_710 = arith.constant 0 : i32
      %sign3A_711 = arith.cmpi sgt, %add3A_707, %sign3A_710 : i32
      %sign3A_712 = arith.extui %sign3A_711 : i1 to i32
      %sign3A_713 = arith.constant 0 : i32
      %sign3A_714 = arith.cmpi slt, %add3A_707, %sign3A_713 : i32
      %sign3A_715 = arith.extui %sign3A_714 : i1 to i32
      %sign3A_716 = arith.subi %sign3A_712, %sign3A_715 : i32
      %sign3A_717 = arith.constant 0 : i32
      %sign3A_718 = arith.cmpi sgt, %jit3A_708, %sign3A_717 : i32
      %sign3A_719 = arith.extui %sign3A_718 : i1 to i32
      %sign3A_720 = arith.constant 0 : i32
      %sign3A_721 = arith.cmpi slt, %jit3A_708, %sign3A_720 : i32
      %sign3A_722 = arith.extui %sign3A_721 : i1 to i32
      %sign3A_723 = arith.subi %sign3A_719, %sign3A_722 : i32
      %ne3A_724 = arith.cmpi ne, %sign3A_716, %sign3A_723 : i32
      %rem3A_725 = arith.remsi %add3A_707, %jit3A_708 : i32
      %ne3A_726 = arith.constant 0 : i32
      %ne3A_727 = arith.cmpi ne, %rem3A_725, %ne3A_726 : i32
      %and3A_728 = arith.andi %ne3A_724, %ne3A_727 : i1
      %sub3A_729 = arith.constant 1 : i32
      %sub3A_730 = arith.subi %div3A_709, %sub3A_729 : i32
      %select_n3A_731 = arith.select %and3A_728, %sub3A_730, %div3A_709 : i32
      %jit3A_732 = arith.constant 2 : i32
      %eq3A_733 = arith.constant 0 : i32
      %eq3A_734 = arith.cmpi eq, %jit3A_732, %eq3A_733 : i32
      %jit3A_735 = arith.constant 1 : i32
      %select_n3A_736 = arith.select %eq3A_734, %jit3A_735, %jit3A_732 : i32
      %rem3A_737 = arith.remsi %select_n3A_731, %select_n3A_736 : i32
      %ne3A_738 = arith.constant 0 : i32
      %ne3A_739 = arith.cmpi ne, %rem3A_737, %ne3A_738 : i32
      %lt3A_740 = arith.constant 0 : i32
      %lt3A_741 = arith.cmpi slt, %rem3A_737, %lt3A_740 : i32
      %lt3A_742 = arith.constant 0 : i32
      %lt3A_743 = arith.cmpi slt, %select_n3A_736, %lt3A_742 : i32
      %ne3A_744 = arith.xori %lt3A_741, %lt3A_743 : i1
      %and3A_745 = arith.andi %ne3A_744, %ne3A_739 : i1
      %add3A_746 = arith.addi %rem3A_737, %select_n3A_736 : i32
      %select_n3A_747 = arith.select %and3A_745, %add3A_746, %rem3A_737 : i32
      %jit3A_748 = arith.constant 24 : i32
      %eq3A_749 = arith.constant 0 : i32
      %eq3A_750 = arith.cmpi eq, %jit3A_748, %eq3A_749 : i32
      %jit3A_751 = arith.constant 1 : i32
      %select_n3A_752 = arith.select %eq3A_750, %jit3A_751, %jit3A_748 : i32
      %rem3A_753 = arith.remsi %add3A_707, %select_n3A_752 : i32
      %ne3A_754 = arith.constant 0 : i32
      %ne3A_755 = arith.cmpi ne, %rem3A_753, %ne3A_754 : i32
      %lt3A_756 = arith.constant 0 : i32
      %lt3A_757 = arith.cmpi slt, %rem3A_753, %lt3A_756 : i32
      %lt3A_758 = arith.constant 0 : i32
      %lt3A_759 = arith.cmpi slt, %select_n3A_752, %lt3A_758 : i32
      %ne3A_760 = arith.xori %lt3A_757, %lt3A_759 : i1
      %and3A_761 = arith.andi %ne3A_760, %ne3A_755 : i1
      %add3A_762 = arith.addi %rem3A_753, %select_n3A_752 : i32
      %select_n3A_763 = arith.select %and3A_761, %add3A_762, %rem3A_753 : i32
      %jit3A_764 = arith.constant 48 : i32
      %eq3A_765 = arith.constant 0 : i32
      %eq3A_766 = arith.cmpi eq, %jit3A_764, %eq3A_765 : i32
      %jit3A_767 = arith.constant 1 : i32
      %select_n3A_768 = arith.select %eq3A_766, %jit3A_767, %jit3A_764 : i32
      %rem3A_769 = arith.remsi %add3A_707, %select_n3A_768 : i32
      %ne3A_770 = arith.constant 0 : i32
      %ne3A_771 = arith.cmpi ne, %rem3A_769, %ne3A_770 : i32
      %lt3A_772 = arith.constant 0 : i32
      %lt3A_773 = arith.cmpi slt, %rem3A_769, %lt3A_772 : i32
      %lt3A_774 = arith.constant 0 : i32
      %lt3A_775 = arith.cmpi slt, %select_n3A_768, %lt3A_774 : i32
      %ne3A_776 = arith.xori %lt3A_773, %lt3A_775 : i1
      %and3A_777 = arith.andi %ne3A_776, %ne3A_771 : i1
      %add3A_778 = arith.addi %rem3A_769, %select_n3A_768 : i32
      %select_n3A_779 = arith.select %and3A_777, %add3A_778, %rem3A_769 : i32
      %eq3A_780 = arith.constant 8 : i32
      %eq3A_781 = arith.cmpi eq, %select_n3A_763, %eq3A_780 : i32
      %lt3A_782 = arith.constant 13 : i32
      %lt3A_783 = arith.cmpi slt, %select_n3A_731, %lt3A_782 : i32
      %and3A_784 = arith.andi %eq3A_781, %lt3A_783 : i1
      %convert_element_type3A_785 = arith.extui %and3A_784 : i1 to i32
      %cond3A_786 = arith.constant 0 : i32
      %cond3A_787 = arith.cmpi ne, %convert_element_type3A_785, %cond3A_786 : i32
      scf.if %cond3A_787 {
        %add3A_1088 = arith.constant 1 : i32
        %add3A_1089 = arith.addi %select_n3A_731, %add3A_1088 : i32
        %sub3A_1090 = arith.constant 1 : i32
        %sub3A_1091 = arith.subi %sub3A_1090, %select_n3A_747 : i32
        %mul3A_1092 = arith.constant 24 : i32
        %mul3A_1093 = arith.muli %sub3A_1091, %mul3A_1092 : i32
        %dma_start3A_1094 = arith.constant 0 : i32
        %dma_start3A_1095 = tpu.memref_slice %arg6[%mul3A_1093, %dma_start3A_1094] : memref<48x128xi32, #tpu.memory_space<vmem>> -> memref<24x128xi32, #tpu.memory_space<vmem>>
        %dma_start3A_1096 = arith.constant 0 : i32
        %dma_start3A_1097 = arith.constant 0 : i32
        %dma_start3A_1098 = arith.constant 0 : i32
        %dma_start3A_1099 = tpu.memref_slice %arg3[%add3A, %dma_start3A_1096, %dma_start3A_1097, %dma_start3A_1098] : memref<32x14x24x128xi32, #tpu.memory_space<hbm>> -> memref<1x14x24x128xi32, #tpu.memory_space<hbm>>
        %dma_start3A_1100 = tpu.memref_squeeze %dma_start3A_1099 : memref<1x14x24x128xi32, #tpu.memory_space<hbm>> -> memref<14x24x128xi32, #tpu.memory_space<hbm>>
        %dma_start3A_1101 = arith.constant 0 : i32
        %dma_start3A_1102 = arith.constant 0 : i32
        %dma_start3A_1103 = tpu.memref_slice %dma_start3A_1100[%add3A_1089, %dma_start3A_1101, %dma_start3A_1102] : memref<14x24x128xi32, #tpu.memory_space<hbm>> -> memref<1x24x128xi32, #tpu.memory_space<hbm>>
        %dma_start3A_1104 = tpu.memref_squeeze %dma_start3A_1103 : memref<1x24x128xi32, #tpu.memory_space<hbm>> -> memref<24x128xi32, #tpu.memory_space<hbm>>
        %dma_start3A_1105 = arith.constant 0 : i32
        %dma_start3A_1106 = tpu.memref_slice %arg6[%mul3A_1093, %dma_start3A_1105] : memref<48x128xi32, #tpu.memory_space<vmem>> -> memref<24x128xi32, #tpu.memory_space<vmem>>
        %dma_start3A_1107 = arith.constant 0 : i32
        %dma_start3A_1108 = arith.constant 0 : i32
        %dma_start3A_1109 = arith.constant 0 : i32
        %dma_start3A_1110 = tpu.memref_slice %arg3[%add3A, %dma_start3A_1107, %dma_start3A_1108, %dma_start3A_1109] : memref<32x14x24x128xi32, #tpu.memory_space<hbm>> -> memref<1x14x24x128xi32, #tpu.memory_space<hbm>>
        %dma_start3A_1111 = tpu.memref_squeeze %dma_start3A_1110 : memref<1x14x24x128xi32, #tpu.memory_space<hbm>> -> memref<14x24x128xi32, #tpu.memory_space<hbm>>
        %dma_start3A_1112 = arith.constant 0 : i32
        %dma_start3A_1113 = arith.constant 0 : i32
        %dma_start3A_1114 = tpu.memref_slice %dma_start3A_1111[%add3A_1089, %dma_start3A_1112, %dma_start3A_1113] : memref<14x24x128xi32, #tpu.memory_space<hbm>> -> memref<1x24x128xi32, #tpu.memory_space<hbm>>
        %dma_start3A_1115 = tpu.memref_squeeze %dma_start3A_1114 : memref<1x24x128xi32, #tpu.memory_space<hbm>> -> memref<24x128xi32, #tpu.memory_space<hbm>>
        tpu.enqueue_dma source(%dma_start3A_1115 : memref<24x128xi32, #tpu.memory_space<hbm>>) target(%dma_start3A_1106 : memref<24x128xi32, #tpu.memory_space<vmem>>) target_semaphore(%arg17 : memref<!tpu.dma_semaphore, #tpu.memory_space<semaphore_mem>>)
        %add3A_1116 = arith.constant 1 : i32
        %add3A_1117 = arith.addi %select_n3A_731, %add3A_1116 : i32
        %sub3A_1118 = arith.constant 1 : i32
        %sub3A_1119 = arith.subi %sub3A_1118, %select_n3A_747 : i32
        %mul3A_1120 = arith.constant 24 : i32
        %mul3A_1121 = arith.muli %sub3A_1119, %mul3A_1120 : i32
        %dma_start3A_1122 = arith.constant 0 : i32
        %dma_start3A_1123 = tpu.memref_slice %arg7[%mul3A_1121, %dma_start3A_1122] : memref<48x128xi32, #tpu.memory_space<vmem>> -> memref<24x128xi32, #tpu.memory_space<vmem>>
        %dma_start3A_1124 = arith.constant 0 : i32
        %dma_start3A_1125 = arith.constant 0 : i32
        %dma_start3A_1126 = arith.constant 0 : i32
        %dma_start3A_1127 = tpu.memref_slice %arg4[%add3A, %dma_start3A_1124, %dma_start3A_1125, %dma_start3A_1126] : memref<32x14x24x128xi32, #tpu.memory_space<hbm>> -> memref<1x14x24x128xi32, #tpu.memory_space<hbm>>
        %dma_start3A_1128 = tpu.memref_squeeze %dma_start3A_1127 : memref<1x14x24x128xi32, #tpu.memory_space<hbm>> -> memref<14x24x128xi32, #tpu.memory_space<hbm>>
        %dma_start3A_1129 = arith.constant 0 : i32
        %dma_start3A_1130 = arith.constant 0 : i32
        %dma_start3A_1131 = tpu.memref_slice %dma_start3A_1128[%add3A_1117, %dma_start3A_1129, %dma_start3A_1130] : memref<14x24x128xi32, #tpu.memory_space<hbm>> -> memref<1x24x128xi32, #tpu.memory_space<hbm>>
        %dma_start3A_1132 = tpu.memref_squeeze %dma_start3A_1131 : memref<1x24x128xi32, #tpu.memory_space<hbm>> -> memref<24x128xi32, #tpu.memory_space<hbm>>
        %dma_start3A_1133 = arith.constant 0 : i32
        %dma_start3A_1134 = tpu.memref_slice %arg7[%mul3A_1121, %dma_start3A_1133] : memref<48x128xi32, #tpu.memory_space<vmem>> -> memref<24x128xi32, #tpu.memory_space<vmem>>
        %dma_start3A_1135 = arith.constant 0 : i32
        %dma_start3A_1136 = arith.constant 0 : i32
        %dma_start3A_1137 = arith.constant 0 : i32
        %dma_start3A_1138 = tpu.memref_slice %arg4[%add3A, %dma_start3A_1135, %dma_start3A_1136, %dma_start3A_1137] : memref<32x14x24x128xi32, #tpu.memory_space<hbm>> -> memref<1x14x24x128xi32, #tpu.memory_space<hbm>>
        %dma_start3A_1139 = tpu.memref_squeeze %dma_start3A_1138 : memref<1x14x24x128xi32, #tpu.memory_space<hbm>> -> memref<14x24x128xi32, #tpu.memory_space<hbm>>
        %dma_start3A_1140 = arith.constant 0 : i32
        %dma_start3A_1141 = arith.constant 0 : i32
        %dma_start3A_1142 = tpu.memref_slice %dma_start3A_1139[%add3A_1117, %dma_start3A_1140, %dma_start3A_1141] : memref<14x24x128xi32, #tpu.memory_space<hbm>> -> memref<1x24x128xi32, #tpu.memory_space<hbm>>
        %dma_start3A_1143 = tpu.memref_squeeze %dma_start3A_1142 : memref<1x24x128xi32, #tpu.memory_space<hbm>> -> memref<24x128xi32, #tpu.memory_space<hbm>>
        tpu.enqueue_dma source(%dma_start3A_1143 : memref<24x128xi32, #tpu.memory_space<hbm>>) target(%dma_start3A_1134 : memref<24x128xi32, #tpu.memory_space<vmem>>) target_semaphore(%arg18 : memref<!tpu.dma_semaphore, #tpu.memory_space<semaphore_mem>>)
      } else {
      }
      %eq3A_788 = arith.constant 19 : i32
      %eq3A_789 = arith.cmpi eq, %select_n3A_763, %eq3A_788 : i32
      %lt3A_790 = arith.constant 13 : i32
      %lt3A_791 = arith.cmpi slt, %select_n3A_731, %lt3A_790 : i32
      %and3A_792 = arith.andi %eq3A_789, %lt3A_791 : i1
      %convert_element_type3A_793 = arith.extui %and3A_792 : i1 to i32
      %cond3A_794 = arith.constant 0 : i32
      %cond3A_795 = arith.cmpi ne, %convert_element_type3A_793, %cond3A_794 : i32
      scf.if %cond3A_795 {
        %add3A_1088 = arith.constant 1 : i32
        %add3A_1089 = arith.addi %select_n3A_731, %add3A_1088 : i32
        %sub3A_1090 = arith.constant 1 : i32
        %sub3A_1091 = arith.subi %sub3A_1090, %select_n3A_747 : i32
        %mul3A_1092 = arith.constant 24 : i32
        %mul3A_1093 = arith.muli %sub3A_1091, %mul3A_1092 : i32
        %dma_wait3A_1094 = arith.constant 0 : i32
        %dma_wait3A_1095 = tpu.memref_slice %arg6[%mul3A_1093, %dma_wait3A_1094] : memref<48x128xi32, #tpu.memory_space<vmem>> -> memref<24x128xi32, #tpu.memory_space<vmem>>
        %dma_wait3A_1096 = arith.constant 0 : i32
        %dma_wait3A_1097 = arith.constant 0 : i32
        %dma_wait3A_1098 = arith.constant 0 : i32
        %dma_wait3A_1099 = tpu.memref_slice %arg3[%add3A, %dma_wait3A_1096, %dma_wait3A_1097, %dma_wait3A_1098] : memref<32x14x24x128xi32, #tpu.memory_space<hbm>> -> memref<1x14x24x128xi32, #tpu.memory_space<hbm>>
        %dma_wait3A_1100 = tpu.memref_squeeze %dma_wait3A_1099 : memref<1x14x24x128xi32, #tpu.memory_space<hbm>> -> memref<14x24x128xi32, #tpu.memory_space<hbm>>
        %dma_wait3A_1101 = arith.constant 0 : i32
        %dma_wait3A_1102 = arith.constant 0 : i32
        %dma_wait3A_1103 = tpu.memref_slice %dma_wait3A_1100[%add3A_1089, %dma_wait3A_1101, %dma_wait3A_1102] : memref<14x24x128xi32, #tpu.memory_space<hbm>> -> memref<1x24x128xi32, #tpu.memory_space<hbm>>
        %dma_wait3A_1104 = tpu.memref_squeeze %dma_wait3A_1103 : memref<1x24x128xi32, #tpu.memory_space<hbm>> -> memref<24x128xi32, #tpu.memory_space<hbm>>
        %dma_wait3A_1105 = arith.constant 0 : i32
        %dma_wait3A_1106 = tpu.memref_slice %arg6[%mul3A_1093, %dma_wait3A_1105] : memref<48x128xi32, #tpu.memory_space<vmem>> -> memref<24x128xi32, #tpu.memory_space<vmem>>
        %dma_wait3A_1107 = arith.constant 0 : i32
        %dma_wait3A_1108 = arith.constant 0 : i32
        %dma_wait3A_1109 = arith.constant 0 : i32
        %dma_wait3A_1110 = tpu.memref_slice %arg3[%add3A, %dma_wait3A_1107, %dma_wait3A_1108, %dma_wait3A_1109] : memref<32x14x24x128xi32, #tpu.memory_space<hbm>> -> memref<1x14x24x128xi32, #tpu.memory_space<hbm>>
        %dma_wait3A_1111 = tpu.memref_squeeze %dma_wait3A_1110 : memref<1x14x24x128xi32, #tpu.memory_space<hbm>> -> memref<14x24x128xi32, #tpu.memory_space<hbm>>
        %dma_wait3A_1112 = arith.constant 0 : i32
        %dma_wait3A_1113 = arith.constant 0 : i32
        %dma_wait3A_1114 = tpu.memref_slice %dma_wait3A_1111[%add3A_1089, %dma_wait3A_1112, %dma_wait3A_1113] : memref<14x24x128xi32, #tpu.memory_space<hbm>> -> memref<1x24x128xi32, #tpu.memory_space<hbm>>
        %dma_wait3A_1115 = tpu.memref_squeeze %dma_wait3A_1114 : memref<1x24x128xi32, #tpu.memory_space<hbm>> -> memref<24x128xi32, #tpu.memory_space<hbm>>
        tpu.wait_dma2 semaphore(%arg17 : memref<!tpu.dma_semaphore, #tpu.memory_space<semaphore_mem>>) src(%dma_wait3A_1115 : memref<24x128xi32, #tpu.memory_space<hbm>>) dst(%dma_wait3A_1106 : memref<24x128xi32, #tpu.memory_space<vmem>>)
        %add3A_1116 = arith.constant 1 : i32
        %add3A_1117 = arith.addi %select_n3A_731, %add3A_1116 : i32
        %sub3A_1118 = arith.constant 1 : i32
        %sub3A_1119 = arith.subi %sub3A_1118, %select_n3A_747 : i32
        %mul3A_1120 = arith.constant 24 : i32
        %mul3A_1121 = arith.muli %sub3A_1119, %mul3A_1120 : i32
        %dma_wait3A_1122 = arith.constant 0 : i32
        %dma_wait3A_1123 = tpu.memref_slice %arg7[%mul3A_1121, %dma_wait3A_1122] : memref<48x128xi32, #tpu.memory_space<vmem>> -> memref<24x128xi32, #tpu.memory_space<vmem>>
        %dma_wait3A_1124 = arith.constant 0 : i32
        %dma_wait3A_1125 = arith.constant 0 : i32
        %dma_wait3A_1126 = arith.constant 0 : i32
        %dma_wait3A_1127 = tpu.memref_slice %arg4[%add3A, %dma_wait3A_1124, %dma_wait3A_1125, %dma_wait3A_1126] : memref<32x14x24x128xi32, #tpu.memory_space<hbm>> -> memref<1x14x24x128xi32, #tpu.memory_space<hbm>>
        %dma_wait3A_1128 = tpu.memref_squeeze %dma_wait3A_1127 : memref<1x14x24x128xi32, #tpu.memory_space<hbm>> -> memref<14x24x128xi32, #tpu.memory_space<hbm>>
        %dma_wait3A_1129 = arith.constant 0 : i32
        %dma_wait3A_1130 = arith.constant 0 : i32
        %dma_wait3A_1131 = tpu.memref_slice %dma_wait3A_1128[%add3A_1117, %dma_wait3A_1129, %dma_wait3A_1130] : memref<14x24x128xi32, #tpu.memory_space<hbm>> -> memref<1x24x128xi32, #tpu.memory_space<hbm>>
        %dma_wait3A_1132 = tpu.memref_squeeze %dma_wait3A_1131 : memref<1x24x128xi32, #tpu.memory_space<hbm>> -> memref<24x128xi32, #tpu.memory_space<hbm>>
        %dma_wait3A_1133 = arith.constant 0 : i32
        %dma_wait3A_1134 = tpu.memref_slice %arg7[%mul3A_1121, %dma_wait3A_1133] : memref<48x128xi32, #tpu.memory_space<vmem>> -> memref<24x128xi32, #tpu.memory_space<vmem>>
        %dma_wait3A_1135 = arith.constant 0 : i32
        %dma_wait3A_1136 = arith.constant 0 : i32
        %dma_wait3A_1137 = arith.constant 0 : i32
        %dma_wait3A_1138 = tpu.memref_slice %arg4[%add3A, %dma_wait3A_1135, %dma_wait3A_1136, %dma_wait3A_1137] : memref<32x14x24x128xi32, #tpu.memory_space<hbm>> -> memref<1x14x24x128xi32, #tpu.memory_space<hbm>>
        %dma_wait3A_1139 = tpu.memref_squeeze %dma_wait3A_1138 : memref<1x14x24x128xi32, #tpu.memory_space<hbm>> -> memref<14x24x128xi32, #tpu.memory_space<hbm>>
        %dma_wait3A_1140 = arith.constant 0 : i32
        %dma_wait3A_1141 = arith.constant 0 : i32
        %dma_wait3A_1142 = tpu.memref_slice %dma_wait3A_1139[%add3A_1117, %dma_wait3A_1140, %dma_wait3A_1141] : memref<14x24x128xi32, #tpu.memory_space<hbm>> -> memref<1x24x128xi32, #tpu.memory_space<hbm>>
        %dma_wait3A_1143 = tpu.memref_squeeze %dma_wait3A_1142 : memref<1x24x128xi32, #tpu.memory_space<hbm>> -> memref<24x128xi32, #tpu.memory_space<hbm>>
        tpu.wait_dma2 semaphore(%arg18 : memref<!tpu.dma_semaphore, #tpu.memory_space<semaphore_mem>>) src(%dma_wait3A_1143 : memref<24x128xi32, #tpu.memory_space<hbm>>) dst(%dma_wait3A_1134 : memref<24x128xi32, #tpu.memory_space<vmem>>)
      } else {
      }
      %dma_wait3A_796 = arith.constant 3 : i32
      %dma_wait3A_797 = arith.constant 0 : i32
      %dma_wait3A_798 = arith.constant 0 : i32
      %dma_wait3A_799 = tpu.memref_slice %arg8[%dma_wait3A_796, %dma_wait3A_797, %dma_wait3A_798] : memref<6x128x16xf32, #tpu.memory_space<vmem>> -> memref<1x128x16xf32, #tpu.memory_space<vmem>>
      %dma_wait3A_800 = tpu.memref_squeeze %dma_wait3A_799 : memref<1x128x16xf32, #tpu.memory_space<vmem>> -> memref<128x16xf32, #tpu.memory_space<vmem>>
      %dma_wait3A_801 = arith.constant 0 : i32
      %dma_wait3A_802 = tpu.memref_slice %arg6[%select_n3A_779, %dma_wait3A_801] : memref<48x128xi32, #tpu.memory_space<vmem>> -> memref<1x128xi32, #tpu.memory_space<vmem>>
      %dma_wait3A_803 = tpu.memref_squeeze %dma_wait3A_802 : memref<1x128xi32, #tpu.memory_space<vmem>> -> memref<128xi32, #tpu.memory_space<vmem>>
      %dma_wait3A_804 = arith.constant 0 : i32
      %dma_wait3A_805 = arith.constant 0 : i32
      %dma_wait3A_806 = tpu.memref_slice %arg2[%dma_wait3A_804, %dma_wait3A_805] : memref<2700864x16xf32, #tpu.memory_space<hbm>> -> memref<2700864x16xf32, #tpu.memory_space<hbm>>
      tpu.wait_indirect_dma semaphore(%arg13 : memref<!tpu.dma_semaphore, #tpu.memory_space<semaphore_mem>>) src(%dma_wait3A_806 : memref<2700864x16xf32, #tpu.memory_space<hbm>>) dst(%dma_wait3A_800 : memref<128x16xf32, #tpu.memory_space<vmem>>)
      %ge3A_807 = arith.constant 1 : i32
      %ge3A_808 = arith.cmpi sge, %add3A_707, %ge3A_807 : i32
      %convert_element_type3A_809 = arith.extui %ge3A_808 : i1 to i32
      %cond3A_810 = arith.constant 0 : i32
      %cond3A_811 = arith.cmpi ne, %convert_element_type3A_809, %cond3A_810 : i32
      scf.if %cond3A_811 {
        %dma_wait3A_1088 = arith.constant 2 : i32
        %dma_wait3A_1089 = arith.constant 0 : i32
        %dma_wait3A_1090 = arith.constant 0 : i32
        %dma_wait3A_1091 = tpu.memref_slice %arg8[%dma_wait3A_1088, %dma_wait3A_1089, %dma_wait3A_1090] : memref<6x128x16xf32, #tpu.memory_space<vmem>> -> memref<1x128x16xf32, #tpu.memory_space<vmem>>
        %dma_wait3A_1092 = tpu.memref_squeeze %dma_wait3A_1091 : memref<1x128x16xf32, #tpu.memory_space<vmem>> -> memref<128x16xf32, #tpu.memory_space<vmem>>
        %dma_wait3A_1093 = arith.constant 0 : i32
        %dma_wait3A_1094 = tpu.memref_slice %arg7[%select_n3A_779, %dma_wait3A_1093] : memref<48x128xi32, #tpu.memory_space<vmem>> -> memref<1x128xi32, #tpu.memory_space<vmem>>
        %dma_wait3A_1095 = tpu.memref_squeeze %dma_wait3A_1094 : memref<1x128xi32, #tpu.memory_space<vmem>> -> memref<128xi32, #tpu.memory_space<vmem>>
        %dma_wait3A_1096 = arith.constant 0 : i32
        %dma_wait3A_1097 = arith.constant 0 : i32
        %dma_wait3A_1098 = tpu.memref_slice %arg9[%dma_wait3A_1096, %dma_wait3A_1097] : memref<100096x16xf32, #tpu.memory_space<vmem_shared>> -> memref<100096x16xf32, #tpu.memory_space<vmem_shared>>
        tpu.wait_indirect_dma semaphore(%arg16 : memref<!tpu.dma_semaphore, #tpu.memory_space<semaphore_mem>>) src(%dma_wait3A_1092 : memref<128x16xf32, #tpu.memory_space<vmem>>) dst(%dma_wait3A_1098 : memref<100096x16xf32, #tpu.memory_space<vmem_shared>>)
      } else {
      }
      %dma_start3A_812 = arith.constant 3 : i32
      %dma_start3A_813 = arith.constant 0 : i32
      %dma_start3A_814 = arith.constant 0 : i32
      %dma_start3A_815 = tpu.memref_slice %arg8[%dma_start3A_812, %dma_start3A_813, %dma_start3A_814] : memref<6x128x16xf32, #tpu.memory_space<vmem>> -> memref<1x128x16xf32, #tpu.memory_space<vmem>>
      %dma_start3A_816 = tpu.memref_squeeze %dma_start3A_815 : memref<1x128x16xf32, #tpu.memory_space<vmem>> -> memref<128x16xf32, #tpu.memory_space<vmem>>
      %dma_start3A_817 = arith.constant 0 : i32
      %dma_start3A_818 = tpu.memref_slice %arg7[%select_n3A_779, %dma_start3A_817] : memref<48x128xi32, #tpu.memory_space<vmem>> -> memref<1x128xi32, #tpu.memory_space<vmem>>
      %dma_start3A_819 = tpu.memref_squeeze %dma_start3A_818 : memref<1x128xi32, #tpu.memory_space<vmem>> -> memref<128xi32, #tpu.memory_space<vmem>>
      %dma_start3A_820 = arith.constant 0 : i32
      %dma_start3A_821 = arith.constant 0 : i32
      %dma_start3A_822 = tpu.memref_slice %arg9[%dma_start3A_820, %dma_start3A_821] : memref<100096x16xf32, #tpu.memory_space<vmem_shared>> -> memref<100096x16xf32, #tpu.memory_space<vmem_shared>>
      tpu.enqueue_indirect_dma source(%dma_start3A_816 : memref<128x16xf32, #tpu.memory_space<vmem>>) target(%dma_start3A_822 : memref<100096x16xf32, #tpu.memory_space<vmem_shared>>) offsets(%dma_start3A_819 : memref<128xi32, #tpu.memory_space<vmem>>) semaphore(%arg16 : memref<!tpu.dma_semaphore, #tpu.memory_space<semaphore_mem>>) {add = true}
      %add3A_823 = arith.constant 6 : i32
      %add3A_824 = arith.addi %add3A_707, %add3A_823 : i32
      %sub3A_825 = arith.constant 1 : i32
      %sub3A_826 = arith.subi %add3A_824, %sub3A_825 : i32
      %lt3A_827 = arith.constant 336 : i32
      %lt3A_828 = arith.cmpi slt, %sub3A_826, %lt3A_827 : i32
      %convert_element_type3A_829 = arith.extui %lt3A_828 : i1 to i32
      %cond3A_830 = arith.constant 0 : i32
      %cond3A_831 = arith.cmpi ne, %convert_element_type3A_829, %cond3A_830 : i32
      scf.if %cond3A_831 {
        %add3A_1088 = arith.constant 6 : i32
        %add3A_1089 = arith.addi %add3A_707, %add3A_1088 : i32
        %sub3A_1090 = arith.constant 1 : i32
        %sub3A_1091 = arith.subi %add3A_1089, %sub3A_1090 : i32
        %jit3A_1092 = arith.constant 48 : i32
        %eq3A_1093 = arith.constant 0 : i32
        %eq3A_1094 = arith.cmpi eq, %jit3A_1092, %eq3A_1093 : i32
        %jit3A_1095 = arith.constant 1 : i32
        %select_n3A_1096 = arith.select %eq3A_1094, %jit3A_1095, %jit3A_1092 : i32
        %rem3A_1097 = arith.remsi %sub3A_1091, %select_n3A_1096 : i32
        %ne3A_1098 = arith.constant 0 : i32
        %ne3A_1099 = arith.cmpi ne, %rem3A_1097, %ne3A_1098 : i32
        %lt3A_1100 = arith.constant 0 : i32
        %lt3A_1101 = arith.cmpi slt, %rem3A_1097, %lt3A_1100 : i32
        %lt3A_1102 = arith.constant 0 : i32
        %lt3A_1103 = arith.cmpi slt, %select_n3A_1096, %lt3A_1102 : i32
        %ne3A_1104 = arith.xori %lt3A_1101, %lt3A_1103 : i1
        %and3A_1105 = arith.andi %ne3A_1104, %ne3A_1099 : i1
        %add3A_1106 = arith.addi %rem3A_1097, %select_n3A_1096 : i32
        %select_n3A_1107 = arith.select %and3A_1105, %add3A_1106, %rem3A_1097 : i32
        %dma_start3A_1108 = arith.constant 2 : i32
        %dma_start3A_1109 = arith.constant 0 : i32
        %dma_start3A_1110 = arith.constant 0 : i32
        %dma_start3A_1111 = tpu.memref_slice %arg8[%dma_start3A_1108, %dma_start3A_1109, %dma_start3A_1110] : memref<6x128x16xf32, #tpu.memory_space<vmem>> -> memref<1x128x16xf32, #tpu.memory_space<vmem>>
        %dma_start3A_1112 = tpu.memref_squeeze %dma_start3A_1111 : memref<1x128x16xf32, #tpu.memory_space<vmem>> -> memref<128x16xf32, #tpu.memory_space<vmem>>
        %dma_start3A_1113 = arith.constant 0 : i32
        %dma_start3A_1114 = tpu.memref_slice %arg6[%select_n3A_1107, %dma_start3A_1113] : memref<48x128xi32, #tpu.memory_space<vmem>> -> memref<1x128xi32, #tpu.memory_space<vmem>>
        %dma_start3A_1115 = tpu.memref_squeeze %dma_start3A_1114 : memref<1x128xi32, #tpu.memory_space<vmem>> -> memref<128xi32, #tpu.memory_space<vmem>>
        %dma_start3A_1116 = arith.constant 0 : i32
        %dma_start3A_1117 = arith.constant 0 : i32
        %dma_start3A_1118 = tpu.memref_slice %arg2[%dma_start3A_1116, %dma_start3A_1117] : memref<2700864x16xf32, #tpu.memory_space<hbm>> -> memref<2700864x16xf32, #tpu.memory_space<hbm>>
        tpu.enqueue_indirect_dma source(%dma_start3A_1118 : memref<2700864x16xf32, #tpu.memory_space<hbm>>) target(%dma_start3A_1112 : memref<128x16xf32, #tpu.memory_space<vmem>>) offsets(%dma_start3A_1115 : memref<128xi32, #tpu.memory_space<vmem>>) semaphore(%arg12 : memref<!tpu.dma_semaphore, #tpu.memory_space<semaphore_mem>>)
      } else {
      }
      %mul3A_832 = arith.constant 6 : i32
      %mul3A_833 = arith.muli %mul3A_832, %scan3A_332 : i32
      %add3A_834 = arith.constant 4 : i32
      %add3A_835 = arith.addi %mul3A_833, %add3A_834 : i32
      %jit3A_836 = arith.constant 24 : i32
      %div3A_837 = arith.divsi %add3A_835, %jit3A_836 : i32
      %sign3A_838 = arith.constant 0 : i32
      %sign3A_839 = arith.cmpi sgt, %add3A_835, %sign3A_838 : i32
      %sign3A_840 = arith.extui %sign3A_839 : i1 to i32
      %sign3A_841 = arith.constant 0 : i32
      %sign3A_842 = arith.cmpi slt, %add3A_835, %sign3A_841 : i32
      %sign3A_843 = arith.extui %sign3A_842 : i1 to i32
      %sign3A_844 = arith.subi %sign3A_840, %sign3A_843 : i32
      %sign3A_845 = arith.constant 0 : i32
      %sign3A_846 = arith.cmpi sgt, %jit3A_836, %sign3A_845 : i32
      %sign3A_847 = arith.extui %sign3A_846 : i1 to i32
      %sign3A_848 = arith.constant 0 : i32
      %sign3A_849 = arith.cmpi slt, %jit3A_836, %sign3A_848 : i32
      %sign3A_850 = arith.extui %sign3A_849 : i1 to i32
      %sign3A_851 = arith.subi %sign3A_847, %sign3A_850 : i32
      %ne3A_852 = arith.cmpi ne, %sign3A_844, %sign3A_851 : i32
      %rem3A_853 = arith.remsi %add3A_835, %jit3A_836 : i32
      %ne3A_854 = arith.constant 0 : i32
      %ne3A_855 = arith.cmpi ne, %rem3A_853, %ne3A_854 : i32
      %and3A_856 = arith.andi %ne3A_852, %ne3A_855 : i1
      %sub3A_857 = arith.constant 1 : i32
      %sub3A_858 = arith.subi %div3A_837, %sub3A_857 : i32
      %select_n3A_859 = arith.select %and3A_856, %sub3A_858, %div3A_837 : i32
      %jit3A_860 = arith.constant 2 : i32
      %eq3A_861 = arith.constant 0 : i32
      %eq3A_862 = arith.cmpi eq, %jit3A_860, %eq3A_861 : i32
      %jit3A_863 = arith.constant 1 : i32
      %select_n3A_864 = arith.select %eq3A_862, %jit3A_863, %jit3A_860 : i32
      %rem3A_865 = arith.remsi %select_n3A_859, %select_n3A_864 : i32
      %ne3A_866 = arith.constant 0 : i32
      %ne3A_867 = arith.cmpi ne, %rem3A_865, %ne3A_866 : i32
      %lt3A_868 = arith.constant 0 : i32
      %lt3A_869 = arith.cmpi slt, %rem3A_865, %lt3A_868 : i32
      %lt3A_870 = arith.constant 0 : i32
      %lt3A_871 = arith.cmpi slt, %select_n3A_864, %lt3A_870 : i32
      %ne3A_872 = arith.xori %lt3A_869, %lt3A_871 : i1
      %and3A_873 = arith.andi %ne3A_872, %ne3A_867 : i1
      %add3A_874 = arith.addi %rem3A_865, %select_n3A_864 : i32
      %select_n3A_875 = arith.select %and3A_873, %add3A_874, %rem3A_865 : i32
      %jit3A_876 = arith.constant 24 : i32
      %eq3A_877 = arith.constant 0 : i32
      %eq3A_878 = arith.cmpi eq, %jit3A_876, %eq3A_877 : i32
      %jit3A_879 = arith.constant 1 : i32
      %select_n3A_880 = arith.select %eq3A_878, %jit3A_879, %jit3A_876 : i32
      %rem3A_881 = arith.remsi %add3A_835, %select_n3A_880 : i32
      %ne3A_882 = arith.constant 0 : i32
      %ne3A_883 = arith.cmpi ne, %rem3A_881, %ne3A_882 : i32
      %lt3A_884 = arith.constant 0 : i32
      %lt3A_885 = arith.cmpi slt, %rem3A_881, %lt3A_884 : i32
      %lt3A_886 = arith.constant 0 : i32
      %lt3A_887 = arith.cmpi slt, %select_n3A_880, %lt3A_886 : i32
      %ne3A_888 = arith.xori %lt3A_885, %lt3A_887 : i1
      %and3A_889 = arith.andi %ne3A_888, %ne3A_883 : i1
      %add3A_890 = arith.addi %rem3A_881, %select_n3A_880 : i32
      %select_n3A_891 = arith.select %and3A_889, %add3A_890, %rem3A_881 : i32
      %jit3A_892 = arith.constant 48 : i32
      %eq3A_893 = arith.constant 0 : i32
      %eq3A_894 = arith.cmpi eq, %jit3A_892, %eq3A_893 : i32
      %jit3A_895 = arith.constant 1 : i32
      %select_n3A_896 = arith.select %eq3A_894, %jit3A_895, %jit3A_892 : i32
      %rem3A_897 = arith.remsi %add3A_835, %select_n3A_896 : i32
      %ne3A_898 = arith.constant 0 : i32
      %ne3A_899 = arith.cmpi ne, %rem3A_897, %ne3A_898 : i32
      %lt3A_900 = arith.constant 0 : i32
      %lt3A_901 = arith.cmpi slt, %rem3A_897, %lt3A_900 : i32
      %lt3A_902 = arith.constant 0 : i32
      %lt3A_903 = arith.cmpi slt, %select_n3A_896, %lt3A_902 : i32
      %ne3A_904 = arith.xori %lt3A_901, %lt3A_903 : i1
      %and3A_905 = arith.andi %ne3A_904, %ne3A_899 : i1
      %add3A_906 = arith.addi %rem3A_897, %select_n3A_896 : i32
      %select_n3A_907 = arith.select %and3A_905, %add3A_906, %rem3A_897 : i32
      %eq3A_908 = arith.constant 8 : i32
      %eq3A_909 = arith.cmpi eq, %select_n3A_891, %eq3A_908 : i32
      %lt3A_910 = arith.constant 13 : i32
      %lt3A_911 = arith.cmpi slt, %select_n3A_859, %lt3A_910 : i32
      %and3A_912 = arith.andi %eq3A_909, %lt3A_911 : i1
      %convert_element_type3A_913 = arith.extui %and3A_912 : i1 to i32
      %cond3A_914 = arith.constant 0 : i32
      %cond3A_915 = arith.cmpi ne, %convert_element_type3A_913, %cond3A_914 : i32
      scf.if %cond3A_915 {
        %add3A_1088 = arith.constant 1 : i32
        %add3A_1089 = arith.addi %select_n3A_859, %add3A_1088 : i32
        %sub3A_1090 = arith.constant 1 : i32
        %sub3A_1091 = arith.subi %sub3A_1090, %select_n3A_875 : i32
        %mul3A_1092 = arith.constant 24 : i32
        %mul3A_1093 = arith.muli %sub3A_1091, %mul3A_1092 : i32
        %dma_start3A_1094 = arith.constant 0 : i32
        %dma_start3A_1095 = tpu.memref_slice %arg6[%mul3A_1093, %dma_start3A_1094] : memref<48x128xi32, #tpu.memory_space<vmem>> -> memref<24x128xi32, #tpu.memory_space<vmem>>
        %dma_start3A_1096 = arith.constant 0 : i32
        %dma_start3A_1097 = arith.constant 0 : i32
        %dma_start3A_1098 = arith.constant 0 : i32
        %dma_start3A_1099 = tpu.memref_slice %arg3[%add3A, %dma_start3A_1096, %dma_start3A_1097, %dma_start3A_1098] : memref<32x14x24x128xi32, #tpu.memory_space<hbm>> -> memref<1x14x24x128xi32, #tpu.memory_space<hbm>>
        %dma_start3A_1100 = tpu.memref_squeeze %dma_start3A_1099 : memref<1x14x24x128xi32, #tpu.memory_space<hbm>> -> memref<14x24x128xi32, #tpu.memory_space<hbm>>
        %dma_start3A_1101 = arith.constant 0 : i32
        %dma_start3A_1102 = arith.constant 0 : i32
        %dma_start3A_1103 = tpu.memref_slice %dma_start3A_1100[%add3A_1089, %dma_start3A_1101, %dma_start3A_1102] : memref<14x24x128xi32, #tpu.memory_space<hbm>> -> memref<1x24x128xi32, #tpu.memory_space<hbm>>
        %dma_start3A_1104 = tpu.memref_squeeze %dma_start3A_1103 : memref<1x24x128xi32, #tpu.memory_space<hbm>> -> memref<24x128xi32, #tpu.memory_space<hbm>>
        %dma_start3A_1105 = arith.constant 0 : i32
        %dma_start3A_1106 = tpu.memref_slice %arg6[%mul3A_1093, %dma_start3A_1105] : memref<48x128xi32, #tpu.memory_space<vmem>> -> memref<24x128xi32, #tpu.memory_space<vmem>>
        %dma_start3A_1107 = arith.constant 0 : i32
        %dma_start3A_1108 = arith.constant 0 : i32
        %dma_start3A_1109 = arith.constant 0 : i32
        %dma_start3A_1110 = tpu.memref_slice %arg3[%add3A, %dma_start3A_1107, %dma_start3A_1108, %dma_start3A_1109] : memref<32x14x24x128xi32, #tpu.memory_space<hbm>> -> memref<1x14x24x128xi32, #tpu.memory_space<hbm>>
        %dma_start3A_1111 = tpu.memref_squeeze %dma_start3A_1110 : memref<1x14x24x128xi32, #tpu.memory_space<hbm>> -> memref<14x24x128xi32, #tpu.memory_space<hbm>>
        %dma_start3A_1112 = arith.constant 0 : i32
        %dma_start3A_1113 = arith.constant 0 : i32
        %dma_start3A_1114 = tpu.memref_slice %dma_start3A_1111[%add3A_1089, %dma_start3A_1112, %dma_start3A_1113] : memref<14x24x128xi32, #tpu.memory_space<hbm>> -> memref<1x24x128xi32, #tpu.memory_space<hbm>>
        %dma_start3A_1115 = tpu.memref_squeeze %dma_start3A_1114 : memref<1x24x128xi32, #tpu.memory_space<hbm>> -> memref<24x128xi32, #tpu.memory_space<hbm>>
        tpu.enqueue_dma source(%dma_start3A_1115 : memref<24x128xi32, #tpu.memory_space<hbm>>) target(%dma_start3A_1106 : memref<24x128xi32, #tpu.memory_space<vmem>>) target_semaphore(%arg17 : memref<!tpu.dma_semaphore, #tpu.memory_space<semaphore_mem>>)
        %add3A_1116 = arith.constant 1 : i32
        %add3A_1117 = arith.addi %select_n3A_859, %add3A_1116 : i32
        %sub3A_1118 = arith.constant 1 : i32
        %sub3A_1119 = arith.subi %sub3A_1118, %select_n3A_875 : i32
        %mul3A_1120 = arith.constant 24 : i32
        %mul3A_1121 = arith.muli %sub3A_1119, %mul3A_1120 : i32
        %dma_start3A_1122 = arith.constant 0 : i32
        %dma_start3A_1123 = tpu.memref_slice %arg7[%mul3A_1121, %dma_start3A_1122] : memref<48x128xi32, #tpu.memory_space<vmem>> -> memref<24x128xi32, #tpu.memory_space<vmem>>
        %dma_start3A_1124 = arith.constant 0 : i32
        %dma_start3A_1125 = arith.constant 0 : i32
        %dma_start3A_1126 = arith.constant 0 : i32
        %dma_start3A_1127 = tpu.memref_slice %arg4[%add3A, %dma_start3A_1124, %dma_start3A_1125, %dma_start3A_1126] : memref<32x14x24x128xi32, #tpu.memory_space<hbm>> -> memref<1x14x24x128xi32, #tpu.memory_space<hbm>>
        %dma_start3A_1128 = tpu.memref_squeeze %dma_start3A_1127 : memref<1x14x24x128xi32, #tpu.memory_space<hbm>> -> memref<14x24x128xi32, #tpu.memory_space<hbm>>
        %dma_start3A_1129 = arith.constant 0 : i32
        %dma_start3A_1130 = arith.constant 0 : i32
        %dma_start3A_1131 = tpu.memref_slice %dma_start3A_1128[%add3A_1117, %dma_start3A_1129, %dma_start3A_1130] : memref<14x24x128xi32, #tpu.memory_space<hbm>> -> memref<1x24x128xi32, #tpu.memory_space<hbm>>
        %dma_start3A_1132 = tpu.memref_squeeze %dma_start3A_1131 : memref<1x24x128xi32, #tpu.memory_space<hbm>> -> memref<24x128xi32, #tpu.memory_space<hbm>>
        %dma_start3A_1133 = arith.constant 0 : i32
        %dma_start3A_1134 = tpu.memref_slice %arg7[%mul3A_1121, %dma_start3A_1133] : memref<48x128xi32, #tpu.memory_space<vmem>> -> memref<24x128xi32, #tpu.memory_space<vmem>>
        %dma_start3A_1135 = arith.constant 0 : i32
        %dma_start3A_1136 = arith.constant 0 : i32
        %dma_start3A_1137 = arith.constant 0 : i32
        %dma_start3A_1138 = tpu.memref_slice %arg4[%add3A, %dma_start3A_1135, %dma_start3A_1136, %dma_start3A_1137] : memref<32x14x24x128xi32, #tpu.memory_space<hbm>> -> memref<1x14x24x128xi32, #tpu.memory_space<hbm>>
        %dma_start3A_1139 = tpu.memref_squeeze %dma_start3A_1138 : memref<1x14x24x128xi32, #tpu.memory_space<hbm>> -> memref<14x24x128xi32, #tpu.memory_space<hbm>>
        %dma_start3A_1140 = arith.constant 0 : i32
        %dma_start3A_1141 = arith.constant 0 : i32
        %dma_start3A_1142 = tpu.memref_slice %dma_start3A_1139[%add3A_1117, %dma_start3A_1140, %dma_start3A_1141] : memref<14x24x128xi32, #tpu.memory_space<hbm>> -> memref<1x24x128xi32, #tpu.memory_space<hbm>>
        %dma_start3A_1143 = tpu.memref_squeeze %dma_start3A_1142 : memref<1x24x128xi32, #tpu.memory_space<hbm>> -> memref<24x128xi32, #tpu.memory_space<hbm>>
        tpu.enqueue_dma source(%dma_start3A_1143 : memref<24x128xi32, #tpu.memory_space<hbm>>) target(%dma_start3A_1134 : memref<24x128xi32, #tpu.memory_space<vmem>>) target_semaphore(%arg18 : memref<!tpu.dma_semaphore, #tpu.memory_space<semaphore_mem>>)
      } else {
      }
      %eq3A_916 = arith.constant 19 : i32
      %eq3A_917 = arith.cmpi eq, %select_n3A_891, %eq3A_916 : i32
      %lt3A_918 = arith.constant 13 : i32
      %lt3A_919 = arith.cmpi slt, %select_n3A_859, %lt3A_918 : i32
      %and3A_920 = arith.andi %eq3A_917, %lt3A_919 : i1
      %convert_element_type3A_921 = arith.extui %and3A_920 : i1 to i32
      %cond3A_922 = arith.constant 0 : i32
      %cond3A_923 = arith.cmpi ne, %convert_element_type3A_921, %cond3A_922 : i32
      scf.if %cond3A_923 {
        %add3A_1088 = arith.constant 1 : i32
        %add3A_1089 = arith.addi %select_n3A_859, %add3A_1088 : i32
        %sub3A_1090 = arith.constant 1 : i32
        %sub3A_1091 = arith.subi %sub3A_1090, %select_n3A_875 : i32
        %mul3A_1092 = arith.constant 24 : i32
        %mul3A_1093 = arith.muli %sub3A_1091, %mul3A_1092 : i32
        %dma_wait3A_1094 = arith.constant 0 : i32
        %dma_wait3A_1095 = tpu.memref_slice %arg6[%mul3A_1093, %dma_wait3A_1094] : memref<48x128xi32, #tpu.memory_space<vmem>> -> memref<24x128xi32, #tpu.memory_space<vmem>>
        %dma_wait3A_1096 = arith.constant 0 : i32
        %dma_wait3A_1097 = arith.constant 0 : i32
        %dma_wait3A_1098 = arith.constant 0 : i32
        %dma_wait3A_1099 = tpu.memref_slice %arg3[%add3A, %dma_wait3A_1096, %dma_wait3A_1097, %dma_wait3A_1098] : memref<32x14x24x128xi32, #tpu.memory_space<hbm>> -> memref<1x14x24x128xi32, #tpu.memory_space<hbm>>
        %dma_wait3A_1100 = tpu.memref_squeeze %dma_wait3A_1099 : memref<1x14x24x128xi32, #tpu.memory_space<hbm>> -> memref<14x24x128xi32, #tpu.memory_space<hbm>>
        %dma_wait3A_1101 = arith.constant 0 : i32
        %dma_wait3A_1102 = arith.constant 0 : i32
        %dma_wait3A_1103 = tpu.memref_slice %dma_wait3A_1100[%add3A_1089, %dma_wait3A_1101, %dma_wait3A_1102] : memref<14x24x128xi32, #tpu.memory_space<hbm>> -> memref<1x24x128xi32, #tpu.memory_space<hbm>>
        %dma_wait3A_1104 = tpu.memref_squeeze %dma_wait3A_1103 : memref<1x24x128xi32, #tpu.memory_space<hbm>> -> memref<24x128xi32, #tpu.memory_space<hbm>>
        %dma_wait3A_1105 = arith.constant 0 : i32
        %dma_wait3A_1106 = tpu.memref_slice %arg6[%mul3A_1093, %dma_wait3A_1105] : memref<48x128xi32, #tpu.memory_space<vmem>> -> memref<24x128xi32, #tpu.memory_space<vmem>>
        %dma_wait3A_1107 = arith.constant 0 : i32
        %dma_wait3A_1108 = arith.constant 0 : i32
        %dma_wait3A_1109 = arith.constant 0 : i32
        %dma_wait3A_1110 = tpu.memref_slice %arg3[%add3A, %dma_wait3A_1107, %dma_wait3A_1108, %dma_wait3A_1109] : memref<32x14x24x128xi32, #tpu.memory_space<hbm>> -> memref<1x14x24x128xi32, #tpu.memory_space<hbm>>
        %dma_wait3A_1111 = tpu.memref_squeeze %dma_wait3A_1110 : memref<1x14x24x128xi32, #tpu.memory_space<hbm>> -> memref<14x24x128xi32, #tpu.memory_space<hbm>>
        %dma_wait3A_1112 = arith.constant 0 : i32
        %dma_wait3A_1113 = arith.constant 0 : i32
        %dma_wait3A_1114 = tpu.memref_slice %dma_wait3A_1111[%add3A_1089, %dma_wait3A_1112, %dma_wait3A_1113] : memref<14x24x128xi32, #tpu.memory_space<hbm>> -> memref<1x24x128xi32, #tpu.memory_space<hbm>>
        %dma_wait3A_1115 = tpu.memref_squeeze %dma_wait3A_1114 : memref<1x24x128xi32, #tpu.memory_space<hbm>> -> memref<24x128xi32, #tpu.memory_space<hbm>>
        tpu.wait_dma2 semaphore(%arg17 : memref<!tpu.dma_semaphore, #tpu.memory_space<semaphore_mem>>) src(%dma_wait3A_1115 : memref<24x128xi32, #tpu.memory_space<hbm>>) dst(%dma_wait3A_1106 : memref<24x128xi32, #tpu.memory_space<vmem>>)
        %add3A_1116 = arith.constant 1 : i32
        %add3A_1117 = arith.addi %select_n3A_859, %add3A_1116 : i32
        %sub3A_1118 = arith.constant 1 : i32
        %sub3A_1119 = arith.subi %sub3A_1118, %select_n3A_875 : i32
        %mul3A_1120 = arith.constant 24 : i32
        %mul3A_1121 = arith.muli %sub3A_1119, %mul3A_1120 : i32
        %dma_wait3A_1122 = arith.constant 0 : i32
        %dma_wait3A_1123 = tpu.memref_slice %arg7[%mul3A_1121, %dma_wait3A_1122] : memref<48x128xi32, #tpu.memory_space<vmem>> -> memref<24x128xi32, #tpu.memory_space<vmem>>
        %dma_wait3A_1124 = arith.constant 0 : i32
        %dma_wait3A_1125 = arith.constant 0 : i32
        %dma_wait3A_1126 = arith.constant 0 : i32
        %dma_wait3A_1127 = tpu.memref_slice %arg4[%add3A, %dma_wait3A_1124, %dma_wait3A_1125, %dma_wait3A_1126] : memref<32x14x24x128xi32, #tpu.memory_space<hbm>> -> memref<1x14x24x128xi32, #tpu.memory_space<hbm>>
        %dma_wait3A_1128 = tpu.memref_squeeze %dma_wait3A_1127 : memref<1x14x24x128xi32, #tpu.memory_space<hbm>> -> memref<14x24x128xi32, #tpu.memory_space<hbm>>
        %dma_wait3A_1129 = arith.constant 0 : i32
        %dma_wait3A_1130 = arith.constant 0 : i32
        %dma_wait3A_1131 = tpu.memref_slice %dma_wait3A_1128[%add3A_1117, %dma_wait3A_1129, %dma_wait3A_1130] : memref<14x24x128xi32, #tpu.memory_space<hbm>> -> memref<1x24x128xi32, #tpu.memory_space<hbm>>
        %dma_wait3A_1132 = tpu.memref_squeeze %dma_wait3A_1131 : memref<1x24x128xi32, #tpu.memory_space<hbm>> -> memref<24x128xi32, #tpu.memory_space<hbm>>
        %dma_wait3A_1133 = arith.constant 0 : i32
        %dma_wait3A_1134 = tpu.memref_slice %arg7[%mul3A_1121, %dma_wait3A_1133] : memref<48x128xi32, #tpu.memory_space<vmem>> -> memref<24x128xi32, #tpu.memory_space<vmem>>
        %dma_wait3A_1135 = arith.constant 0 : i32
        %dma_wait3A_1136 = arith.constant 0 : i32
        %dma_wait3A_1137 = arith.constant 0 : i32
        %dma_wait3A_1138 = tpu.memref_slice %arg4[%add3A, %dma_wait3A_1135, %dma_wait3A_1136, %dma_wait3A_1137] : memref<32x14x24x128xi32, #tpu.memory_space<hbm>> -> memref<1x14x24x128xi32, #tpu.memory_space<hbm>>
        %dma_wait3A_1139 = tpu.memref_squeeze %dma_wait3A_1138 : memref<1x14x24x128xi32, #tpu.memory_space<hbm>> -> memref<14x24x128xi32, #tpu.memory_space<hbm>>
        %dma_wait3A_1140 = arith.constant 0 : i32
        %dma_wait3A_1141 = arith.constant 0 : i32
        %dma_wait3A_1142 = tpu.memref_slice %dma_wait3A_1139[%add3A_1117, %dma_wait3A_1140, %dma_wait3A_1141] : memref<14x24x128xi32, #tpu.memory_space<hbm>> -> memref<1x24x128xi32, #tpu.memory_space<hbm>>
        %dma_wait3A_1143 = tpu.memref_squeeze %dma_wait3A_1142 : memref<1x24x128xi32, #tpu.memory_space<hbm>> -> memref<24x128xi32, #tpu.memory_space<hbm>>
        tpu.wait_dma2 semaphore(%arg18 : memref<!tpu.dma_semaphore, #tpu.memory_space<semaphore_mem>>) src(%dma_wait3A_1143 : memref<24x128xi32, #tpu.memory_space<hbm>>) dst(%dma_wait3A_1134 : memref<24x128xi32, #tpu.memory_space<vmem>>)
      } else {
      }
      %dma_wait3A_924 = arith.constant 4 : i32
      %dma_wait3A_925 = arith.constant 0 : i32
      %dma_wait3A_926 = arith.constant 0 : i32
      %dma_wait3A_927 = tpu.memref_slice %arg8[%dma_wait3A_924, %dma_wait3A_925, %dma_wait3A_926] : memref<6x128x16xf32, #tpu.memory_space<vmem>> -> memref<1x128x16xf32, #tpu.memory_space<vmem>>
      %dma_wait3A_928 = tpu.memref_squeeze %dma_wait3A_927 : memref<1x128x16xf32, #tpu.memory_space<vmem>> -> memref<128x16xf32, #tpu.memory_space<vmem>>
      %dma_wait3A_929 = arith.constant 0 : i32
      %dma_wait3A_930 = tpu.memref_slice %arg6[%select_n3A_907, %dma_wait3A_929] : memref<48x128xi32, #tpu.memory_space<vmem>> -> memref<1x128xi32, #tpu.memory_space<vmem>>
      %dma_wait3A_931 = tpu.memref_squeeze %dma_wait3A_930 : memref<1x128xi32, #tpu.memory_space<vmem>> -> memref<128xi32, #tpu.memory_space<vmem>>
      %dma_wait3A_932 = arith.constant 0 : i32
      %dma_wait3A_933 = arith.constant 0 : i32
      %dma_wait3A_934 = tpu.memref_slice %arg2[%dma_wait3A_932, %dma_wait3A_933] : memref<2700864x16xf32, #tpu.memory_space<hbm>> -> memref<2700864x16xf32, #tpu.memory_space<hbm>>
      tpu.wait_indirect_dma semaphore(%arg14 : memref<!tpu.dma_semaphore, #tpu.memory_space<semaphore_mem>>) src(%dma_wait3A_934 : memref<2700864x16xf32, #tpu.memory_space<hbm>>) dst(%dma_wait3A_928 : memref<128x16xf32, #tpu.memory_space<vmem>>)
      %ge3A_935 = arith.constant 1 : i32
      %ge3A_936 = arith.cmpi sge, %add3A_835, %ge3A_935 : i32
      %convert_element_type3A_937 = arith.extui %ge3A_936 : i1 to i32
      %cond3A_938 = arith.constant 0 : i32
      %cond3A_939 = arith.cmpi ne, %convert_element_type3A_937, %cond3A_938 : i32
      scf.if %cond3A_939 {
        %dma_wait3A_1088 = arith.constant 3 : i32
        %dma_wait3A_1089 = arith.constant 0 : i32
        %dma_wait3A_1090 = arith.constant 0 : i32
        %dma_wait3A_1091 = tpu.memref_slice %arg8[%dma_wait3A_1088, %dma_wait3A_1089, %dma_wait3A_1090] : memref<6x128x16xf32, #tpu.memory_space<vmem>> -> memref<1x128x16xf32, #tpu.memory_space<vmem>>
        %dma_wait3A_1092 = tpu.memref_squeeze %dma_wait3A_1091 : memref<1x128x16xf32, #tpu.memory_space<vmem>> -> memref<128x16xf32, #tpu.memory_space<vmem>>
        %dma_wait3A_1093 = arith.constant 0 : i32
        %dma_wait3A_1094 = tpu.memref_slice %arg7[%select_n3A_907, %dma_wait3A_1093] : memref<48x128xi32, #tpu.memory_space<vmem>> -> memref<1x128xi32, #tpu.memory_space<vmem>>
        %dma_wait3A_1095 = tpu.memref_squeeze %dma_wait3A_1094 : memref<1x128xi32, #tpu.memory_space<vmem>> -> memref<128xi32, #tpu.memory_space<vmem>>
        %dma_wait3A_1096 = arith.constant 0 : i32
        %dma_wait3A_1097 = arith.constant 0 : i32
        %dma_wait3A_1098 = tpu.memref_slice %arg9[%dma_wait3A_1096, %dma_wait3A_1097] : memref<100096x16xf32, #tpu.memory_space<vmem_shared>> -> memref<100096x16xf32, #tpu.memory_space<vmem_shared>>
        tpu.wait_indirect_dma semaphore(%arg16 : memref<!tpu.dma_semaphore, #tpu.memory_space<semaphore_mem>>) src(%dma_wait3A_1092 : memref<128x16xf32, #tpu.memory_space<vmem>>) dst(%dma_wait3A_1098 : memref<100096x16xf32, #tpu.memory_space<vmem_shared>>)
      } else {
      }
      %dma_start3A_940 = arith.constant 4 : i32
      %dma_start3A_941 = arith.constant 0 : i32
      %dma_start3A_942 = arith.constant 0 : i32
      %dma_start3A_943 = tpu.memref_slice %arg8[%dma_start3A_940, %dma_start3A_941, %dma_start3A_942] : memref<6x128x16xf32, #tpu.memory_space<vmem>> -> memref<1x128x16xf32, #tpu.memory_space<vmem>>
      %dma_start3A_944 = tpu.memref_squeeze %dma_start3A_943 : memref<1x128x16xf32, #tpu.memory_space<vmem>> -> memref<128x16xf32, #tpu.memory_space<vmem>>
      %dma_start3A_945 = arith.constant 0 : i32
      %dma_start3A_946 = tpu.memref_slice %arg7[%select_n3A_907, %dma_start3A_945] : memref<48x128xi32, #tpu.memory_space<vmem>> -> memref<1x128xi32, #tpu.memory_space<vmem>>
      %dma_start3A_947 = tpu.memref_squeeze %dma_start3A_946 : memref<1x128xi32, #tpu.memory_space<vmem>> -> memref<128xi32, #tpu.memory_space<vmem>>
      %dma_start3A_948 = arith.constant 0 : i32
      %dma_start3A_949 = arith.constant 0 : i32
      %dma_start3A_950 = tpu.memref_slice %arg9[%dma_start3A_948, %dma_start3A_949] : memref<100096x16xf32, #tpu.memory_space<vmem_shared>> -> memref<100096x16xf32, #tpu.memory_space<vmem_shared>>
      tpu.enqueue_indirect_dma source(%dma_start3A_944 : memref<128x16xf32, #tpu.memory_space<vmem>>) target(%dma_start3A_950 : memref<100096x16xf32, #tpu.memory_space<vmem_shared>>) offsets(%dma_start3A_947 : memref<128xi32, #tpu.memory_space<vmem>>) semaphore(%arg16 : memref<!tpu.dma_semaphore, #tpu.memory_space<semaphore_mem>>) {add = true}
      %add3A_951 = arith.constant 6 : i32
      %add3A_952 = arith.addi %add3A_835, %add3A_951 : i32
      %sub3A_953 = arith.constant 1 : i32
      %sub3A_954 = arith.subi %add3A_952, %sub3A_953 : i32
      %lt3A_955 = arith.constant 336 : i32
      %lt3A_956 = arith.cmpi slt, %sub3A_954, %lt3A_955 : i32
      %convert_element_type3A_957 = arith.extui %lt3A_956 : i1 to i32
      %cond3A_958 = arith.constant 0 : i32
      %cond3A_959 = arith.cmpi ne, %convert_element_type3A_957, %cond3A_958 : i32
      scf.if %cond3A_959 {
        %add3A_1088 = arith.constant 6 : i32
        %add3A_1089 = arith.addi %add3A_835, %add3A_1088 : i32
        %sub3A_1090 = arith.constant 1 : i32
        %sub3A_1091 = arith.subi %add3A_1089, %sub3A_1090 : i32
        %jit3A_1092 = arith.constant 48 : i32
        %eq3A_1093 = arith.constant 0 : i32
        %eq3A_1094 = arith.cmpi eq, %jit3A_1092, %eq3A_1093 : i32
        %jit3A_1095 = arith.constant 1 : i32
        %select_n3A_1096 = arith.select %eq3A_1094, %jit3A_1095, %jit3A_1092 : i32
        %rem3A_1097 = arith.remsi %sub3A_1091, %select_n3A_1096 : i32
        %ne3A_1098 = arith.constant 0 : i32
        %ne3A_1099 = arith.cmpi ne, %rem3A_1097, %ne3A_1098 : i32
        %lt3A_1100 = arith.constant 0 : i32
        %lt3A_1101 = arith.cmpi slt, %rem3A_1097, %lt3A_1100 : i32
        %lt3A_1102 = arith.constant 0 : i32
        %lt3A_1103 = arith.cmpi slt, %select_n3A_1096, %lt3A_1102 : i32
        %ne3A_1104 = arith.xori %lt3A_1101, %lt3A_1103 : i1
        %and3A_1105 = arith.andi %ne3A_1104, %ne3A_1099 : i1
        %add3A_1106 = arith.addi %rem3A_1097, %select_n3A_1096 : i32
        %select_n3A_1107 = arith.select %and3A_1105, %add3A_1106, %rem3A_1097 : i32
        %dma_start3A_1108 = arith.constant 3 : i32
        %dma_start3A_1109 = arith.constant 0 : i32
        %dma_start3A_1110 = arith.constant 0 : i32
        %dma_start3A_1111 = tpu.memref_slice %arg8[%dma_start3A_1108, %dma_start3A_1109, %dma_start3A_1110] : memref<6x128x16xf32, #tpu.memory_space<vmem>> -> memref<1x128x16xf32, #tpu.memory_space<vmem>>
        %dma_start3A_1112 = tpu.memref_squeeze %dma_start3A_1111 : memref<1x128x16xf32, #tpu.memory_space<vmem>> -> memref<128x16xf32, #tpu.memory_space<vmem>>
        %dma_start3A_1113 = arith.constant 0 : i32
        %dma_start3A_1114 = tpu.memref_slice %arg6[%select_n3A_1107, %dma_start3A_1113] : memref<48x128xi32, #tpu.memory_space<vmem>> -> memref<1x128xi32, #tpu.memory_space<vmem>>
        %dma_start3A_1115 = tpu.memref_squeeze %dma_start3A_1114 : memref<1x128xi32, #tpu.memory_space<vmem>> -> memref<128xi32, #tpu.memory_space<vmem>>
        %dma_start3A_1116 = arith.constant 0 : i32
        %dma_start3A_1117 = arith.constant 0 : i32
        %dma_start3A_1118 = tpu.memref_slice %arg2[%dma_start3A_1116, %dma_start3A_1117] : memref<2700864x16xf32, #tpu.memory_space<hbm>> -> memref<2700864x16xf32, #tpu.memory_space<hbm>>
        tpu.enqueue_indirect_dma source(%dma_start3A_1118 : memref<2700864x16xf32, #tpu.memory_space<hbm>>) target(%dma_start3A_1112 : memref<128x16xf32, #tpu.memory_space<vmem>>) offsets(%dma_start3A_1115 : memref<128xi32, #tpu.memory_space<vmem>>) semaphore(%arg13 : memref<!tpu.dma_semaphore, #tpu.memory_space<semaphore_mem>>)
      } else {
      }
      %mul3A_960 = arith.constant 6 : i32
      %mul3A_961 = arith.muli %mul3A_960, %scan3A_332 : i32
      %add3A_962 = arith.constant 5 : i32
      %add3A_963 = arith.addi %mul3A_961, %add3A_962 : i32
      %jit3A_964 = arith.constant 24 : i32
      %div3A_965 = arith.divsi %add3A_963, %jit3A_964 : i32
      %sign3A_966 = arith.constant 0 : i32
      %sign3A_967 = arith.cmpi sgt, %add3A_963, %sign3A_966 : i32
      %sign3A_968 = arith.extui %sign3A_967 : i1 to i32
      %sign3A_969 = arith.constant 0 : i32
      %sign3A_970 = arith.cmpi slt, %add3A_963, %sign3A_969 : i32
      %sign3A_971 = arith.extui %sign3A_970 : i1 to i32
      %sign3A_972 = arith.subi %sign3A_968, %sign3A_971 : i32
      %sign3A_973 = arith.constant 0 : i32
      %sign3A_974 = arith.cmpi sgt, %jit3A_964, %sign3A_973 : i32
      %sign3A_975 = arith.extui %sign3A_974 : i1 to i32
      %sign3A_976 = arith.constant 0 : i32
      %sign3A_977 = arith.cmpi slt, %jit3A_964, %sign3A_976 : i32
      %sign3A_978 = arith.extui %sign3A_977 : i1 to i32
      %sign3A_979 = arith.subi %sign3A_975, %sign3A_978 : i32
      %ne3A_980 = arith.cmpi ne, %sign3A_972, %sign3A_979 : i32
      %rem3A_981 = arith.remsi %add3A_963, %jit3A_964 : i32
      %ne3A_982 = arith.constant 0 : i32
      %ne3A_983 = arith.cmpi ne, %rem3A_981, %ne3A_982 : i32
      %and3A_984 = arith.andi %ne3A_980, %ne3A_983 : i1
      %sub3A_985 = arith.constant 1 : i32
      %sub3A_986 = arith.subi %div3A_965, %sub3A_985 : i32
      %select_n3A_987 = arith.select %and3A_984, %sub3A_986, %div3A_965 : i32
      %jit3A_988 = arith.constant 2 : i32
      %eq3A_989 = arith.constant 0 : i32
      %eq3A_990 = arith.cmpi eq, %jit3A_988, %eq3A_989 : i32
      %jit3A_991 = arith.constant 1 : i32
      %select_n3A_992 = arith.select %eq3A_990, %jit3A_991, %jit3A_988 : i32
      %rem3A_993 = arith.remsi %select_n3A_987, %select_n3A_992 : i32
      %ne3A_994 = arith.constant 0 : i32
      %ne3A_995 = arith.cmpi ne, %rem3A_993, %ne3A_994 : i32
      %lt3A_996 = arith.constant 0 : i32
      %lt3A_997 = arith.cmpi slt, %rem3A_993, %lt3A_996 : i32
      %lt3A_998 = arith.constant 0 : i32
      %lt3A_999 = arith.cmpi slt, %select_n3A_992, %lt3A_998 : i32
      %ne3A_1000 = arith.xori %lt3A_997, %lt3A_999 : i1
      %and3A_1001 = arith.andi %ne3A_1000, %ne3A_995 : i1
      %add3A_1002 = arith.addi %rem3A_993, %select_n3A_992 : i32
      %select_n3A_1003 = arith.select %and3A_1001, %add3A_1002, %rem3A_993 : i32
      %jit3A_1004 = arith.constant 24 : i32
      %eq3A_1005 = arith.constant 0 : i32
      %eq3A_1006 = arith.cmpi eq, %jit3A_1004, %eq3A_1005 : i32
      %jit3A_1007 = arith.constant 1 : i32
      %select_n3A_1008 = arith.select %eq3A_1006, %jit3A_1007, %jit3A_1004 : i32
      %rem3A_1009 = arith.remsi %add3A_963, %select_n3A_1008 : i32
      %ne3A_1010 = arith.constant 0 : i32
      %ne3A_1011 = arith.cmpi ne, %rem3A_1009, %ne3A_1010 : i32
      %lt3A_1012 = arith.constant 0 : i32
      %lt3A_1013 = arith.cmpi slt, %rem3A_1009, %lt3A_1012 : i32
      %lt3A_1014 = arith.constant 0 : i32
      %lt3A_1015 = arith.cmpi slt, %select_n3A_1008, %lt3A_1014 : i32
      %ne3A_1016 = arith.xori %lt3A_1013, %lt3A_1015 : i1
      %and3A_1017 = arith.andi %ne3A_1016, %ne3A_1011 : i1
      %add3A_1018 = arith.addi %rem3A_1009, %select_n3A_1008 : i32
      %select_n3A_1019 = arith.select %and3A_1017, %add3A_1018, %rem3A_1009 : i32
      %jit3A_1020 = arith.constant 48 : i32
      %eq3A_1021 = arith.constant 0 : i32
      %eq3A_1022 = arith.cmpi eq, %jit3A_1020, %eq3A_1021 : i32
      %jit3A_1023 = arith.constant 1 : i32
      %select_n3A_1024 = arith.select %eq3A_1022, %jit3A_1023, %jit3A_1020 : i32
      %rem3A_1025 = arith.remsi %add3A_963, %select_n3A_1024 : i32
      %ne3A_1026 = arith.constant 0 : i32
      %ne3A_1027 = arith.cmpi ne, %rem3A_1025, %ne3A_1026 : i32
      %lt3A_1028 = arith.constant 0 : i32
      %lt3A_1029 = arith.cmpi slt, %rem3A_1025, %lt3A_1028 : i32
      %lt3A_1030 = arith.constant 0 : i32
      %lt3A_1031 = arith.cmpi slt, %select_n3A_1024, %lt3A_1030 : i32
      %ne3A_1032 = arith.xori %lt3A_1029, %lt3A_1031 : i1
      %and3A_1033 = arith.andi %ne3A_1032, %ne3A_1027 : i1
      %add3A_1034 = arith.addi %rem3A_1025, %select_n3A_1024 : i32
      %select_n3A_1035 = arith.select %and3A_1033, %add3A_1034, %rem3A_1025 : i32
      %eq3A_1036 = arith.constant 8 : i32
      %eq3A_1037 = arith.cmpi eq, %select_n3A_1019, %eq3A_1036 : i32
      %lt3A_1038 = arith.constant 13 : i32
      %lt3A_1039 = arith.cmpi slt, %select_n3A_987, %lt3A_1038 : i32
      %and3A_1040 = arith.andi %eq3A_1037, %lt3A_1039 : i1
      %convert_element_type3A_1041 = arith.extui %and3A_1040 : i1 to i32
      %cond3A_1042 = arith.constant 0 : i32
      %cond3A_1043 = arith.cmpi ne, %convert_element_type3A_1041, %cond3A_1042 : i32
      scf.if %cond3A_1043 {
        %add3A_1088 = arith.constant 1 : i32
        %add3A_1089 = arith.addi %select_n3A_987, %add3A_1088 : i32
        %sub3A_1090 = arith.constant 1 : i32
        %sub3A_1091 = arith.subi %sub3A_1090, %select_n3A_1003 : i32
        %mul3A_1092 = arith.constant 24 : i32
        %mul3A_1093 = arith.muli %sub3A_1091, %mul3A_1092 : i32
        %dma_start3A_1094 = arith.constant 0 : i32
        %dma_start3A_1095 = tpu.memref_slice %arg6[%mul3A_1093, %dma_start3A_1094] : memref<48x128xi32, #tpu.memory_space<vmem>> -> memref<24x128xi32, #tpu.memory_space<vmem>>
        %dma_start3A_1096 = arith.constant 0 : i32
        %dma_start3A_1097 = arith.constant 0 : i32
        %dma_start3A_1098 = arith.constant 0 : i32
        %dma_start3A_1099 = tpu.memref_slice %arg3[%add3A, %dma_start3A_1096, %dma_start3A_1097, %dma_start3A_1098] : memref<32x14x24x128xi32, #tpu.memory_space<hbm>> -> memref<1x14x24x128xi32, #tpu.memory_space<hbm>>
        %dma_start3A_1100 = tpu.memref_squeeze %dma_start3A_1099 : memref<1x14x24x128xi32, #tpu.memory_space<hbm>> -> memref<14x24x128xi32, #tpu.memory_space<hbm>>
        %dma_start3A_1101 = arith.constant 0 : i32
        %dma_start3A_1102 = arith.constant 0 : i32
        %dma_start3A_1103 = tpu.memref_slice %dma_start3A_1100[%add3A_1089, %dma_start3A_1101, %dma_start3A_1102] : memref<14x24x128xi32, #tpu.memory_space<hbm>> -> memref<1x24x128xi32, #tpu.memory_space<hbm>>
        %dma_start3A_1104 = tpu.memref_squeeze %dma_start3A_1103 : memref<1x24x128xi32, #tpu.memory_space<hbm>> -> memref<24x128xi32, #tpu.memory_space<hbm>>
        %dma_start3A_1105 = arith.constant 0 : i32
        %dma_start3A_1106 = tpu.memref_slice %arg6[%mul3A_1093, %dma_start3A_1105] : memref<48x128xi32, #tpu.memory_space<vmem>> -> memref<24x128xi32, #tpu.memory_space<vmem>>
        %dma_start3A_1107 = arith.constant 0 : i32
        %dma_start3A_1108 = arith.constant 0 : i32
        %dma_start3A_1109 = arith.constant 0 : i32
        %dma_start3A_1110 = tpu.memref_slice %arg3[%add3A, %dma_start3A_1107, %dma_start3A_1108, %dma_start3A_1109] : memref<32x14x24x128xi32, #tpu.memory_space<hbm>> -> memref<1x14x24x128xi32, #tpu.memory_space<hbm>>
        %dma_start3A_1111 = tpu.memref_squeeze %dma_start3A_1110 : memref<1x14x24x128xi32, #tpu.memory_space<hbm>> -> memref<14x24x128xi32, #tpu.memory_space<hbm>>
        %dma_start3A_1112 = arith.constant 0 : i32
        %dma_start3A_1113 = arith.constant 0 : i32
        %dma_start3A_1114 = tpu.memref_slice %dma_start3A_1111[%add3A_1089, %dma_start3A_1112, %dma_start3A_1113] : memref<14x24x128xi32, #tpu.memory_space<hbm>> -> memref<1x24x128xi32, #tpu.memory_space<hbm>>
        %dma_start3A_1115 = tpu.memref_squeeze %dma_start3A_1114 : memref<1x24x128xi32, #tpu.memory_space<hbm>> -> memref<24x128xi32, #tpu.memory_space<hbm>>
        tpu.enqueue_dma source(%dma_start3A_1115 : memref<24x128xi32, #tpu.memory_space<hbm>>) target(%dma_start3A_1106 : memref<24x128xi32, #tpu.memory_space<vmem>>) target_semaphore(%arg17 : memref<!tpu.dma_semaphore, #tpu.memory_space<semaphore_mem>>)
        %add3A_1116 = arith.constant 1 : i32
        %add3A_1117 = arith.addi %select_n3A_987, %add3A_1116 : i32
        %sub3A_1118 = arith.constant 1 : i32
        %sub3A_1119 = arith.subi %sub3A_1118, %select_n3A_1003 : i32
        %mul3A_1120 = arith.constant 24 : i32
        %mul3A_1121 = arith.muli %sub3A_1119, %mul3A_1120 : i32
        %dma_start3A_1122 = arith.constant 0 : i32
        %dma_start3A_1123 = tpu.memref_slice %arg7[%mul3A_1121, %dma_start3A_1122] : memref<48x128xi32, #tpu.memory_space<vmem>> -> memref<24x128xi32, #tpu.memory_space<vmem>>
        %dma_start3A_1124 = arith.constant 0 : i32
        %dma_start3A_1125 = arith.constant 0 : i32
        %dma_start3A_1126 = arith.constant 0 : i32
        %dma_start3A_1127 = tpu.memref_slice %arg4[%add3A, %dma_start3A_1124, %dma_start3A_1125, %dma_start3A_1126] : memref<32x14x24x128xi32, #tpu.memory_space<hbm>> -> memref<1x14x24x128xi32, #tpu.memory_space<hbm>>
        %dma_start3A_1128 = tpu.memref_squeeze %dma_start3A_1127 : memref<1x14x24x128xi32, #tpu.memory_space<hbm>> -> memref<14x24x128xi32, #tpu.memory_space<hbm>>
        %dma_start3A_1129 = arith.constant 0 : i32
        %dma_start3A_1130 = arith.constant 0 : i32
        %dma_start3A_1131 = tpu.memref_slice %dma_start3A_1128[%add3A_1117, %dma_start3A_1129, %dma_start3A_1130] : memref<14x24x128xi32, #tpu.memory_space<hbm>> -> memref<1x24x128xi32, #tpu.memory_space<hbm>>
        %dma_start3A_1132 = tpu.memref_squeeze %dma_start3A_1131 : memref<1x24x128xi32, #tpu.memory_space<hbm>> -> memref<24x128xi32, #tpu.memory_space<hbm>>
        %dma_start3A_1133 = arith.constant 0 : i32
        %dma_start3A_1134 = tpu.memref_slice %arg7[%mul3A_1121, %dma_start3A_1133] : memref<48x128xi32, #tpu.memory_space<vmem>> -> memref<24x128xi32, #tpu.memory_space<vmem>>
        %dma_start3A_1135 = arith.constant 0 : i32
        %dma_start3A_1136 = arith.constant 0 : i32
        %dma_start3A_1137 = arith.constant 0 : i32
        %dma_start3A_1138 = tpu.memref_slice %arg4[%add3A, %dma_start3A_1135, %dma_start3A_1136, %dma_start3A_1137] : memref<32x14x24x128xi32, #tpu.memory_space<hbm>> -> memref<1x14x24x128xi32, #tpu.memory_space<hbm>>
        %dma_start3A_1139 = tpu.memref_squeeze %dma_start3A_1138 : memref<1x14x24x128xi32, #tpu.memory_space<hbm>> -> memref<14x24x128xi32, #tpu.memory_space<hbm>>
        %dma_start3A_1140 = arith.constant 0 : i32
        %dma_start3A_1141 = arith.constant 0 : i32
        %dma_start3A_1142 = tpu.memref_slice %dma_start3A_1139[%add3A_1117, %dma_start3A_1140, %dma_start3A_1141] : memref<14x24x128xi32, #tpu.memory_space<hbm>> -> memref<1x24x128xi32, #tpu.memory_space<hbm>>
        %dma_start3A_1143 = tpu.memref_squeeze %dma_start3A_1142 : memref<1x24x128xi32, #tpu.memory_space<hbm>> -> memref<24x128xi32, #tpu.memory_space<hbm>>
        tpu.enqueue_dma source(%dma_start3A_1143 : memref<24x128xi32, #tpu.memory_space<hbm>>) target(%dma_start3A_1134 : memref<24x128xi32, #tpu.memory_space<vmem>>) target_semaphore(%arg18 : memref<!tpu.dma_semaphore, #tpu.memory_space<semaphore_mem>>)
      } else {
      }
      %eq3A_1044 = arith.constant 19 : i32
      %eq3A_1045 = arith.cmpi eq, %select_n3A_1019, %eq3A_1044 : i32
      %lt3A_1046 = arith.constant 13 : i32
      %lt3A_1047 = arith.cmpi slt, %select_n3A_987, %lt3A_1046 : i32
      %and3A_1048 = arith.andi %eq3A_1045, %lt3A_1047 : i1
      %convert_element_type3A_1049 = arith.extui %and3A_1048 : i1 to i32
      %cond3A_1050 = arith.constant 0 : i32
      %cond3A_1051 = arith.cmpi ne, %convert_element_type3A_1049, %cond3A_1050 : i32
      scf.if %cond3A_1051 {
        %add3A_1088 = arith.constant 1 : i32
        %add3A_1089 = arith.addi %select_n3A_987, %add3A_1088 : i32
        %sub3A_1090 = arith.constant 1 : i32
        %sub3A_1091 = arith.subi %sub3A_1090, %select_n3A_1003 : i32
        %mul3A_1092 = arith.constant 24 : i32
        %mul3A_1093 = arith.muli %sub3A_1091, %mul3A_1092 : i32
        %dma_wait3A_1094 = arith.constant 0 : i32
        %dma_wait3A_1095 = tpu.memref_slice %arg6[%mul3A_1093, %dma_wait3A_1094] : memref<48x128xi32, #tpu.memory_space<vmem>> -> memref<24x128xi32, #tpu.memory_space<vmem>>
        %dma_wait3A_1096 = arith.constant 0 : i32
        %dma_wait3A_1097 = arith.constant 0 : i32
        %dma_wait3A_1098 = arith.constant 0 : i32
        %dma_wait3A_1099 = tpu.memref_slice %arg3[%add3A, %dma_wait3A_1096, %dma_wait3A_1097, %dma_wait3A_1098] : memref<32x14x24x128xi32, #tpu.memory_space<hbm>> -> memref<1x14x24x128xi32, #tpu.memory_space<hbm>>
        %dma_wait3A_1100 = tpu.memref_squeeze %dma_wait3A_1099 : memref<1x14x24x128xi32, #tpu.memory_space<hbm>> -> memref<14x24x128xi32, #tpu.memory_space<hbm>>
        %dma_wait3A_1101 = arith.constant 0 : i32
        %dma_wait3A_1102 = arith.constant 0 : i32
        %dma_wait3A_1103 = tpu.memref_slice %dma_wait3A_1100[%add3A_1089, %dma_wait3A_1101, %dma_wait3A_1102] : memref<14x24x128xi32, #tpu.memory_space<hbm>> -> memref<1x24x128xi32, #tpu.memory_space<hbm>>
        %dma_wait3A_1104 = tpu.memref_squeeze %dma_wait3A_1103 : memref<1x24x128xi32, #tpu.memory_space<hbm>> -> memref<24x128xi32, #tpu.memory_space<hbm>>
        %dma_wait3A_1105 = arith.constant 0 : i32
        %dma_wait3A_1106 = tpu.memref_slice %arg6[%mul3A_1093, %dma_wait3A_1105] : memref<48x128xi32, #tpu.memory_space<vmem>> -> memref<24x128xi32, #tpu.memory_space<vmem>>
        %dma_wait3A_1107 = arith.constant 0 : i32
        %dma_wait3A_1108 = arith.constant 0 : i32
        %dma_wait3A_1109 = arith.constant 0 : i32
        %dma_wait3A_1110 = tpu.memref_slice %arg3[%add3A, %dma_wait3A_1107, %dma_wait3A_1108, %dma_wait3A_1109] : memref<32x14x24x128xi32, #tpu.memory_space<hbm>> -> memref<1x14x24x128xi32, #tpu.memory_space<hbm>>
        %dma_wait3A_1111 = tpu.memref_squeeze %dma_wait3A_1110 : memref<1x14x24x128xi32, #tpu.memory_space<hbm>> -> memref<14x24x128xi32, #tpu.memory_space<hbm>>
        %dma_wait3A_1112 = arith.constant 0 : i32
        %dma_wait3A_1113 = arith.constant 0 : i32
        %dma_wait3A_1114 = tpu.memref_slice %dma_wait3A_1111[%add3A_1089, %dma_wait3A_1112, %dma_wait3A_1113] : memref<14x24x128xi32, #tpu.memory_space<hbm>> -> memref<1x24x128xi32, #tpu.memory_space<hbm>>
        %dma_wait3A_1115 = tpu.memref_squeeze %dma_wait3A_1114 : memref<1x24x128xi32, #tpu.memory_space<hbm>> -> memref<24x128xi32, #tpu.memory_space<hbm>>
        tpu.wait_dma2 semaphore(%arg17 : memref<!tpu.dma_semaphore, #tpu.memory_space<semaphore_mem>>) src(%dma_wait3A_1115 : memref<24x128xi32, #tpu.memory_space<hbm>>) dst(%dma_wait3A_1106 : memref<24x128xi32, #tpu.memory_space<vmem>>)
        %add3A_1116 = arith.constant 1 : i32
        %add3A_1117 = arith.addi %select_n3A_987, %add3A_1116 : i32
        %sub3A_1118 = arith.constant 1 : i32
        %sub3A_1119 = arith.subi %sub3A_1118, %select_n3A_1003 : i32
        %mul3A_1120 = arith.constant 24 : i32
        %mul3A_1121 = arith.muli %sub3A_1119, %mul3A_1120 : i32
        %dma_wait3A_1122 = arith.constant 0 : i32
        %dma_wait3A_1123 = tpu.memref_slice %arg7[%mul3A_1121, %dma_wait3A_1122] : memref<48x128xi32, #tpu.memory_space<vmem>> -> memref<24x128xi32, #tpu.memory_space<vmem>>
        %dma_wait3A_1124 = arith.constant 0 : i32
        %dma_wait3A_1125 = arith.constant 0 : i32
        %dma_wait3A_1126 = arith.constant 0 : i32
        %dma_wait3A_1127 = tpu.memref_slice %arg4[%add3A, %dma_wait3A_1124, %dma_wait3A_1125, %dma_wait3A_1126] : memref<32x14x24x128xi32, #tpu.memory_space<hbm>> -> memref<1x14x24x128xi32, #tpu.memory_space<hbm>>
        %dma_wait3A_1128 = tpu.memref_squeeze %dma_wait3A_1127 : memref<1x14x24x128xi32, #tpu.memory_space<hbm>> -> memref<14x24x128xi32, #tpu.memory_space<hbm>>
        %dma_wait3A_1129 = arith.constant 0 : i32
        %dma_wait3A_1130 = arith.constant 0 : i32
        %dma_wait3A_1131 = tpu.memref_slice %dma_wait3A_1128[%add3A_1117, %dma_wait3A_1129, %dma_wait3A_1130] : memref<14x24x128xi32, #tpu.memory_space<hbm>> -> memref<1x24x128xi32, #tpu.memory_space<hbm>>
        %dma_wait3A_1132 = tpu.memref_squeeze %dma_wait3A_1131 : memref<1x24x128xi32, #tpu.memory_space<hbm>> -> memref<24x128xi32, #tpu.memory_space<hbm>>
        %dma_wait3A_1133 = arith.constant 0 : i32
        %dma_wait3A_1134 = tpu.memref_slice %arg7[%mul3A_1121, %dma_wait3A_1133] : memref<48x128xi32, #tpu.memory_space<vmem>> -> memref<24x128xi32, #tpu.memory_space<vmem>>
        %dma_wait3A_1135 = arith.constant 0 : i32
        %dma_wait3A_1136 = arith.constant 0 : i32
        %dma_wait3A_1137 = arith.constant 0 : i32
        %dma_wait3A_1138 = tpu.memref_slice %arg4[%add3A, %dma_wait3A_1135, %dma_wait3A_1136, %dma_wait3A_1137] : memref<32x14x24x128xi32, #tpu.memory_space<hbm>> -> memref<1x14x24x128xi32, #tpu.memory_space<hbm>>
        %dma_wait3A_1139 = tpu.memref_squeeze %dma_wait3A_1138 : memref<1x14x24x128xi32, #tpu.memory_space<hbm>> -> memref<14x24x128xi32, #tpu.memory_space<hbm>>
        %dma_wait3A_1140 = arith.constant 0 : i32
        %dma_wait3A_1141 = arith.constant 0 : i32
        %dma_wait3A_1142 = tpu.memref_slice %dma_wait3A_1139[%add3A_1117, %dma_wait3A_1140, %dma_wait3A_1141] : memref<14x24x128xi32, #tpu.memory_space<hbm>> -> memref<1x24x128xi32, #tpu.memory_space<hbm>>
        %dma_wait3A_1143 = tpu.memref_squeeze %dma_wait3A_1142 : memref<1x24x128xi32, #tpu.memory_space<hbm>> -> memref<24x128xi32, #tpu.memory_space<hbm>>
        tpu.wait_dma2 semaphore(%arg18 : memref<!tpu.dma_semaphore, #tpu.memory_space<semaphore_mem>>) src(%dma_wait3A_1143 : memref<24x128xi32, #tpu.memory_space<hbm>>) dst(%dma_wait3A_1134 : memref<24x128xi32, #tpu.memory_space<vmem>>)
      } else {
      }
      %dma_wait3A_1052 = arith.constant 5 : i32
      %dma_wait3A_1053 = arith.constant 0 : i32
      %dma_wait3A_1054 = arith.constant 0 : i32
      %dma_wait3A_1055 = tpu.memref_slice %arg8[%dma_wait3A_1052, %dma_wait3A_1053, %dma_wait3A_1054] : memref<6x128x16xf32, #tpu.memory_space<vmem>> -> memref<1x128x16xf32, #tpu.memory_space<vmem>>
      %dma_wait3A_1056 = tpu.memref_squeeze %dma_wait3A_1055 : memref<1x128x16xf32, #tpu.memory_space<vmem>> -> memref<128x16xf32, #tpu.memory_space<vmem>>
      %dma_wait3A_1057 = arith.constant 0 : i32
      %dma_wait3A_1058 = tpu.memref_slice %arg6[%select_n3A_1035, %dma_wait3A_1057] : memref<48x128xi32, #tpu.memory_space<vmem>> -> memref<1x128xi32, #tpu.memory_space<vmem>>
      %dma_wait3A_1059 = tpu.memref_squeeze %dma_wait3A_1058 : memref<1x128xi32, #tpu.memory_space<vmem>> -> memref<128xi32, #tpu.memory_space<vmem>>
      %dma_wait3A_1060 = arith.constant 0 : i32
      %dma_wait3A_1061 = arith.constant 0 : i32
      %dma_wait3A_1062 = tpu.memref_slice %arg2[%dma_wait3A_1060, %dma_wait3A_1061] : memref<2700864x16xf32, #tpu.memory_space<hbm>> -> memref<2700864x16xf32, #tpu.memory_space<hbm>>
      tpu.wait_indirect_dma semaphore(%arg15 : memref<!tpu.dma_semaphore, #tpu.memory_space<semaphore_mem>>) src(%dma_wait3A_1062 : memref<2700864x16xf32, #tpu.memory_space<hbm>>) dst(%dma_wait3A_1056 : memref<128x16xf32, #tpu.memory_space<vmem>>)
      %ge3A_1063 = arith.constant 1 : i32
      %ge3A_1064 = arith.cmpi sge, %add3A_963, %ge3A_1063 : i32
      %convert_element_type3A_1065 = arith.extui %ge3A_1064 : i1 to i32
      %cond3A_1066 = arith.constant 0 : i32
      %cond3A_1067 = arith.cmpi ne, %convert_element_type3A_1065, %cond3A_1066 : i32
      scf.if %cond3A_1067 {
        %dma_wait3A_1088 = arith.constant 4 : i32
        %dma_wait3A_1089 = arith.constant 0 : i32
        %dma_wait3A_1090 = arith.constant 0 : i32
        %dma_wait3A_1091 = tpu.memref_slice %arg8[%dma_wait3A_1088, %dma_wait3A_1089, %dma_wait3A_1090] : memref<6x128x16xf32, #tpu.memory_space<vmem>> -> memref<1x128x16xf32, #tpu.memory_space<vmem>>
        %dma_wait3A_1092 = tpu.memref_squeeze %dma_wait3A_1091 : memref<1x128x16xf32, #tpu.memory_space<vmem>> -> memref<128x16xf32, #tpu.memory_space<vmem>>
        %dma_wait3A_1093 = arith.constant 0 : i32
        %dma_wait3A_1094 = tpu.memref_slice %arg7[%select_n3A_1035, %dma_wait3A_1093] : memref<48x128xi32, #tpu.memory_space<vmem>> -> memref<1x128xi32, #tpu.memory_space<vmem>>
        %dma_wait3A_1095 = tpu.memref_squeeze %dma_wait3A_1094 : memref<1x128xi32, #tpu.memory_space<vmem>> -> memref<128xi32, #tpu.memory_space<vmem>>
        %dma_wait3A_1096 = arith.constant 0 : i32
        %dma_wait3A_1097 = arith.constant 0 : i32
        %dma_wait3A_1098 = tpu.memref_slice %arg9[%dma_wait3A_1096, %dma_wait3A_1097] : memref<100096x16xf32, #tpu.memory_space<vmem_shared>> -> memref<100096x16xf32, #tpu.memory_space<vmem_shared>>
        tpu.wait_indirect_dma semaphore(%arg16 : memref<!tpu.dma_semaphore, #tpu.memory_space<semaphore_mem>>) src(%dma_wait3A_1092 : memref<128x16xf32, #tpu.memory_space<vmem>>) dst(%dma_wait3A_1098 : memref<100096x16xf32, #tpu.memory_space<vmem_shared>>)
      } else {
      }
      %dma_start3A_1068 = arith.constant 5 : i32
      %dma_start3A_1069 = arith.constant 0 : i32
      %dma_start3A_1070 = arith.constant 0 : i32
      %dma_start3A_1071 = tpu.memref_slice %arg8[%dma_start3A_1068, %dma_start3A_1069, %dma_start3A_1070] : memref<6x128x16xf32, #tpu.memory_space<vmem>> -> memref<1x128x16xf32, #tpu.memory_space<vmem>>
      %dma_start3A_1072 = tpu.memref_squeeze %dma_start3A_1071 : memref<1x128x16xf32, #tpu.memory_space<vmem>> -> memref<128x16xf32, #tpu.memory_space<vmem>>
      %dma_start3A_1073 = arith.constant 0 : i32
      %dma_start3A_1074 = tpu.memref_slice %arg7[%select_n3A_1035, %dma_start3A_1073] : memref<48x128xi32, #tpu.memory_space<vmem>> -> memref<1x128xi32, #tpu.memory_space<vmem>>
      %dma_start3A_1075 = tpu.memref_squeeze %dma_start3A_1074 : memref<1x128xi32, #tpu.memory_space<vmem>> -> memref<128xi32, #tpu.memory_space<vmem>>
      %dma_start3A_1076 = arith.constant 0 : i32
      %dma_start3A_1077 = arith.constant 0 : i32
      %dma_start3A_1078 = tpu.memref_slice %arg9[%dma_start3A_1076, %dma_start3A_1077] : memref<100096x16xf32, #tpu.memory_space<vmem_shared>> -> memref<100096x16xf32, #tpu.memory_space<vmem_shared>>
      tpu.enqueue_indirect_dma source(%dma_start3A_1072 : memref<128x16xf32, #tpu.memory_space<vmem>>) target(%dma_start3A_1078 : memref<100096x16xf32, #tpu.memory_space<vmem_shared>>) offsets(%dma_start3A_1075 : memref<128xi32, #tpu.memory_space<vmem>>) semaphore(%arg16 : memref<!tpu.dma_semaphore, #tpu.memory_space<semaphore_mem>>) {add = true}
      %add3A_1079 = arith.constant 6 : i32
      %add3A_1080 = arith.addi %add3A_963, %add3A_1079 : i32
      %sub3A_1081 = arith.constant 1 : i32
      %sub3A_1082 = arith.subi %add3A_1080, %sub3A_1081 : i32
      %lt3A_1083 = arith.constant 336 : i32
      %lt3A_1084 = arith.cmpi slt, %sub3A_1082, %lt3A_1083 : i32
      %convert_element_type3A_1085 = arith.extui %lt3A_1084 : i1 to i32
      %cond3A_1086 = arith.constant 0 : i32
      %cond3A_1087 = arith.cmpi ne, %convert_element_type3A_1085, %cond3A_1086 : i32
      scf.if %cond3A_1087 {
        %add3A_1088 = arith.constant 6 : i32
        %add3A_1089 = arith.addi %add3A_963, %add3A_1088 : i32
        %sub3A_1090 = arith.constant 1 : i32
        %sub3A_1091 = arith.subi %add3A_1089, %sub3A_1090 : i32
        %jit3A_1092 = arith.constant 48 : i32
        %eq3A_1093 = arith.constant 0 : i32
        %eq3A_1094 = arith.cmpi eq, %jit3A_1092, %eq3A_1093 : i32
        %jit3A_1095 = arith.constant 1 : i32
        %select_n3A_1096 = arith.select %eq3A_1094, %jit3A_1095, %jit3A_1092 : i32
        %rem3A_1097 = arith.remsi %sub3A_1091, %select_n3A_1096 : i32
        %ne3A_1098 = arith.constant 0 : i32
        %ne3A_1099 = arith.cmpi ne, %rem3A_1097, %ne3A_1098 : i32
        %lt3A_1100 = arith.constant 0 : i32
        %lt3A_1101 = arith.cmpi slt, %rem3A_1097, %lt3A_1100 : i32
        %lt3A_1102 = arith.constant 0 : i32
        %lt3A_1103 = arith.cmpi slt, %select_n3A_1096, %lt3A_1102 : i32
        %ne3A_1104 = arith.xori %lt3A_1101, %lt3A_1103 : i1
        %and3A_1105 = arith.andi %ne3A_1104, %ne3A_1099 : i1
        %add3A_1106 = arith.addi %rem3A_1097, %select_n3A_1096 : i32
        %select_n3A_1107 = arith.select %and3A_1105, %add3A_1106, %rem3A_1097 : i32
        %dma_start3A_1108 = arith.constant 4 : i32
        %dma_start3A_1109 = arith.constant 0 : i32
        %dma_start3A_1110 = arith.constant 0 : i32
        %dma_start3A_1111 = tpu.memref_slice %arg8[%dma_start3A_1108, %dma_start3A_1109, %dma_start3A_1110] : memref<6x128x16xf32, #tpu.memory_space<vmem>> -> memref<1x128x16xf32, #tpu.memory_space<vmem>>
        %dma_start3A_1112 = tpu.memref_squeeze %dma_start3A_1111 : memref<1x128x16xf32, #tpu.memory_space<vmem>> -> memref<128x16xf32, #tpu.memory_space<vmem>>
        %dma_start3A_1113 = arith.constant 0 : i32
        %dma_start3A_1114 = tpu.memref_slice %arg6[%select_n3A_1107, %dma_start3A_1113] : memref<48x128xi32, #tpu.memory_space<vmem>> -> memref<1x128xi32, #tpu.memory_space<vmem>>
        %dma_start3A_1115 = tpu.memref_squeeze %dma_start3A_1114 : memref<1x128xi32, #tpu.memory_space<vmem>> -> memref<128xi32, #tpu.memory_space<vmem>>
        %dma_start3A_1116 = arith.constant 0 : i32
        %dma_start3A_1117 = arith.constant 0 : i32
        %dma_start3A_1118 = tpu.memref_slice %arg2[%dma_start3A_1116, %dma_start3A_1117] : memref<2700864x16xf32, #tpu.memory_space<hbm>> -> memref<2700864x16xf32, #tpu.memory_space<hbm>>
        tpu.enqueue_indirect_dma source(%dma_start3A_1118 : memref<2700864x16xf32, #tpu.memory_space<hbm>>) target(%dma_start3A_1112 : memref<128x16xf32, #tpu.memory_space<vmem>>) offsets(%dma_start3A_1115 : memref<128xi32, #tpu.memory_space<vmem>>) semaphore(%arg14 : memref<!tpu.dma_semaphore, #tpu.memory_space<semaphore_mem>>)
      } else {
      }
    }
    %scan3A_318 = arith.constant 56 : i32
    %dma_wait3A_319 = arith.constant 5 : i32
    %dma_wait3A_320 = arith.constant 47 : i32
    %dma_wait3A_321 = arith.constant 0 : i32
    %dma_wait3A_322 = arith.constant 0 : i32
    %dma_wait3A_323 = tpu.memref_slice %arg8[%dma_wait3A_319, %dma_wait3A_321, %dma_wait3A_322] : memref<6x128x16xf32, #tpu.memory_space<vmem>> -> memref<1x128x16xf32, #tpu.memory_space<vmem>>
    %dma_wait3A_324 = tpu.memref_squeeze %dma_wait3A_323 : memref<1x128x16xf32, #tpu.memory_space<vmem>> -> memref<128x16xf32, #tpu.memory_space<vmem>>
    %dma_wait3A_325 = arith.constant 0 : i32
    %dma_wait3A_326 = tpu.memref_slice %arg7[%dma_wait3A_320, %dma_wait3A_325] : memref<48x128xi32, #tpu.memory_space<vmem>> -> memref<1x128xi32, #tpu.memory_space<vmem>>
    %dma_wait3A_327 = tpu.memref_squeeze %dma_wait3A_326 : memref<1x128xi32, #tpu.memory_space<vmem>> -> memref<128xi32, #tpu.memory_space<vmem>>
    %dma_wait3A_328 = arith.constant 0 : i32
    %dma_wait3A_329 = arith.constant 0 : i32
    %dma_wait3A_330 = tpu.memref_slice %arg9[%dma_wait3A_328, %dma_wait3A_329] : memref<100096x16xf32, #tpu.memory_space<vmem_shared>> -> memref<100096x16xf32, #tpu.memory_space<vmem_shared>>
    tpu.wait_indirect_dma semaphore(%arg16 : memref<!tpu.dma_semaphore, #tpu.memory_space<semaphore_mem>>) src(%dma_wait3A_324 : memref<128x16xf32, #tpu.memory_space<vmem>>) dst(%dma_wait3A_330 : memref<100096x16xf32, #tpu.memory_space<vmem_shared>>)
    %barrier3A_331 = arith.constant 0 : index
    tpu.barrier barrier_id(%barrier3A_331)
    "tpu.region"() ({
      %run_scoped3A_332 = tpu.sem_alloc : memref<!tpu.dma_semaphore, #tpu.memory_space<semaphore_mem>>
      %dma_start3A_333 = arith.constant 0 : i32
      %dma_start3A_334 = arith.constant 0 : i32
      %dma_start3A_335 = tpu.memref_slice %arg5[%arg0, %dma_start3A_333, %dma_start3A_334] : memref<2x100096x16xf32, #tpu.memory_space<hbm>> -> memref<1x100096x16xf32, #tpu.memory_space<hbm>>
      %dma_start3A_336 = tpu.memref_squeeze %dma_start3A_335 : memref<1x100096x16xf32, #tpu.memory_space<hbm>> -> memref<100096x16xf32, #tpu.memory_space<hbm>>
      %dma_start3A_337 = arith.constant 0 : i32
      %dma_start3A_338 = tpu.memref_slice %dma_start3A_336[%mul3A_2, %dma_start3A_337] : memref<100096x16xf32, #tpu.memory_space<hbm>> -> memref<6256x16xf32, #tpu.memory_space<hbm>>
      %dma_start3A_339 = arith.constant 0 : i32
      %dma_start3A_340 = tpu.memref_slice %arg9[%mul3A_2, %dma_start3A_339] : memref<100096x16xf32, #tpu.memory_space<vmem_shared>> -> memref<6256x16xf32, #tpu.memory_space<vmem_shared>>
      tpu.enqueue_dma source(%dma_start3A_340 : memref<6256x16xf32, #tpu.memory_space<vmem_shared>>) target(%dma_start3A_338 : memref<6256x16xf32, #tpu.memory_space<hbm>>) target_semaphore(%run_scoped3A_332 : memref<!tpu.dma_semaphore, #tpu.memory_space<semaphore_mem>>)
      %dma_wait3A_341 = arith.constant 0 : i32
      %dma_wait3A_342 = arith.constant 0 : i32
      %dma_wait3A_343 = tpu.memref_slice %arg5[%arg0, %dma_wait3A_341, %dma_wait3A_342] : memref<2x100096x16xf32, #tpu.memory_space<hbm>> -> memref<1x100096x16xf32, #tpu.memory_space<hbm>>
      %dma_wait3A_344 = tpu.memref_squeeze %dma_wait3A_343 : memref<1x100096x16xf32, #tpu.memory_space<hbm>> -> memref<100096x16xf32, #tpu.memory_space<hbm>>
      %dma_wait3A_345 = arith.constant 0 : i32
      %dma_wait3A_346 = tpu.memref_slice %dma_wait3A_344[%mul3A_2, %dma_wait3A_345] : memref<100096x16xf32, #tpu.memory_space<hbm>> -> memref<6256x16xf32, #tpu.memory_space<hbm>>
      %dma_wait3A_347 = arith.constant 0 : i32
      %dma_wait3A_348 = tpu.memref_slice %arg9[%mul3A_2, %dma_wait3A_347] : memref<100096x16xf32, #tpu.memory_space<vmem_shared>> -> memref<6256x16xf32, #tpu.memory_space<vmem_shared>>
      tpu.wait_dma2 semaphore(%run_scoped3A_332 : memref<!tpu.dma_semaphore, #tpu.memory_space<semaphore_mem>>) src(%dma_wait3A_348 : memref<6256x16xf32, #tpu.memory_space<vmem_shared>>) dst(%dma_wait3A_346 : memref<6256x16xf32, #tpu.memory_space<hbm>>)
      tpu.yield
    }) : () -> ()
    return
  }
}

module attributes {stable_mosaic.version = 14 : i64} {
  func.func @_tf_body(%arg0: i32, %arg1: memref<12504x128xf32, #tpu.memory_space<vmem>>, %arg2: memref<1x128x128xf32, #tpu.memory_space<vmem>>, %arg3: memref<12504x128xf32, #tpu.memory_space<vmem>>) attributes {dimension_semantics = [#tpu.dimension_semantics<arbitrary>], iteration_bounds = array<i64: 27>, scalar_prefetch = 0 : i64, scratch_operands = 0 : i64, tpu.core_type = #tpu.core_type<tc>, window_params = [{pipeline_mode = #tpu.pipeline_mode<synchronous>, transform_indices = @transform_0, window_bounds = array<i64: 12504, 128>}, {transform_indices = @transform_1, window_bounds = array<i64: 1, 128, 128>}, {transform_indices = @transform_2, window_bounds = array<i64: 12504, 128>}]} {
    %get3A = arith.constant 0 : index
    %get3A_0 = arith.constant 0 : index
    %get3A_1 = vector.load %arg1[%get3A, %get3A_0] : memref<12504x128xf32, #tpu.memory_space<vmem>>, vector<12504x128xf32>
    %get3A_2 = arith.constant 0 : index
    %get3A_3 = arith.constant 0 : index
    %get3A_4 = arith.constant 0 : index
    %get3A_5 = vector.load %arg2[%get3A_2, %get3A_3, %get3A_4] : memref<1x128x128xf32, #tpu.memory_space<vmem>>, vector<1x128x128xf32>
    %get3A_6 = vector.shape_cast %get3A_5 : vector<1x128x128xf32> to vector<128x128xf32>
    %dot_general3A = arith.constant dense<0.000000e+00> : vector<12504x128xf32>
    %dot_general3A_7 = tpu.matmul %get3A_1, %get3A_6, %dot_general3A {dimension_numbers = #tpu.dot_dimension_numbers<[1], [0], [0], [1], [0, 0, 1, 1], [], []>, transpose_lhs_hint = false} : vector<12504x128xf32>, vector<128x128xf32>, vector<12504x128xf32> -> vector<12504x128xf32>
    %swap3A = arith.constant 0 : index
    %swap3A_8 = arith.constant 0 : index
    %swap3A_9 = vector.load %arg3[%swap3A, %swap3A_8] : memref<12504x128xf32, #tpu.memory_space<vmem>>, vector<12504x128xf32>
    tpu.vector_store %arg3[%swap3A, %swap3A_8], %dot_general3A_7 {strides = array<i32>} : memref<12504x128xf32, #tpu.memory_space<vmem>>, vector<12504x128xf32>,
    return
  }
  func.func @transform_0(%arg0: i32) -> (i32, i32) {
    %c0_i32 = arith.constant 0 : i32
    %c0_i32_0 = arith.constant 0 : i32
    %c0_i32_1 = arith.constant 0 : i32
    return %c0_i32, %c0_i32_0 : i32, i32
  }
  func.func @transform_1(%arg0: i32) -> (i32, i32, i32) {
    %c0_i32 = arith.constant 0 : i32
    %c0_i32_0 = arith.constant 0 : i32
    %c0_i32_1 = arith.constant 0 : i32
    return %arg0, %c0_i32, %c0_i32_0 : i32, i32, i32
  }
  func.func @transform_2(%arg0: i32) -> (i32, i32) {
    %c0_i32 = arith.constant 0 : i32
    %c0_i32_0 = arith.constant 0 : i32
    return %arg0, %c0_i32 : i32, i32
  }
}

module attributes {stable_mosaic.version = 14 : i64} {
  func.func @_comb_body(%arg0: i32, %arg1: memref<2x3128x128xf32, #tpu.memory_space<vmem>>, %arg2: memref<3128x128xf32, #tpu.memory_space<vmem>>) attributes {dimension_semantics = [#tpu.dimension_semantics<arbitrary>], iteration_bounds = array<i64: 4>, scalar_prefetch = 0 : i64, scratch_operands = 0 : i64, tpu.core_type = #tpu.core_type<tc>, window_params = [{transform_indices = @transform_0, window_bounds = array<i64: 2, 3128, 128>}, {transform_indices = @transform_1, window_bounds = array<i64: 3128, 128>}]} {
    %get3A = arith.constant 0 : index
    %get3A_0 = arith.constant 0 : index
    %get3A_1 = arith.constant 0 : index
    %get3A_2 = vector.load %arg1[%get3A, %get3A_0, %get3A_1] : memref<2x3128x128xf32, #tpu.memory_space<vmem>>, vector<1x3128x128xf32>
    %get3A_3 = vector.shape_cast %get3A_2 : vector<1x3128x128xf32> to vector<3128x128xf32>
    %get3A_4 = arith.constant 1 : index
    %get3A_5 = arith.constant 0 : index
    %get3A_6 = arith.constant 0 : index
    %get3A_7 = vector.load %arg1[%get3A_4, %get3A_5, %get3A_6] : memref<2x3128x128xf32, #tpu.memory_space<vmem>>, vector<1x3128x128xf32>
    %get3A_8 = vector.shape_cast %get3A_7 : vector<1x3128x128xf32> to vector<3128x128xf32>
    %add3A = arith.addf %get3A_3, %get3A_8 : vector<3128x128xf32>
    %swap3A = arith.constant 0 : index
    %swap3A_9 = arith.constant 0 : index
    %swap3A_10 = vector.load %arg2[%swap3A, %swap3A_9] : memref<3128x128xf32, #tpu.memory_space<vmem>>, vector<3128x128xf32>
    tpu.vector_store %arg2[%swap3A, %swap3A_9], %add3A {strides = array<i32>} : memref<3128x128xf32, #tpu.memory_space<vmem>>, vector<3128x128xf32>,
    return
  }
  func.func @transform_0(%arg0: i32) -> (i32, i32, i32) {
    %c0_i32 = arith.constant 0 : i32
    %c0_i32_0 = arith.constant 0 : i32
    %c0_i32_1 = arith.constant 0 : i32
    return %c0_i32, %arg0, %c0_i32_0 : i32, i32, i32
  }
  func.func @transform_1(%arg0: i32) -> (i32, i32) {
    %c0_i32 = arith.constant 0 : i32
    %c0_i32_0 = arith.constant 0 : i32
    return %arg0, %c0_i32 : i32, i32
  }
}

</mosaic_0001>

<sc_bundles>
// kernel: kernel.6.cloned.1.call-start
scs
__scs_entry_jumppad:
0x0: {  	(pc) =	sbr.rel $0x88, $3  }
0x1: {  	(tag) =	ssettag $0x0;
	lr =	simm.s32 $0x1  }
0x2: {  	[smem:$0x3F9D] =	sst lr;
	_ =	strace $0xD0000000  }
0x3: {  	_ = 	snop  }
0x4: {  	_ = 	snop  }
0x5: {  	_ = 	snop  }
0x6: {  	_ = 	snop  }
0x7: {  	_ = 	snop  }
__scs_overlays_trampoline_lowered:
0x8: {  	[smem:$0x3FAC] =	sst s0  }
0x9: {  	[smem:$0x3FAD] =	sst s1  }
0xa: {  	[smem:$0x3FAE] =	sst s2  }
0xb: {  	[smem:$0x3FAF] =	sst s3  }
0xc: {  	[smem:$0x3FB0] =	sst s4  }
0xd: {  	[smem:$0x3FB1] =	sst s5  }
0xe: {  	[smem:$0x3FB2] =	sst s6  }
0xf: {  	[smem:$0x3FB3] =	sst s7  }
0x10: {  	[smem:$0x3FB4] =	sst s8  }
0x11: {  	[smem:$0x3FB5] =	sst s9;
	s0 =	simm.s32 @!p0 $0x0  }
0x12: {  	s1 =	sld [smem:$0x3F9B];
	s0 =	simm.s32 @p0 $0x1  }
0x13: {  	[smem:$0x3FB6] =	sst s0;
	s0 =	simm.s32 @!p1 $0x0  }
0x14: {  	s2 =	sld [smem:$0x3F9A];
	s0 =	simm.s32 @p1 $0x1  }
0x15: {  	[smem:$0x3FB7] =	sst s0;
	s0 =	simm.s32 @!p2 $0x0  }
0x16: {  	s3 =	sld [smem:$0x3FDB];
	s0 =	simm.s32 @p2 $0x1  }
0x17: {  	s4 =	simm.s32 $0x1BF5;
	[smem:$0x3FB9] =	sst s0  }
0x18: {  	s0 =	sld [smem:$0x3F9C];
	_ =	swait.ge [sflag:s4], $0x0  }
0x19: {  	s7 =	sld [smem:$0x3F9D]  }
0x1a: {  	s8 =	sadd.s32 $0xFFFFE003, lr  }
0x1b: {  	s9 =	sadd.s32 $0xFFFFFEF7, lr;
	s5 =	simm.s32 $0xFFFFFFFF;
	p2 =	slt.u32 s8, $0xFFFFF086  }
0x1c: {  	p1 =	slt.u32 s9, $0xF7A;
	s5 =	simm.s32 @!p2 $0x0  }
0x1d: {  	s5 =	simm.s32 @p1 $0x1;
	p0 =	seq.s32 s7, s2  }
0x1e: {  	s7 =	smul.u32 @!p0 $0xF7A, s2;
	p2 =	seq.s32 @!p0 s5, $0x0  }
0x1f: {  	s9 =	smul.u32 $0xF7A, s1;
	s8 =	simm.s32 @!p0 $0x1BF5;
	p2 =	por !p2, p0  }
0x20: {  	[sflag:s8] =	ssyncset.s32 @!p0 $0xFFFFF086;
	s6 =	sadd.s32 @!p0 s3, s7;
	s7 =	simm.s32 @!p0 $0x108  }
0x21: {  	s3 =	sadd.s32 s3, s9;
	s6 =	sadd.s32 @!p0 $0x88, s6;
	s7 =	simm.s32 @p2 $0x1082  }
0x22: {  	[simem:s7], [sflag:s8] =	dma.local @!p0 [hbm:s6], $0xF7A  }
0x23: {  	s9 =	sor.u32 $0xD0000000, s2;
	s6 =	simm.s32 $0x108;
	_ =	swait.ge @!p0 [sflag:s8], $0x0  }
0x24: {  	s3 =	sadd.s32 $0x88, s3;
	s6 =	simm.s32 @!p1 $0x1082;
	[sflag:s4] =	ssyncset.s32 $0xFFFFF086  }
0x25: {  	[simem:s6], [sflag:s4] =	dma.local [hbm:s3], $0xF7A  }
0x26: {  	[smem:$0x3F9D] =	sst s1;
	(tag) =	ssettag s2;
	_ =	strace s9  }
0x27: {  	s1 =	sld [smem:$0x3FAD]  }
0x28: {  	s2 =	sld [smem:$0x3FAE]  }
0x29: {  	s4 =	sld [smem:$0x3FB0]  }
0x2a: {  	p0 =	seq.s32 s5, $0x0;
	s5 =	sld [smem:$0x3FB1]  }
0x2b: {  	s6 =	sld [smem:$0x3FB2]  }
0x2c: {  	s7 =	sld [smem:$0x3FB3]  }
0x2d: {  	s3 =	simm.s32 $0x108;
	s8 =	sld [smem:$0x3FB4]  }
0x2e: {  	s3 =	simm.s32 @!p0 $0x1082;
	s9 =	sld [smem:$0x3FB5]  }
0x2f: {  	lr =	sadd.s32 s0, s3;
	s0 =	sld [smem:$0x3FAC]  }
0x30: {  	s3 =	sld [smem:$0x3FAF]  }
0x31: {  	[smem:$0x3FB8] =	sst s10  }
0x32: {  	s10 =	sld [smem:$0x3FB6];
	_ =	sdelay $0x3  }
0x33: {  	p0 =	seq.s32 s10, $0x1;
	s10 =	sld [smem:$0x3FB8];
	_ =	sdelay $0x3  }
0x34: {  	[smem:$0x3FB8] =	sst s10  }
0x35: {  	s10 =	sld [smem:$0x3FB7];
	_ =	sdelay $0x3  }
0x36: {  	p1 =	seq.s32 s10, $0x1;
	s10 =	sld [smem:$0x3FB8];
	_ =	sdelay $0x3  }
0x37: {  	[smem:$0x3FB8] =	sst s10  }
0x38: {  	s10 =	sld [smem:$0x3FB9]  }
0x39: {  	_ = 	snop;
	(pc) =	sbr.ind lr, $3  }
0x3a: {  	_ = 	snop  }
0x3b: {  	_ = 	snop  }
0x3c: {  	p2 =	seq.s32 s10, $0x1;
	s10 =	sld [smem:$0x3FB8]  }
0x3d: {  	_ =	shalt  }
0x3e: {  	_ =	shalt  }
0x3f: {  	_ =	shalt  }
0x40: {  	_ =	shalt  }
0x41: {  	_ =	shalt  }
0x42: {  	_ =	shalt  }
0x43: {  	_ =	shalt  }
0x44: {  	_ =	shalt  }
0x45: {  	_ =	shalt  }
0x46: {  	_ =	shalt  }
0x47: {  	_ =	shalt  }
0x48: {  	_ =	shalt  }
0x49: {  	_ =	shalt  }
0x4a: {  	_ =	shalt  }
0x4b: {  	_ =	shalt  }
0x4c: {  	_ =	shalt  }
0x4d: {  	_ =	shalt  }
0x4e: {  	_ =	shalt  }
0x4f: {  	_ =	shalt  }
0x50: {  	_ =	shalt  }
0x51: {  	_ =	shalt  }
0x52: {  	_ =	shalt  }
0x53: {  	_ =	shalt  }
0x54: {  	_ =	shalt  }
0x55: {  	_ =	shalt  }
0x56: {  	_ =	shalt  }
0x57: {  	_ =	shalt  }
0x58: {  	_ =	shalt  }
0x59: {  	_ =	shalt  }
0x5a: {  	_ =	shalt  }
0x5b: {  	_ =	shalt  }
0x5c: {  	_ =	shalt  }
0x5d: {  	_ =	shalt  }
0x5e: {  	_ =	shalt  }
0x5f: {  	_ =	shalt  }
0x60: {  	_ =	shalt  }
0x61: {  	_ =	shalt  }
0x62: {  	_ =	shalt  }
0x63: {  	_ =	shalt  }
0x64: {  	_ =	shalt  }
0x65: {  	_ =	shalt  }
0x66: {  	_ =	shalt  }
0x67: {  	_ =	shalt  }
0x68: {  	_ =	shalt  }
0x69: {  	_ =	shalt  }
0x6a: {  	_ =	shalt  }
0x6b: {  	_ =	shalt  }
0x6c: {  	_ =	shalt  }
0x6d: {  	_ =	shalt  }
0x6e: {  	_ =	shalt  }
0x6f: {  	_ =	shalt  }
0x70: {  	_ =	shalt  }
0x71: {  	_ =	shalt  }
0x72: {  	_ =	shalt  }
0x73: {  	_ =	shalt  }
0x74: {  	_ =	shalt  }
0x75: {  	_ =	shalt  }
0x76: {  	_ =	shalt  }
0x77: {  	_ =	shalt  }
0x78: {  	_ =	shalt  }
0x79: {  	_ =	shalt  }
0x7a: {  	_ =	shalt  }
0x7b: {  	_ =	shalt  }
0x7c: {  	_ =	shalt  }
0x7d: {  	_ =	shalt  }
0x7e: {  	_ =	shalt  }
0x7f: {  	_ =	shalt  }
0x80: {  	_ =	shalt  }
0x81: {  	_ =	shalt  }
0x82: {  	_ =	shalt  }
0x83: {  	_ =	shalt  }
0x84: {  	_ =	shalt  }
0x85: {  	_ =	shalt  }
0x86: {  	_ =	shalt  }
0x87: {  	_ =	shalt  }
.Lfunc_end0:
.L_simem_size_0:
called_computation_lowered:
.L_overlay_start_0:
0x88: {  	s2 =	sld [smem:$0x3FD9]  }
0x89: {  	s3 =	sld [smem:$0x3FFE];
	_ =	sdelay $0x1  }
0x8a: {  	s1 =	srdreg.scid  }
0x8b: {  	s0 =	sand.u32 $0x1, s1  }
0x8c: {  	s17 =	sshll.u32 s0, $0xA;
	s2 =	sadd.s32 s3, s2  }
0x8d: {  	s2 =	sadd.s32 s2, s17  }
0x8e: {  	[smem:$0x3FC4] =	sst s2  }
0x8f: {  	_ = 	snop  }
0x90: {  	s2 =	sld [smem:$0x3FD0];
	(tm) =	ssettm $0x1  }
0x91: {  	s18 =	sld [smem:$0x3FFB];
	_ =	sdelay $0x3  }
0x92: {  	_ =	strace s18  }
0x93: {  	s3 =	sld [smem:$0x3FFC];
	_ =	sdelay $0x3  }
0x94: {  	_ =	strace s3  }
0x95: {  	s3 =	sld [smem:$0x3FFD];
	_ =	sdelay $0x3  }
0x96: {  	_ =	strace s3  }
0x97: {  	_ =	strace $0x8FFFFFFF  }
0x98: {  	s19 =	sld [smem:$0x3FDB];
	_ =	sdelay $0x1  }
0x99: {  	s4 =	simm.s32 $_scs_section_size  }
0x9a: {  	s5 =	simm.s32 $_size__tile_overlayer_lowered;
	s6 =	simm.s32 $_tile_overlayer_lowered  }
0x9b: {  	s22 =	simm.s32 $0x1BFF;
	s21 =	sshll.u32 s6, $0x1;
	s3 =	sadd.s32 s4, s19  }
0x9c: {  	s7 =	simm.s32 $0x0;
	s20 =	sshll.u32 s5, $0x1;
	s5 =	sadd.s32 s21, s3  }
0x9d: {  	[timem:s7], [sflag:s22] =	dma.local [hbm:s5], s20  }
0x9e: {  	_ =	swait.ge [sflag:s22], s20  }
0x9f: {  	s4 =	ssub.s32 $0x0, s20;
	[sflag:s22] =	ssyncset.done $0x0  }
0xa0: {  	[sflag:s22] =	ssyncadd.s32 s4;
	_ =	sdelay $0x1  }
0xa1: {  	s23 =	simm.s32 $0x1B8B  }
0xa2: {  	_ =	swait.ge [sflag:s23], $0x1  }
0xa3: {  	[sflag:s23] =	ssyncset.done $0x0  }
0xa4: {  	s25 =	simm.s32 $0x1B8E;
	s24 =	sld [smem:$0x3FFE];
	[sflag:s23] =	ssyncadd.s32 $0xFFFFFFFF  }
0xa5: {  	s26 =	simm.s32 $execute0_lowered;
	[smem:$0x3FD2] =	sst s25  }
0xa6: {  	s5 =	sshll.u32 s26, $0x1;
	_ =	strace $0x80000046;
	[dreg:$0x1] =	wrdreg $0xFFFFFFFF  }
0xa7: {  	s28 =	simm.s32 $_size_execute0_lowered;
	s3 =	sadd.s32 s3, s5;
	[dreg:$0x0] =	wrdreg $0x0  }
0xa8: {  	s5 =	sshll.u32 s28, $0x1;
	[dreg:$0x2] =	wrdreg s3  }
0xa9: {  	[dreg:$0x3] =	wrdreg s5  }
0xaa: {  	[dreg:$0x4] =	wrdreg $0xC0  }
0xab: {  	_ =	task [dreg:s7], $0x5FFFF  }
0xac: {  	[dreg:$0x1] =	wrdreg $0xFFFFFFFF  }
0xad: {  	[dreg:$0x0] =	wrdreg $0x60  }
0xae: {  	[dreg:$0x2] =	wrdreg s24  }
0xaf: {  	[dreg:$0x3] =	wrdreg s2  }
0xb0: {  	[dreg:$0x4] =	wrdreg $0x60000  }
0xb1: {  	[dreg:$0x5] =	wrdreg $0x9  }
0xb2: {  	_ =	task.clear_ibuf [dreg:s7], $0x6FFFF;
	_ =	strace $0x90000046  }
0xb3: {  	s29 =	simm.s32 $0x9;
	_ =	strace $0x80000048  }
0xb4: {  	_ =	swait.ge [sflag:s29], $0x1  }
0xb5: {  	[sflag:s29] =	ssyncadd.s32 $0xFFFFFFFF  }
0xb6: {  	_ =	strace $0x90000048  }
0xb7: {  	_ =	sfence  }
0xb8: {  	s30 =	sld [smem:$0x0];
	_ =	sdelay $0x2  }
0xb9: {  	s31 =	sshll.u32 s1, $0xD;
	s1 =	sshrl.u32 s1, $0x2  }
0xba: {  	s3 =	sand.u32 $0x4000, s31;
	s1 =	sadd.s32 s1, s30  }
0xbb: {  	s0 =	sor.u32 s3, s0;
	s1 =	sshll.u32 s1, $0x11  }
0xbc: {  	s0 =	sor.u32 s1, s0  }
0xbd: {  	s0 =	sadd.s32 $0x8F2B, s0  }
0xbe: {  	[sflag:s0] =	ssyncadd.remote.s32 $0x1  }
0xbf: {  	_ =	sfence.sel $0xFFFF  }
0xc0: {  	[dreg:$0x0] =	wrdreg $0xFFFFFFFF;
	(pc) =	sbr.abs _section_cstart, $3  }
0xc1: {  	[dreg:$0x1] =	wrdreg $0xFFFFFFFF  }
0xc2: {  	_ =	task.clear_ibuf [dreg:s7], $0x2FFFF;
	_ =	strace $0x9FFFFFFF  }
0xc3: {  	(tm) =	ssettm $0x7FFFFFFF  }
tec
execute0_lowered:
.L_overlay_start_1:
0x0: {  	(tag) =	ssettag $0x1  }
0x1: {  	s0 =	srdreg.scid;
	s1 =	rddreg [dreg:$0x0]  }
0x2: {  	s3 =	rddreg [dreg:$0x1];
	s9 =	stileid.u32  }
0x3: {  	s2 =	rddreg [dreg:$0x2];
	s0 =	sand.u32 $0x1, s0;
	s7 =	smul.u32 $0x61C00, s9  }
0x4: {  	s6 =	simm.s32 $0x0;
	s4 =	sshll.u32 s0, $0x4;
	s25 =	smul.u32 $0x30E00, s0  }
0x5: {  	s0 =	ssub.s32 $0x2, s0;
	s4 =	sor.u32 s9, s4;
	s9 =	smul.u32 $0x18700, s9  }
0x6: {  	[smem:$0x7FF] =	sst s6;
	s26 =	sshrl.u32 s0, $0x1;
	s5 =	smul.u32 $0x1500, s4  }
0x7: {  	_ =	strace $0x80000047;
	s7 =	sshrl.u32 s7, $0x2;
	s0 =	ssub.s32 s0, s26  }
0x8: {  	s24 =	sadd.s32 s9, s2;
	s0 =	smax.u32 s0, $0x1;
	s8 =	sadd.s32 s5, s1  }
0x9: {  	s5 =	sadd.s32 s3, s5;
	s3 =	sadd.s32 s7, s2;
	[smem:$0x7FD] =	sst s0  }
0xa: {  	[dreg:$0x4] =	wrdreg s24;
	s7 =	sadd.s32 $0x800, s3  }
0xb: {  	s28 =	sadd.s32 $0x1000, s3;
	[dreg:$0x5] =	wrdreg s7  }
0xc: {  	s29 =	sadd.s32 $0x1800, s3;
	[dreg:$0x6] =	wrdreg s28  }
0xd: {  	s30 =	sadd.s32 $0x2000, s3;
	[dreg:$0x7] =	wrdreg s29  }
0xe: {  	s31 =	sadd.s32 $0x2800, s3;
	[dreg:$0x8] =	wrdreg s30  }
0xf: {  	s6 =	sadd.s32 $0x1600, s8;
	s8 =	sadd.s32 $0x3000, s3;
	[dreg:$0x9] =	wrdreg s31  }
0x10: {  	s10 =	sadd.s32 $0x3800, s3;
	[dreg:$0xa] =	wrdreg s8  }
0x11: {  	s11 =	sadd.s32 $0x4000, s3;
	[dreg:$0xb] =	wrdreg s10  }
0x12: {  	s12 =	sadd.s32 $0x4800, s3;
	[dreg:$0xc] =	wrdreg s11  }
0x13: {  	s13 =	sadd.s32 $0x5000, s3;
	[dreg:$0xd] =	wrdreg s12  }
0x14: {  	s14 =	sadd.s32 $0x5800, s3;
	[dreg:$0xe] =	wrdreg s13  }
0x15: {  	s15 =	sadd.s32 $0x6000, s3;
	[dreg:$0xf] =	wrdreg s14  }
0x16: {  	s16 =	sadd.s32 $0x6800, s3;
	[dreg:$0x10] =	wrdreg s15  }
0x17: {  	s17 =	sadd.s32 $0x7000, s3;
	[dreg:$0x11] =	wrdreg s16  }
0x18: {  	s19 =	sadd.s32 $0x7800, s3;
	[dreg:$0x12] =	wrdreg s17  }
0x19: {  	s20 =	sadd.s32 $0x8000, s3;
	[dreg:$0x14] =	wrdreg s19  }
0x1a: {  	s21 =	sadd.s32 $0x8800, s3;
	[dreg:$0x15] =	wrdreg s20  }
0x1b: {  	s22 =	sadd.s32 $0x9000, s3;
	[dreg:$0x16] =	wrdreg s21  }
0x1c: {  	s4 =	sadd.s32 $0x2B600, s1;
	s23 =	sadd.s32 $0x9800, s3;
	[dreg:$0x17] =	wrdreg s22  }
0x1d: {  	s1 =	sadd.s32 s25, s1;
	s25 =	sadd.s32 $0xA000, s3;
	[dreg:$0x18] =	wrdreg s23  }
0x1e: {  	s18 =	sshrl.u32 s9, $0x3;
	s26 =	sadd.s32 $0xA800, s3;
	[dreg:$0x19] =	wrdreg s25  }
0x1f: {  	s1 =	sadd.s32 $0x552400, s1;
	s9 =	sadd.s32 $0xE000, s3;
	[dreg:$0x1a] =	wrdreg s26  }
0x20: {  	s1 =	sadd.s32 s18, s1;
	[smem:$0x7E8] =	sst s9  }
0x21: {  	s28 =	sadd.s32 $0xB000, s3;
	[dreg:$0x13] =	wrdreg s1  }
0x22: {  	s29 =	sadd.s32 $0xB800, s3;
	[dreg:$0x1b] =	wrdreg s28  }
0x23: {  	s30 =	sadd.s32 $0xC000, s3;
	[dreg:$0x1c] =	wrdreg s29  }
0x24: {  	s31 =	sadd.s32 $0xC800, s3;
	[dreg:$0x1d] =	wrdreg s30  }
0x25: {  	s7 =	sadd.s32 $0xD000, s3;
	[dreg:$0x1e] =	wrdreg s31  }
0x26: {  	s8 =	sadd.s32 $0xD800, s3;
	[dreg:$0x1f] =	wrdreg s7  }
0x27: {  	s10 =	sadd.s32 $0xE800, s3;
	[smem:$0x7E7] =	sst s8  }
0x28: {  	s11 =	sadd.s32 $0xF000, s3;
	[smem:$0x7E9] =	sst s10  }
0x29: {  	s12 =	sadd.s32 $0xF800, s3;
	[smem:$0x7EA] =	sst s11  }
0x2a: {  	s13 =	sadd.s32 $0x10000, s3;
	[smem:$0x7EB] =	sst s12  }
0x2b: {  	s14 =	sadd.s32 $0x10800, s3;
	[smem:$0x7EC] =	sst s13  }
0x2c: {  	s15 =	sadd.s32 $0x11000, s3;
	[smem:$0x7ED] =	sst s14  }
0x2d: {  	s16 =	sadd.s32 $0x11800, s3;
	[smem:$0x7EE] =	sst s15  }
0x2e: {  	s17 =	sadd.s32 $0x12000, s3;
	[smem:$0x7EF] =	sst s16  }
0x2f: {  	s18 =	sadd.s32 $0x12800, s3;
	[smem:$0x7F0] =	sst s17  }
0x30: {  	s19 =	sadd.s32 $0x13000, s3;
	[smem:$0x7F1] =	sst s18  }
0x31: {  	s20 =	sadd.s32 $0x13800, s3;
	[smem:$0x7F2] =	sst s19  }
0x32: {  	s21 =	sadd.s32 $0x14000, s3;
	[smem:$0x7F3] =	sst s20  }
0x33: {  	s22 =	sadd.s32 $0x14800, s3;
	[smem:$0x7F4] =	sst s21  }
0x34: {  	s23 =	sadd.s32 $0x15000, s3;
	[smem:$0x7F5] =	sst s22  }
0x35: {  	s25 =	sadd.s32 $0x15800, s3;
	[smem:$0x7F6] =	sst s23  }
0x36: {  	s26 =	sadd.s32 $0x16000, s3;
	[smem:$0x7F7] =	sst s25  }
0x37: {  	s0 =	simm.s32 $0x3000;
	[smem:$0x7F8] =	sst s26;
	s28 =	sadd.s32 $0x16800, s3  }
0x38: {  	s29 =	sadd.s32 $0x17000, s3;
	s30 =	sadd.s32 $0x17800, s3;
	s31 =	sadd.s32 $0x18000, s3  }
0x39: {  	s3 =	simm.s32 $0xA;
	s10 =	simm.s32 $0x80;
	s11 =	simm.s32 $0x3800  }
0x3a: {  	s12 =	simm.s32 $0x4000;
	s13 =	simm.s32 $0x4800;
	s14 =	simm.s32 $0x5000  }
.Ltmp0:
0x3b: {  	s15 =	simm.s32 $0x1;
	s16 =	simm.s32 $0x5800;
	(pc) =	sbr.rel .LBB2_1-.Ltmp0, $4  }
0x3c: {  	s17 =	simm.s32 $0x2;
	s18 =	simm.s32 $0x7;
	[smem:$0x7F9] =	sst s28  }
0x3d: {  	s19 =	simm.s32 $0x3;
	s20 =	simm.s32 $0x2E00;
	[smem:$0x7FA] =	sst s29  }
0x3e: {  	s21 =	simm.s32 $0x4;
	s22 =	simm.s32 $0x5;
	[smem:$0x7FB] =	sst s30  }
0x3f: {  	v0 =	vimm.f32 $0.0e+00;
	s23 =	simm.s32 $0x6;
	s7 =	simm.s32 $0x0;
	[smem:$0x7FC] =	sst s31  }
.LBB2_8:
0x40: {  	_ =	swait.ge [sflag:s22], $0x800  }
0x41: {  	[sflag:s22] =	ssyncset.done $0x0  }
0x42: {  	[sflag:s22] =	ssyncadd.s32 $0xFFFFF800  }
0x43: {  	_ =	swait.ge [sflag:s18], $0x800  }
0x44: {  	[sflag:s18] =	ssyncset.done $0x0  }
0x45: {  	s1 =	simm.s32 $0x2F00;
	[sflag:s18] =	ssyncadd.s32 $0xFFFFF800  }
0x46: {  	[spmem:s2] =	stream.indirect.scatter.add.f32 [tilespmem:s14], [sflag:$0x7], $0x10, s1, s10, $0xb8;
	[tilespmem:$0x1E700] =	vst v63  }
0x47: {  	_ =	swait.ge [sflag:s23], $0x800  }
0x48: {  	[sflag:s23] =	ssyncset.done $0x0  }
0x49: {  	[sflag:s23] =	ssyncadd.s32 $0xFFFFF800  }
0x4a: {  	_ =	swait.ge [sflag:s18], $0x800  }
0x4b: {  	[sflag:s18] =	ssyncset.done $0x0  }
0x4c: {  	s28 =	sadd.s32 $0x1800, s28;
	[sflag:s18] =	ssyncadd.s32 $0xFFFFF800  }
0x4d: {  	[spmem:s2] =	stream.indirect.scatter.add.f32 [tilespmem:s16], [sflag:$0x7], $0x10, s28, s10, $0xb8;
	[tilespmem:$0x1E700] =	vst v63  }
0x4e: {  	_ =	swait.ge [sflag:s18], $0x800  }
0x4f: {  	[sflag:s18] =	ssyncset.done $0x0  }
0x50: {  	[sflag:s18] =	ssyncadd.s32 $0xFFFFF800  }
0x51: {  	s29 =	stileid.u32;
	[bflag:$0x0] =	sbarrier.arrive $0xFFFF  }
0x52: {  	s1 =	sshll.u32 s29, $0x6;
	s24 =	rddreg [dreg:$0x4]  }
0x53: {  	s1 =	sor.u32 $0x1C0A, s1;
	s8 =	rddreg [dreg:$0x13];
	s7 =	sshrl.u32 s24, $0x3  }
0x54: {  	[hbm:s8], [sflag:s1] =	dma.local [spmem:s7], $0x30E0  }
0x55: {  	_ =	swait.ge [sflag:s3], $0x30E0  }
0x56: {  	s30 =	sld [smem:$0x7E6]  }
0x57: {  	s31 =	sld [smem:$0x7FD];
	_ =	sdelay $0x1  }
0x58: {  	s7 =	sadd.s32 $0x1, s30  }
0x59: {  	p0 =	sne.s32 s7, s31  }
.Ltmp1:
0x5a: {  	_ = 	snop;
	(pc) =	sbr.rel @!p0 .LBB2_9-.Ltmp1, $3  }
0x5b: {  	_ =	sdelay $0x1  }
0x5c: {  	[sflag:s3] =	ssyncset.done $0x0  }
0x5d: {  	[sflag:s3] =	ssyncadd.s32 $0xFFFFCF20  }
.LBB2_1:
0x5e: {  	[smem:$0x7E6] =	sst s7;
	s1 =	simm.s32 $0x0  }
0x5f: {  	[tilespmem:s1], [sflag:$0x8] =	stream.linear.gather [hbm4b:s5+s1], $0xC00, $0x38;
	[tilespmem:$0x1E700] =	vst v63  }
0x60: {  	s31 =	simm.s32 $0x1800;
	s25 =	simm.s32 $0x40;
	s26 =	simm.s32 $0x0  }
0x61: {  	[tilespmem:s31], [sflag:$0x9] =	stream.linear.gather [hbm4b:s6+s1], $0xC00, $0x38;
	[tilespmem:$0x1E700] =	vst v63  }
.LBB2_2:
0x62: {  	p0 =	sne.s32 s25, $0x1FC0;
	[tilespmem:s26+$0x3000] =	vst v0;
	s26 =	smov.u32 s25;
	s25 =	sadd.s32 $0x40, s25  }
.Ltmp2:
0x63: {  	(pc) =	sbr.rel @p0 .LBB2_2-.Ltmp2, $2  }
0x64: {  	_ =	sdelay $0x2  }
0x65: {  	s26 =	sshra.s32 s26, $0x2  }
0x66: {  	[tilespmem:s26+$0x3000] =	vst v0  }
0x67: {  	[spmem:s24] =	stream.linear.scatter [tilespmem:s0], [sflag:$0xA], $0x800, $0x38;
	[tilespmem:$0x1E700] =	vst v63  }
0x68: {  	_ =	swait.ge [sflag:s3], $0x800  }
0x69: {  	[sflag:s3] =	ssyncset.done $0x0  }
0x6a: {  	s1 =	rddreg [dreg:$0x5];
	[sflag:s3] =	ssyncadd.s32 $0xFFFFF800  }
0x6b: {  	[spmem:s1] =	stream.linear.scatter [tilespmem:s0], [sflag:$0xA], $0x800, $0x38;
	[tilespmem:$0x1E700] =	vst v63  }
0x6c: {  	_ =	swait.ge [sflag:s3], $0x800  }
0x6d: {  	[sflag:s3] =	ssyncset.done $0x0  }
0x6e: {  	s30 =	rddreg [dreg:$0x6];
	[sflag:s3] =	ssyncadd.s32 $0xFFFFF800  }
0x6f: {  	[spmem:s30] =	stream.linear.scatter [tilespmem:s0], [sflag:$0xA], $0x800, $0x38;
	[tilespmem:$0x1E700] =	vst v63  }
0x70: {  	_ =	swait.ge [sflag:s3], $0x800  }
0x71: {  	[sflag:s3] =	ssyncset.done $0x0  }
0x72: {  	s31 =	rddreg [dreg:$0x7];
	[sflag:s3] =	ssyncadd.s32 $0xFFFFF800  }
0x73: {  	[spmem:s31] =	stream.linear.scatter [tilespmem:s0], [sflag:$0xA], $0x800, $0x38;
	[tilespmem:$0x1E700] =	vst v63  }
0x74: {  	_ =	swait.ge [sflag:s3], $0x800  }
0x75: {  	[sflag:s3] =	ssyncset.done $0x0  }
0x76: {  	s7 =	rddreg [dreg:$0x8];
	[sflag:s3] =	ssyncadd.s32 $0xFFFFF800  }
0x77: {  	[spmem:s7] =	stream.linear.scatter [tilespmem:s0], [sflag:$0xA], $0x800, $0x38;
	[tilespmem:$0x1E700] =	vst v63  }
0x78: {  	_ =	swait.ge [sflag:s3], $0x800  }
0x79: {  	[sflag:s3] =	ssyncset.done $0x0  }
0x7a: {  	s8 =	rddreg [dreg:$0x9];
	[sflag:s3] =	ssyncadd.s32 $0xFFFFF800  }
0x7b: {  	[spmem:s8] =	stream.linear.scatter [tilespmem:s0], [sflag:$0xA], $0x800, $0x38;
	[tilespmem:$0x1E700] =	vst v63  }
0x7c: {  	_ =	swait.ge [sflag:s3], $0x800  }
0x7d: {  	[sflag:s3] =	ssyncset.done $0x0  }
0x7e: {  	s9 =	rddreg [dreg:$0xa];
	[sflag:s3] =	ssyncadd.s32 $0xFFFFF800  }
0x7f: {  	[spmem:s9] =	stream.linear.scatter [tilespmem:s0], [sflag:$0xA], $0x800, $0x38;
	[tilespmem:$0x1E700] =	vst v63  }
0x80: {  	_ =	swait.ge [sflag:s3], $0x800  }
0x81: {  	[sflag:s3] =	ssyncset.done $0x0  }
0x82: {  	s24 =	rddreg [dreg:$0xb];
	[sflag:s3] =	ssyncadd.s32 $0xFFFFF800  }
0x83: {  	[spmem:s24] =	stream.linear.scatter [tilespmem:s0], [sflag:$0xA], $0x800, $0x38;
	[tilespmem:$0x1E700] =	vst v63  }
0x84: {  	_ =	swait.ge [sflag:s3], $0x800  }
0x85: {  	[sflag:s3] =	ssyncset.done $0x0  }
0x86: {  	s25 =	rddreg [dreg:$0xc];
	[sflag:s3] =	ssyncadd.s32 $0xFFFFF800  }
0x87: {  	[spmem:s25] =	stream.linear.scatter [tilespmem:s0], [sflag:$0xA], $0x800, $0x38;
	[tilespmem:$0x1E700] =	vst v63  }
0x88: {  	_ =	swait.ge [sflag:s3], $0x800  }
0x89: {  	[sflag:s3] =	ssyncset.done $0x0  }
0x8a: {  	s26 =	rddreg [dreg:$0xd];
	[sflag:s3] =	ssyncadd.s32 $0xFFFFF800  }
0x8b: {  	[spmem:s26] =	stream.linear.scatter [tilespmem:s0], [sflag:$0xA], $0x800, $0x38;
	[tilespmem:$0x1E700] =	vst v63  }
0x8c: {  	_ =	swait.ge [sflag:s3], $0x800  }
0x8d: {  	[sflag:s3] =	ssyncset.done $0x0  }
0x8e: {  	s28 =	rddreg [dreg:$0xe];
	[sflag:s3] =	ssyncadd.s32 $0xFFFFF800  }
0x8f: {  	[spmem:s28] =	stream.linear.scatter [tilespmem:s0], [sflag:$0xA], $0x800, $0x38;
	[tilespmem:$0x1E700] =	vst v63  }
0x90: {  	_ =	swait.ge [sflag:s3], $0x800  }
0x91: {  	[sflag:s3] =	ssyncset.done $0x0  }
0x92: {  	s29 =	rddreg [dreg:$0xf];
	[sflag:s3] =	ssyncadd.s32 $0xFFFFF800  }
0x93: {  	[spmem:s29] =	stream.linear.scatter [tilespmem:s0], [sflag:$0xA], $0x800, $0x38;
	[tilespmem:$0x1E700] =	vst v63  }
0x94: {  	_ =	swait.ge [sflag:s3], $0x800  }
0x95: {  	[sflag:s3] =	ssyncset.done $0x0  }
0x96: {  	s30 =	rddreg [dreg:$0x10];
	[sflag:s3] =	ssyncadd.s32 $0xFFFFF800  }
0x97: {  	[spmem:s30] =	stream.linear.scatter [tilespmem:s0], [sflag:$0xA], $0x800, $0x38;
	[tilespmem:$0x1E700] =	vst v63  }
0x98: {  	_ =	swait.ge [sflag:s3], $0x800  }
0x99: {  	[sflag:s3] =	ssyncset.done $0x0  }
0x9a: {  	s31 =	rddreg [dreg:$0x11];
	[sflag:s3] =	ssyncadd.s32 $0xFFFFF800  }
0x9b: {  	[spmem:s31] =	stream.linear.scatter [tilespmem:s0], [sflag:$0xA], $0x800, $0x38;
	[tilespmem:$0x1E700] =	vst v63  }
0x9c: {  	_ =	swait.ge [sflag:s3], $0x800  }
0x9d: {  	[sflag:s3] =	ssyncset.done $0x0  }
0x9e: {  	s7 =	rddreg [dreg:$0x12];
	[sflag:s3] =	ssyncadd.s32 $0xFFFFF800  }
0x9f: {  	[spmem:s7] =	stream.linear.scatter [tilespmem:s0], [sflag:$0xA], $0x800, $0x38;
	[tilespmem:$0x1E700] =	vst v63  }
0xa0: {  	_ =	swait.ge [sflag:s3], $0x800  }
0xa1: {  	[sflag:s3] =	ssyncset.done $0x0  }
0xa2: {  	s8 =	rddreg [dreg:$0x14];
	[sflag:s3] =	ssyncadd.s32 $0xFFFFF800  }
0xa3: {  	[spmem:s8] =	stream.linear.scatter [tilespmem:s0], [sflag:$0xA], $0x800, $0x38;
	[tilespmem:$0x1E700] =	vst v63  }
0xa4: {  	_ =	swait.ge [sflag:s3], $0x800  }
0xa5: {  	[sflag:s3] =	ssyncset.done $0x0  }
0xa6: {  	s9 =	rddreg [dreg:$0x15];
	[sflag:s3] =	ssyncadd.s32 $0xFFFFF800  }
0xa7: {  	[spmem:s9] =	stream.linear.scatter [tilespmem:s0], [sflag:$0xA], $0x800, $0x38;
	[tilespmem:$0x1E700] =	vst v63  }
0xa8: {  	_ =	swait.ge [sflag:s3], $0x800  }
0xa9: {  	[sflag:s3] =	ssyncset.done $0x0  }
0xaa: {  	s24 =	rddreg [dreg:$0x16];
	[sflag:s3] =	ssyncadd.s32 $0xFFFFF800  }
0xab: {  	[spmem:s24] =	stream.linear.scatter [tilespmem:s0], [sflag:$0xA], $0x800, $0x38;
	[tilespmem:$0x1E700] =	vst v63  }
0xac: {  	_ =	swait.ge [sflag:s3], $0x800  }
0xad: {  	[sflag:s3] =	ssyncset.done $0x0  }
0xae: {  	s25 =	rddreg [dreg:$0x17];
	[sflag:s3] =	ssyncadd.s32 $0xFFFFF800  }
0xaf: {  	[spmem:s25] =	stream.linear.scatter [tilespmem:s0], [sflag:$0xA], $0x800, $0x38;
	[tilespmem:$0x1E700] =	vst v63  }
0xb0: {  	_ =	swait.ge [sflag:s3], $0x800  }
0xb1: {  	[sflag:s3] =	ssyncset.done $0x0  }
0xb2: {  	s26 =	rddreg [dreg:$0x18];
	[sflag:s3] =	ssyncadd.s32 $0xFFFFF800  }
0xb3: {  	[spmem:s26] =	stream.linear.scatter [tilespmem:s0], [sflag:$0xA], $0x800, $0x38;
	[tilespmem:$0x1E700] =	vst v63  }
0xb4: {  	_ =	swait.ge [sflag:s3], $0x800  }
0xb5: {  	[sflag:s3] =	ssyncset.done $0x0  }
0xb6: {  	s28 =	rddreg [dreg:$0x19];
	[sflag:s3] =	ssyncadd.s32 $0xFFFFF800  }
0xb7: {  	[spmem:s28] =	stream.linear.scatter [tilespmem:s0], [sflag:$0xA], $0x800, $0x38;
	[tilespmem:$0x1E700] =	vst v63  }
0xb8: {  	_ =	swait.ge [sflag:s3], $0x800  }
0xb9: {  	[sflag:s3] =	ssyncset.done $0x0  }
0xba: {  	s29 =	rddreg [dreg:$0x1a];
	[sflag:s3] =	ssyncadd.s32 $0xFFFFF800  }
0xbb: {  	[spmem:s29] =	stream.linear.scatter [tilespmem:s0], [sflag:$0xA], $0x800, $0x38;
	[tilespmem:$0x1E700] =	vst v63  }
0xbc: {  	_ =	swait.ge [sflag:s3], $0x800  }
0xbd: {  	[sflag:s3] =	ssyncset.done $0x0  }
0xbe: {  	s30 =	rddreg [dreg:$0x1b];
	[sflag:s3] =	ssyncadd.s32 $0xFFFFF800  }
0xbf: {  	[spmem:s30] =	stream.linear.scatter [tilespmem:s0], [sflag:$0xA], $0x800, $0x38;
	[tilespmem:$0x1E700] =	vst v63  }
0xc0: {  	_ =	swait.ge [sflag:s3], $0x800  }
0xc1: {  	[sflag:s3] =	ssyncset.done $0x0  }
0xc2: {  	s31 =	rddreg [dreg:$0x1c];
	[sflag:s3] =	ssyncadd.s32 $0xFFFFF800  }
0xc3: {  	[spmem:s31] =	stream.linear.scatter [tilespmem:s0], [sflag:$0xA], $0x800, $0x38;
	[tilespmem:$0x1E700] =	vst v63  }
0xc4: {  	_ =	swait.ge [sflag:s3], $0x800  }
0xc5: {  	[sflag:s3] =	ssyncset.done $0x0  }
0xc6: {  	s7 =	rddreg [dreg:$0x1d];
	[sflag:s3] =	ssyncadd.s32 $0xFFFFF800  }
0xc7: {  	[spmem:s7] =	stream.linear.scatter [tilespmem:s0], [sflag:$0xA], $0x800, $0x38;
	[tilespmem:$0x1E700] =	vst v63  }
0xc8: {  	_ =	swait.ge [sflag:s3], $0x800  }
0xc9: {  	[sflag:s3] =	ssyncset.done $0x0  }
0xca: {  	s8 =	rddreg [dreg:$0x1e];
	[sflag:s3] =	ssyncadd.s32 $0xFFFFF800  }
0xcb: {  	[spmem:s8] =	stream.linear.scatter [tilespmem:s0], [sflag:$0xA], $0x800, $0x38;
	[tilespmem:$0x1E700] =	vst v63  }
0xcc: {  	_ =	swait.ge [sflag:s3], $0x800  }
0xcd: {  	[sflag:s3] =	ssyncset.done $0x0  }
0xce: {  	s9 =	rddreg [dreg:$0x1f];
	[sflag:s3] =	ssyncadd.s32 $0xFFFFF800  }
0xcf: {  	[spmem:s9] =	stream.linear.scatter [tilespmem:s0], [sflag:$0xA], $0x800, $0x38;
	[tilespmem:$0x1E700] =	vst v63  }
0xd0: {  	_ =	swait.ge [sflag:s3], $0x800  }
0xd1: {  	s24 =	sld [smem:$0x7E7]  }
0xd2: {  	[sflag:s3] =	ssyncset.done $0x0  }
0xd3: {  	[sflag:s3] =	ssyncadd.s32 $0xFFFFF800  }
0xd4: {  	[spmem:s24] =	stream.linear.scatter [tilespmem:s0], [sflag:$0xA], $0x800, $0x38;
	[tilespmem:$0x1E700] =	vst v63  }
0xd5: {  	_ =	swait.ge [sflag:s3], $0x800  }
0xd6: {  	s25 =	sld [smem:$0x7E8]  }
0xd7: {  	[sflag:s3] =	ssyncset.done $0x0  }
0xd8: {  	[sflag:s3] =	ssyncadd.s32 $0xFFFFF800  }
0xd9: {  	[spmem:s25] =	stream.linear.scatter [tilespmem:s0], [sflag:$0xA], $0x800, $0x38;
	[tilespmem:$0x1E700] =	vst v63  }
0xda: {  	_ =	swait.ge [sflag:s3], $0x800  }
0xdb: {  	s26 =	sld [smem:$0x7E9]  }
0xdc: {  	[sflag:s3] =	ssyncset.done $0x0  }
0xdd: {  	[sflag:s3] =	ssyncadd.s32 $0xFFFFF800  }
0xde: {  	[spmem:s26] =	stream.linear.scatter [tilespmem:s0], [sflag:$0xA], $0x800, $0x38;
	[tilespmem:$0x1E700] =	vst v63  }
0xdf: {  	_ =	swait.ge [sflag:s3], $0x800  }
0xe0: {  	s28 =	sld [smem:$0x7EA]  }
0xe1: {  	[sflag:s3] =	ssyncset.done $0x0  }
0xe2: {  	[sflag:s3] =	ssyncadd.s32 $0xFFFFF800  }
0xe3: {  	[spmem:s28] =	stream.linear.scatter [tilespmem:s0], [sflag:$0xA], $0x800, $0x38;
	[tilespmem:$0x1E700] =	vst v63  }
0xe4: {  	_ =	swait.ge [sflag:s3], $0x800  }
0xe5: {  	s29 =	sld [smem:$0x7EB]  }
0xe6: {  	[sflag:s3] =	ssyncset.done $0x0  }
0xe7: {  	[sflag:s3] =	ssyncadd.s32 $0xFFFFF800  }
0xe8: {  	[spmem:s29] =	stream.linear.scatter [tilespmem:s0], [sflag:$0xA], $0x800, $0x38;
	[tilespmem:$0x1E700] =	vst v63  }
0xe9: {  	_ =	swait.ge [sflag:s3], $0x800  }
0xea: {  	s30 =	sld [smem:$0x7EC]  }
0xeb: {  	[sflag:s3] =	ssyncset.done $0x0  }
0xec: {  	[sflag:s3] =	ssyncadd.s32 $0xFFFFF800  }
0xed: {  	[spmem:s30] =	stream.linear.scatter [tilespmem:s0], [sflag:$0xA], $0x800, $0x38;
	[tilespmem:$0x1E700] =	vst v63  }
0xee: {  	_ =	swait.ge [sflag:s3], $0x800  }
0xef: {  	s31 =	sld [smem:$0x7ED]  }
0xf0: {  	[sflag:s3] =	ssyncset.done $0x0  }
0xf1: {  	[sflag:s3] =	ssyncadd.s32 $0xFFFFF800  }
0xf2: {  	[spmem:s31] =	stream.linear.scatter [tilespmem:s0], [sflag:$0xA], $0x800, $0x38;
	[tilespmem:$0x1E700] =	vst v63  }
0xf3: {  	_ =	swait.ge [sflag:s3], $0x800  }
0xf4: {  	s7 =	sld [smem:$0x7EE]  }
0xf5: {  	[sflag:s3] =	ssyncset.done $0x0  }
0xf6: {  	[sflag:s3] =	ssyncadd.s32 $0xFFFFF800  }
0xf7: {  	[spmem:s7] =	stream.linear.scatter [tilespmem:s0], [sflag:$0xA], $0x800, $0x38;
	[tilespmem:$0x1E700] =	vst v63  }
0xf8: {  	_ =	swait.ge [sflag:s3], $0x800  }
0xf9: {  	s8 =	sld [smem:$0x7EF]  }
0xfa: {  	[sflag:s3] =	ssyncset.done $0x0  }
0xfb: {  	[sflag:s3] =	ssyncadd.s32 $0xFFFFF800  }
0xfc: {  	[spmem:s8] =	stream.linear.scatter [tilespmem:s0], [sflag:$0xA], $0x800, $0x38;
	[tilespmem:$0x1E700] =	vst v63  }
0xfd: {  	_ =	swait.ge [sflag:s3], $0x800  }
0xfe: {  	s9 =	sld [smem:$0x7F0]  }
0xff: {  	[sflag:s3] =	ssyncset.done $0x0  }
0x100: {  	[sflag:s3] =	ssyncadd.s32 $0xFFFFF800  }
0x101: {  	[spmem:s9] =	stream.linear.scatter [tilespmem:s0], [sflag:$0xA], $0x800, $0x38;
	[tilespmem:$0x1E700] =	vst v63  }
0x102: {  	_ =	swait.ge [sflag:s3], $0x800  }
0x103: {  	s24 =	sld [smem:$0x7F1]  }
0x104: {  	[sflag:s3] =	ssyncset.done $0x0  }
0x105: {  	[sflag:s3] =	ssyncadd.s32 $0xFFFFF800  }
0x106: {  	[spmem:s24] =	stream.linear.scatter [tilespmem:s0], [sflag:$0xA], $0x800, $0x38;
	[tilespmem:$0x1E700] =	vst v63  }
0x107: {  	_ =	swait.ge [sflag:s3], $0x800  }
0x108: {  	s25 =	sld [smem:$0x7F2]  }
0x109: {  	[sflag:s3] =	ssyncset.done $0x0  }
0x10a: {  	[sflag:s3] =	ssyncadd.s32 $0xFFFFF800  }
0x10b: {  	[spmem:s25] =	stream.linear.scatter [tilespmem:s0], [sflag:$0xA], $0x800, $0x38;
	[tilespmem:$0x1E700] =	vst v63  }
0x10c: {  	_ =	swait.ge [sflag:s3], $0x800  }
0x10d: {  	s26 =	sld [smem:$0x7F3]  }
0x10e: {  	[sflag:s3] =	ssyncset.done $0x0  }
0x10f: {  	[sflag:s3] =	ssyncadd.s32 $0xFFFFF800  }
0x110: {  	[spmem:s26] =	stream.linear.scatter [tilespmem:s0], [sflag:$0xA], $0x800, $0x38;
	[tilespmem:$0x1E700] =	vst v63  }
0x111: {  	_ =	swait.ge [sflag:s3], $0x800  }
0x112: {  	s28 =	sld [smem:$0x7F4]  }
0x113: {  	[sflag:s3] =	ssyncset.done $0x0  }
0x114: {  	[sflag:s3] =	ssyncadd.s32 $0xFFFFF800  }
0x115: {  	[spmem:s28] =	stream.linear.scatter [tilespmem:s0], [sflag:$0xA], $0x800, $0x38;
	[tilespmem:$0x1E700] =	vst v63  }
0x116: {  	_ =	swait.ge [sflag:s3], $0x800  }
0x117: {  	s29 =	sld [smem:$0x7F5]  }
0x118: {  	[sflag:s3] =	ssyncset.done $0x0  }
0x119: {  	[sflag:s3] =	ssyncadd.s32 $0xFFFFF800  }
0x11a: {  	[spmem:s29] =	stream.linear.scatter [tilespmem:s0], [sflag:$0xA], $0x800, $0x38;
	[tilespmem:$0x1E700] =	vst v63  }
0x11b: {  	_ =	swait.ge [sflag:s3], $0x800  }
0x11c: {  	s30 =	sld [smem:$0x7F6]  }
0x11d: {  	[sflag:s3] =	ssyncset.done $0x0  }
0x11e: {  	[sflag:s3] =	ssyncadd.s32 $0xFFFFF800  }
0x11f: {  	[spmem:s30] =	stream.linear.scatter [tilespmem:s0], [sflag:$0xA], $0x800, $0x38;
	[tilespmem:$0x1E700] =	vst v63  }
0x120: {  	_ =	swait.ge [sflag:s3], $0x800  }
0x121: {  	s31 =	sld [smem:$0x7F7]  }
0x122: {  	[sflag:s3] =	ssyncset.done $0x0  }
0x123: {  	[sflag:s3] =	ssyncadd.s32 $0xFFFFF800  }
0x124: {  	[spmem:s31] =	stream.linear.scatter [tilespmem:s0], [sflag:$0xA], $0x800, $0x38;
	[tilespmem:$0x1E700] =	vst v63  }
0x125: {  	_ =	swait.ge [sflag:s3], $0x800  }
0x126: {  	s7 =	sld [smem:$0x7F8]  }
0x127: {  	[sflag:s3] =	ssyncset.done $0x0  }
0x128: {  	[sflag:s3] =	ssyncadd.s32 $0xFFFFF800  }
0x129: {  	[spmem:s7] =	stream.linear.scatter [tilespmem:s0], [sflag:$0xA], $0x800, $0x38;
	[tilespmem:$0x1E700] =	vst v63  }
0x12a: {  	_ =	swait.ge [sflag:s3], $0x800  }
0x12b: {  	s8 =	sld [smem:$0x7F9]  }
0x12c: {  	[sflag:s3] =	ssyncset.done $0x0  }
0x12d: {  	[sflag:s3] =	ssyncadd.s32 $0xFFFFF800  }
0x12e: {  	[spmem:s8] =	stream.linear.scatter [tilespmem:s0], [sflag:$0xA], $0x800, $0x38;
	[tilespmem:$0x1E700] =	vst v63  }
0x12f: {  	_ =	swait.ge [sflag:s3], $0x800  }
0x130: {  	s9 =	sld [smem:$0x7FA]  }
0x131: {  	[sflag:s3] =	ssyncset.done $0x0  }
0x132: {  	[sflag:s3] =	ssyncadd.s32 $0xFFFFF800  }
0x133: {  	[spmem:s9] =	stream.linear.scatter [tilespmem:s0], [sflag:$0xA], $0x800, $0x38;
	[tilespmem:$0x1E700] =	vst v63  }
0x134: {  	_ =	swait.ge [sflag:s3], $0x800  }
0x135: {  	s24 =	sld [smem:$0x7FB]  }
0x136: {  	[sflag:s3] =	ssyncset.done $0x0  }
0x137: {  	[sflag:s3] =	ssyncadd.s32 $0xFFFFF800  }
0x138: {  	[spmem:s24] =	stream.linear.scatter [tilespmem:s0], [sflag:$0xA], $0x800, $0x38;
	[tilespmem:$0x1E700] =	vst v63  }
0x139: {  	_ =	swait.ge [sflag:s3], $0x800  }
0x13a: {  	s25 =	sld [smem:$0x7FC]  }
0x13b: {  	[sflag:s3] =	ssyncset.done $0x0  }
0x13c: {  	[sflag:s3] =	ssyncadd.s32 $0xFFFFF800  }
0x13d: {  	[spmem:s25] =	stream.linear.scatter [tilespmem:s0], [sflag:$0xA], $0x700, $0x38;
	[tilespmem:$0x1E700] =	vst v63  }
0x13e: {  	_ =	swait.ge [sflag:s3], $0x700  }
0x13f: {  	[sflag:s3] =	ssyncset.done $0x0  }
0x140: {  	[sflag:s3] =	ssyncadd.s32 $0xFFFFF900  }
0x141: {  	s26 =	simm.s32 $0x8;
	[bflag:$0x0] =	sbarrier.arrive $0xFFFF  }
0x142: {  	_ =	swait.ge [sflag:s26], $0xC00  }
0x143: {  	[sflag:s26] =	ssyncset.done $0x0  }
0x144: {  	s28 =	simm.s32 $0x9;
	[sflag:s26] =	ssyncadd.s32 $0xFFFFF400  }
0x145: {  	_ =	swait.ge [sflag:s28], $0xC00  }
0x146: {  	[sflag:s28] =	ssyncset.done $0x0  }
0x147: {  	s25 =	simm.s32 $0x0;
	[sflag:s28] =	ssyncadd.s32 $0xFFFFF400  }
0x148: {  	[tilespmem:s0], [sflag:$0x1] =	stream.indirect.gather [hbm4b:s4+s10], $0x10, s25, s10, $0xb8;
	[tilespmem:$0x1E700] =	vst v63  }
0x149: {  	_ = 	snop  }
0x14a: {  	[tilespmem:s11], [sflag:$0x2] =	stream.indirect.gather [hbm4b:s4+s10], $0x10, s10, s10, $0xb8;
	[tilespmem:$0x1E700] =	vst v63  }
0x14b: {  	s29 =	simm.s32 $0x100  }
0x14c: {  	[tilespmem:s12], [sflag:$0x3] =	stream.indirect.gather [hbm4b:s4+s10], $0x10, s29, s10, $0xb8;
	[tilespmem:$0x1E700] =	vst v63  }
0x14d: {  	s30 =	simm.s32 $0x180  }
0x14e: {  	[tilespmem:s13], [sflag:$0x4] =	stream.indirect.gather [hbm4b:s4+s10], $0x10, s30, s10, $0xb8;
	[tilespmem:$0x1E700] =	vst v63  }
0x14f: {  	s31 =	simm.s32 $0x200  }
0x150: {  	[tilespmem:s14], [sflag:$0x5] =	stream.indirect.gather [hbm4b:s4+s10], $0x10, s31, s10, $0xb8;
	[tilespmem:$0x1E700] =	vst v63  }
.LBB2_4:
0x151: {  	s26 =	smul.u32 $0x6, s25;
	_ =	sdelay $0x1  }
0x152: {  	s28 =	sand.u32 $0xFFFE, s26  }
0x153: {  	s28 =	smul.u32 $0xAAAB, s28;
	_ =	sdelay $0x1  }
0x154: {  	s29 =	sshrl.u32 s28, $0x14  }
0x155: {  	s29 =	smul.u32 $0x18, s29;
	_ =	sdelay $0x1  }
0x156: {  	p0 =	sgt.u32 s25, $0x33;
	s29 =	ssub.s32 s26, s29  }
0x157: {  	s29 =	sand.u32 @!p0 $0xFFFF, s29  }
0x158: {  	p1 =	sne.s32 @!p0 s29, $0x8  }
0x159: {  	p1 =	por p1, p0  }
0x15a: {  	s29 =	sshrl.u32 @!p1 s25, $0x2  }
0x15b: {  	s30 =	smul.u32 @!p1 $0xC00, s29  }
0x15c: {  	s29 =	sxor.u32 @!p1 $0xFFFFFFFF, s29  }
0x15d: {  	s29 =	sand.u32 @!p1 $0x1, s29;
	s30 =	sshrl.u32 @!p1 s30, $0x3  }
0x15e: {  	s29 =	smul.u32 @!p1 $0xC00, s29;
	s30 =	sadd.s32 @!p1 $0x180, s30  }
0x15f: {  	s28 =	sshrl.u32 s28, $0x15;
	s1 =	simm.s32 @!p1 $0x0;
	s31 =	sadd.s32 @!p1 s5, s30  }
0x160: {  	[tilespmem:s29], [sflag:$0x8] =	stream.linear.gather @!p1 [hbm4b:s31+s1], $0xC00, $0x38;
	[tilespmem:$0x1E700] =	vst v63  }
0x161: {  	s24 =	smul.u32 $0x30, s28;
	s30 =	sadd.s32 @!p1 s6, s30;
	s29 =	sadd.s32 @!p1 $0x1800, s29  }
0x162: {  	[tilespmem:s29], [sflag:$0x9] =	stream.linear.gather @!p1 [hbm4b:s30+s1], $0xC00, $0x38;
	[tilespmem:$0x1E700] =	vst v63  }
0x163: {  	p1 =	seq.s32 s25, $0x0;
	_ =	swait.ge [sflag:s15], $0x800  }
0x164: {  	s1 =	ssub.s32 s26, s24;
	s29 =	sadd.s32 $0x5, s26;
	[sflag:s15] =	ssyncset.done $0x0  }
0x165: {  	s28 =	simm.s32 @!p1 $0x7;
	s30 =	sand.u32 $0xFFFF, s29;
	[sflag:s15] =	ssyncadd.s32 $0xFFFFF800  }
0x166: {  	s1 =	sshll.u32 s1, $0x7;
	s30 =	smul.u32 $0xAAAB, s30;
	_ =	swait.ge @!p1 [sflag:s28], $0x800  }
0x167: {  	s7 =	sor.u32 $0x1, s26;
	s1 =	sand.u32 $0x3F80, s1;
	[sflag:s28] =	ssyncset.done @!p1 $0x0  }
0x168: {  	s1 =	sadd.s32 $0x1800, s1;
	s31 =	sshrl.u32 s30, $0x15;
	[sflag:s28] =	ssyncadd.s32 @!p1 $0xFFFFF800  }
0x169: {  	[spmem:s2] =	stream.indirect.scatter.add.f32 [tilespmem:s0], [sflag:$0x7], $0x10, s1, s10, $0xb8;
	[tilespmem:$0x1E700] =	vst v63  }
0x16a: {  	s28 =	sand.u32 $0xFFFF, s7;
	s1 =	smul.u32 $0x30, s31  }
0x16b: {  	s8 =	smul.u32 $0xAAAB, s28;
	_ =	sdelay $0x1  }
0x16c: {  	s1 =	ssub.s32 s29, s1;
	s9 =	sshrl.u32 s8, $0x14  }
0x16d: {  	s1 =	sshll.u32 s1, $0x9;
	s9 =	smul.u32 $0x18, s9  }
0x16e: {  	s1 =	sand.u32 $0xFE00, s1  }
0x16f: {  	s28 =	sshrl.u32 s1, $0x2;
	s1 =	ssub.s32 s7, s9  }
0x170: {  	[tilespmem:s16], [sflag:$0x6] =	stream.indirect.gather [hbm4b:s4+s10], $0x10, s28, s10, $0xb8;
	[tilespmem:$0x1E700] =	vst v63  }
0x171: {  	s1 =	sand.u32 @!p0 $0xFFFF, s1  }
0x172: {  	p1 =	sne.s32 @!p0 s1, $0x13  }
0x173: {  	p1 =	por p1, p0  }
0x174: {  	s1 =	simm.s32 @!p1 $0x8  }
0x175: {  	_ =	swait.ge @!p1 [sflag:s1], $0xC00  }
0x176: {  	[sflag:s1] =	ssyncset.done @!p1 $0x0  }
0x177: {  	[sflag:s1] =	ssyncadd.s32 @!p1 $0xFFFFF400;
	s1 =	simm.s32 @!p1 $0x9  }
0x178: {  	_ =	swait.ge @!p1 [sflag:s1], $0xC00  }
0x179: {  	[sflag:s1] =	ssyncset.done @!p1 $0x0  }
0x17a: {  	s8 =	sshrl.u32 s8, $0x15;
	[sflag:s1] =	ssyncadd.s32 @!p1 $0xFFFFF400  }
0x17b: {  	s24 =	smul.u32 $0x30, s8;
	_ =	swait.ge [sflag:s17], $0x800  }
0x17c: {  	p1 =	seq.s32 s25, $0x37;
	[sflag:s17] =	ssyncset.done $0x0  }
.Ltmp3:
0x17d: {  	s1 =	ssub.s32 s7, s24;
	[sflag:s17] =	ssyncadd.s32 $0xFFFFF800;
	(pc) =	sbr.rel @!p1 .LBB2_5-.Ltmp3, $4  }
0x17e: {  	s1 =	sshll.u32 s1, $0x7;
	_ =	swait.ge [sflag:s18], $0x800  }
0x17f: {  	s1 =	sand.u32 $0x3F80, s1;
	[sflag:s18] =	ssyncset.done $0x0  }
0x180: {  	s1 =	sadd.s32 $0x1800, s1;
	[sflag:s18] =	ssyncadd.s32 $0xFFFFF800  }
0x181: {  	[spmem:s2] =	stream.indirect.scatter.add.f32 [tilespmem:s11], [sflag:$0x7], $0x10, s1, s10, $0xb8;
	[tilespmem:$0x1E700] =	vst v63  }
0x182: {  	_ =	swait.ge [sflag:s19], $0x800  }
0x183: {  	[sflag:s19] =	ssyncset.done $0x0  }
.Ltmp4:
0x184: {  	[sflag:s19] =	ssyncadd.s32 $0xFFFFF800;
	(pc) =	sbr.rel .LBB2_6-.Ltmp4, $4  }
0x185: {  	_ =	swait.ge [sflag:s18], $0x800  }
0x186: {  	[sflag:s18] =	ssyncset.done $0x0  }
0x187: {  	s31 =	simm.s32 $0x2D;
	[sflag:s18] =	ssyncadd.s32 $0xFFFFF800  }
0x188: {  	[spmem:s2] =	stream.indirect.scatter.add.f32 [tilespmem:s12], [sflag:$0x7], $0x10, s20, s10, $0xb8;
	[tilespmem:$0x1E700] =	vst v63  }
.LBB2_5:
0x189: {  	s1 =	sadd.s32 $0x2, s26  }
0x18a: {  	s8 =	sand.u32 $0xFFFF, s1  }
0x18b: {  	s9 =	sadd.s32 $0x6, s26;
	s8 =	smul.u32 $0xAAAB, s8  }
0x18c: {  	s31 =	sand.u32 $0xFFFF, s9  }
0x18d: {  	s31 =	smul.u32 $0xAAAB, s31;
	s7 =	sshrl.u32 s8, $0x14  }
0x18e: {  	s7 =	smul.u32 $0x18, s7;
	_ =	sdelay $0x1  }
0x18f: {  	s31 =	sshrl.u32 s31, $0x15;
	s7 =	ssub.s32 s1, s7  }
0x190: {  	s31 =	smul.u32 $0x30, s31;
	s7 =	sand.u32 @!p0 $0xFFFF, s7  }
0x191: {  	p2 =	sne.s32 @!p0 s7, $0x8  }
0x192: {  	s9 =	ssub.s32 s9, s31;
	p2 =	por p2, p0  }
0x193: {  	s7 =	sshll.u32 s9, $0x7;
	s9 =	sand.u32 @!p2 $0xFFFF, s1  }
0x194: {  	s7 =	sand.u32 $0x3F80, s7;
	s9 =	smul.u32 @!p2 $0xAAAB, s9  }
0x195: {  	[tilespmem:s0], [sflag:$0x1] =	stream.indirect.gather [hbm4b:s4+s10], $0x10, s7, s10, $0xb8;
	[tilespmem:$0x1E700] =	vst v63  }
0x196: {  	s7 =	sshrl.u32 @!p2 s9, $0x14  }
0x197: {  	s9 =	smul.u32 @!p2 $0xC00, s7  }
0x198: {  	s7 =	sxor.u32 @!p2 $0xFFFFFFFF, s7  }
0x199: {  	s7 =	sand.u32 @!p2 $0x1, s7;
	s9 =	sshrl.u32 @!p2 s9, $0x3  }
0x19a: {  	s7 =	smul.u32 @!p2 $0xC00, s7;
	s9 =	sadd.s32 @!p2 $0x180, s9  }
0x19b: {  	s8 =	sshrl.u32 s8, $0x15;
	s24 =	simm.s32 @!p2 $0x0;
	s31 =	sadd.s32 @!p2 s5, s9  }
0x19c: {  	[tilespmem:s7], [sflag:$0x8] =	stream.linear.gather @!p2 [hbm4b:s31+s24], $0xC00, $0x38;
	[tilespmem:$0x1E700] =	vst v63  }
0x19d: {  	s8 =	smul.u32 $0x30, s8;
	s9 =	sadd.s32 @!p2 s6, s9;
	s7 =	sadd.s32 @!p2 $0x1800, s7  }
0x19e: {  	[tilespmem:s7], [sflag:$0x9] =	stream.linear.gather @!p2 [hbm4b:s9+s24], $0xC00, $0x38;
	[tilespmem:$0x1E700] =	vst v63  }
0x19f: {  	_ =	swait.ge [sflag:s19], $0x800  }
0x1a0: {  	s31 =	ssub.s32 s1, s8;
	s7 =	sadd.s32 $0x7, s26;
	[sflag:s19] =	ssyncset.done $0x0  }
0x1a1: {  	s1 =	sshll.u32 s31, $0x7;
	s24 =	sand.u32 $0xFFFF, s7;
	[sflag:s19] =	ssyncadd.s32 $0xFFFFF800  }
0x1a2: {  	s1 =	sand.u32 $0x3F80, s1;
	s8 =	smul.u32 $0xAAAB, s24;
	_ =	swait.ge [sflag:s18], $0x800  }
0x1a3: {  	s1 =	sadd.s32 $0x1800, s1;
	[sflag:s18] =	ssyncset.done $0x0  }
0x1a4: {  	s9 =	sshrl.u32 s8, $0x15;
	s8 =	sadd.s32 $0x3, s26;
	[sflag:s18] =	ssyncadd.s32 $0xFFFFF800  }
0x1a5: {  	[spmem:s2] =	stream.indirect.scatter.add.f32 [tilespmem:s12], [sflag:$0x7], $0x10, s1, s10, $0xb8;
	[tilespmem:$0x1E700] =	vst v63  }
0x1a6: {  	s24 =	sand.u32 $0xFFFF, s8;
	s1 =	smul.u32 $0x30, s9  }
0x1a7: {  	s9 =	smul.u32 $0xAAAB, s24  }
0x1a8: {  	s1 =	ssub.s32 s7, s1  }
0x1a9: {  	s24 =	sshrl.u32 s9, $0x14;
	s1 =	sshll.u32 s1, $0x7  }
0x1aa: {  	s7 =	smul.u32 $0x18, s24;
	s1 =	sand.u32 $0x3F80, s1  }
0x1ab: {  	[tilespmem:s11], [sflag:$0x2] =	stream.indirect.gather [hbm4b:s4+s10], $0x10, s1, s10, $0xb8;
	[tilespmem:$0x1E700] =	vst v63  }
0x1ac: {  	s1 =	ssub.s32 s8, s7  }
0x1ad: {  	s1 =	sand.u32 @!p0 $0xFFFF, s1  }
0x1ae: {  	p2 =	sne.s32 @!p0 s1, $0x13  }
0x1af: {  	p2 =	por p2, p0  }
0x1b0: {  	s1 =	simm.s32 @!p2 $0x8  }
0x1b1: {  	_ =	swait.ge @!p2 [sflag:s1], $0xC00  }
0x1b2: {  	[sflag:s1] =	ssyncset.done @!p2 $0x0  }
0x1b3: {  	s24 =	sshrl.u32 s9, $0x15;
	[sflag:s1] =	ssyncadd.s32 @!p2 $0xFFFFF400;
	s1 =	simm.s32 @!p2 $0x9  }
0x1b4: {  	s7 =	smul.u32 $0x30, s24;
	_ =	swait.ge @!p2 [sflag:s1], $0xC00  }
0x1b5: {  	[sflag:s1] =	ssyncset.done @!p2 $0x0  }
0x1b6: {  	s31 =	ssub.s32 s8, s7;
	[sflag:s1] =	ssyncadd.s32 @!p2 $0xFFFFF400  }
.LBB2_6:
0x1b7: {  	_ =	swait.ge [sflag:s21], $0x800  }
0x1b8: {  	[sflag:s21] =	ssyncset.done $0x0  }
.Ltmp5:
0x1b9: {  	[sflag:s21] =	ssyncadd.s32 $0xFFFFF800;
	(pc) =	sbr.rel @p1 .LBB2_8-.Ltmp5, $4  }
0x1ba: {  	s1 =	sshll.u32 s31, $0x7;
	_ =	swait.ge [sflag:s18], $0x800  }
0x1bb: {  	s1 =	sand.u32 $0x3F80, s1;
	[sflag:s18] =	ssyncset.done $0x0  }
0x1bc: {  	s1 =	sadd.s32 $0x1800, s1;
	[sflag:s18] =	ssyncadd.s32 $0xFFFFF800  }
0x1bd: {  	[spmem:s2] =	stream.indirect.scatter.add.f32 [tilespmem:s13], [sflag:$0x7], $0x10, s1, s10, $0xb8;
	[tilespmem:$0x1E700] =	vst v63  }
0x1be: {  	s1 =	sadd.s32 $0x4, s26  }
0x1bf: {  	s7 =	sand.u32 $0xFFFF, s1  }
0x1c0: {  	s8 =	sadd.s32 $0x8, s26;
	s7 =	smul.u32 $0xAAAB, s7  }
0x1c1: {  	s9 =	sand.u32 $0xFFFF, s8  }
0x1c2: {  	s9 =	smul.u32 $0xAAAB, s9;
	s24 =	sshrl.u32 s7, $0x14  }
0x1c3: {  	s24 =	smul.u32 $0x18, s24;
	_ =	sdelay $0x1  }
0x1c4: {  	s9 =	sshrl.u32 s9, $0x15;
	s24 =	ssub.s32 s1, s24  }
0x1c5: {  	s9 =	smul.u32 $0x30, s9;
	s24 =	sand.u32 @!p0 $0xFFFF, s24  }
0x1c6: {  	p1 =	sne.s32 @!p0 s24, $0x8  }
0x1c7: {  	s8 =	ssub.s32 s8, s9;
	p1 =	por p1, p0  }
0x1c8: {  	s8 =	sshll.u32 s8, $0x7;
	s9 =	sand.u32 @!p1 $0xFFFF, s1  }
0x1c9: {  	s8 =	sand.u32 $0x3F80, s8;
	s9 =	smul.u32 @!p1 $0xAAAB, s9  }
0x1ca: {  	[tilespmem:s12], [sflag:$0x3] =	stream.indirect.gather [hbm4b:s4+s10], $0x10, s8, s10, $0xb8;
	[tilespmem:$0x1E700] =	vst v63  }
0x1cb: {  	s8 =	sshrl.u32 @!p1 s9, $0x14  }
0x1cc: {  	s9 =	smul.u32 @!p1 $0xC00, s8  }
0x1cd: {  	s8 =	sxor.u32 @!p1 $0xFFFFFFFF, s8  }
0x1ce: {  	s8 =	sand.u32 @!p1 $0x1, s8;
	s9 =	sshrl.u32 @!p1 s9, $0x3  }
0x1cf: {  	s8 =	smul.u32 @!p1 $0xC00, s8;
	s9 =	sadd.s32 @!p1 $0x180, s9  }
0x1d0: {  	s31 =	simm.s32 @!p1 $0x0;
	s24 =	sadd.s32 @!p1 s5, s9  }
0x1d1: {  	[tilespmem:s8], [sflag:$0x8] =	stream.linear.gather @!p1 [hbm4b:s24+s31], $0xC00, $0x38;
	[tilespmem:$0x1E700] =	vst v63  }
0x1d2: {  	s7 =	sshrl.u32 s7, $0x15;
	s9 =	sadd.s32 @!p1 s6, s9;
	s8 =	sadd.s32 @!p1 $0x1800, s8  }
0x1d3: {  	[tilespmem:s8], [sflag:$0x9] =	stream.linear.gather @!p1 [hbm4b:s9+s31], $0xC00, $0x38;
	[tilespmem:$0x1E700] =	vst v63  }
0x1d4: {  	s7 =	smul.u32 $0x30, s7;
	s8 =	sadd.s32 $0x9, s26;
	_ =	swait.ge [sflag:s22], $0x800  }
0x1d5: {  	s24 =	sand.u32 $0xFFFF, s8;
	[sflag:s22] =	ssyncset.done $0x0  }
0x1d6: {  	s1 =	ssub.s32 s1, s7;
	s31 =	smul.u32 $0xAAAB, s24;
	[sflag:s22] =	ssyncadd.s32 $0xFFFFF800  }
0x1d7: {  	s1 =	sshll.u32 s1, $0x7;
	_ =	swait.ge [sflag:s18], $0x800  }
0x1d8: {  	s1 =	sand.u32 $0x3F80, s1;
	s7 =	sshrl.u32 s31, $0x15;
	[sflag:s18] =	ssyncset.done $0x0  }
0x1d9: {  	s1 =	sadd.s32 $0x1800, s1;
	s7 =	smul.u32 $0x30, s7;
	[sflag:s18] =	ssyncadd.s32 $0xFFFFF800  }
0x1da: {  	[spmem:s2] =	stream.indirect.scatter.add.f32 [tilespmem:s14], [sflag:$0x7], $0x10, s1, s10, $0xb8;
	[tilespmem:$0x1E700] =	vst v63  }
0x1db: {  	s9 =	ssub.s32 s8, s7  }
0x1dc: {  	s24 =	sshrl.u32 s30, $0x14;
	s1 =	sshll.u32 s9, $0x7  }
0x1dd: {  	s7 =	smul.u32 $0x18, s24;
	s1 =	sand.u32 $0x3F80, s1  }
0x1de: {  	[tilespmem:s13], [sflag:$0x4] =	stream.indirect.gather [hbm4b:s4+s10], $0x10, s1, s10, $0xb8;
	[tilespmem:$0x1E700] =	vst v63  }
0x1df: {  	s1 =	ssub.s32 s29, s7  }
0x1e0: {  	s1 =	sand.u32 @!p0 $0xFFFF, s1  }
0x1e1: {  	p1 =	sne.s32 @!p0 s1, $0x13  }
0x1e2: {  	p0 =	por p1, p0  }
0x1e3: {  	s1 =	simm.s32 @!p0 $0x8  }
0x1e4: {  	_ =	swait.ge @!p0 [sflag:s1], $0xC00  }
0x1e5: {  	[sflag:s1] =	ssyncset.done @!p0 $0x0  }
0x1e6: {  	[sflag:s1] =	ssyncadd.s32 @!p0 $0xFFFFF400;
	s1 =	simm.s32 @!p0 $0x9  }
0x1e7: {  	s29 =	sadd.s32 $0xA, s26;
	_ =	swait.ge @!p0 [sflag:s1], $0xC00  }
0x1e8: {  	s30 =	sand.u32 $0xFFFF, s29;
	[sflag:s1] =	ssyncset.done @!p0 $0x0  }
0x1e9: {  	s7 =	smul.u32 $0xAAAB, s30;
	[sflag:s1] =	ssyncadd.s32 @!p0 $0xFFFFF400  }
0x1ea: {  	_ =	swait.ge [sflag:s23], $0x800  }
0x1eb: {  	s7 =	sshrl.u32 s7, $0x15;
	[sflag:s23] =	ssyncset.done $0x0  }
0x1ec: {  	s7 =	smul.u32 $0x30, s7;
	[sflag:s23] =	ssyncadd.s32 $0xFFFFF800  }
0x1ed: {  	_ =	swait.ge [sflag:s18], $0x800  }
.Ltmp6:
0x1ee: {  	s1 =	ssub.s32 s29, s7;
	[sflag:s18] =	ssyncset.done $0x0;
	(pc) =	sbr.rel .LBB2_4-.Ltmp6, $4  }
0x1ef: {  	s31 =	sadd.s32 $0x1800, s28;
	s1 =	sshll.u32 s1, $0x7;
	[sflag:s18] =	ssyncadd.s32 $0xFFFFF800  }
0x1f0: {  	[spmem:s2] =	stream.indirect.scatter.add.f32 [tilespmem:s16], [sflag:$0x7], $0x10, s31, s10, $0xb8;
	[tilespmem:$0x1E700] =	vst v63  }
0x1f1: {  	s25 =	sadd.s32 $0x1, s25;
	s1 =	sand.u32 $0x3F80, s1  }
0x1f2: {  	[tilespmem:s14], [sflag:$0x5] =	stream.indirect.gather [hbm4b:s4+s10], $0x10, s1, s10, $0xb8;
	[tilespmem:$0x1E700] =	vst v63  }
.LBB2_9:
0x1f3: {  	_ =	sfence.sel $0x180000  }
0x1f4: {  	[bflag:$0x0] =	sbarrier.arrive $0xFFFF  }
0x1f5: {  	_ =	strace $0x90000047  }
0x1f6: {  	s0 =	stileid.u32;
	[bflag:$0x2] =	sbarrier.arrive $0xFFFF  }
0x1f7: {  	p0 =	sne.s32 s0, $0x0;
	s0 =	rddreg [dreg:$0x3]  }
0x1f8: {  	s0 =	sadd.s32 @!p0 $0x100000, s0  }
0x1f9: {  	[sflag:s0] =	ssyncadd.tile.s32 @!p0 $0x1;
	_ =	shalt  }
.Lfunc_end2:
_tile_overlayer_lowered:
.L_overlay_start_2:
0x1fa: {  	(tag) =	ssettag $0x2  }
0x1fb: {  	s0 =	rddreg [dreg:$0x0];
	s2 =	stileid.u32  }
0x1fc: {  	s1 =	rddreg [dreg:$0x1];
	p0 =	sne.s32 s2, $0x0  }
0x1fd: {  	s3 =	rddreg [dreg:$0x2];
	[bflag:$0x3] =	sbarrier.arrive $0xFFFF;
	s2 =	simm.s32 @!p0 $0x1C0A  }
0x1fe: {  	[timem:s3], [sflag:s2] =	dma.local @!p0 [hbm:s0], s1  }
0x1ff: {  	s0 =	simm.s32 @!p0 $0xA  }
0x200: {  	_ =	swait.ge @!p0 [sflag:s0], s1  }
0x201: {  	s1 =	ssub.s32 @!p0 $0x0, s1;
	[sflag:s0] =	ssyncset.done @!p0 $0x0  }
0x202: {  	[sflag:s0] =	ssyncadd.s32 @!p0 s1  }
0x203: {  	[bflag:$0x3] =	sbarrier.arrive $0xFFFF  }
0x204: {  	_ =	shalt  }

</sc_bundles>
